<compile_context>
chip_gen: v7x
topology: tpu7x:2x2x1
jax: 0.10.2.dev20260603
libtpu: 0.0.44.dev20260713+nightly
codegen_flags: <defaults>
</compile_context>

<pallas_src>
import functools

import jax
import jax.numpy as jnp
from jax import lax
from jax.experimental import pallas as pl
from jax.experimental.pallas import tpu as pltpu
from jax.experimental.pallas import tpu_sc as plsc

D = 1024
SEQ = 50
NGRAM = 3
NTERMS = SEQ - (NGRAM - 1)
L = 16
NC, NS = 2, 16
NW = NC * NS
SEQ_PAD = 56


def _sc_encode(x_pad, table):
    B = x_pad.shape[0]
    b_per_w = B // NW
    mesh = plsc.VectorSubcoreMesh(core_axis_name="c", subcore_axis_name="s")

    @functools.partial(
        pl.kernel,
        out_type=jax.ShapeDtypeStruct((B, D), jnp.float32),
        mesh=mesh,
        scratch_types=[
            pltpu.VMEM((b_per_w, SEQ_PAD), jnp.int32),
            pltpu.VMEM((SEQ, D), jnp.float32),
            pltpu.VMEM((SEQ, D), jnp.float32),
            pltpu.VMEM((D,), jnp.float32),
            pltpu.VMEM((D,), jnp.float32),
            pltpu.SemaphoreType.DMA,
            pltpu.SemaphoreType.DMA,
        ],
        compiler_params=pltpu.CompilerParams(needs_layout_passes=False),
    )
    def enc_kernel(x_hbm, tab_hbm, out_hbm, idx_v, rows0, rows1, enc_v,
                   acc_v, sem0, sem1):
        wid = lax.axis_index("s") * NC + lax.axis_index("c")
        base = wid * b_per_w
        pltpu.sync_copy(x_hbm.at[pl.ds(base, b_per_w)], idx_v)

        lane = lax.iota(jnp.int32, L)
        col_m2 = (lane + (D - 2)) % D
        col_m1 = (lane + (D - 1)) % D

        SPLIT = 24

        def gather_start(b, rows, sem):
            pltpu.async_copy(
                tab_hbm.at[idx_v.at[b, pl.ds(0, SPLIT)]],
                rows.at[pl.ds(0, SPLIT)], sem,
            )
            pltpu.async_copy(
                tab_hbm.at[idx_v.at[b, pl.ds(SPLIT, SEQ - SPLIT)]],
                rows.at[pl.ds(SPLIT, SEQ - SPLIT)], sem,
            )

        def gather_wait(rows, sem):
            pltpu.make_async_copy(
                tab_hbm.at[idx_v.at[0, pl.ds(0, SPLIT)]],
                rows.at[pl.ds(0, SPLIT)], sem,
            ).wait()
            pltpu.make_async_copy(
                tab_hbm.at[idx_v.at[0, pl.ds(SPLIT, SEQ - SPLIT)]],
                rows.at[pl.ds(SPLIT, SEQ - SPLIT)], sem,
            ).wait()

        rot_idx = (lane + (L - 1)) % L

        def rot15(v):
            return v.at[rot_idx].get(mode="promise_in_bounds")

        KT = 12
        NBLK = NTERMS // KT

        def compute_enc(rows_v, b):
            for blk in range(NBLK):
                t0 = blk * KT

                def accumulate(d0_is_zero, d0, cs):
                    if d0_is_zero:
                        w = [rows_v[t0 + 1 + j, pl.ds(0, L)]
                             for j in range(KT + 1)]
                    else:
                        w = [rows_v[t0 + 1 + j, pl.ds(d0, L)]
                             for j in range(KT + 1)]
                    sums = [None, None, None]
                    if blk > 0:
                        sums[0] = acc_v[pl.ds(d0, L)]
                    ncs = []
                    for j in range(KT):
                        t = t0 + j
                        if d0_is_zero:
                            u = plsc.load_gather(
                                rows_v,
                                [jnp.full((L,), t, jnp.int32), col_m1],
                            )
                        else:
                            u = rows_v[t, pl.ds(d0 - 1, L)]
                        p = u * w[j]
                        rotp = rot15(p)
                        pm1 = jnp.where(lane == 0, cs[j], rotp)
                        term = pm1 * w[j + 1]
                        k = j % 3
                        sums[k] = term if sums[k] is None else sums[k] + term
                        ncs.append(rotp)
                    contrib = (sums[0] + sums[1]) + sums[2]
                    if blk < NBLK - 1:
                        acc_v[pl.ds(d0, L)] = contrib
                    else:
                        enc_v[pl.ds(d0, L)] = jnp.where(contrib > 0, 1.0, -1.0)
                    return tuple(ncs)

                carries = []
                for j in range(KT):
                    t = t0 + j
                    u63 = rows_v[t, pl.ds(D - L - 1, L)]
                    w63 = rows_v[t + 1, pl.ds(D - L, L)]
                    carries.append(rot15(u63 * w63))

                carries = accumulate(True, 0, tuple(carries))

                @functools.partial(
                    plsc.parallel_loop, 1, D // L, unroll=4, carry=carries
                )
                def _sweep(cc, cs):
                    return accumulate(False, cc * L, cs)

            pltpu.sync_copy(enc_v, out_hbm.at[base + b])

        gather_start(0, rows0, sem0)

        def pair_body(i, carry):
            b0 = 2 * i
            gather_wait(rows0, sem0)
            gather_start(b0 + 1, rows1, sem1)
            compute_enc(rows0, b0)
            gather_wait(rows1, sem1)

            @pl.when(i < b_per_w // 2 - 1)
            def _():
                gather_start(b0 + 2, rows0, sem0)

            compute_enc(rows1, b0 + 1)
            return carry

        lax.fori_loop(0, b_per_w // 2, pair_body, 0)

    return enc_kernel(x_pad, table)


def _classify(enc, W):
    B = enc.shape[0]
    NCLS = W.shape[0]

    def mm_kernel(enc_ref, w_ref, out_ref):
        out_ref[...] = lax.dot_general(
            enc_ref[...], w_ref[...],
            (((1,), (1,)), ((), ())),
            preferred_element_type=jnp.float32,
        )

    return pl.pallas_call(
        mm_kernel,
        out_shape=jax.ShapeDtypeStruct((B, NCLS), jnp.float32),
    )(enc, W)


def kernel(x, table, W):
    x_pad = jnp.pad(x.astype(jnp.int32), ((0, 0), (0, SEQ_PAD - SEQ)))
    enc = _sc_encode(x_pad, table)
    return _classify(enc, W)

# --- scband reference (transcript-rebuilt; emitter-appended) ---
"""Pipeline reference for scband-model-60215441490379 (READ-ONLY COPY).

The authoritative reference and input builder live on the scoring server;
editing this copy changes nothing except your own understanding.
"""

import jax, jax.numpy as jnp
import numpy as np

DIMENSIONS = 1024
NUM_CLASSES = 100
SIZE = 100000
PADDING_IDX = 0
BATCH = 1024
SEQ = 50


def setup_inputs(seed: int = 0) -> dict:
    key = jax.random.key(seed)
    k1, k2 = jax.random.split(key)
    x = jax.random.randint(k1, (BATCH, SEQ), 0, SIZE)
    # torchhd embeddings.Random: random bipolar (+1/-1) hypervectors, padding row zeroed
    u = jax.random.uniform(k2, (SIZE, DIMENSIONS))
    table = jnp.where(u < 0.5, -1.0, 1.0).astype(jnp.float32)
    table = table.at[PADDING_IDX].set(0.0)
    # classify Linear weight, initialized to zeros per the original module
    W = jnp.zeros((NUM_CLASSES, DIMENSIONS), dtype=jnp.float32)
    return {"x": x, "table": table, "W": W}


def _ngrams(symbols, n=3):
    # torchhd.functional.ngrams for MAP hypervectors:
    # bind = elementwise multiply, permute = roll along hv dim, multiset = sum over seq dim
    L = symbols.shape[-2]
    n_gram = jnp.roll(symbols[..., : L - (n - 1), :], shift=n - 1, axis=-1)
    for i in range(1, n):
        stop = L if i == n - 1 else L - (n - 1 - i)
        sample = jnp.roll(symbols[..., i:stop, :], shift=n - 1 - i, axis=-1)
        n_gram = n_gram * sample
    return jnp.sum(n_gram, axis=-2)


def _hard_quantize(v):
    return jnp.where(v > 0, 1.0, -1.0).astype(jnp.float32)


def reference(x, table, W):
    symbols = jnp.take(table, x, axis=0)            # [B, L, D] gather
    sample_hv = _ngrams(symbols, n=3)               # [B, D]
    enc = _hard_quantize(sample_hv)                 # [B, D]
    logit = enc @ W.T                               # [B, num_classes]
    return logit

if __name__ == "__main__":
    import jax
    _d = setup_inputs()
    print(jax.jit(kernel)(*tuple(_d.values())))

</pallas_src>

<mosaic_0001>
#map = affine_map<(d0, d1) -> (0, 0)>
module attributes {stable_mosaic.version = 14 : i64} {
  func.func @enc_kernel(%arg0: i32, %arg1: i32, %arg2: memref<1024x56xi32, #tpu.memory_space<hbm>>, %arg3: memref<100000x1024xf32, #tpu.memory_space<hbm>>, %arg4: memref<1024x1024xf32, #tpu.memory_space<hbm>>, %arg5: memref<32x56xi32, #tpu.memory_space<vmem>>, %arg6: memref<50x1024xf32, #tpu.memory_space<vmem>>, %arg7: memref<50x1024xf32, #tpu.memory_space<vmem>>, %arg8: memref<1024xf32, #tpu.memory_space<vmem>>, %arg9: memref<1024xf32, #tpu.memory_space<vmem>>, %arg10: memref<!tpu.dma_semaphore, #tpu.memory_space<semaphore_mem>>, %arg11: memref<!tpu.dma_semaphore, #tpu.memory_space<semaphore_mem>>) attributes {dimension_semantics = [#tpu.dimension_semantics<core_parallel>, #tpu.dimension_semantics<subcore_parallel>], iteration_bounds = array<i64: 2, 16>, scalar_prefetch = 0 : i64, scratch_operands = 7 : i64, tpu.core_type = #tpu.core_type<sc_vector_subcore>, window_params = [{transform_indices = #map}, {transform_indices = #map}, {transform_indices = #map}]} {
    %mul3A = arith.constant 2 : i32
    %mul3A_0 = arith.muli %arg1, %mul3A : i32
    %add3A = arith.addi %mul3A_0, %arg0 : i32
    %mul3A_1 = arith.constant 32 : i32
    %mul3A_2 = arith.muli %add3A, %mul3A_1 : i32
    "tpu.region"() ({
      %run_scoped3A = tpu.sem_alloc : memref<!tpu.dma_semaphore, #tpu.memory_space<semaphore_mem>>
      %dma_start3A_95 = arith.constant 0 : i32
      %dma_start3A_96 = tpu.memref_slice %arg2[%mul3A_2, %dma_start3A_95] : memref<1024x56xi32, #tpu.memory_space<hbm>> -> memref<32x56xi32, #tpu.memory_space<hbm>>
      %dma_start3A_97 = arith.constant 0 : i32
      %dma_start3A_98 = tpu.memref_slice %arg2[%mul3A_2, %dma_start3A_97] : memref<1024x56xi32, #tpu.memory_space<hbm>> -> memref<32x56xi32, #tpu.memory_space<hbm>>
      tpu.enqueue_dma source(%dma_start3A_98 : memref<32x56xi32, #tpu.memory_space<hbm>>) target(%arg5 : memref<32x56xi32, #tpu.memory_space<vmem>>) target_semaphore(%run_scoped3A : memref<!tpu.dma_semaphore, #tpu.memory_space<semaphore_mem>>)
      %dma_wait3A = arith.constant 0 : i32
      %dma_wait3A_99 = tpu.memref_slice %arg2[%mul3A_2, %dma_wait3A] : memref<1024x56xi32, #tpu.memory_space<hbm>> -> memref<32x56xi32, #tpu.memory_space<hbm>>
      %dma_wait3A_100 = arith.constant 0 : i32
      %dma_wait3A_101 = tpu.memref_slice %arg2[%mul3A_2, %dma_wait3A_100] : memref<1024x56xi32, #tpu.memory_space<hbm>> -> memref<32x56xi32, #tpu.memory_space<hbm>>
      tpu.wait_dma2 semaphore(%run_scoped3A : memref<!tpu.dma_semaphore, #tpu.memory_space<semaphore_mem>>) src(%dma_wait3A_101 : memref<32x56xi32, #tpu.memory_space<hbm>>) dst(%arg5 : memref<32x56xi32, #tpu.memory_space<vmem>>)
      tpu.yield
    }) : () -> ()
    %iota3A = tpu.iota {dimensions = array<i32: 0>} : vector<16xi32>
    %add3A_3 = arith.constant 1022 : i32
    %add3A_4 = vector.broadcast %add3A_3 : i32 to vector<16xi32>
    %add3A_5 = arith.addi %iota3A, %add3A_4 : vector<16xi32>
    %jit3A = arith.constant 1024 : i32
    %eq3A = arith.constant 0 : i32
    %eq3A_6 = arith.cmpi eq, %jit3A, %eq3A : i32
    %jit3A_7 = arith.constant 1 : i32
    %select_n3A = arith.select %eq3A_6, %jit3A_7, %jit3A : i32
    %rem3A = vector.broadcast %select_n3A : i32 to vector<16xi32>
    %rem3A_8 = arith.remsi %add3A_5, %rem3A : vector<16xi32>
    %ne3A = arith.constant 0 : i32
    %ne3A_9 = vector.broadcast %ne3A : i32 to vector<16xi32>
    %ne3A_10 = arith.cmpi ne, %rem3A_8, %ne3A_9 : vector<16xi32>
    %lt3A = arith.constant 0 : i32
    %lt3A_11 = vector.broadcast %lt3A : i32 to vector<16xi32>
    %lt3A_12 = arith.cmpi slt, %rem3A_8, %lt3A_11 : vector<16xi32>
    %lt3A_13 = arith.constant 0 : i32
    %lt3A_14 = arith.cmpi slt, %select_n3A, %lt3A_13 : i32
    %ne3A_15 = vector.broadcast %lt3A_14 : i1 to vector<16xi1>
    %ne3A_16 = vector.broadcast %ne3A_15 : vector<16xi1> to vector<16xi1>
    %ne3A_17 = arith.xori %lt3A_12, %ne3A_16 : vector<16xi1>
    %and3A = arith.andi %ne3A_17, %ne3A_10 : vector<16xi1>
    %add3A_18 = vector.broadcast %select_n3A : i32 to vector<16xi32>
    %add3A_19 = arith.addi %rem3A_8, %add3A_18 : vector<16xi32>
    %select_n3A_20 = arith.select %and3A, %add3A_19, %rem3A_8 : vector<16xi1>, vector<16xi32>
    %add3A_21 = arith.constant 1023 : i32
    %add3A_22 = vector.broadcast %add3A_21 : i32 to vector<16xi32>
    %add3A_23 = arith.addi %iota3A, %add3A_22 : vector<16xi32>
    %jit3A_24 = arith.constant 1024 : i32
    %eq3A_25 = arith.constant 0 : i32
    %eq3A_26 = arith.cmpi eq, %jit3A_24, %eq3A_25 : i32
    %jit3A_27 = arith.constant 1 : i32
    %select_n3A_28 = arith.select %eq3A_26, %jit3A_27, %jit3A_24 : i32
    %rem3A_29 = vector.broadcast %select_n3A_28 : i32 to vector<16xi32>
    %rem3A_30 = arith.remsi %add3A_23, %rem3A_29 : vector<16xi32>
    %ne3A_31 = arith.constant 0 : i32
    %ne3A_32 = vector.broadcast %ne3A_31 : i32 to vector<16xi32>
    %ne3A_33 = arith.cmpi ne, %rem3A_30, %ne3A_32 : vector<16xi32>
    %lt3A_34 = arith.constant 0 : i32
    %lt3A_35 = vector.broadcast %lt3A_34 : i32 to vector<16xi32>
    %lt3A_36 = arith.cmpi slt, %rem3A_30, %lt3A_35 : vector<16xi32>
    %lt3A_37 = arith.constant 0 : i32
    %lt3A_38 = arith.cmpi slt, %select_n3A_28, %lt3A_37 : i32
    %ne3A_39 = vector.broadcast %lt3A_38 : i1 to vector<16xi1>
    %ne3A_40 = vector.broadcast %ne3A_39 : vector<16xi1> to vector<16xi1>
    %ne3A_41 = arith.xori %lt3A_36, %ne3A_40 : vector<16xi1>
    %and3A_42 = arith.andi %ne3A_41, %ne3A_33 : vector<16xi1>
    %add3A_43 = vector.broadcast %select_n3A_28 : i32 to vector<16xi32>
    %add3A_44 = arith.addi %rem3A_30, %add3A_43 : vector<16xi32>
    %select_n3A_45 = arith.select %and3A_42, %add3A_44, %rem3A_30 : vector<16xi1>, vector<16xi32>
    %add3A_46 = arith.constant 15 : i32
    %add3A_47 = vector.broadcast %add3A_46 : i32 to vector<16xi32>
    %add3A_48 = arith.addi %iota3A, %add3A_47 : vector<16xi32>
    %jit3A_49 = arith.constant 16 : i32
    %eq3A_50 = arith.constant 0 : i32
    %eq3A_51 = arith.cmpi eq, %jit3A_49, %eq3A_50 : i32
    %jit3A_52 = arith.constant 1 : i32
    %select_n3A_53 = arith.select %eq3A_51, %jit3A_52, %jit3A_49 : i32
    %rem3A_54 = vector.broadcast %select_n3A_53 : i32 to vector<16xi32>
    %rem3A_55 = arith.remsi %add3A_48, %rem3A_54 : vector<16xi32>
    %ne3A_56 = arith.constant 0 : i32
    %ne3A_57 = vector.broadcast %ne3A_56 : i32 to vector<16xi32>
    %ne3A_58 = arith.cmpi ne, %rem3A_55, %ne3A_57 : vector<16xi32>
    %lt3A_59 = arith.constant 0 : i32
    %lt3A_60 = vector.broadcast %lt3A_59 : i32 to vector<16xi32>
    %lt3A_61 = arith.cmpi slt, %rem3A_55, %lt3A_60 : vector<16xi32>
    %lt3A_62 = arith.constant 0 : i32
    %lt3A_63 = arith.cmpi slt, %select_n3A_53, %lt3A_62 : i32
    %ne3A_64 = vector.broadcast %lt3A_63 : i1 to vector<16xi1>
    %ne3A_65 = vector.broadcast %ne3A_64 : vector<16xi1> to vector<16xi1>
    %ne3A_66 = arith.xori %lt3A_61, %ne3A_65 : vector<16xi1>
    %and3A_67 = arith.andi %ne3A_66, %ne3A_58 : vector<16xi1>
    %add3A_68 = vector.broadcast %select_n3A_53 : i32 to vector<16xi32>
    %add3A_69 = arith.addi %rem3A_55, %add3A_68 : vector<16xi32>
    %select_n3A_70 = arith.select %and3A_67, %add3A_69, %rem3A_55 : vector<16xi1>, vector<16xi32>
    %dma_start3A = arith.constant 0 : i32
    %dma_start3A_71 = arith.constant 0 : i32
    %dma_start3A_72 = arith.constant 0 : i32
    %dma_start3A_73 = tpu.memref_slice %arg6[%dma_start3A_71, %dma_start3A_72] : memref<50x1024xf32, #tpu.memory_space<vmem>> -> memref<24x1024xf32, #tpu.memory_space<vmem>>
    %dma_start3A_74 = arith.constant 0 : i32
    %dma_start3A_75 = tpu.memref_slice %arg5[%dma_start3A, %dma_start3A_74] : memref<32x56xi32, #tpu.memory_space<vmem>> -> memref<1x24xi32, #tpu.memory_space<vmem>>
    %dma_start3A_76 = tpu.memref_squeeze %dma_start3A_75 : memref<1x24xi32, #tpu.memory_space<vmem>> -> memref<24xi32, #tpu.memory_space<vmem>>
    %dma_start3A_77 = arith.constant 0 : i32
    %dma_start3A_78 = arith.constant 0 : i32
    %dma_start3A_79 = tpu.memref_slice %arg3[%dma_start3A_77, %dma_start3A_78] : memref<100000x1024xf32, #tpu.memory_space<hbm>> -> memref<100000x1024xf32, #tpu.memory_space<hbm>>
    tpu.enqueue_indirect_dma source(%dma_start3A_79 : memref<100000x1024xf32, #tpu.memory_space<hbm>>) target(%dma_start3A_73 : memref<24x1024xf32, #tpu.memory_space<vmem>>) offsets(%dma_start3A_76 : memref<24xi32, #tpu.memory_space<vmem>>) semaphore(%arg10 : memref<!tpu.dma_semaphore, #tpu.memory_space<semaphore_mem>>)
    %dma_start3A_80 = arith.constant 0 : i32
    %dma_start3A_81 = arith.constant 24 : i32
    %dma_start3A_82 = arith.constant 0 : i32
    %dma_start3A_83 = tpu.memref_slice %arg6[%dma_start3A_81, %dma_start3A_82] : memref<50x1024xf32, #tpu.memory_space<vmem>> -> memref<26x1024xf32, #tpu.memory_space<vmem>>
    %dma_start3A_84 = arith.constant 24 : i32
    %dma_start3A_85 = tpu.memref_slice %arg5[%dma_start3A_80, %dma_start3A_84] : memref<32x56xi32, #tpu.memory_space<vmem>> -> memref<1x26xi32, #tpu.memory_space<vmem>>
    %dma_start3A_86 = tpu.memref_squeeze %dma_start3A_85 : memref<1x26xi32, #tpu.memory_space<vmem>> -> memref<26xi32, #tpu.memory_space<vmem>>
    %dma_start3A_87 = arith.constant 0 : i32
    %dma_start3A_88 = arith.constant 0 : i32
    %dma_start3A_89 = tpu.memref_slice %arg3[%dma_start3A_87, %dma_start3A_88] : memref<100000x1024xf32, #tpu.memory_space<hbm>> -> memref<100000x1024xf32, #tpu.memory_space<hbm>>
    tpu.enqueue_indirect_dma source(%dma_start3A_89 : memref<100000x1024xf32, #tpu.memory_space<hbm>>) target(%dma_start3A_83 : memref<26x1024xf32, #tpu.memory_space<vmem>>) offsets(%dma_start3A_86 : memref<26xi32, #tpu.memory_space<vmem>>) semaphore(%arg10 : memref<!tpu.dma_semaphore, #tpu.memory_space<semaphore_mem>>)
    %scan3A = arith.constant 0 : i32
    %scan3A_90 = arith.constant 0 : i32
    %scan3A_91 = arith.constant 16 : i32
    %scan3A_92 = arith.addi %scan3A_90, %scan3A_91 : i32
    %scan3A_93 = arith.constant 1 : i32
    scf.for %scan3A_95 = %scan3A_90 to %scan3A_92 step %scan3A_93  : i32 {
      %mul3A_96 = arith.constant 2 : i32
      %mul3A_97 = arith.muli %mul3A_96, %scan3A_95 : i32
      %dma_wait3A = arith.constant 0 : i32
      %dma_wait3A_98 = arith.constant 0 : i32
      %dma_wait3A_99 = arith.constant 0 : i32
      %dma_wait3A_100 = tpu.memref_slice %arg6[%dma_wait3A_98, %dma_wait3A_99] : memref<50x1024xf32, #tpu.memory_space<vmem>> -> memref<24x1024xf32, #tpu.memory_space<vmem>>
      %dma_wait3A_101 = arith.constant 0 : i32
      %dma_wait3A_102 = tpu.memref_slice %arg5[%dma_wait3A, %dma_wait3A_101] : memref<32x56xi32, #tpu.memory_space<vmem>> -> memref<1x24xi32, #tpu.memory_space<vmem>>
      %dma_wait3A_103 = tpu.memref_squeeze %dma_wait3A_102 : memref<1x24xi32, #tpu.memory_space<vmem>> -> memref<24xi32, #tpu.memory_space<vmem>>
      %dma_wait3A_104 = arith.constant 0 : i32
      %dma_wait3A_105 = arith.constant 0 : i32
      %dma_wait3A_106 = tpu.memref_slice %arg3[%dma_wait3A_104, %dma_wait3A_105] : memref<100000x1024xf32, #tpu.memory_space<hbm>> -> memref<100000x1024xf32, #tpu.memory_space<hbm>>
      tpu.wait_indirect_dma semaphore(%arg10 : memref<!tpu.dma_semaphore, #tpu.memory_space<semaphore_mem>>) src(%dma_wait3A_106 : memref<100000x1024xf32, #tpu.memory_space<hbm>>) dst(%dma_wait3A_100 : memref<24x1024xf32, #tpu.memory_space<vmem>>)
      %dma_wait3A_107 = arith.constant 0 : i32
      %dma_wait3A_108 = arith.constant 24 : i32
      %dma_wait3A_109 = arith.constant 0 : i32
      %dma_wait3A_110 = tpu.memref_slice %arg6[%dma_wait3A_108, %dma_wait3A_109] : memref<50x1024xf32, #tpu.memory_space<vmem>> -> memref<26x1024xf32, #tpu.memory_space<vmem>>
      %dma_wait3A_111 = arith.constant 24 : i32
      %dma_wait3A_112 = tpu.memref_slice %arg5[%dma_wait3A_107, %dma_wait3A_111] : memref<32x56xi32, #tpu.memory_space<vmem>> -> memref<1x26xi32, #tpu.memory_space<vmem>>
      %dma_wait3A_113 = tpu.memref_squeeze %dma_wait3A_112 : memref<1x26xi32, #tpu.memory_space<vmem>> -> memref<26xi32, #tpu.memory_space<vmem>>
      %dma_wait3A_114 = arith.constant 0 : i32
      %dma_wait3A_115 = arith.constant 0 : i32
      %dma_wait3A_116 = tpu.memref_slice %arg3[%dma_wait3A_114, %dma_wait3A_115] : memref<100000x1024xf32, #tpu.memory_space<hbm>> -> memref<100000x1024xf32, #tpu.memory_space<hbm>>
      tpu.wait_indirect_dma semaphore(%arg10 : memref<!tpu.dma_semaphore, #tpu.memory_space<semaphore_mem>>) src(%dma_wait3A_116 : memref<100000x1024xf32, #tpu.memory_space<hbm>>) dst(%dma_wait3A_110 : memref<26x1024xf32, #tpu.memory_space<vmem>>)
      %add3A_117 = arith.constant 1 : i32
      %add3A_118 = arith.addi %mul3A_97, %add3A_117 : i32
      %dma_start3A_119 = arith.constant 0 : i32
      %dma_start3A_120 = arith.constant 0 : i32
      %dma_start3A_121 = tpu.memref_slice %arg7[%dma_start3A_119, %dma_start3A_120] : memref<50x1024xf32, #tpu.memory_space<vmem>> -> memref<24x1024xf32, #tpu.memory_space<vmem>>
      %dma_start3A_122 = arith.constant 0 : i32
      %dma_start3A_123 = tpu.memref_slice %arg5[%add3A_118, %dma_start3A_122] : memref<32x56xi32, #tpu.memory_space<vmem>> -> memref<1x24xi32, #tpu.memory_space<vmem>>
      %dma_start3A_124 = tpu.memref_squeeze %dma_start3A_123 : memref<1x24xi32, #tpu.memory_space<vmem>> -> memref<24xi32, #tpu.memory_space<vmem>>
      %dma_start3A_125 = arith.constant 0 : i32
      %dma_start3A_126 = arith.constant 0 : i32
      %dma_start3A_127 = tpu.memref_slice %arg3[%dma_start3A_125, %dma_start3A_126] : memref<100000x1024xf32, #tpu.memory_space<hbm>> -> memref<100000x1024xf32, #tpu.memory_space<hbm>>
      tpu.enqueue_indirect_dma source(%dma_start3A_127 : memref<100000x1024xf32, #tpu.memory_space<hbm>>) target(%dma_start3A_121 : memref<24x1024xf32, #tpu.memory_space<vmem>>) offsets(%dma_start3A_124 : memref<24xi32, #tpu.memory_space<vmem>>) semaphore(%arg11 : memref<!tpu.dma_semaphore, #tpu.memory_space<semaphore_mem>>)
      %dma_start3A_128 = arith.constant 24 : i32
      %dma_start3A_129 = arith.constant 0 : i32
      %dma_start3A_130 = tpu.memref_slice %arg7[%dma_start3A_128, %dma_start3A_129] : memref<50x1024xf32, #tpu.memory_space<vmem>> -> memref<26x1024xf32, #tpu.memory_space<vmem>>
      %dma_start3A_131 = arith.constant 24 : i32
      %dma_start3A_132 = tpu.memref_slice %arg5[%add3A_118, %dma_start3A_131] : memref<32x56xi32, #tpu.memory_space<vmem>> -> memref<1x26xi32, #tpu.memory_space<vmem>>
      %dma_start3A_133 = tpu.memref_squeeze %dma_start3A_132 : memref<1x26xi32, #tpu.memory_space<vmem>> -> memref<26xi32, #tpu.memory_space<vmem>>
      %dma_start3A_134 = arith.constant 0 : i32
      %dma_start3A_135 = arith.constant 0 : i32
      %dma_start3A_136 = tpu.memref_slice %arg3[%dma_start3A_134, %dma_start3A_135] : memref<100000x1024xf32, #tpu.memory_space<hbm>> -> memref<100000x1024xf32, #tpu.memory_space<hbm>>
      tpu.enqueue_indirect_dma source(%dma_start3A_136 : memref<100000x1024xf32, #tpu.memory_space<hbm>>) target(%dma_start3A_130 : memref<26x1024xf32, #tpu.memory_space<vmem>>) offsets(%dma_start3A_133 : memref<26xi32, #tpu.memory_space<vmem>>) semaphore(%arg11 : memref<!tpu.dma_semaphore, #tpu.memory_space<semaphore_mem>>)
      %get3A = arith.constant 0 : i32
      %get3A_137 = arith.index_cast %get3A : i32 to index
      %get3A_138 = arith.constant 1007 : index
      %get3A_139 = tpu.vector_load %arg6[%get3A_137, %get3A_138] {strides = array<i32>} : memref<50x1024xf32, #tpu.memory_space<vmem>>, vector<16xf32>,
      %get3A_140 = arith.constant 1 : i32
      %get3A_141 = arith.index_cast %get3A_140 : i32 to index
      %get3A_142 = arith.constant 1008 : index
      %get3A_143 = tpu.vector_load %arg6[%get3A_141, %get3A_142] {strides = array<i32>} : memref<50x1024xf32, #tpu.memory_space<vmem>>, vector<16xf32>,
      %mul3A_144 = arith.mulf %get3A_139, %get3A_143 : vector<16xf32>
      %lt3A_145 = arith.constant 0 : i32
      %lt3A_146 = vector.broadcast %lt3A_145 : i32 to vector<16xi32>
      %lt3A_147 = arith.cmpi slt, %select_n3A_70, %lt3A_146 : vector<16xi32>
      %add3A_148 = arith.constant 16 : i32
      %add3A_149 = vector.broadcast %add3A_148 : i32 to vector<16xi32>
      %add3A_150 = arith.addi %select_n3A_70, %add3A_149 : vector<16xi32>
      %select_n3A_151 = arith.select %lt3A_147, %add3A_150, %select_n3A_70 : vector<16xi1>, vector<16xi32>
      %broadcast_in_dim3A = vector.shape_cast %select_n3A_151 : vector<16xi32> to vector<16x1xi32>
      %gather3A = vector.shape_cast %broadcast_in_dim3A : vector<16x1xi32> to vector<16xi32>
      %gather3A_152 = tpu.dynamic_gather %mul3A_144[%gather3A] in [0] : vector<16xf32>, vector<16xi32> -> vector<16xf32>
      %get3A_153 = arith.constant 1 : i32
      %get3A_154 = arith.index_cast %get3A_153 : i32 to index
      %get3A_155 = arith.constant 1007 : index
      %get3A_156 = tpu.vector_load %arg6[%get3A_154, %get3A_155] {strides = array<i32>} : memref<50x1024xf32, #tpu.memory_space<vmem>>, vector<16xf32>,
      %get3A_157 = arith.constant 2 : i32
      %get3A_158 = arith.index_cast %get3A_157 : i32 to index
      %get3A_159 = arith.constant 1008 : index
      %get3A_160 = tpu.vector_load %arg6[%get3A_158, %get3A_159] {strides = array<i32>} : memref<50x1024xf32, #tpu.memory_space<vmem>>, vector<16xf32>,
      %mul3A_161 = arith.mulf %get3A_156, %get3A_160 : vector<16xf32>
      %lt3A_162 = arith.constant 0 : i32
      %lt3A_163 = vector.broadcast %lt3A_162 : i32 to vector<16xi32>
      %lt3A_164 = arith.cmpi slt, %select_n3A_70, %lt3A_163 : vector<16xi32>
      %add3A_165 = arith.constant 16 : i32
      %add3A_166 = vector.broadcast %add3A_165 : i32 to vector<16xi32>
      %add3A_167 = arith.addi %select_n3A_70, %add3A_166 : vector<16xi32>
      %select_n3A_168 = arith.select %lt3A_164, %add3A_167, %select_n3A_70 : vector<16xi1>, vector<16xi32>
      %broadcast_in_dim3A_169 = vector.shape_cast %select_n3A_168 : vector<16xi32> to vector<16x1xi32>
      %gather3A_170 = vector.shape_cast %broadcast_in_dim3A_169 : vector<16x1xi32> to vector<16xi32>
      %gather3A_171 = tpu.dynamic_gather %mul3A_161[%gather3A_170] in [0] : vector<16xf32>, vector<16xi32> -> vector<16xf32>
      %get3A_172 = arith.constant 2 : i32
      %get3A_173 = arith.index_cast %get3A_172 : i32 to index
      %get3A_174 = arith.constant 1007 : index
      %get3A_175 = tpu.vector_load %arg6[%get3A_173, %get3A_174] {strides = array<i32>} : memref<50x1024xf32, #tpu.memory_space<vmem>>, vector<16xf32>,
      %get3A_176 = arith.constant 3 : i32
      %get3A_177 = arith.index_cast %get3A_176 : i32 to index
      %get3A_178 = arith.constant 1008 : index
      %get3A_179 = tpu.vector_load %arg6[%get3A_177, %get3A_178] {strides = array<i32>} : memref<50x1024xf32, #tpu.memory_space<vmem>>, vector<16xf32>,
      %mul3A_180 = arith.mulf %get3A_175, %get3A_179 : vector<16xf32>
      %lt3A_181 = arith.constant 0 : i32
      %lt3A_182 = vector.broadcast %lt3A_181 : i32 to vector<16xi32>
      %lt3A_183 = arith.cmpi slt, %select_n3A_70, %lt3A_182 : vector<16xi32>
      %add3A_184 = arith.constant 16 : i32
      %add3A_185 = vector.broadcast %add3A_184 : i32 to vector<16xi32>
      %add3A_186 = arith.addi %select_n3A_70, %add3A_185 : vector<16xi32>
      %select_n3A_187 = arith.select %lt3A_183, %add3A_186, %select_n3A_70 : vector<16xi1>, vector<16xi32>
      %broadcast_in_dim3A_188 = vector.shape_cast %select_n3A_187 : vector<16xi32> to vector<16x1xi32>
      %gather3A_189 = vector.shape_cast %broadcast_in_dim3A_188 : vector<16x1xi32> to vector<16xi32>
      %gather3A_190 = tpu.dynamic_gather %mul3A_180[%gather3A_189] in [0] : vector<16xf32>, vector<16xi32> -> vector<16xf32>
      %get3A_191 = arith.constant 3 : i32
      %get3A_192 = arith.index_cast %get3A_191 : i32 to index
      %get3A_193 = arith.constant 1007 : index
      %get3A_194 = tpu.vector_load %arg6[%get3A_192, %get3A_193] {strides = array<i32>} : memref<50x1024xf32, #tpu.memory_space<vmem>>, vector<16xf32>,
      %get3A_195 = arith.constant 4 : i32
      %get3A_196 = arith.index_cast %get3A_195 : i32 to index
      %get3A_197 = arith.constant 1008 : index
      %get3A_198 = tpu.vector_load %arg6[%get3A_196, %get3A_197] {strides = array<i32>} : memref<50x1024xf32, #tpu.memory_space<vmem>>, vector<16xf32>,
      %mul3A_199 = arith.mulf %get3A_194, %get3A_198 : vector<16xf32>
      %lt3A_200 = arith.constant 0 : i32
      %lt3A_201 = vector.broadcast %lt3A_200 : i32 to vector<16xi32>
      %lt3A_202 = arith.cmpi slt, %select_n3A_70, %lt3A_201 : vector<16xi32>
      %add3A_203 = arith.constant 16 : i32
      %add3A_204 = vector.broadcast %add3A_203 : i32 to vector<16xi32>
      %add3A_205 = arith.addi %select_n3A_70, %add3A_204 : vector<16xi32>
      %select_n3A_206 = arith.select %lt3A_202, %add3A_205, %select_n3A_70 : vector<16xi1>, vector<16xi32>
      %broadcast_in_dim3A_207 = vector.shape_cast %select_n3A_206 : vector<16xi32> to vector<16x1xi32>
      %gather3A_208 = vector.shape_cast %broadcast_in_dim3A_207 : vector<16x1xi32> to vector<16xi32>
      %gather3A_209 = tpu.dynamic_gather %mul3A_199[%gather3A_208] in [0] : vector<16xf32>, vector<16xi32> -> vector<16xf32>
      %get3A_210 = arith.constant 4 : i32
      %get3A_211 = arith.index_cast %get3A_210 : i32 to index
      %get3A_212 = arith.constant 1007 : index
      %get3A_213 = tpu.vector_load %arg6[%get3A_211, %get3A_212] {strides = array<i32>} : memref<50x1024xf32, #tpu.memory_space<vmem>>, vector<16xf32>,
      %get3A_214 = arith.constant 5 : i32
      %get3A_215 = arith.index_cast %get3A_214 : i32 to index
      %get3A_216 = arith.constant 1008 : index
      %get3A_217 = tpu.vector_load %arg6[%get3A_215, %get3A_216] {strides = array<i32>} : memref<50x1024xf32, #tpu.memory_space<vmem>>, vector<16xf32>,
      %mul3A_218 = arith.mulf %get3A_213, %get3A_217 : vector<16xf32>
      %lt3A_219 = arith.constant 0 : i32
      %lt3A_220 = vector.broadcast %lt3A_219 : i32 to vector<16xi32>
      %lt3A_221 = arith.cmpi slt, %select_n3A_70, %lt3A_220 : vector<16xi32>
      %add3A_222 = arith.constant 16 : i32
      %add3A_223 = vector.broadcast %add3A_222 : i32 to vector<16xi32>
      %add3A_224 = arith.addi %select_n3A_70, %add3A_223 : vector<16xi32>
      %select_n3A_225 = arith.select %lt3A_221, %add3A_224, %select_n3A_70 : vector<16xi1>, vector<16xi32>
      %broadcast_in_dim3A_226 = vector.shape_cast %select_n3A_225 : vector<16xi32> to vector<16x1xi32>
      %gather3A_227 = vector.shape_cast %broadcast_in_dim3A_226 : vector<16x1xi32> to vector<16xi32>
      %gather3A_228 = tpu.dynamic_gather %mul3A_218[%gather3A_227] in [0] : vector<16xf32>, vector<16xi32> -> vector<16xf32>
      %get3A_229 = arith.constant 5 : i32
      %get3A_230 = arith.index_cast %get3A_229 : i32 to index
      %get3A_231 = arith.constant 1007 : index
      %get3A_232 = tpu.vector_load %arg6[%get3A_230, %get3A_231] {strides = array<i32>} : memref<50x1024xf32, #tpu.memory_space<vmem>>, vector<16xf32>,
      %get3A_233 = arith.constant 6 : i32
      %get3A_234 = arith.index_cast %get3A_233 : i32 to index
      %get3A_235 = arith.constant 1008 : index
      %get3A_236 = tpu.vector_load %arg6[%get3A_234, %get3A_235] {strides = array<i32>} : memref<50x1024xf32, #tpu.memory_space<vmem>>, vector<16xf32>,
      %mul3A_237 = arith.mulf %get3A_232, %get3A_236 : vector<16xf32>
      %lt3A_238 = arith.constant 0 : i32
      %lt3A_239 = vector.broadcast %lt3A_238 : i32 to vector<16xi32>
      %lt3A_240 = arith.cmpi slt, %select_n3A_70, %lt3A_239 : vector<16xi32>
      %add3A_241 = arith.constant 16 : i32
      %add3A_242 = vector.broadcast %add3A_241 : i32 to vector<16xi32>
      %add3A_243 = arith.addi %select_n3A_70, %add3A_242 : vector<16xi32>
      %select_n3A_244 = arith.select %lt3A_240, %add3A_243, %select_n3A_70 : vector<16xi1>, vector<16xi32>
      %broadcast_in_dim3A_245 = vector.shape_cast %select_n3A_244 : vector<16xi32> to vector<16x1xi32>
      %gather3A_246 = vector.shape_cast %broadcast_in_dim3A_245 : vector<16x1xi32> to vector<16xi32>
      %gather3A_247 = tpu.dynamic_gather %mul3A_237[%gather3A_246] in [0] : vector<16xf32>, vector<16xi32> -> vector<16xf32>
      %get3A_248 = arith.constant 6 : i32
      %get3A_249 = arith.index_cast %get3A_248 : i32 to index
      %get3A_250 = arith.constant 1007 : index
      %get3A_251 = tpu.vector_load %arg6[%get3A_249, %get3A_250] {strides = array<i32>} : memref<50x1024xf32, #tpu.memory_space<vmem>>, vector<16xf32>,
      %get3A_252 = arith.constant 7 : i32
      %get3A_253 = arith.index_cast %get3A_252 : i32 to index
      %get3A_254 = arith.constant 1008 : index
      %get3A_255 = tpu.vector_load %arg6[%get3A_253, %get3A_254] {strides = array<i32>} : memref<50x1024xf32, #tpu.memory_space<vmem>>, vector<16xf32>,
      %mul3A_256 = arith.mulf %get3A_251, %get3A_255 : vector<16xf32>
      %lt3A_257 = arith.constant 0 : i32
      %lt3A_258 = vector.broadcast %lt3A_257 : i32 to vector<16xi32>
      %lt3A_259 = arith.cmpi slt, %select_n3A_70, %lt3A_258 : vector<16xi32>
      %add3A_260 = arith.constant 16 : i32
      %add3A_261 = vector.broadcast %add3A_260 : i32 to vector<16xi32>
      %add3A_262 = arith.addi %select_n3A_70, %add3A_261 : vector<16xi32>
      %select_n3A_263 = arith.select %lt3A_259, %add3A_262, %select_n3A_70 : vector<16xi1>, vector<16xi32>
      %broadcast_in_dim3A_264 = vector.shape_cast %select_n3A_263 : vector<16xi32> to vector<16x1xi32>
      %gather3A_265 = vector.shape_cast %broadcast_in_dim3A_264 : vector<16x1xi32> to vector<16xi32>
      %gather3A_266 = tpu.dynamic_gather %mul3A_256[%gather3A_265] in [0] : vector<16xf32>, vector<16xi32> -> vector<16xf32>
      %get3A_267 = arith.constant 7 : i32
      %get3A_268 = arith.index_cast %get3A_267 : i32 to index
      %get3A_269 = arith.constant 1007 : index
      %get3A_270 = tpu.vector_load %arg6[%get3A_268, %get3A_269] {strides = array<i32>} : memref<50x1024xf32, #tpu.memory_space<vmem>>, vector<16xf32>,
      %get3A_271 = arith.constant 8 : i32
      %get3A_272 = arith.index_cast %get3A_271 : i32 to index
      %get3A_273 = arith.constant 1008 : index
      %get3A_274 = tpu.vector_load %arg6[%get3A_272, %get3A_273] {strides = array<i32>} : memref<50x1024xf32, #tpu.memory_space<vmem>>, vector<16xf32>,
      %mul3A_275 = arith.mulf %get3A_270, %get3A_274 : vector<16xf32>
      %lt3A_276 = arith.constant 0 : i32
      %lt3A_277 = vector.broadcast %lt3A_276 : i32 to vector<16xi32>
      %lt3A_278 = arith.cmpi slt, %select_n3A_70, %lt3A_277 : vector<16xi32>
      %add3A_279 = arith.constant 16 : i32
      %add3A_280 = vector.broadcast %add3A_279 : i32 to vector<16xi32>
      %add3A_281 = arith.addi %select_n3A_70, %add3A_280 : vector<16xi32>
      %select_n3A_282 = arith.select %lt3A_278, %add3A_281, %select_n3A_70 : vector<16xi1>, vector<16xi32>
      %broadcast_in_dim3A_283 = vector.shape_cast %select_n3A_282 : vector<16xi32> to vector<16x1xi32>
      %gather3A_284 = vector.shape_cast %broadcast_in_dim3A_283 : vector<16x1xi32> to vector<16xi32>
      %gather3A_285 = tpu.dynamic_gather %mul3A_275[%gather3A_284] in [0] : vector<16xf32>, vector<16xi32> -> vector<16xf32>
      %get3A_286 = arith.constant 8 : i32
      %get3A_287 = arith.index_cast %get3A_286 : i32 to index
      %get3A_288 = arith.constant 1007 : index
      %get3A_289 = tpu.vector_load %arg6[%get3A_287, %get3A_288] {strides = array<i32>} : memref<50x1024xf32, #tpu.memory_space<vmem>>, vector<16xf32>,
      %get3A_290 = arith.constant 9 : i32
      %get3A_291 = arith.index_cast %get3A_290 : i32 to index
      %get3A_292 = arith.constant 1008 : index
      %get3A_293 = tpu.vector_load %arg6[%get3A_291, %get3A_292] {strides = array<i32>} : memref<50x1024xf32, #tpu.memory_space<vmem>>, vector<16xf32>,
      %mul3A_294 = arith.mulf %get3A_289, %get3A_293 : vector<16xf32>
      %lt3A_295 = arith.constant 0 : i32
      %lt3A_296 = vector.broadcast %lt3A_295 : i32 to vector<16xi32>
      %lt3A_297 = arith.cmpi slt, %select_n3A_70, %lt3A_296 : vector<16xi32>
      %add3A_298 = arith.constant 16 : i32
      %add3A_299 = vector.broadcast %add3A_298 : i32 to vector<16xi32>
      %add3A_300 = arith.addi %select_n3A_70, %add3A_299 : vector<16xi32>
      %select_n3A_301 = arith.select %lt3A_297, %add3A_300, %select_n3A_70 : vector<16xi1>, vector<16xi32>
      %broadcast_in_dim3A_302 = vector.shape_cast %select_n3A_301 : vector<16xi32> to vector<16x1xi32>
      %gather3A_303 = vector.shape_cast %broadcast_in_dim3A_302 : vector<16x1xi32> to vector<16xi32>
      %gather3A_304 = tpu.dynamic_gather %mul3A_294[%gather3A_303] in [0] : vector<16xf32>, vector<16xi32> -> vector<16xf32>
      %get3A_305 = arith.constant 9 : i32
      %get3A_306 = arith.index_cast %get3A_305 : i32 to index
      %get3A_307 = arith.constant 1007 : index
      %get3A_308 = tpu.vector_load %arg6[%get3A_306, %get3A_307] {strides = array<i32>} : memref<50x1024xf32, #tpu.memory_space<vmem>>, vector<16xf32>,
      %get3A_309 = arith.constant 10 : i32
      %get3A_310 = arith.index_cast %get3A_309 : i32 to index
      %get3A_311 = arith.constant 1008 : index
      %get3A_312 = tpu.vector_load %arg6[%get3A_310, %get3A_311] {strides = array<i32>} : memref<50x1024xf32, #tpu.memory_space<vmem>>, vector<16xf32>,
      %mul3A_313 = arith.mulf %get3A_308, %get3A_312 : vector<16xf32>
      %lt3A_314 = arith.constant 0 : i32
      %lt3A_315 = vector.broadcast %lt3A_314 : i32 to vector<16xi32>
      %lt3A_316 = arith.cmpi slt, %select_n3A_70, %lt3A_315 : vector<16xi32>
      %add3A_317 = arith.constant 16 : i32
      %add3A_318 = vector.broadcast %add3A_317 : i32 to vector<16xi32>
      %add3A_319 = arith.addi %select_n3A_70, %add3A_318 : vector<16xi32>
      %select_n3A_320 = arith.select %lt3A_316, %add3A_319, %select_n3A_70 : vector<16xi1>, vector<16xi32>
      %broadcast_in_dim3A_321 = vector.shape_cast %select_n3A_320 : vector<16xi32> to vector<16x1xi32>
      %gather3A_322 = vector.shape_cast %broadcast_in_dim3A_321 : vector<16x1xi32> to vector<16xi32>
      %gather3A_323 = tpu.dynamic_gather %mul3A_313[%gather3A_322] in [0] : vector<16xf32>, vector<16xi32> -> vector<16xf32>
      %get3A_324 = arith.constant 10 : i32
      %get3A_325 = arith.index_cast %get3A_324 : i32 to index
      %get3A_326 = arith.constant 1007 : index
      %get3A_327 = tpu.vector_load %arg6[%get3A_325, %get3A_326] {strides = array<i32>} : memref<50x1024xf32, #tpu.memory_space<vmem>>, vector<16xf32>,
      %get3A_328 = arith.constant 11 : i32
      %get3A_329 = arith.index_cast %get3A_328 : i32 to index
      %get3A_330 = arith.constant 1008 : index
      %get3A_331 = tpu.vector_load %arg6[%get3A_329, %get3A_330] {strides = array<i32>} : memref<50x1024xf32, #tpu.memory_space<vmem>>, vector<16xf32>,
      %mul3A_332 = arith.mulf %get3A_327, %get3A_331 : vector<16xf32>
      %lt3A_333 = arith.constant 0 : i32
      %lt3A_334 = vector.broadcast %lt3A_333 : i32 to vector<16xi32>
      %lt3A_335 = arith.cmpi slt, %select_n3A_70, %lt3A_334 : vector<16xi32>
      %add3A_336 = arith.constant 16 : i32
      %add3A_337 = vector.broadcast %add3A_336 : i32 to vector<16xi32>
      %add3A_338 = arith.addi %select_n3A_70, %add3A_337 : vector<16xi32>
      %select_n3A_339 = arith.select %lt3A_335, %add3A_338, %select_n3A_70 : vector<16xi1>, vector<16xi32>
      %broadcast_in_dim3A_340 = vector.shape_cast %select_n3A_339 : vector<16xi32> to vector<16x1xi32>
      %gather3A_341 = vector.shape_cast %broadcast_in_dim3A_340 : vector<16x1xi32> to vector<16xi32>
      %gather3A_342 = tpu.dynamic_gather %mul3A_332[%gather3A_341] in [0] : vector<16xf32>, vector<16xi32> -> vector<16xf32>
      %get3A_343 = arith.constant 11 : i32
      %get3A_344 = arith.index_cast %get3A_343 : i32 to index
      %get3A_345 = arith.constant 1007 : index
      %get3A_346 = tpu.vector_load %arg6[%get3A_344, %get3A_345] {strides = array<i32>} : memref<50x1024xf32, #tpu.memory_space<vmem>>, vector<16xf32>,
      %get3A_347 = arith.constant 12 : i32
      %get3A_348 = arith.index_cast %get3A_347 : i32 to index
      %get3A_349 = arith.constant 1008 : index
      %get3A_350 = tpu.vector_load %arg6[%get3A_348, %get3A_349] {strides = array<i32>} : memref<50x1024xf32, #tpu.memory_space<vmem>>, vector<16xf32>,
      %mul3A_351 = arith.mulf %get3A_346, %get3A_350 : vector<16xf32>
      %lt3A_352 = arith.constant 0 : i32
      %lt3A_353 = vector.broadcast %lt3A_352 : i32 to vector<16xi32>
      %lt3A_354 = arith.cmpi slt, %select_n3A_70, %lt3A_353 : vector<16xi32>
      %add3A_355 = arith.constant 16 : i32
      %add3A_356 = vector.broadcast %add3A_355 : i32 to vector<16xi32>
      %add3A_357 = arith.addi %select_n3A_70, %add3A_356 : vector<16xi32>
      %select_n3A_358 = arith.select %lt3A_354, %add3A_357, %select_n3A_70 : vector<16xi1>, vector<16xi32>
      %broadcast_in_dim3A_359 = vector.shape_cast %select_n3A_358 : vector<16xi32> to vector<16x1xi32>
      %gather3A_360 = vector.shape_cast %broadcast_in_dim3A_359 : vector<16x1xi32> to vector<16xi32>
      %gather3A_361 = tpu.dynamic_gather %mul3A_351[%gather3A_360] in [0] : vector<16xf32>, vector<16xi32> -> vector<16xf32>
      %get3A_362 = arith.constant 1 : i32
      %get3A_363 = arith.index_cast %get3A_362 : i32 to index
      %get3A_364 = arith.constant 0 : index
      %get3A_365 = tpu.vector_load %arg6[%get3A_363, %get3A_364] {strides = array<i32>} : memref<50x1024xf32, #tpu.memory_space<vmem>>, vector<16xf32>,
      %get3A_366 = arith.constant 2 : i32
      %get3A_367 = arith.index_cast %get3A_366 : i32 to index
      %get3A_368 = arith.constant 0 : index
      %get3A_369 = tpu.vector_load %arg6[%get3A_367, %get3A_368] {strides = array<i32>} : memref<50x1024xf32, #tpu.memory_space<vmem>>, vector<16xf32>,
      %get3A_370 = arith.constant 3 : i32
      %get3A_371 = arith.index_cast %get3A_370 : i32 to index
      %get3A_372 = arith.constant 0 : index
      %get3A_373 = tpu.vector_load %arg6[%get3A_371, %get3A_372] {strides = array<i32>} : memref<50x1024xf32, #tpu.memory_space<vmem>>, vector<16xf32>,
      %get3A_374 = arith.constant 4 : i32
      %get3A_375 = arith.index_cast %get3A_374 : i32 to index
      %get3A_376 = arith.constant 0 : index
      %get3A_377 = tpu.vector_load %arg6[%get3A_375, %get3A_376] {strides = array<i32>} : memref<50x1024xf32, #tpu.memory_space<vmem>>, vector<16xf32>,
      %get3A_378 = arith.constant 5 : i32
      %get3A_379 = arith.index_cast %get3A_378 : i32 to index
      %get3A_380 = arith.constant 0 : index
      %get3A_381 = tpu.vector_load %arg6[%get3A_379, %get3A_380] {strides = array<i32>} : memref<50x1024xf32, #tpu.memory_space<vmem>>, vector<16xf32>,
      %get3A_382 = arith.constant 6 : i32
      %get3A_383 = arith.index_cast %get3A_382 : i32 to index
      %get3A_384 = arith.constant 0 : index
      %get3A_385 = tpu.vector_load %arg6[%get3A_383, %get3A_384] {strides = array<i32>} : memref<50x1024xf32, #tpu.memory_space<vmem>>, vector<16xf32>,
      %get3A_386 = arith.constant 7 : i32
      %get3A_387 = arith.index_cast %get3A_386 : i32 to index
      %get3A_388 = arith.constant 0 : index
      %get3A_389 = tpu.vector_load %arg6[%get3A_387, %get3A_388] {strides = array<i32>} : memref<50x1024xf32, #tpu.memory_space<vmem>>, vector<16xf32>,
      %get3A_390 = arith.constant 8 : i32
      %get3A_391 = arith.index_cast %get3A_390 : i32 to index
      %get3A_392 = arith.constant 0 : index
      %get3A_393 = tpu.vector_load %arg6[%get3A_391, %get3A_392] {strides = array<i32>} : memref<50x1024xf32, #tpu.memory_space<vmem>>, vector<16xf32>,
      %get3A_394 = arith.constant 9 : i32
      %get3A_395 = arith.index_cast %get3A_394 : i32 to index
      %get3A_396 = arith.constant 0 : index
      %get3A_397 = tpu.vector_load %arg6[%get3A_395, %get3A_396] {strides = array<i32>} : memref<50x1024xf32, #tpu.memory_space<vmem>>, vector<16xf32>,
      %get3A_398 = arith.constant 10 : i32
      %get3A_399 = arith.index_cast %get3A_398 : i32 to index
      %get3A_400 = arith.constant 0 : index
      %get3A_401 = tpu.vector_load %arg6[%get3A_399, %get3A_400] {strides = array<i32>} : memref<50x1024xf32, #tpu.memory_space<vmem>>, vector<16xf32>,
      %get3A_402 = arith.constant 11 : i32
      %get3A_403 = arith.index_cast %get3A_402 : i32 to index
      %get3A_404 = arith.constant 0 : index
      %get3A_405 = tpu.vector_load %arg6[%get3A_403, %get3A_404] {strides = array<i32>} : memref<50x1024xf32, #tpu.memory_space<vmem>>, vector<16xf32>,
      %get3A_406 = arith.constant 12 : i32
      %get3A_407 = arith.index_cast %get3A_406 : i32 to index
      %get3A_408 = arith.constant 0 : index
      %get3A_409 = tpu.vector_load %arg6[%get3A_407, %get3A_408] {strides = array<i32>} : memref<50x1024xf32, #tpu.memory_space<vmem>>, vector<16xf32>,
      %get3A_410 = arith.constant 13 : i32
      %get3A_411 = arith.index_cast %get3A_410 : i32 to index
      %get3A_412 = arith.constant 0 : index
      %get3A_413 = tpu.vector_load %arg6[%get3A_411, %get3A_412] {strides = array<i32>} : memref<50x1024xf32, #tpu.memory_space<vmem>>, vector<16xf32>,
      %broadcast_in_dim3A_414 = arith.constant 0 : i32
      %broadcast_in_dim3A_415 = vector.broadcast %broadcast_in_dim3A_414 : i32 to vector<16xi32>
      %gather3A_416 = tpu.vector_load_idx %arg6[%broadcast_in_dim3A_415, %select_n3A_45] : memref<50x1024xf32, #tpu.memory_space<vmem>>[vector<16xi32>, vector<16xi32>], vector<16xf32>,
      %mul3A_417 = arith.mulf %gather3A_416, %get3A_365 : vector<16xf32>
      %lt3A_418 = arith.constant 0 : i32
      %lt3A_419 = vector.broadcast %lt3A_418 : i32 to vector<16xi32>
      %lt3A_420 = arith.cmpi slt, %select_n3A_70, %lt3A_419 : vector<16xi32>
      %add3A_421 = arith.constant 16 : i32
      %add3A_422 = vector.broadcast %add3A_421 : i32 to vector<16xi32>
      %add3A_423 = arith.addi %select_n3A_70, %add3A_422 : vector<16xi32>
      %select_n3A_424 = arith.select %lt3A_420, %add3A_423, %select_n3A_70 : vector<16xi1>, vector<16xi32>
      %broadcast_in_dim3A_425 = vector.shape_cast %select_n3A_424 : vector<16xi32> to vector<16x1xi32>
      %gather3A_426 = vector.shape_cast %broadcast_in_dim3A_425 : vector<16x1xi32> to vector<16xi32>
      %gather3A_427 = tpu.dynamic_gather %mul3A_417[%gather3A_426] in [0] : vector<16xf32>, vector<16xi32> -> vector<16xf32>
      %eq3A_428 = arith.constant 0 : i32
      %eq3A_429 = vector.broadcast %eq3A_428 : i32 to vector<16xi32>
      %eq3A_430 = arith.cmpi eq, %iota3A, %eq3A_429 : vector<16xi32>
      %select_n3A_431 = arith.select %eq3A_430, %gather3A_152, %gather3A_427 : vector<16xi1>, vector<16xf32>
      %mul3A_432 = arith.mulf %select_n3A_431, %get3A_369 : vector<16xf32>
      %broadcast_in_dim3A_433 = arith.constant 1 : i32
      %broadcast_in_dim3A_434 = vector.broadcast %broadcast_in_dim3A_433 : i32 to vector<16xi32>
      %gather3A_435 = tpu.vector_load_idx %arg6[%broadcast_in_dim3A_434, %select_n3A_45] : memref<50x1024xf32, #tpu.memory_space<vmem>>[vector<16xi32>, vector<16xi32>], vector<16xf32>,
      %mul3A_436 = arith.mulf %gather3A_435, %get3A_369 : vector<16xf32>
      %lt3A_437 = arith.constant 0 : i32
      %lt3A_438 = vector.broadcast %lt3A_437 : i32 to vector<16xi32>
      %lt3A_439 = arith.cmpi slt, %select_n3A_70, %lt3A_438 : vector<16xi32>
      %add3A_440 = arith.constant 16 : i32
      %add3A_441 = vector.broadcast %add3A_440 : i32 to vector<16xi32>
      %add3A_442 = arith.addi %select_n3A_70, %add3A_441 : vector<16xi32>
      %select_n3A_443 = arith.select %lt3A_439, %add3A_442, %select_n3A_70 : vector<16xi1>, vector<16xi32>
      %broadcast_in_dim3A_444 = vector.shape_cast %select_n3A_443 : vector<16xi32> to vector<16x1xi32>
      %gather3A_445 = vector.shape_cast %broadcast_in_dim3A_444 : vector<16x1xi32> to vector<16xi32>
      %gather3A_446 = tpu.dynamic_gather %mul3A_436[%gather3A_445] in [0] : vector<16xf32>, vector<16xi32> -> vector<16xf32>
      %eq3A_447 = arith.constant 0 : i32
      %eq3A_448 = vector.broadcast %eq3A_447 : i32 to vector<16xi32>
      %eq3A_449 = arith.cmpi eq, %iota3A, %eq3A_448 : vector<16xi32>
      %select_n3A_450 = arith.select %eq3A_449, %gather3A_171, %gather3A_446 : vector<16xi1>, vector<16xf32>
      %mul3A_451 = arith.mulf %select_n3A_450, %get3A_373 : vector<16xf32>
      %broadcast_in_dim3A_452 = arith.constant 2 : i32
      %broadcast_in_dim3A_453 = vector.broadcast %broadcast_in_dim3A_452 : i32 to vector<16xi32>
      %gather3A_454 = tpu.vector_load_idx %arg6[%broadcast_in_dim3A_453, %select_n3A_45] : memref<50x1024xf32, #tpu.memory_space<vmem>>[vector<16xi32>, vector<16xi32>], vector<16xf32>,
      %mul3A_455 = arith.mulf %gather3A_454, %get3A_373 : vector<16xf32>
      %lt3A_456 = arith.constant 0 : i32
      %lt3A_457 = vector.broadcast %lt3A_456 : i32 to vector<16xi32>
      %lt3A_458 = arith.cmpi slt, %select_n3A_70, %lt3A_457 : vector<16xi32>
      %add3A_459 = arith.constant 16 : i32
      %add3A_460 = vector.broadcast %add3A_459 : i32 to vector<16xi32>
      %add3A_461 = arith.addi %select_n3A_70, %add3A_460 : vector<16xi32>
      %select_n3A_462 = arith.select %lt3A_458, %add3A_461, %select_n3A_70 : vector<16xi1>, vector<16xi32>
      %broadcast_in_dim3A_463 = vector.shape_cast %select_n3A_462 : vector<16xi32> to vector<16x1xi32>
      %gather3A_464 = vector.shape_cast %broadcast_in_dim3A_463 : vector<16x1xi32> to vector<16xi32>
      %gather3A_465 = tpu.dynamic_gather %mul3A_455[%gather3A_464] in [0] : vector<16xf32>, vector<16xi32> -> vector<16xf32>
      %eq3A_466 = arith.constant 0 : i32
      %eq3A_467 = vector.broadcast %eq3A_466 : i32 to vector<16xi32>
      %eq3A_468 = arith.cmpi eq, %iota3A, %eq3A_467 : vector<16xi32>
      %select_n3A_469 = arith.select %eq3A_468, %gather3A_190, %gather3A_465 : vector<16xi1>, vector<16xf32>
      %mul3A_470 = arith.mulf %select_n3A_469, %get3A_377 : vector<16xf32>
      %broadcast_in_dim3A_471 = arith.constant 3 : i32
      %broadcast_in_dim3A_472 = vector.broadcast %broadcast_in_dim3A_471 : i32 to vector<16xi32>
      %gather3A_473 = tpu.vector_load_idx %arg6[%broadcast_in_dim3A_472, %select_n3A_45] : memref<50x1024xf32, #tpu.memory_space<vmem>>[vector<16xi32>, vector<16xi32>], vector<16xf32>,
      %mul3A_474 = arith.mulf %gather3A_473, %get3A_377 : vector<16xf32>
      %lt3A_475 = arith.constant 0 : i32
      %lt3A_476 = vector.broadcast %lt3A_475 : i32 to vector<16xi32>
      %lt3A_477 = arith.cmpi slt, %select_n3A_70, %lt3A_476 : vector<16xi32>
      %add3A_478 = arith.constant 16 : i32
      %add3A_479 = vector.broadcast %add3A_478 : i32 to vector<16xi32>
      %add3A_480 = arith.addi %select_n3A_70, %add3A_479 : vector<16xi32>
      %select_n3A_481 = arith.select %lt3A_477, %add3A_480, %select_n3A_70 : vector<16xi1>, vector<16xi32>
      %broadcast_in_dim3A_482 = vector.shape_cast %select_n3A_481 : vector<16xi32> to vector<16x1xi32>
      %gather3A_483 = vector.shape_cast %broadcast_in_dim3A_482 : vector<16x1xi32> to vector<16xi32>
      %gather3A_484 = tpu.dynamic_gather %mul3A_474[%gather3A_483] in [0] : vector<16xf32>, vector<16xi32> -> vector<16xf32>
      %eq3A_485 = arith.constant 0 : i32
      %eq3A_486 = vector.broadcast %eq3A_485 : i32 to vector<16xi32>
      %eq3A_487 = arith.cmpi eq, %iota3A, %eq3A_486 : vector<16xi32>
      %select_n3A_488 = arith.select %eq3A_487, %gather3A_209, %gather3A_484 : vector<16xi1>, vector<16xf32>
      %mul3A_489 = arith.mulf %select_n3A_488, %get3A_381 : vector<16xf32>
      %add3A_490 = arith.addf %mul3A_432, %mul3A_489 : vector<16xf32>
      %broadcast_in_dim3A_491 = arith.constant 4 : i32
      %broadcast_in_dim3A_492 = vector.broadcast %broadcast_in_dim3A_491 : i32 to vector<16xi32>
      %gather3A_493 = tpu.vector_load_idx %arg6[%broadcast_in_dim3A_492, %select_n3A_45] : memref<50x1024xf32, #tpu.memory_space<vmem>>[vector<16xi32>, vector<16xi32>], vector<16xf32>,
      %mul3A_494 = arith.mulf %gather3A_493, %get3A_381 : vector<16xf32>
      %lt3A_495 = arith.constant 0 : i32
      %lt3A_496 = vector.broadcast %lt3A_495 : i32 to vector<16xi32>
      %lt3A_497 = arith.cmpi slt, %select_n3A_70, %lt3A_496 : vector<16xi32>
      %add3A_498 = arith.constant 16 : i32
      %add3A_499 = vector.broadcast %add3A_498 : i32 to vector<16xi32>
      %add3A_500 = arith.addi %select_n3A_70, %add3A_499 : vector<16xi32>
      %select_n3A_501 = arith.select %lt3A_497, %add3A_500, %select_n3A_70 : vector<16xi1>, vector<16xi32>
      %broadcast_in_dim3A_502 = vector.shape_cast %select_n3A_501 : vector<16xi32> to vector<16x1xi32>
      %gather3A_503 = vector.shape_cast %broadcast_in_dim3A_502 : vector<16x1xi32> to vector<16xi32>
      %gather3A_504 = tpu.dynamic_gather %mul3A_494[%gather3A_503] in [0] : vector<16xf32>, vector<16xi32> -> vector<16xf32>
      %eq3A_505 = arith.constant 0 : i32
      %eq3A_506 = vector.broadcast %eq3A_505 : i32 to vector<16xi32>
      %eq3A_507 = arith.cmpi eq, %iota3A, %eq3A_506 : vector<16xi32>
      %select_n3A_508 = arith.select %eq3A_507, %gather3A_228, %gather3A_504 : vector<16xi1>, vector<16xf32>
      %mul3A_509 = arith.mulf %select_n3A_508, %get3A_385 : vector<16xf32>
      %add3A_510 = arith.addf %mul3A_451, %mul3A_509 : vector<16xf32>
      %broadcast_in_dim3A_511 = arith.constant 5 : i32
      %broadcast_in_dim3A_512 = vector.broadcast %broadcast_in_dim3A_511 : i32 to vector<16xi32>
      %gather3A_513 = tpu.vector_load_idx %arg6[%broadcast_in_dim3A_512, %select_n3A_45] : memref<50x1024xf32, #tpu.memory_space<vmem>>[vector<16xi32>, vector<16xi32>], vector<16xf32>,
      %mul3A_514 = arith.mulf %gather3A_513, %get3A_385 : vector<16xf32>
      %lt3A_515 = arith.constant 0 : i32
      %lt3A_516 = vector.broadcast %lt3A_515 : i32 to vector<16xi32>
      %lt3A_517 = arith.cmpi slt, %select_n3A_70, %lt3A_516 : vector<16xi32>
      %add3A_518 = arith.constant 16 : i32
      %add3A_519 = vector.broadcast %add3A_518 : i32 to vector<16xi32>
      %add3A_520 = arith.addi %select_n3A_70, %add3A_519 : vector<16xi32>
      %select_n3A_521 = arith.select %lt3A_517, %add3A_520, %select_n3A_70 : vector<16xi1>, vector<16xi32>
      %broadcast_in_dim3A_522 = vector.shape_cast %select_n3A_521 : vector<16xi32> to vector<16x1xi32>
      %gather3A_523 = vector.shape_cast %broadcast_in_dim3A_522 : vector<16x1xi32> to vector<16xi32>
      %gather3A_524 = tpu.dynamic_gather %mul3A_514[%gather3A_523] in [0] : vector<16xf32>, vector<16xi32> -> vector<16xf32>
      %eq3A_525 = arith.constant 0 : i32
      %eq3A_526 = vector.broadcast %eq3A_525 : i32 to vector<16xi32>
      %eq3A_527 = arith.cmpi eq, %iota3A, %eq3A_526 : vector<16xi32>
      %select_n3A_528 = arith.select %eq3A_527, %gather3A_247, %gather3A_524 : vector<16xi1>, vector<16xf32>
      %mul3A_529 = arith.mulf %select_n3A_528, %get3A_389 : vector<16xf32>
      %add3A_530 = arith.addf %mul3A_470, %mul3A_529 : vector<16xf32>
      %broadcast_in_dim3A_531 = arith.constant 6 : i32
      %broadcast_in_dim3A_532 = vector.broadcast %broadcast_in_dim3A_531 : i32 to vector<16xi32>
      %gather3A_533 = tpu.vector_load_idx %arg6[%broadcast_in_dim3A_532, %select_n3A_45] : memref<50x1024xf32, #tpu.memory_space<vmem>>[vector<16xi32>, vector<16xi32>], vector<16xf32>,
      %mul3A_534 = arith.mulf %gather3A_533, %get3A_389 : vector<16xf32>
      %lt3A_535 = arith.constant 0 : i32
      %lt3A_536 = vector.broadcast %lt3A_535 : i32 to vector<16xi32>
      %lt3A_537 = arith.cmpi slt, %select_n3A_70, %lt3A_536 : vector<16xi32>
      %add3A_538 = arith.constant 16 : i32
      %add3A_539 = vector.broadcast %add3A_538 : i32 to vector<16xi32>
      %add3A_540 = arith.addi %select_n3A_70, %add3A_539 : vector<16xi32>
      %select_n3A_541 = arith.select %lt3A_537, %add3A_540, %select_n3A_70 : vector<16xi1>, vector<16xi32>
      %broadcast_in_dim3A_542 = vector.shape_cast %select_n3A_541 : vector<16xi32> to vector<16x1xi32>
      %gather3A_543 = vector.shape_cast %broadcast_in_dim3A_542 : vector<16x1xi32> to vector<16xi32>
      %gather3A_544 = tpu.dynamic_gather %mul3A_534[%gather3A_543] in [0] : vector<16xf32>, vector<16xi32> -> vector<16xf32>
      %eq3A_545 = arith.constant 0 : i32
      %eq3A_546 = vector.broadcast %eq3A_545 : i32 to vector<16xi32>
      %eq3A_547 = arith.cmpi eq, %iota3A, %eq3A_546 : vector<16xi32>
      %select_n3A_548 = arith.select %eq3A_547, %gather3A_266, %gather3A_544 : vector<16xi1>, vector<16xf32>
      %mul3A_549 = arith.mulf %select_n3A_548, %get3A_393 : vector<16xf32>
      %add3A_550 = arith.addf %add3A_490, %mul3A_549 : vector<16xf32>
      %broadcast_in_dim3A_551 = arith.constant 7 : i32
      %broadcast_in_dim3A_552 = vector.broadcast %broadcast_in_dim3A_551 : i32 to vector<16xi32>
      %gather3A_553 = tpu.vector_load_idx %arg6[%broadcast_in_dim3A_552, %select_n3A_45] : memref<50x1024xf32, #tpu.memory_space<vmem>>[vector<16xi32>, vector<16xi32>], vector<16xf32>,
      %mul3A_554 = arith.mulf %gather3A_553, %get3A_393 : vector<16xf32>
      %lt3A_555 = arith.constant 0 : i32
      %lt3A_556 = vector.broadcast %lt3A_555 : i32 to vector<16xi32>
      %lt3A_557 = arith.cmpi slt, %select_n3A_70, %lt3A_556 : vector<16xi32>
      %add3A_558 = arith.constant 16 : i32
      %add3A_559 = vector.broadcast %add3A_558 : i32 to vector<16xi32>
      %add3A_560 = arith.addi %select_n3A_70, %add3A_559 : vector<16xi32>
      %select_n3A_561 = arith.select %lt3A_557, %add3A_560, %select_n3A_70 : vector<16xi1>, vector<16xi32>
      %broadcast_in_dim3A_562 = vector.shape_cast %select_n3A_561 : vector<16xi32> to vector<16x1xi32>
      %gather3A_563 = vector.shape_cast %broadcast_in_dim3A_562 : vector<16x1xi32> to vector<16xi32>
      %gather3A_564 = tpu.dynamic_gather %mul3A_554[%gather3A_563] in [0] : vector<16xf32>, vector<16xi32> -> vector<16xf32>
      %eq3A_565 = arith.constant 0 : i32
      %eq3A_566 = vector.broadcast %eq3A_565 : i32 to vector<16xi32>
      %eq3A_567 = arith.cmpi eq, %iota3A, %eq3A_566 : vector<16xi32>
      %select_n3A_568 = arith.select %eq3A_567, %gather3A_285, %gather3A_564 : vector<16xi1>, vector<16xf32>
      %mul3A_569 = arith.mulf %select_n3A_568, %get3A_397 : vector<16xf32>
      %add3A_570 = arith.addf %add3A_510, %mul3A_569 : vector<16xf32>
      %broadcast_in_dim3A_571 = arith.constant 8 : i32
      %broadcast_in_dim3A_572 = vector.broadcast %broadcast_in_dim3A_571 : i32 to vector<16xi32>
      %gather3A_573 = tpu.vector_load_idx %arg6[%broadcast_in_dim3A_572, %select_n3A_45] : memref<50x1024xf32, #tpu.memory_space<vmem>>[vector<16xi32>, vector<16xi32>], vector<16xf32>,
      %mul3A_574 = arith.mulf %gather3A_573, %get3A_397 : vector<16xf32>
      %lt3A_575 = arith.constant 0 : i32
      %lt3A_576 = vector.broadcast %lt3A_575 : i32 to vector<16xi32>
      %lt3A_577 = arith.cmpi slt, %select_n3A_70, %lt3A_576 : vector<16xi32>
      %add3A_578 = arith.constant 16 : i32
      %add3A_579 = vector.broadcast %add3A_578 : i32 to vector<16xi32>
      %add3A_580 = arith.addi %select_n3A_70, %add3A_579 : vector<16xi32>
      %select_n3A_581 = arith.select %lt3A_577, %add3A_580, %select_n3A_70 : vector<16xi1>, vector<16xi32>
      %broadcast_in_dim3A_582 = vector.shape_cast %select_n3A_581 : vector<16xi32> to vector<16x1xi32>
      %gather3A_583 = vector.shape_cast %broadcast_in_dim3A_582 : vector<16x1xi32> to vector<16xi32>
      %gather3A_584 = tpu.dynamic_gather %mul3A_574[%gather3A_583] in [0] : vector<16xf32>, vector<16xi32> -> vector<16xf32>
      %eq3A_585 = arith.constant 0 : i32
      %eq3A_586 = vector.broadcast %eq3A_585 : i32 to vector<16xi32>
      %eq3A_587 = arith.cmpi eq, %iota3A, %eq3A_586 : vector<16xi32>
      %select_n3A_588 = arith.select %eq3A_587, %gather3A_304, %gather3A_584 : vector<16xi1>, vector<16xf32>
      %mul3A_589 = arith.mulf %select_n3A_588, %get3A_401 : vector<16xf32>
      %add3A_590 = arith.addf %add3A_530, %mul3A_589 : vector<16xf32>
      %broadcast_in_dim3A_591 = arith.constant 9 : i32
      %broadcast_in_dim3A_592 = vector.broadcast %broadcast_in_dim3A_591 : i32 to vector<16xi32>
      %gather3A_593 = tpu.vector_load_idx %arg6[%broadcast_in_dim3A_592, %select_n3A_45] : memref<50x1024xf32, #tpu.memory_space<vmem>>[vector<16xi32>, vector<16xi32>], vector<16xf32>,
      %mul3A_594 = arith.mulf %gather3A_593, %get3A_401 : vector<16xf32>
      %lt3A_595 = arith.constant 0 : i32
      %lt3A_596 = vector.broadcast %lt3A_595 : i32 to vector<16xi32>
      %lt3A_597 = arith.cmpi slt, %select_n3A_70, %lt3A_596 : vector<16xi32>
      %add3A_598 = arith.constant 16 : i32
      %add3A_599 = vector.broadcast %add3A_598 : i32 to vector<16xi32>
      %add3A_600 = arith.addi %select_n3A_70, %add3A_599 : vector<16xi32>
      %select_n3A_601 = arith.select %lt3A_597, %add3A_600, %select_n3A_70 : vector<16xi1>, vector<16xi32>
      %broadcast_in_dim3A_602 = vector.shape_cast %select_n3A_601 : vector<16xi32> to vector<16x1xi32>
      %gather3A_603 = vector.shape_cast %broadcast_in_dim3A_602 : vector<16x1xi32> to vector<16xi32>
      %gather3A_604 = tpu.dynamic_gather %mul3A_594[%gather3A_603] in [0] : vector<16xf32>, vector<16xi32> -> vector<16xf32>
      %eq3A_605 = arith.constant 0 : i32
      %eq3A_606 = vector.broadcast %eq3A_605 : i32 to vector<16xi32>
      %eq3A_607 = arith.cmpi eq, %iota3A, %eq3A_606 : vector<16xi32>
      %select_n3A_608 = arith.select %eq3A_607, %gather3A_323, %gather3A_604 : vector<16xi1>, vector<16xf32>
      %mul3A_609 = arith.mulf %select_n3A_608, %get3A_405 : vector<16xf32>
      %add3A_610 = arith.addf %add3A_550, %mul3A_609 : vector<16xf32>
      %broadcast_in_dim3A_611 = arith.constant 10 : i32
      %broadcast_in_dim3A_612 = vector.broadcast %broadcast_in_dim3A_611 : i32 to vector<16xi32>
      %gather3A_613 = tpu.vector_load_idx %arg6[%broadcast_in_dim3A_612, %select_n3A_45] : memref<50x1024xf32, #tpu.memory_space<vmem>>[vector<16xi32>, vector<16xi32>], vector<16xf32>,
      %mul3A_614 = arith.mulf %gather3A_613, %get3A_405 : vector<16xf32>
      %lt3A_615 = arith.constant 0 : i32
      %lt3A_616 = vector.broadcast %lt3A_615 : i32 to vector<16xi32>
      %lt3A_617 = arith.cmpi slt, %select_n3A_70, %lt3A_616 : vector<16xi32>
      %add3A_618 = arith.constant 16 : i32
      %add3A_619 = vector.broadcast %add3A_618 : i32 to vector<16xi32>
      %add3A_620 = arith.addi %select_n3A_70, %add3A_619 : vector<16xi32>
      %select_n3A_621 = arith.select %lt3A_617, %add3A_620, %select_n3A_70 : vector<16xi1>, vector<16xi32>
      %broadcast_in_dim3A_622 = vector.shape_cast %select_n3A_621 : vector<16xi32> to vector<16x1xi32>
      %gather3A_623 = vector.shape_cast %broadcast_in_dim3A_622 : vector<16x1xi32> to vector<16xi32>
      %gather3A_624 = tpu.dynamic_gather %mul3A_614[%gather3A_623] in [0] : vector<16xf32>, vector<16xi32> -> vector<16xf32>
      %eq3A_625 = arith.constant 0 : i32
      %eq3A_626 = vector.broadcast %eq3A_625 : i32 to vector<16xi32>
      %eq3A_627 = arith.cmpi eq, %iota3A, %eq3A_626 : vector<16xi32>
      %select_n3A_628 = arith.select %eq3A_627, %gather3A_342, %gather3A_624 : vector<16xi1>, vector<16xf32>
      %mul3A_629 = arith.mulf %select_n3A_628, %get3A_409 : vector<16xf32>
      %add3A_630 = arith.addf %add3A_570, %mul3A_629 : vector<16xf32>
      %broadcast_in_dim3A_631 = arith.constant 11 : i32
      %broadcast_in_dim3A_632 = vector.broadcast %broadcast_in_dim3A_631 : i32 to vector<16xi32>
      %gather3A_633 = tpu.vector_load_idx %arg6[%broadcast_in_dim3A_632, %select_n3A_45] : memref<50x1024xf32, #tpu.memory_space<vmem>>[vector<16xi32>, vector<16xi32>], vector<16xf32>,
      %mul3A_634 = arith.mulf %gather3A_633, %get3A_409 : vector<16xf32>
      %lt3A_635 = arith.constant 0 : i32
      %lt3A_636 = vector.broadcast %lt3A_635 : i32 to vector<16xi32>
      %lt3A_637 = arith.cmpi slt, %select_n3A_70, %lt3A_636 : vector<16xi32>
      %add3A_638 = arith.constant 16 : i32
      %add3A_639 = vector.broadcast %add3A_638 : i32 to vector<16xi32>
      %add3A_640 = arith.addi %select_n3A_70, %add3A_639 : vector<16xi32>
      %select_n3A_641 = arith.select %lt3A_637, %add3A_640, %select_n3A_70 : vector<16xi1>, vector<16xi32>
      %broadcast_in_dim3A_642 = vector.shape_cast %select_n3A_641 : vector<16xi32> to vector<16x1xi32>
      %gather3A_643 = vector.shape_cast %broadcast_in_dim3A_642 : vector<16x1xi32> to vector<16xi32>
      %gather3A_644 = tpu.dynamic_gather %mul3A_634[%gather3A_643] in [0] : vector<16xf32>, vector<16xi32> -> vector<16xf32>
      %eq3A_645 = arith.constant 0 : i32
      %eq3A_646 = vector.broadcast %eq3A_645 : i32 to vector<16xi32>
      %eq3A_647 = arith.cmpi eq, %iota3A, %eq3A_646 : vector<16xi32>
      %select_n3A_648 = arith.select %eq3A_647, %gather3A_361, %gather3A_644 : vector<16xi1>, vector<16xf32>
      %mul3A_649 = arith.mulf %select_n3A_648, %get3A_413 : vector<16xf32>
      %add3A_650 = arith.addf %add3A_590, %mul3A_649 : vector<16xf32>
      %add3A_651 = arith.addf %add3A_610, %add3A_630 : vector<16xf32>
      %add3A_652 = arith.addf %add3A_651, %add3A_650 : vector<16xf32>
      %swap3A = arith.constant 0 : index
      %swap3A_653 = tpu.vector_load %arg9[%swap3A] {strides = array<i32>} : memref<1024xf32, #tpu.memory_space<vmem>>, vector<16xf32>,
      tpu.vector_store %arg9[%swap3A], %add3A_652 {strides = array<i32>} : memref<1024xf32, #tpu.memory_space<vmem>>, vector<16xf32>,
      %get3A_654 = arith.constant 12 : i32
      %get3A_655 = arith.index_cast %get3A_654 : i32 to index
      %get3A_656 = arith.constant 1007 : index
      %get3A_657 = tpu.vector_load %arg6[%get3A_655, %get3A_656] {strides = array<i32>} : memref<50x1024xf32, #tpu.memory_space<vmem>>, vector<16xf32>,
      %get3A_658 = arith.constant 13 : i32
      %get3A_659 = arith.index_cast %get3A_658 : i32 to index
      %get3A_660 = arith.constant 1008 : index
      %get3A_661 = tpu.vector_load %arg6[%get3A_659, %get3A_660] {strides = array<i32>} : memref<50x1024xf32, #tpu.memory_space<vmem>>, vector<16xf32>,
      %mul3A_662 = arith.mulf %get3A_657, %get3A_661 : vector<16xf32>
      %lt3A_663 = arith.constant 0 : i32
      %lt3A_664 = vector.broadcast %lt3A_663 : i32 to vector<16xi32>
      %lt3A_665 = arith.cmpi slt, %select_n3A_70, %lt3A_664 : vector<16xi32>
      %add3A_666 = arith.constant 16 : i32
      %add3A_667 = vector.broadcast %add3A_666 : i32 to vector<16xi32>
      %add3A_668 = arith.addi %select_n3A_70, %add3A_667 : vector<16xi32>
      %select_n3A_669 = arith.select %lt3A_665, %add3A_668, %select_n3A_70 : vector<16xi1>, vector<16xi32>
      %broadcast_in_dim3A_670 = vector.shape_cast %select_n3A_669 : vector<16xi32> to vector<16x1xi32>
      %gather3A_671 = vector.shape_cast %broadcast_in_dim3A_670 : vector<16x1xi32> to vector<16xi32>
      %gather3A_672 = tpu.dynamic_gather %mul3A_662[%gather3A_671] in [0] : vector<16xf32>, vector<16xi32> -> vector<16xf32>
      %get3A_673 = arith.constant 13 : i32
      %get3A_674 = arith.index_cast %get3A_673 : i32 to index
      %get3A_675 = arith.constant 1007 : index
      %get3A_676 = tpu.vector_load %arg6[%get3A_674, %get3A_675] {strides = array<i32>} : memref<50x1024xf32, #tpu.memory_space<vmem>>, vector<16xf32>,
      %get3A_677 = arith.constant 14 : i32
      %get3A_678 = arith.index_cast %get3A_677 : i32 to index
      %get3A_679 = arith.constant 1008 : index
      %get3A_680 = tpu.vector_load %arg6[%get3A_678, %get3A_679] {strides = array<i32>} : memref<50x1024xf32, #tpu.memory_space<vmem>>, vector<16xf32>,
      %mul3A_681 = arith.mulf %get3A_676, %get3A_680 : vector<16xf32>
      %lt3A_682 = arith.constant 0 : i32
      %lt3A_683 = vector.broadcast %lt3A_682 : i32 to vector<16xi32>
      %lt3A_684 = arith.cmpi slt, %select_n3A_70, %lt3A_683 : vector<16xi32>
      %add3A_685 = arith.constant 16 : i32
      %add3A_686 = vector.broadcast %add3A_685 : i32 to vector<16xi32>
      %add3A_687 = arith.addi %select_n3A_70, %add3A_686 : vector<16xi32>
      %select_n3A_688 = arith.select %lt3A_684, %add3A_687, %select_n3A_70 : vector<16xi1>, vector<16xi32>
      %broadcast_in_dim3A_689 = vector.shape_cast %select_n3A_688 : vector<16xi32> to vector<16x1xi32>
      %gather3A_690 = vector.shape_cast %broadcast_in_dim3A_689 : vector<16x1xi32> to vector<16xi32>
      %gather3A_691 = tpu.dynamic_gather %mul3A_681[%gather3A_690] in [0] : vector<16xf32>, vector<16xi32> -> vector<16xf32>
      %get3A_692 = arith.constant 14 : i32
      %get3A_693 = arith.index_cast %get3A_692 : i32 to index
      %get3A_694 = arith.constant 1007 : index
      %get3A_695 = tpu.vector_load %arg6[%get3A_693, %get3A_694] {strides = array<i32>} : memref<50x1024xf32, #tpu.memory_space<vmem>>, vector<16xf32>,
      %get3A_696 = arith.constant 15 : i32
      %get3A_697 = arith.index_cast %get3A_696 : i32 to index
      %get3A_698 = arith.constant 1008 : index
      %get3A_699 = tpu.vector_load %arg6[%get3A_697, %get3A_698] {strides = array<i32>} : memref<50x1024xf32, #tpu.memory_space<vmem>>, vector<16xf32>,
      %mul3A_700 = arith.mulf %get3A_695, %get3A_699 : vector<16xf32>
      %lt3A_701 = arith.constant 0 : i32
      %lt3A_702 = vector.broadcast %lt3A_701 : i32 to vector<16xi32>
      %lt3A_703 = arith.cmpi slt, %select_n3A_70, %lt3A_702 : vector<16xi32>
      %add3A_704 = arith.constant 16 : i32
      %add3A_705 = vector.broadcast %add3A_704 : i32 to vector<16xi32>
      %add3A_706 = arith.addi %select_n3A_70, %add3A_705 : vector<16xi32>
      %select_n3A_707 = arith.select %lt3A_703, %add3A_706, %select_n3A_70 : vector<16xi1>, vector<16xi32>
      %broadcast_in_dim3A_708 = vector.shape_cast %select_n3A_707 : vector<16xi32> to vector<16x1xi32>
      %gather3A_709 = vector.shape_cast %broadcast_in_dim3A_708 : vector<16x1xi32> to vector<16xi32>
      %gather3A_710 = tpu.dynamic_gather %mul3A_700[%gather3A_709] in [0] : vector<16xf32>, vector<16xi32> -> vector<16xf32>
      %get3A_711 = arith.constant 15 : i32
      %get3A_712 = arith.index_cast %get3A_711 : i32 to index
      %get3A_713 = arith.constant 1007 : index
      %get3A_714 = tpu.vector_load %arg6[%get3A_712, %get3A_713] {strides = array<i32>} : memref<50x1024xf32, #tpu.memory_space<vmem>>, vector<16xf32>,
      %get3A_715 = arith.constant 16 : i32
      %get3A_716 = arith.index_cast %get3A_715 : i32 to index
      %get3A_717 = arith.constant 1008 : index
      %get3A_718 = tpu.vector_load %arg6[%get3A_716, %get3A_717] {strides = array<i32>} : memref<50x1024xf32, #tpu.memory_space<vmem>>, vector<16xf32>,
      %mul3A_719 = arith.mulf %get3A_714, %get3A_718 : vector<16xf32>
      %lt3A_720 = arith.constant 0 : i32
      %lt3A_721 = vector.broadcast %lt3A_720 : i32 to vector<16xi32>
      %lt3A_722 = arith.cmpi slt, %select_n3A_70, %lt3A_721 : vector<16xi32>
      %add3A_723 = arith.constant 16 : i32
      %add3A_724 = vector.broadcast %add3A_723 : i32 to vector<16xi32>
      %add3A_725 = arith.addi %select_n3A_70, %add3A_724 : vector<16xi32>
      %select_n3A_726 = arith.select %lt3A_722, %add3A_725, %select_n3A_70 : vector<16xi1>, vector<16xi32>
      %broadcast_in_dim3A_727 = vector.shape_cast %select_n3A_726 : vector<16xi32> to vector<16x1xi32>
      %gather3A_728 = vector.shape_cast %broadcast_in_dim3A_727 : vector<16x1xi32> to vector<16xi32>
      %gather3A_729 = tpu.dynamic_gather %mul3A_719[%gather3A_728] in [0] : vector<16xf32>, vector<16xi32> -> vector<16xf32>
      %get3A_730 = arith.constant 16 : i32
      %get3A_731 = arith.index_cast %get3A_730 : i32 to index
      %get3A_732 = arith.constant 1007 : index
      %get3A_733 = tpu.vector_load %arg6[%get3A_731, %get3A_732] {strides = array<i32>} : memref<50x1024xf32, #tpu.memory_space<vmem>>, vector<16xf32>,
      %get3A_734 = arith.constant 17 : i32
      %get3A_735 = arith.index_cast %get3A_734 : i32 to index
      %get3A_736 = arith.constant 1008 : index
      %get3A_737 = tpu.vector_load %arg6[%get3A_735, %get3A_736] {strides = array<i32>} : memref<50x1024xf32, #tpu.memory_space<vmem>>, vector<16xf32>,
      %mul3A_738 = arith.mulf %get3A_733, %get3A_737 : vector<16xf32>
      %lt3A_739 = arith.constant 0 : i32
      %lt3A_740 = vector.broadcast %lt3A_739 : i32 to vector<16xi32>
      %lt3A_741 = arith.cmpi slt, %select_n3A_70, %lt3A_740 : vector<16xi32>
      %add3A_742 = arith.constant 16 : i32
      %add3A_743 = vector.broadcast %add3A_742 : i32 to vector<16xi32>
      %add3A_744 = arith.addi %select_n3A_70, %add3A_743 : vector<16xi32>
      %select_n3A_745 = arith.select %lt3A_741, %add3A_744, %select_n3A_70 : vector<16xi1>, vector<16xi32>
      %broadcast_in_dim3A_746 = vector.shape_cast %select_n3A_745 : vector<16xi32> to vector<16x1xi32>
      %gather3A_747 = vector.shape_cast %broadcast_in_dim3A_746 : vector<16x1xi32> to vector<16xi32>
      %gather3A_748 = tpu.dynamic_gather %mul3A_738[%gather3A_747] in [0] : vector<16xf32>, vector<16xi32> -> vector<16xf32>
      %get3A_749 = arith.constant 17 : i32
      %get3A_750 = arith.index_cast %get3A_749 : i32 to index
      %get3A_751 = arith.constant 1007 : index
      %get3A_752 = tpu.vector_load %arg6[%get3A_750, %get3A_751] {strides = array<i32>} : memref<50x1024xf32, #tpu.memory_space<vmem>>, vector<16xf32>,
      %get3A_753 = arith.constant 18 : i32
      %get3A_754 = arith.index_cast %get3A_753 : i32 to index
      %get3A_755 = arith.constant 1008 : index
      %get3A_756 = tpu.vector_load %arg6[%get3A_754, %get3A_755] {strides = array<i32>} : memref<50x1024xf32, #tpu.memory_space<vmem>>, vector<16xf32>,
      %mul3A_757 = arith.mulf %get3A_752, %get3A_756 : vector<16xf32>
      %lt3A_758 = arith.constant 0 : i32
      %lt3A_759 = vector.broadcast %lt3A_758 : i32 to vector<16xi32>
      %lt3A_760 = arith.cmpi slt, %select_n3A_70, %lt3A_759 : vector<16xi32>
      %add3A_761 = arith.constant 16 : i32
      %add3A_762 = vector.broadcast %add3A_761 : i32 to vector<16xi32>
      %add3A_763 = arith.addi %select_n3A_70, %add3A_762 : vector<16xi32>
      %select_n3A_764 = arith.select %lt3A_760, %add3A_763, %select_n3A_70 : vector<16xi1>, vector<16xi32>
      %broadcast_in_dim3A_765 = vector.shape_cast %select_n3A_764 : vector<16xi32> to vector<16x1xi32>
      %gather3A_766 = vector.shape_cast %broadcast_in_dim3A_765 : vector<16x1xi32> to vector<16xi32>
      %gather3A_767 = tpu.dynamic_gather %mul3A_757[%gather3A_766] in [0] : vector<16xf32>, vector<16xi32> -> vector<16xf32>
      %get3A_768 = arith.constant 18 : i32
      %get3A_769 = arith.index_cast %get3A_768 : i32 to index
      %get3A_770 = arith.constant 1007 : index
      %get3A_771 = tpu.vector_load %arg6[%get3A_769, %get3A_770] {strides = array<i32>} : memref<50x1024xf32, #tpu.memory_space<vmem>>, vector<16xf32>,
      %get3A_772 = arith.constant 19 : i32
      %get3A_773 = arith.index_cast %get3A_772 : i32 to index
      %get3A_774 = arith.constant 1008 : index
      %get3A_775 = tpu.vector_load %arg6[%get3A_773, %get3A_774] {strides = array<i32>} : memref<50x1024xf32, #tpu.memory_space<vmem>>, vector<16xf32>,
      %mul3A_776 = arith.mulf %get3A_771, %get3A_775 : vector<16xf32>
      %lt3A_777 = arith.constant 0 : i32
      %lt3A_778 = vector.broadcast %lt3A_777 : i32 to vector<16xi32>
      %lt3A_779 = arith.cmpi slt, %select_n3A_70, %lt3A_778 : vector<16xi32>
      %add3A_780 = arith.constant 16 : i32
      %add3A_781 = vector.broadcast %add3A_780 : i32 to vector<16xi32>
      %add3A_782 = arith.addi %select_n3A_70, %add3A_781 : vector<16xi32>
      %select_n3A_783 = arith.select %lt3A_779, %add3A_782, %select_n3A_70 : vector<16xi1>, vector<16xi32>
      %broadcast_in_dim3A_784 = vector.shape_cast %select_n3A_783 : vector<16xi32> to vector<16x1xi32>
      %gather3A_785 = vector.shape_cast %broadcast_in_dim3A_784 : vector<16x1xi32> to vector<16xi32>
      %gather3A_786 = tpu.dynamic_gather %mul3A_776[%gather3A_785] in [0] : vector<16xf32>, vector<16xi32> -> vector<16xf32>
      %get3A_787 = arith.constant 19 : i32
      %get3A_788 = arith.index_cast %get3A_787 : i32 to index
      %get3A_789 = arith.constant 1007 : index
      %get3A_790 = tpu.vector_load %arg6[%get3A_788, %get3A_789] {strides = array<i32>} : memref<50x1024xf32, #tpu.memory_space<vmem>>, vector<16xf32>,
      %get3A_791 = arith.constant 20 : i32
      %get3A_792 = arith.index_cast %get3A_791 : i32 to index
      %get3A_793 = arith.constant 1008 : index
      %get3A_794 = tpu.vector_load %arg6[%get3A_792, %get3A_793] {strides = array<i32>} : memref<50x1024xf32, #tpu.memory_space<vmem>>, vector<16xf32>,
      %mul3A_795 = arith.mulf %get3A_790, %get3A_794 : vector<16xf32>
      %lt3A_796 = arith.constant 0 : i32
      %lt3A_797 = vector.broadcast %lt3A_796 : i32 to vector<16xi32>
      %lt3A_798 = arith.cmpi slt, %select_n3A_70, %lt3A_797 : vector<16xi32>
      %add3A_799 = arith.constant 16 : i32
      %add3A_800 = vector.broadcast %add3A_799 : i32 to vector<16xi32>
      %add3A_801 = arith.addi %select_n3A_70, %add3A_800 : vector<16xi32>
      %select_n3A_802 = arith.select %lt3A_798, %add3A_801, %select_n3A_70 : vector<16xi1>, vector<16xi32>
      %broadcast_in_dim3A_803 = vector.shape_cast %select_n3A_802 : vector<16xi32> to vector<16x1xi32>
      %gather3A_804 = vector.shape_cast %broadcast_in_dim3A_803 : vector<16x1xi32> to vector<16xi32>
      %gather3A_805 = tpu.dynamic_gather %mul3A_795[%gather3A_804] in [0] : vector<16xf32>, vector<16xi32> -> vector<16xf32>
      %get3A_806 = arith.constant 20 : i32
      %get3A_807 = arith.index_cast %get3A_806 : i32 to index
      %get3A_808 = arith.constant 1007 : index
      %get3A_809 = tpu.vector_load %arg6[%get3A_807, %get3A_808] {strides = array<i32>} : memref<50x1024xf32, #tpu.memory_space<vmem>>, vector<16xf32>,
      %get3A_810 = arith.constant 21 : i32
      %get3A_811 = arith.index_cast %get3A_810 : i32 to index
      %get3A_812 = arith.constant 1008 : index
      %get3A_813 = tpu.vector_load %arg6[%get3A_811, %get3A_812] {strides = array<i32>} : memref<50x1024xf32, #tpu.memory_space<vmem>>, vector<16xf32>,
      %mul3A_814 = arith.mulf %get3A_809, %get3A_813 : vector<16xf32>
      %lt3A_815 = arith.constant 0 : i32
      %lt3A_816 = vector.broadcast %lt3A_815 : i32 to vector<16xi32>
      %lt3A_817 = arith.cmpi slt, %select_n3A_70, %lt3A_816 : vector<16xi32>
      %add3A_818 = arith.constant 16 : i32
      %add3A_819 = vector.broadcast %add3A_818 : i32 to vector<16xi32>
      %add3A_820 = arith.addi %select_n3A_70, %add3A_819 : vector<16xi32>
      %select_n3A_821 = arith.select %lt3A_817, %add3A_820, %select_n3A_70 : vector<16xi1>, vector<16xi32>
      %broadcast_in_dim3A_822 = vector.shape_cast %select_n3A_821 : vector<16xi32> to vector<16x1xi32>
      %gather3A_823 = vector.shape_cast %broadcast_in_dim3A_822 : vector<16x1xi32> to vector<16xi32>
      %gather3A_824 = tpu.dynamic_gather %mul3A_814[%gather3A_823] in [0] : vector<16xf32>, vector<16xi32> -> vector<16xf32>
      %get3A_825 = arith.constant 21 : i32
      %get3A_826 = arith.index_cast %get3A_825 : i32 to index
      %get3A_827 = arith.constant 1007 : index
      %get3A_828 = tpu.vector_load %arg6[%get3A_826, %get3A_827] {strides = array<i32>} : memref<50x1024xf32, #tpu.memory_space<vmem>>, vector<16xf32>,
      %get3A_829 = arith.constant 22 : i32
      %get3A_830 = arith.index_cast %get3A_829 : i32 to index
      %get3A_831 = arith.constant 1008 : index
      %get3A_832 = tpu.vector_load %arg6[%get3A_830, %get3A_831] {strides = array<i32>} : memref<50x1024xf32, #tpu.memory_space<vmem>>, vector<16xf32>,
      %mul3A_833 = arith.mulf %get3A_828, %get3A_832 : vector<16xf32>
      %lt3A_834 = arith.constant 0 : i32
      %lt3A_835 = vector.broadcast %lt3A_834 : i32 to vector<16xi32>
      %lt3A_836 = arith.cmpi slt, %select_n3A_70, %lt3A_835 : vector<16xi32>
      %add3A_837 = arith.constant 16 : i32
      %add3A_838 = vector.broadcast %add3A_837 : i32 to vector<16xi32>
      %add3A_839 = arith.addi %select_n3A_70, %add3A_838 : vector<16xi32>
      %select_n3A_840 = arith.select %lt3A_836, %add3A_839, %select_n3A_70 : vector<16xi1>, vector<16xi32>
      %broadcast_in_dim3A_841 = vector.shape_cast %select_n3A_840 : vector<16xi32> to vector<16x1xi32>
      %gather3A_842 = vector.shape_cast %broadcast_in_dim3A_841 : vector<16x1xi32> to vector<16xi32>
      %gather3A_843 = tpu.dynamic_gather %mul3A_833[%gather3A_842] in [0] : vector<16xf32>, vector<16xi32> -> vector<16xf32>
      %get3A_844 = arith.constant 22 : i32
      %get3A_845 = arith.index_cast %get3A_844 : i32 to index
      %get3A_846 = arith.constant 1007 : index
      %get3A_847 = tpu.vector_load %arg6[%get3A_845, %get3A_846] {strides = array<i32>} : memref<50x1024xf32, #tpu.memory_space<vmem>>, vector<16xf32>,
      %get3A_848 = arith.constant 23 : i32
      %get3A_849 = arith.index_cast %get3A_848 : i32 to index
      %get3A_850 = arith.constant 1008 : index
      %get3A_851 = tpu.vector_load %arg6[%get3A_849, %get3A_850] {strides = array<i32>} : memref<50x1024xf32, #tpu.memory_space<vmem>>, vector<16xf32>,
      %mul3A_852 = arith.mulf %get3A_847, %get3A_851 : vector<16xf32>
      %lt3A_853 = arith.constant 0 : i32
      %lt3A_854 = vector.broadcast %lt3A_853 : i32 to vector<16xi32>
      %lt3A_855 = arith.cmpi slt, %select_n3A_70, %lt3A_854 : vector<16xi32>
      %add3A_856 = arith.constant 16 : i32
      %add3A_857 = vector.broadcast %add3A_856 : i32 to vector<16xi32>
      %add3A_858 = arith.addi %select_n3A_70, %add3A_857 : vector<16xi32>
      %select_n3A_859 = arith.select %lt3A_855, %add3A_858, %select_n3A_70 : vector<16xi1>, vector<16xi32>
      %broadcast_in_dim3A_860 = vector.shape_cast %select_n3A_859 : vector<16xi32> to vector<16x1xi32>
      %gather3A_861 = vector.shape_cast %broadcast_in_dim3A_860 : vector<16x1xi32> to vector<16xi32>
      %gather3A_862 = tpu.dynamic_gather %mul3A_852[%gather3A_861] in [0] : vector<16xf32>, vector<16xi32> -> vector<16xf32>
      %get3A_863 = arith.constant 23 : i32
      %get3A_864 = arith.index_cast %get3A_863 : i32 to index
      %get3A_865 = arith.constant 1007 : index
      %get3A_866 = tpu.vector_load %arg6[%get3A_864, %get3A_865] {strides = array<i32>} : memref<50x1024xf32, #tpu.memory_space<vmem>>, vector<16xf32>,
      %get3A_867 = arith.constant 24 : i32
      %get3A_868 = arith.index_cast %get3A_867 : i32 to index
      %get3A_869 = arith.constant 1008 : index
      %get3A_870 = tpu.vector_load %arg6[%get3A_868, %get3A_869] {strides = array<i32>} : memref<50x1024xf32, #tpu.memory_space<vmem>>, vector<16xf32>,
      %mul3A_871 = arith.mulf %get3A_866, %get3A_870 : vector<16xf32>
      %lt3A_872 = arith.constant 0 : i32
      %lt3A_873 = vector.broadcast %lt3A_872 : i32 to vector<16xi32>
      %lt3A_874 = arith.cmpi slt, %select_n3A_70, %lt3A_873 : vector<16xi32>
      %add3A_875 = arith.constant 16 : i32
      %add3A_876 = vector.broadcast %add3A_875 : i32 to vector<16xi32>
      %add3A_877 = arith.addi %select_n3A_70, %add3A_876 : vector<16xi32>
      %select_n3A_878 = arith.select %lt3A_874, %add3A_877, %select_n3A_70 : vector<16xi1>, vector<16xi32>
      %broadcast_in_dim3A_879 = vector.shape_cast %select_n3A_878 : vector<16xi32> to vector<16x1xi32>
      %gather3A_880 = vector.shape_cast %broadcast_in_dim3A_879 : vector<16x1xi32> to vector<16xi32>
      %gather3A_881 = tpu.dynamic_gather %mul3A_871[%gather3A_880] in [0] : vector<16xf32>, vector<16xi32> -> vector<16xf32>
      %get3A_882 = arith.constant 13 : i32
      %get3A_883 = arith.index_cast %get3A_882 : i32 to index
      %get3A_884 = arith.constant 0 : index
      %get3A_885 = tpu.vector_load %arg6[%get3A_883, %get3A_884] {strides = array<i32>} : memref<50x1024xf32, #tpu.memory_space<vmem>>, vector<16xf32>,
      %get3A_886 = arith.constant 14 : i32
      %get3A_887 = arith.index_cast %get3A_886 : i32 to index
      %get3A_888 = arith.constant 0 : index
      %get3A_889 = tpu.vector_load %arg6[%get3A_887, %get3A_888] {strides = array<i32>} : memref<50x1024xf32, #tpu.memory_space<vmem>>, vector<16xf32>,
      %get3A_890 = arith.constant 15 : i32
      %get3A_891 = arith.index_cast %get3A_890 : i32 to index
      %get3A_892 = arith.constant 0 : index
      %get3A_893 = tpu.vector_load %arg6[%get3A_891, %get3A_892] {strides = array<i32>} : memref<50x1024xf32, #tpu.memory_space<vmem>>, vector<16xf32>,
      %get3A_894 = arith.constant 16 : i32
      %get3A_895 = arith.index_cast %get3A_894 : i32 to index
      %get3A_896 = arith.constant 0 : index
      %get3A_897 = tpu.vector_load %arg6[%get3A_895, %get3A_896] {strides = array<i32>} : memref<50x1024xf32, #tpu.memory_space<vmem>>, vector<16xf32>,
      %get3A_898 = arith.constant 17 : i32
      %get3A_899 = arith.index_cast %get3A_898 : i32 to index
      %get3A_900 = arith.constant 0 : index
      %get3A_901 = tpu.vector_load %arg6[%get3A_899, %get3A_900] {strides = array<i32>} : memref<50x1024xf32, #tpu.memory_space<vmem>>, vector<16xf32>,
      %get3A_902 = arith.constant 18 : i32
      %get3A_903 = arith.index_cast %get3A_902 : i32 to index
      %get3A_904 = arith.constant 0 : index
      %get3A_905 = tpu.vector_load %arg6[%get3A_903, %get3A_904] {strides = array<i32>} : memref<50x1024xf32, #tpu.memory_space<vmem>>, vector<16xf32>,
      %get3A_906 = arith.constant 19 : i32
      %get3A_907 = arith.index_cast %get3A_906 : i32 to index
      %get3A_908 = arith.constant 0 : index
      %get3A_909 = tpu.vector_load %arg6[%get3A_907, %get3A_908] {strides = array<i32>} : memref<50x1024xf32, #tpu.memory_space<vmem>>, vector<16xf32>,
      %get3A_910 = arith.constant 20 : i32
      %get3A_911 = arith.index_cast %get3A_910 : i32 to index
      %get3A_912 = arith.constant 0 : index
      %get3A_913 = tpu.vector_load %arg6[%get3A_911, %get3A_912] {strides = array<i32>} : memref<50x1024xf32, #tpu.memory_space<vmem>>, vector<16xf32>,
      %get3A_914 = arith.constant 21 : i32
      %get3A_915 = arith.index_cast %get3A_914 : i32 to index
      %get3A_916 = arith.constant 0 : index
      %get3A_917 = tpu.vector_load %arg6[%get3A_915, %get3A_916] {strides = array<i32>} : memref<50x1024xf32, #tpu.memory_space<vmem>>, vector<16xf32>,
      %get3A_918 = arith.constant 22 : i32
      %get3A_919 = arith.index_cast %get3A_918 : i32 to index
      %get3A_920 = arith.constant 0 : index
      %get3A_921 = tpu.vector_load %arg6[%get3A_919, %get3A_920] {strides = array<i32>} : memref<50x1024xf32, #tpu.memory_space<vmem>>, vector<16xf32>,
      %get3A_922 = arith.constant 23 : i32
      %get3A_923 = arith.index_cast %get3A_922 : i32 to index
      %get3A_924 = arith.constant 0 : index
      %get3A_925 = tpu.vector_load %arg6[%get3A_923, %get3A_924] {strides = array<i32>} : memref<50x1024xf32, #tpu.memory_space<vmem>>, vector<16xf32>,
      %get3A_926 = arith.constant 24 : i32
      %get3A_927 = arith.index_cast %get3A_926 : i32 to index
      %get3A_928 = arith.constant 0 : index
      %get3A_929 = tpu.vector_load %arg6[%get3A_927, %get3A_928] {strides = array<i32>} : memref<50x1024xf32, #tpu.memory_space<vmem>>, vector<16xf32>,
      %get3A_930 = arith.constant 25 : i32
      %get3A_931 = arith.index_cast %get3A_930 : i32 to index
      %get3A_932 = arith.constant 0 : index
      %get3A_933 = tpu.vector_load %arg6[%get3A_931, %get3A_932] {strides = array<i32>} : memref<50x1024xf32, #tpu.memory_space<vmem>>, vector<16xf32>,
      %get3A_934 = arith.constant 0 : index
      %get3A_935 = tpu.vector_load %arg9[%get3A_934] {strides = array<i32>} : memref<1024xf32, #tpu.memory_space<vmem>>, vector<16xf32>,
      %broadcast_in_dim3A_936 = arith.constant 12 : i32
      %broadcast_in_dim3A_937 = vector.broadcast %broadcast_in_dim3A_936 : i32 to vector<16xi32>
      %gather3A_938 = tpu.vector_load_idx %arg6[%broadcast_in_dim3A_937, %select_n3A_45] : memref<50x1024xf32, #tpu.memory_space<vmem>>[vector<16xi32>, vector<16xi32>], vector<16xf32>,
      %mul3A_939 = arith.mulf %gather3A_938, %get3A_885 : vector<16xf32>
      %lt3A_940 = arith.constant 0 : i32
      %lt3A_941 = vector.broadcast %lt3A_940 : i32 to vector<16xi32>
      %lt3A_942 = arith.cmpi slt, %select_n3A_70, %lt3A_941 : vector<16xi32>
      %add3A_943 = arith.constant 16 : i32
      %add3A_944 = vector.broadcast %add3A_943 : i32 to vector<16xi32>
      %add3A_945 = arith.addi %select_n3A_70, %add3A_944 : vector<16xi32>
      %select_n3A_946 = arith.select %lt3A_942, %add3A_945, %select_n3A_70 : vector<16xi1>, vector<16xi32>
      %broadcast_in_dim3A_947 = vector.shape_cast %select_n3A_946 : vector<16xi32> to vector<16x1xi32>
      %gather3A_948 = vector.shape_cast %broadcast_in_dim3A_947 : vector<16x1xi32> to vector<16xi32>
      %gather3A_949 = tpu.dynamic_gather %mul3A_939[%gather3A_948] in [0] : vector<16xf32>, vector<16xi32> -> vector<16xf32>
      %eq3A_950 = arith.constant 0 : i32
      %eq3A_951 = vector.broadcast %eq3A_950 : i32 to vector<16xi32>
      %eq3A_952 = arith.cmpi eq, %iota3A, %eq3A_951 : vector<16xi32>
      %select_n3A_953 = arith.select %eq3A_952, %gather3A_672, %gather3A_949 : vector<16xi1>, vector<16xf32>
      %mul3A_954 = arith.mulf %select_n3A_953, %get3A_889 : vector<16xf32>
      %add3A_955 = arith.addf %get3A_935, %mul3A_954 : vector<16xf32>
      %broadcast_in_dim3A_956 = arith.constant 13 : i32
      %broadcast_in_dim3A_957 = vector.broadcast %broadcast_in_dim3A_956 : i32 to vector<16xi32>
      %gather3A_958 = tpu.vector_load_idx %arg6[%broadcast_in_dim3A_957, %select_n3A_45] : memref<50x1024xf32, #tpu.memory_space<vmem>>[vector<16xi32>, vector<16xi32>], vector<16xf32>,
      %mul3A_959 = arith.mulf %gather3A_958, %get3A_889 : vector<16xf32>
      %lt3A_960 = arith.constant 0 : i32
      %lt3A_961 = vector.broadcast %lt3A_960 : i32 to vector<16xi32>
      %lt3A_962 = arith.cmpi slt, %select_n3A_70, %lt3A_961 : vector<16xi32>
      %add3A_963 = arith.constant 16 : i32
      %add3A_964 = vector.broadcast %add3A_963 : i32 to vector<16xi32>
      %add3A_965 = arith.addi %select_n3A_70, %add3A_964 : vector<16xi32>
      %select_n3A_966 = arith.select %lt3A_962, %add3A_965, %select_n3A_70 : vector<16xi1>, vector<16xi32>
      %broadcast_in_dim3A_967 = vector.shape_cast %select_n3A_966 : vector<16xi32> to vector<16x1xi32>
      %gather3A_968 = vector.shape_cast %broadcast_in_dim3A_967 : vector<16x1xi32> to vector<16xi32>
      %gather3A_969 = tpu.dynamic_gather %mul3A_959[%gather3A_968] in [0] : vector<16xf32>, vector<16xi32> -> vector<16xf32>
      %eq3A_970 = arith.constant 0 : i32
      %eq3A_971 = vector.broadcast %eq3A_970 : i32 to vector<16xi32>
      %eq3A_972 = arith.cmpi eq, %iota3A, %eq3A_971 : vector<16xi32>
      %select_n3A_973 = arith.select %eq3A_972, %gather3A_691, %gather3A_969 : vector<16xi1>, vector<16xf32>
      %mul3A_974 = arith.mulf %select_n3A_973, %get3A_893 : vector<16xf32>
      %broadcast_in_dim3A_975 = arith.constant 14 : i32
      %broadcast_in_dim3A_976 = vector.broadcast %broadcast_in_dim3A_975 : i32 to vector<16xi32>
      %gather3A_977 = tpu.vector_load_idx %arg6[%broadcast_in_dim3A_976, %select_n3A_45] : memref<50x1024xf32, #tpu.memory_space<vmem>>[vector<16xi32>, vector<16xi32>], vector<16xf32>,
      %mul3A_978 = arith.mulf %gather3A_977, %get3A_893 : vector<16xf32>
      %lt3A_979 = arith.constant 0 : i32
      %lt3A_980 = vector.broadcast %lt3A_979 : i32 to vector<16xi32>
      %lt3A_981 = arith.cmpi slt, %select_n3A_70, %lt3A_980 : vector<16xi32>
      %add3A_982 = arith.constant 16 : i32
      %add3A_983 = vector.broadcast %add3A_982 : i32 to vector<16xi32>
      %add3A_984 = arith.addi %select_n3A_70, %add3A_983 : vector<16xi32>
      %select_n3A_985 = arith.select %lt3A_981, %add3A_984, %select_n3A_70 : vector<16xi1>, vector<16xi32>
      %broadcast_in_dim3A_986 = vector.shape_cast %select_n3A_985 : vector<16xi32> to vector<16x1xi32>
      %gather3A_987 = vector.shape_cast %broadcast_in_dim3A_986 : vector<16x1xi32> to vector<16xi32>
      %gather3A_988 = tpu.dynamic_gather %mul3A_978[%gather3A_987] in [0] : vector<16xf32>, vector<16xi32> -> vector<16xf32>
      %eq3A_989 = arith.constant 0 : i32
      %eq3A_990 = vector.broadcast %eq3A_989 : i32 to vector<16xi32>
      %eq3A_991 = arith.cmpi eq, %iota3A, %eq3A_990 : vector<16xi32>
      %select_n3A_992 = arith.select %eq3A_991, %gather3A_710, %gather3A_988 : vector<16xi1>, vector<16xf32>
      %mul3A_993 = arith.mulf %select_n3A_992, %get3A_897 : vector<16xf32>
      %broadcast_in_dim3A_994 = arith.constant 15 : i32
      %broadcast_in_dim3A_995 = vector.broadcast %broadcast_in_dim3A_994 : i32 to vector<16xi32>
      %gather3A_996 = tpu.vector_load_idx %arg6[%broadcast_in_dim3A_995, %select_n3A_45] : memref<50x1024xf32, #tpu.memory_space<vmem>>[vector<16xi32>, vector<16xi32>], vector<16xf32>,
      %mul3A_997 = arith.mulf %gather3A_996, %get3A_897 : vector<16xf32>
      %lt3A_998 = arith.constant 0 : i32
      %lt3A_999 = vector.broadcast %lt3A_998 : i32 to vector<16xi32>
      %lt3A_1000 = arith.cmpi slt, %select_n3A_70, %lt3A_999 : vector<16xi32>
      %add3A_1001 = arith.constant 16 : i32
      %add3A_1002 = vector.broadcast %add3A_1001 : i32 to vector<16xi32>
      %add3A_1003 = arith.addi %select_n3A_70, %add3A_1002 : vector<16xi32>
      %select_n3A_1004 = arith.select %lt3A_1000, %add3A_1003, %select_n3A_70 : vector<16xi1>, vector<16xi32>
      %broadcast_in_dim3A_1005 = vector.shape_cast %select_n3A_1004 : vector<16xi32> to vector<16x1xi32>
      %gather3A_1006 = vector.shape_cast %broadcast_in_dim3A_1005 : vector<16x1xi32> to vector<16xi32>
      %gather3A_1007 = tpu.dynamic_gather %mul3A_997[%gather3A_1006] in [0] : vector<16xf32>, vector<16xi32> -> vector<16xf32>
      %eq3A_1008 = arith.constant 0 : i32
      %eq3A_1009 = vector.broadcast %eq3A_1008 : i32 to vector<16xi32>
      %eq3A_1010 = arith.cmpi eq, %iota3A, %eq3A_1009 : vector<16xi32>
      %select_n3A_1011 = arith.select %eq3A_1010, %gather3A_729, %gather3A_1007 : vector<16xi1>, vector<16xf32>
      %mul3A_1012 = arith.mulf %select_n3A_1011, %get3A_901 : vector<16xf32>
      %add3A_1013 = arith.addf %add3A_955, %mul3A_1012 : vector<16xf32>
      %broadcast_in_dim3A_1014 = arith.constant 16 : i32
      %broadcast_in_dim3A_1015 = vector.broadcast %broadcast_in_dim3A_1014 : i32 to vector<16xi32>
      %gather3A_1016 = tpu.vector_load_idx %arg6[%broadcast_in_dim3A_1015, %select_n3A_45] : memref<50x1024xf32, #tpu.memory_space<vmem>>[vector<16xi32>, vector<16xi32>], vector<16xf32>,
      %mul3A_1017 = arith.mulf %gather3A_1016, %get3A_901 : vector<16xf32>
      %lt3A_1018 = arith.constant 0 : i32
      %lt3A_1019 = vector.broadcast %lt3A_1018 : i32 to vector<16xi32>
      %lt3A_1020 = arith.cmpi slt, %select_n3A_70, %lt3A_1019 : vector<16xi32>
      %add3A_1021 = arith.constant 16 : i32
      %add3A_1022 = vector.broadcast %add3A_1021 : i32 to vector<16xi32>
      %add3A_1023 = arith.addi %select_n3A_70, %add3A_1022 : vector<16xi32>
      %select_n3A_1024 = arith.select %lt3A_1020, %add3A_1023, %select_n3A_70 : vector<16xi1>, vector<16xi32>
      %broadcast_in_dim3A_1025 = vector.shape_cast %select_n3A_1024 : vector<16xi32> to vector<16x1xi32>
      %gather3A_1026 = vector.shape_cast %broadcast_in_dim3A_1025 : vector<16x1xi32> to vector<16xi32>
      %gather3A_1027 = tpu.dynamic_gather %mul3A_1017[%gather3A_1026] in [0] : vector<16xf32>, vector<16xi32> -> vector<16xf32>
      %eq3A_1028 = arith.constant 0 : i32
      %eq3A_1029 = vector.broadcast %eq3A_1028 : i32 to vector<16xi32>
      %eq3A_1030 = arith.cmpi eq, %iota3A, %eq3A_1029 : vector<16xi32>
      %select_n3A_1031 = arith.select %eq3A_1030, %gather3A_748, %gather3A_1027 : vector<16xi1>, vector<16xf32>
      %mul3A_1032 = arith.mulf %select_n3A_1031, %get3A_905 : vector<16xf32>
      %add3A_1033 = arith.addf %mul3A_974, %mul3A_1032 : vector<16xf32>
      %broadcast_in_dim3A_1034 = arith.constant 17 : i32
      %broadcast_in_dim3A_1035 = vector.broadcast %broadcast_in_dim3A_1034 : i32 to vector<16xi32>
      %gather3A_1036 = tpu.vector_load_idx %arg6[%broadcast_in_dim3A_1035, %select_n3A_45] : memref<50x1024xf32, #tpu.memory_space<vmem>>[vector<16xi32>, vector<16xi32>], vector<16xf32>,
      %mul3A_1037 = arith.mulf %gather3A_1036, %get3A_905 : vector<16xf32>
      %lt3A_1038 = arith.constant 0 : i32
      %lt3A_1039 = vector.broadcast %lt3A_1038 : i32 to vector<16xi32>
      %lt3A_1040 = arith.cmpi slt, %select_n3A_70, %lt3A_1039 : vector<16xi32>
      %add3A_1041 = arith.constant 16 : i32
      %add3A_1042 = vector.broadcast %add3A_1041 : i32 to vector<16xi32>
      %add3A_1043 = arith.addi %select_n3A_70, %add3A_1042 : vector<16xi32>
      %select_n3A_1044 = arith.select %lt3A_1040, %add3A_1043, %select_n3A_70 : vector<16xi1>, vector<16xi32>
      %broadcast_in_dim3A_1045 = vector.shape_cast %select_n3A_1044 : vector<16xi32> to vector<16x1xi32>
      %gather3A_1046 = vector.shape_cast %broadcast_in_dim3A_1045 : vector<16x1xi32> to vector<16xi32>
      %gather3A_1047 = tpu.dynamic_gather %mul3A_1037[%gather3A_1046] in [0] : vector<16xf32>, vector<16xi32> -> vector<16xf32>
      %eq3A_1048 = arith.constant 0 : i32
      %eq3A_1049 = vector.broadcast %eq3A_1048 : i32 to vector<16xi32>
      %eq3A_1050 = arith.cmpi eq, %iota3A, %eq3A_1049 : vector<16xi32>
      %select_n3A_1051 = arith.select %eq3A_1050, %gather3A_767, %gather3A_1047 : vector<16xi1>, vector<16xf32>
      %mul3A_1052 = arith.mulf %select_n3A_1051, %get3A_909 : vector<16xf32>
      %add3A_1053 = arith.addf %mul3A_993, %mul3A_1052 : vector<16xf32>
      %broadcast_in_dim3A_1054 = arith.constant 18 : i32
      %broadcast_in_dim3A_1055 = vector.broadcast %broadcast_in_dim3A_1054 : i32 to vector<16xi32>
      %gather3A_1056 = tpu.vector_load_idx %arg6[%broadcast_in_dim3A_1055, %select_n3A_45] : memref<50x1024xf32, #tpu.memory_space<vmem>>[vector<16xi32>, vector<16xi32>], vector<16xf32>,
      %mul3A_1057 = arith.mulf %gather3A_1056, %get3A_909 : vector<16xf32>
      %lt3A_1058 = arith.constant 0 : i32
      %lt3A_1059 = vector.broadcast %lt3A_1058 : i32 to vector<16xi32>
      %lt3A_1060 = arith.cmpi slt, %select_n3A_70, %lt3A_1059 : vector<16xi32>
      %add3A_1061 = arith.constant 16 : i32
      %add3A_1062 = vector.broadcast %add3A_1061 : i32 to vector<16xi32>
      %add3A_1063 = arith.addi %select_n3A_70, %add3A_1062 : vector<16xi32>
      %select_n3A_1064 = arith.select %lt3A_1060, %add3A_1063, %select_n3A_70 : vector<16xi1>, vector<16xi32>
      %broadcast_in_dim3A_1065 = vector.shape_cast %select_n3A_1064 : vector<16xi32> to vector<16x1xi32>
      %gather3A_1066 = vector.shape_cast %broadcast_in_dim3A_1065 : vector<16x1xi32> to vector<16xi32>
      %gather3A_1067 = tpu.dynamic_gather %mul3A_1057[%gather3A_1066] in [0] : vector<16xf32>, vector<16xi32> -> vector<16xf32>
      %eq3A_1068 = arith.constant 0 : i32
      %eq3A_1069 = vector.broadcast %eq3A_1068 : i32 to vector<16xi32>
      %eq3A_1070 = arith.cmpi eq, %iota3A, %eq3A_1069 : vector<16xi32>
      %select_n3A_1071 = arith.select %eq3A_1070, %gather3A_786, %gather3A_1067 : vector<16xi1>, vector<16xf32>
      %mul3A_1072 = arith.mulf %select_n3A_1071, %get3A_913 : vector<16xf32>
      %add3A_1073 = arith.addf %add3A_1013, %mul3A_1072 : vector<16xf32>
      %broadcast_in_dim3A_1074 = arith.constant 19 : i32
      %broadcast_in_dim3A_1075 = vector.broadcast %broadcast_in_dim3A_1074 : i32 to vector<16xi32>
      %gather3A_1076 = tpu.vector_load_idx %arg6[%broadcast_in_dim3A_1075, %select_n3A_45] : memref<50x1024xf32, #tpu.memory_space<vmem>>[vector<16xi32>, vector<16xi32>], vector<16xf32>,
      %mul3A_1077 = arith.mulf %gather3A_1076, %get3A_913 : vector<16xf32>
      %lt3A_1078 = arith.constant 0 : i32
      %lt3A_1079 = vector.broadcast %lt3A_1078 : i32 to vector<16xi32>
      %lt3A_1080 = arith.cmpi slt, %select_n3A_70, %lt3A_1079 : vector<16xi32>
      %add3A_1081 = arith.constant 16 : i32
      %add3A_1082 = vector.broadcast %add3A_1081 : i32 to vector<16xi32>
      %add3A_1083 = arith.addi %select_n3A_70, %add3A_1082 : vector<16xi32>
      %select_n3A_1084 = arith.select %lt3A_1080, %add3A_1083, %select_n3A_70 : vector<16xi1>, vector<16xi32>
      %broadcast_in_dim3A_1085 = vector.shape_cast %select_n3A_1084 : vector<16xi32> to vector<16x1xi32>
      %gather3A_1086 = vector.shape_cast %broadcast_in_dim3A_1085 : vector<16x1xi32> to vector<16xi32>
      %gather3A_1087 = tpu.dynamic_gather %mul3A_1077[%gather3A_1086] in [0] : vector<16xf32>, vector<16xi32> -> vector<16xf32>
      %eq3A_1088 = arith.constant 0 : i32
      %eq3A_1089 = vector.broadcast %eq3A_1088 : i32 to vector<16xi32>
      %eq3A_1090 = arith.cmpi eq, %iota3A, %eq3A_1089 : vector<16xi32>
      %select_n3A_1091 = arith.select %eq3A_1090, %gather3A_805, %gather3A_1087 : vector<16xi1>, vector<16xf32>
      %mul3A_1092 = arith.mulf %select_n3A_1091, %get3A_917 : vector<16xf32>
      %add3A_1093 = arith.addf %add3A_1033, %mul3A_1092 : vector<16xf32>
      %broadcast_in_dim3A_1094 = arith.constant 20 : i32
      %broadcast_in_dim3A_1095 = vector.broadcast %broadcast_in_dim3A_1094 : i32 to vector<16xi32>
      %gather3A_1096 = tpu.vector_load_idx %arg6[%broadcast_in_dim3A_1095, %select_n3A_45] : memref<50x1024xf32, #tpu.memory_space<vmem>>[vector<16xi32>, vector<16xi32>], vector<16xf32>,
      %mul3A_1097 = arith.mulf %gather3A_1096, %get3A_917 : vector<16xf32>
      %lt3A_1098 = arith.constant 0 : i32
      %lt3A_1099 = vector.broadcast %lt3A_1098 : i32 to vector<16xi32>
      %lt3A_1100 = arith.cmpi slt, %select_n3A_70, %lt3A_1099 : vector<16xi32>
      %add3A_1101 = arith.constant 16 : i32
      %add3A_1102 = vector.broadcast %add3A_1101 : i32 to vector<16xi32>
      %add3A_1103 = arith.addi %select_n3A_70, %add3A_1102 : vector<16xi32>
      %select_n3A_1104 = arith.select %lt3A_1100, %add3A_1103, %select_n3A_70 : vector<16xi1>, vector<16xi32>
      %broadcast_in_dim3A_1105 = vector.shape_cast %select_n3A_1104 : vector<16xi32> to vector<16x1xi32>
      %gather3A_1106 = vector.shape_cast %broadcast_in_dim3A_1105 : vector<16x1xi32> to vector<16xi32>
      %gather3A_1107 = tpu.dynamic_gather %mul3A_1097[%gather3A_1106] in [0] : vector<16xf32>, vector<16xi32> -> vector<16xf32>
      %eq3A_1108 = arith.constant 0 : i32
      %eq3A_1109 = vector.broadcast %eq3A_1108 : i32 to vector<16xi32>
      %eq3A_1110 = arith.cmpi eq, %iota3A, %eq3A_1109 : vector<16xi32>
      %select_n3A_1111 = arith.select %eq3A_1110, %gather3A_824, %gather3A_1107 : vector<16xi1>, vector<16xf32>
      %mul3A_1112 = arith.mulf %select_n3A_1111, %get3A_921 : vector<16xf32>
      %add3A_1113 = arith.addf %add3A_1053, %mul3A_1112 : vector<16xf32>
      %broadcast_in_dim3A_1114 = arith.constant 21 : i32
      %broadcast_in_dim3A_1115 = vector.broadcast %broadcast_in_dim3A_1114 : i32 to vector<16xi32>
      %gather3A_1116 = tpu.vector_load_idx %arg6[%broadcast_in_dim3A_1115, %select_n3A_45] : memref<50x1024xf32, #tpu.memory_space<vmem>>[vector<16xi32>, vector<16xi32>], vector<16xf32>,
      %mul3A_1117 = arith.mulf %gather3A_1116, %get3A_921 : vector<16xf32>
      %lt3A_1118 = arith.constant 0 : i32
      %lt3A_1119 = vector.broadcast %lt3A_1118 : i32 to vector<16xi32>
      %lt3A_1120 = arith.cmpi slt, %select_n3A_70, %lt3A_1119 : vector<16xi32>
      %add3A_1121 = arith.constant 16 : i32
      %add3A_1122 = vector.broadcast %add3A_1121 : i32 to vector<16xi32>
      %add3A_1123 = arith.addi %select_n3A_70, %add3A_1122 : vector<16xi32>
      %select_n3A_1124 = arith.select %lt3A_1120, %add3A_1123, %select_n3A_70 : vector<16xi1>, vector<16xi32>
      %broadcast_in_dim3A_1125 = vector.shape_cast %select_n3A_1124 : vector<16xi32> to vector<16x1xi32>
      %gather3A_1126 = vector.shape_cast %broadcast_in_dim3A_1125 : vector<16x1xi32> to vector<16xi32>
      %gather3A_1127 = tpu.dynamic_gather %mul3A_1117[%gather3A_1126] in [0] : vector<16xf32>, vector<16xi32> -> vector<16xf32>
      %eq3A_1128 = arith.constant 0 : i32
      %eq3A_1129 = vector.broadcast %eq3A_1128 : i32 to vector<16xi32>
      %eq3A_1130 = arith.cmpi eq, %iota3A, %eq3A_1129 : vector<16xi32>
      %select_n3A_1131 = arith.select %eq3A_1130, %gather3A_843, %gather3A_1127 : vector<16xi1>, vector<16xf32>
      %mul3A_1132 = arith.mulf %select_n3A_1131, %get3A_925 : vector<16xf32>
      %add3A_1133 = arith.addf %add3A_1073, %mul3A_1132 : vector<16xf32>
      %broadcast_in_dim3A_1134 = arith.constant 22 : i32
      %broadcast_in_dim3A_1135 = vector.broadcast %broadcast_in_dim3A_1134 : i32 to vector<16xi32>
      %gather3A_1136 = tpu.vector_load_idx %arg6[%broadcast_in_dim3A_1135, %select_n3A_45] : memref<50x1024xf32, #tpu.memory_space<vmem>>[vector<16xi32>, vector<16xi32>], vector<16xf32>,
      %mul3A_1137 = arith.mulf %gather3A_1136, %get3A_925 : vector<16xf32>
      %lt3A_1138 = arith.constant 0 : i32
      %lt3A_1139 = vector.broadcast %lt3A_1138 : i32 to vector<16xi32>
      %lt3A_1140 = arith.cmpi slt, %select_n3A_70, %lt3A_1139 : vector<16xi32>
      %add3A_1141 = arith.constant 16 : i32
      %add3A_1142 = vector.broadcast %add3A_1141 : i32 to vector<16xi32>
      %add3A_1143 = arith.addi %select_n3A_70, %add3A_1142 : vector<16xi32>
      %select_n3A_1144 = arith.select %lt3A_1140, %add3A_1143, %select_n3A_70 : vector<16xi1>, vector<16xi32>
      %broadcast_in_dim3A_1145 = vector.shape_cast %select_n3A_1144 : vector<16xi32> to vector<16x1xi32>
      %gather3A_1146 = vector.shape_cast %broadcast_in_dim3A_1145 : vector<16x1xi32> to vector<16xi32>
      %gather3A_1147 = tpu.dynamic_gather %mul3A_1137[%gather3A_1146] in [0] : vector<16xf32>, vector<16xi32> -> vector<16xf32>
      %eq3A_1148 = arith.constant 0 : i32
      %eq3A_1149 = vector.broadcast %eq3A_1148 : i32 to vector<16xi32>
      %eq3A_1150 = arith.cmpi eq, %iota3A, %eq3A_1149 : vector<16xi32>
      %select_n3A_1151 = arith.select %eq3A_1150, %gather3A_862, %gather3A_1147 : vector<16xi1>, vector<16xf32>
      %mul3A_1152 = arith.mulf %select_n3A_1151, %get3A_929 : vector<16xf32>
      %add3A_1153 = arith.addf %add3A_1093, %mul3A_1152 : vector<16xf32>
      %broadcast_in_dim3A_1154 = arith.constant 23 : i32
      %broadcast_in_dim3A_1155 = vector.broadcast %broadcast_in_dim3A_1154 : i32 to vector<16xi32>
      %gather3A_1156 = tpu.vector_load_idx %arg6[%broadcast_in_dim3A_1155, %select_n3A_45] : memref<50x1024xf32, #tpu.memory_space<vmem>>[vector<16xi32>, vector<16xi32>], vector<16xf32>,
      %mul3A_1157 = arith.mulf %gather3A_1156, %get3A_929 : vector<16xf32>
      %lt3A_1158 = arith.constant 0 : i32
      %lt3A_1159 = vector.broadcast %lt3A_1158 : i32 to vector<16xi32>
      %lt3A_1160 = arith.cmpi slt, %select_n3A_70, %lt3A_1159 : vector<16xi32>
      %add3A_1161 = arith.constant 16 : i32
      %add3A_1162 = vector.broadcast %add3A_1161 : i32 to vector<16xi32>
      %add3A_1163 = arith.addi %select_n3A_70, %add3A_1162 : vector<16xi32>
      %select_n3A_1164 = arith.select %lt3A_1160, %add3A_1163, %select_n3A_70 : vector<16xi1>, vector<16xi32>
      %broadcast_in_dim3A_1165 = vector.shape_cast %select_n3A_1164 : vector<16xi32> to vector<16x1xi32>
      %gather3A_1166 = vector.shape_cast %broadcast_in_dim3A_1165 : vector<16x1xi32> to vector<16xi32>
      %gather3A_1167 = tpu.dynamic_gather %mul3A_1157[%gather3A_1166] in [0] : vector<16xf32>, vector<16xi32> -> vector<16xf32>
      %eq3A_1168 = arith.constant 0 : i32
      %eq3A_1169 = vector.broadcast %eq3A_1168 : i32 to vector<16xi32>
      %eq3A_1170 = arith.cmpi eq, %iota3A, %eq3A_1169 : vector<16xi32>
      %select_n3A_1171 = arith.select %eq3A_1170, %gather3A_881, %gather3A_1167 : vector<16xi1>, vector<16xf32>
      %mul3A_1172 = arith.mulf %select_n3A_1171, %get3A_933 : vector<16xf32>
      %add3A_1173 = arith.addf %add3A_1113, %mul3A_1172 : vector<16xf32>
      %add3A_1174 = arith.addf %add3A_1133, %add3A_1153 : vector<16xf32>
      %add3A_1175 = arith.addf %add3A_1174, %add3A_1173 : vector<16xf32>
      %swap3A_1176 = arith.constant 0 : index
      %swap3A_1177 = tpu.vector_load %arg9[%swap3A_1176] {strides = array<i32>} : memref<1024xf32, #tpu.memory_space<vmem>>, vector<16xf32>,
      tpu.vector_store %arg9[%swap3A_1176], %add3A_1175 {strides = array<i32>} : memref<1024xf32, #tpu.memory_space<vmem>>, vector<16xf32>,
      %get3A_1178 = arith.constant 24 : i32
      %get3A_1179 = arith.index_cast %get3A_1178 : i32 to index
      %get3A_1180 = arith.constant 1007 : index
      %get3A_1181 = tpu.vector_load %arg6[%get3A_1179, %get3A_1180] {strides = array<i32>} : memref<50x1024xf32, #tpu.memory_space<vmem>>, vector<16xf32>,
      %get3A_1182 = arith.constant 25 : i32
      %get3A_1183 = arith.index_cast %get3A_1182 : i32 to index
      %get3A_1184 = arith.constant 1008 : index
      %get3A_1185 = tpu.vector_load %arg6[%get3A_1183, %get3A_1184] {strides = array<i32>} : memref<50x1024xf32, #tpu.memory_space<vmem>>, vector<16xf32>,
      %mul3A_1186 = arith.mulf %get3A_1181, %get3A_1185 : vector<16xf32>
      %lt3A_1187 = arith.constant 0 : i32
      %lt3A_1188 = vector.broadcast %lt3A_1187 : i32 to vector<16xi32>
      %lt3A_1189 = arith.cmpi slt, %select_n3A_70, %lt3A_1188 : vector<16xi32>
      %add3A_1190 = arith.constant 16 : i32
      %add3A_1191 = vector.broadcast %add3A_1190 : i32 to vector<16xi32>
      %add3A_1192 = arith.addi %select_n3A_70, %add3A_1191 : vector<16xi32>
      %select_n3A_1193 = arith.select %lt3A_1189, %add3A_1192, %select_n3A_70 : vector<16xi1>, vector<16xi32>
      %broadcast_in_dim3A_1194 = vector.shape_cast %select_n3A_1193 : vector<16xi32> to vector<16x1xi32>
      %gather3A_1195 = vector.shape_cast %broadcast_in_dim3A_1194 : vector<16x1xi32> to vector<16xi32>
      %gather3A_1196 = tpu.dynamic_gather %mul3A_1186[%gather3A_1195] in [0] : vector<16xf32>, vector<16xi32> -> vector<16xf32>
      %get3A_1197 = arith.constant 25 : i32
      %get3A_1198 = arith.index_cast %get3A_1197 : i32 to index
      %get3A_1199 = arith.constant 1007 : index
      %get3A_1200 = tpu.vector_load %arg6[%get3A_1198, %get3A_1199] {strides = array<i32>} : memref<50x1024xf32, #tpu.memory_space<vmem>>, vector<16xf32>,
      %get3A_1201 = arith.constant 26 : i32
      %get3A_1202 = arith.index_cast %get3A_1201 : i32 to index
      %get3A_1203 = arith.constant 1008 : index
      %get3A_1204 = tpu.vector_load %arg6[%get3A_1202, %get3A_1203] {strides = array<i32>} : memref<50x1024xf32, #tpu.memory_space<vmem>>, vector<16xf32>,
      %mul3A_1205 = arith.mulf %get3A_1200, %get3A_1204 : vector<16xf32>
      %lt3A_1206 = arith.constant 0 : i32
      %lt3A_1207 = vector.broadcast %lt3A_1206 : i32 to vector<16xi32>
      %lt3A_1208 = arith.cmpi slt, %select_n3A_70, %lt3A_1207 : vector<16xi32>
      %add3A_1209 = arith.constant 16 : i32
      %add3A_1210 = vector.broadcast %add3A_1209 : i32 to vector<16xi32>
      %add3A_1211 = arith.addi %select_n3A_70, %add3A_1210 : vector<16xi32>
      %select_n3A_1212 = arith.select %lt3A_1208, %add3A_1211, %select_n3A_70 : vector<16xi1>, vector<16xi32>
      %broadcast_in_dim3A_1213 = vector.shape_cast %select_n3A_1212 : vector<16xi32> to vector<16x1xi32>
      %gather3A_1214 = vector.shape_cast %broadcast_in_dim3A_1213 : vector<16x1xi32> to vector<16xi32>
      %gather3A_1215 = tpu.dynamic_gather %mul3A_1205[%gather3A_1214] in [0] : vector<16xf32>, vector<16xi32> -> vector<16xf32>
      %get3A_1216 = arith.constant 26 : i32
      %get3A_1217 = arith.index_cast %get3A_1216 : i32 to index
      %get3A_1218 = arith.constant 1007 : index
      %get3A_1219 = tpu.vector_load %arg6[%get3A_1217, %get3A_1218] {strides = array<i32>} : memref<50x1024xf32, #tpu.memory_space<vmem>>, vector<16xf32>,
      %get3A_1220 = arith.constant 27 : i32
      %get3A_1221 = arith.index_cast %get3A_1220 : i32 to index
      %get3A_1222 = arith.constant 1008 : index
      %get3A_1223 = tpu.vector_load %arg6[%get3A_1221, %get3A_1222] {strides = array<i32>} : memref<50x1024xf32, #tpu.memory_space<vmem>>, vector<16xf32>,
      %mul3A_1224 = arith.mulf %get3A_1219, %get3A_1223 : vector<16xf32>
      %lt3A_1225 = arith.constant 0 : i32
      %lt3A_1226 = vector.broadcast %lt3A_1225 : i32 to vector<16xi32>
      %lt3A_1227 = arith.cmpi slt, %select_n3A_70, %lt3A_1226 : vector<16xi32>
      %add3A_1228 = arith.constant 16 : i32
      %add3A_1229 = vector.broadcast %add3A_1228 : i32 to vector<16xi32>
      %add3A_1230 = arith.addi %select_n3A_70, %add3A_1229 : vector<16xi32>
      %select_n3A_1231 = arith.select %lt3A_1227, %add3A_1230, %select_n3A_70 : vector<16xi1>, vector<16xi32>
      %broadcast_in_dim3A_1232 = vector.shape_cast %select_n3A_1231 : vector<16xi32> to vector<16x1xi32>
      %gather3A_1233 = vector.shape_cast %broadcast_in_dim3A_1232 : vector<16x1xi32> to vector<16xi32>
      %gather3A_1234 = tpu.dynamic_gather %mul3A_1224[%gather3A_1233] in [0] : vector<16xf32>, vector<16xi32> -> vector<16xf32>
      %get3A_1235 = arith.constant 27 : i32
      %get3A_1236 = arith.index_cast %get3A_1235 : i32 to index
      %get3A_1237 = arith.constant 1007 : index
      %get3A_1238 = tpu.vector_load %arg6[%get3A_1236, %get3A_1237] {strides = array<i32>} : memref<50x1024xf32, #tpu.memory_space<vmem>>, vector<16xf32>,
      %get3A_1239 = arith.constant 28 : i32
      %get3A_1240 = arith.index_cast %get3A_1239 : i32 to index
      %get3A_1241 = arith.constant 1008 : index
      %get3A_1242 = tpu.vector_load %arg6[%get3A_1240, %get3A_1241] {strides = array<i32>} : memref<50x1024xf32, #tpu.memory_space<vmem>>, vector<16xf32>,
      %mul3A_1243 = arith.mulf %get3A_1238, %get3A_1242 : vector<16xf32>
      %lt3A_1244 = arith.constant 0 : i32
      %lt3A_1245 = vector.broadcast %lt3A_1244 : i32 to vector<16xi32>
      %lt3A_1246 = arith.cmpi slt, %select_n3A_70, %lt3A_1245 : vector<16xi32>
      %add3A_1247 = arith.constant 16 : i32
      %add3A_1248 = vector.broadcast %add3A_1247 : i32 to vector<16xi32>
      %add3A_1249 = arith.addi %select_n3A_70, %add3A_1248 : vector<16xi32>
      %select_n3A_1250 = arith.select %lt3A_1246, %add3A_1249, %select_n3A_70 : vector<16xi1>, vector<16xi32>
      %broadcast_in_dim3A_1251 = vector.shape_cast %select_n3A_1250 : vector<16xi32> to vector<16x1xi32>
      %gather3A_1252 = vector.shape_cast %broadcast_in_dim3A_1251 : vector<16x1xi32> to vector<16xi32>
      %gather3A_1253 = tpu.dynamic_gather %mul3A_1243[%gather3A_1252] in [0] : vector<16xf32>, vector<16xi32> -> vector<16xf32>
      %get3A_1254 = arith.constant 28 : i32
      %get3A_1255 = arith.index_cast %get3A_1254 : i32 to index
      %get3A_1256 = arith.constant 1007 : index
      %get3A_1257 = tpu.vector_load %arg6[%get3A_1255, %get3A_1256] {strides = array<i32>} : memref<50x1024xf32, #tpu.memory_space<vmem>>, vector<16xf32>,
      %get3A_1258 = arith.constant 29 : i32
      %get3A_1259 = arith.index_cast %get3A_1258 : i32 to index
      %get3A_1260 = arith.constant 1008 : index
      %get3A_1261 = tpu.vector_load %arg6[%get3A_1259, %get3A_1260] {strides = array<i32>} : memref<50x1024xf32, #tpu.memory_space<vmem>>, vector<16xf32>,
      %mul3A_1262 = arith.mulf %get3A_1257, %get3A_1261 : vector<16xf32>
      %lt3A_1263 = arith.constant 0 : i32
      %lt3A_1264 = vector.broadcast %lt3A_1263 : i32 to vector<16xi32>
      %lt3A_1265 = arith.cmpi slt, %select_n3A_70, %lt3A_1264 : vector<16xi32>
      %add3A_1266 = arith.constant 16 : i32
      %add3A_1267 = vector.broadcast %add3A_1266 : i32 to vector<16xi32>
      %add3A_1268 = arith.addi %select_n3A_70, %add3A_1267 : vector<16xi32>
      %select_n3A_1269 = arith.select %lt3A_1265, %add3A_1268, %select_n3A_70 : vector<16xi1>, vector<16xi32>
      %broadcast_in_dim3A_1270 = vector.shape_cast %select_n3A_1269 : vector<16xi32> to vector<16x1xi32>
      %gather3A_1271 = vector.shape_cast %broadcast_in_dim3A_1270 : vector<16x1xi32> to vector<16xi32>
      %gather3A_1272 = tpu.dynamic_gather %mul3A_1262[%gather3A_1271] in [0] : vector<16xf32>, vector<16xi32> -> vector<16xf32>
      %get3A_1273 = arith.constant 29 : i32
      %get3A_1274 = arith.index_cast %get3A_1273 : i32 to index
      %get3A_1275 = arith.constant 1007 : index
      %get3A_1276 = tpu.vector_load %arg6[%get3A_1274, %get3A_1275] {strides = array<i32>} : memref<50x1024xf32, #tpu.memory_space<vmem>>, vector<16xf32>,
      %get3A_1277 = arith.constant 30 : i32
      %get3A_1278 = arith.index_cast %get3A_1277 : i32 to index
      %get3A_1279 = arith.constant 1008 : index
      %get3A_1280 = tpu.vector_load %arg6[%get3A_1278, %get3A_1279] {strides = array<i32>} : memref<50x1024xf32, #tpu.memory_space<vmem>>, vector<16xf32>,
      %mul3A_1281 = arith.mulf %get3A_1276, %get3A_1280 : vector<16xf32>
      %lt3A_1282 = arith.constant 0 : i32
      %lt3A_1283 = vector.broadcast %lt3A_1282 : i32 to vector<16xi32>
      %lt3A_1284 = arith.cmpi slt, %select_n3A_70, %lt3A_1283 : vector<16xi32>
      %add3A_1285 = arith.constant 16 : i32
      %add3A_1286 = vector.broadcast %add3A_1285 : i32 to vector<16xi32>
      %add3A_1287 = arith.addi %select_n3A_70, %add3A_1286 : vector<16xi32>
      %select_n3A_1288 = arith.select %lt3A_1284, %add3A_1287, %select_n3A_70 : vector<16xi1>, vector<16xi32>
      %broadcast_in_dim3A_1289 = vector.shape_cast %select_n3A_1288 : vector<16xi32> to vector<16x1xi32>
      %gather3A_1290 = vector.shape_cast %broadcast_in_dim3A_1289 : vector<16x1xi32> to vector<16xi32>
      %gather3A_1291 = tpu.dynamic_gather %mul3A_1281[%gather3A_1290] in [0] : vector<16xf32>, vector<16xi32> -> vector<16xf32>
      %get3A_1292 = arith.constant 30 : i32
      %get3A_1293 = arith.index_cast %get3A_1292 : i32 to index
      %get3A_1294 = arith.constant 1007 : index
      %get3A_1295 = tpu.vector_load %arg6[%get3A_1293, %get3A_1294] {strides = array<i32>} : memref<50x1024xf32, #tpu.memory_space<vmem>>, vector<16xf32>,
      %get3A_1296 = arith.constant 31 : i32
      %get3A_1297 = arith.index_cast %get3A_1296 : i32 to index
      %get3A_1298 = arith.constant 1008 : index
      %get3A_1299 = tpu.vector_load %arg6[%get3A_1297, %get3A_1298] {strides = array<i32>} : memref<50x1024xf32, #tpu.memory_space<vmem>>, vector<16xf32>,
      %mul3A_1300 = arith.mulf %get3A_1295, %get3A_1299 : vector<16xf32>
      %lt3A_1301 = arith.constant 0 : i32
      %lt3A_1302 = vector.broadcast %lt3A_1301 : i32 to vector<16xi32>
      %lt3A_1303 = arith.cmpi slt, %select_n3A_70, %lt3A_1302 : vector<16xi32>
      %add3A_1304 = arith.constant 16 : i32
      %add3A_1305 = vector.broadcast %add3A_1304 : i32 to vector<16xi32>
      %add3A_1306 = arith.addi %select_n3A_70, %add3A_1305 : vector<16xi32>
      %select_n3A_1307 = arith.select %lt3A_1303, %add3A_1306, %select_n3A_70 : vector<16xi1>, vector<16xi32>
      %broadcast_in_dim3A_1308 = vector.shape_cast %select_n3A_1307 : vector<16xi32> to vector<16x1xi32>
      %gather3A_1309 = vector.shape_cast %broadcast_in_dim3A_1308 : vector<16x1xi32> to vector<16xi32>
      %gather3A_1310 = tpu.dynamic_gather %mul3A_1300[%gather3A_1309] in [0] : vector<16xf32>, vector<16xi32> -> vector<16xf32>
      %get3A_1311 = arith.constant 31 : i32
      %get3A_1312 = arith.index_cast %get3A_1311 : i32 to index
      %get3A_1313 = arith.constant 1007 : index
      %get3A_1314 = tpu.vector_load %arg6[%get3A_1312, %get3A_1313] {strides = array<i32>} : memref<50x1024xf32, #tpu.memory_space<vmem>>, vector<16xf32>,
      %get3A_1315 = arith.constant 32 : i32
      %get3A_1316 = arith.index_cast %get3A_1315 : i32 to index
      %get3A_1317 = arith.constant 1008 : index
      %get3A_1318 = tpu.vector_load %arg6[%get3A_1316, %get3A_1317] {strides = array<i32>} : memref<50x1024xf32, #tpu.memory_space<vmem>>, vector<16xf32>,
      %mul3A_1319 = arith.mulf %get3A_1314, %get3A_1318 : vector<16xf32>
      %lt3A_1320 = arith.constant 0 : i32
      %lt3A_1321 = vector.broadcast %lt3A_1320 : i32 to vector<16xi32>
      %lt3A_1322 = arith.cmpi slt, %select_n3A_70, %lt3A_1321 : vector<16xi32>
      %add3A_1323 = arith.constant 16 : i32
      %add3A_1324 = vector.broadcast %add3A_1323 : i32 to vector<16xi32>
      %add3A_1325 = arith.addi %select_n3A_70, %add3A_1324 : vector<16xi32>
      %select_n3A_1326 = arith.select %lt3A_1322, %add3A_1325, %select_n3A_70 : vector<16xi1>, vector<16xi32>
      %broadcast_in_dim3A_1327 = vector.shape_cast %select_n3A_1326 : vector<16xi32> to vector<16x1xi32>
      %gather3A_1328 = vector.shape_cast %broadcast_in_dim3A_1327 : vector<16x1xi32> to vector<16xi32>
      %gather3A_1329 = tpu.dynamic_gather %mul3A_1319[%gather3A_1328] in [0] : vector<16xf32>, vector<16xi32> -> vector<16xf32>
      %get3A_1330 = arith.constant 32 : i32
      %get3A_1331 = arith.index_cast %get3A_1330 : i32 to index
      %get3A_1332 = arith.constant 1007 : index
      %get3A_1333 = tpu.vector_load %arg6[%get3A_1331, %get3A_1332] {strides = array<i32>} : memref<50x1024xf32, #tpu.memory_space<vmem>>, vector<16xf32>,
      %get3A_1334 = arith.constant 33 : i32
      %get3A_1335 = arith.index_cast %get3A_1334 : i32 to index
      %get3A_1336 = arith.constant 1008 : index
      %get3A_1337 = tpu.vector_load %arg6[%get3A_1335, %get3A_1336] {strides = array<i32>} : memref<50x1024xf32, #tpu.memory_space<vmem>>, vector<16xf32>,
      %mul3A_1338 = arith.mulf %get3A_1333, %get3A_1337 : vector<16xf32>
      %lt3A_1339 = arith.constant 0 : i32
      %lt3A_1340 = vector.broadcast %lt3A_1339 : i32 to vector<16xi32>
      %lt3A_1341 = arith.cmpi slt, %select_n3A_70, %lt3A_1340 : vector<16xi32>
      %add3A_1342 = arith.constant 16 : i32
      %add3A_1343 = vector.broadcast %add3A_1342 : i32 to vector<16xi32>
      %add3A_1344 = arith.addi %select_n3A_70, %add3A_1343 : vector<16xi32>
      %select_n3A_1345 = arith.select %lt3A_1341, %add3A_1344, %select_n3A_70 : vector<16xi1>, vector<16xi32>
      %broadcast_in_dim3A_1346 = vector.shape_cast %select_n3A_1345 : vector<16xi32> to vector<16x1xi32>
      %gather3A_1347 = vector.shape_cast %broadcast_in_dim3A_1346 : vector<16x1xi32> to vector<16xi32>
      %gather3A_1348 = tpu.dynamic_gather %mul3A_1338[%gather3A_1347] in [0] : vector<16xf32>, vector<16xi32> -> vector<16xf32>
      %get3A_1349 = arith.constant 33 : i32
      %get3A_1350 = arith.index_cast %get3A_1349 : i32 to index
      %get3A_1351 = arith.constant 1007 : index
      %get3A_1352 = tpu.vector_load %arg6[%get3A_1350, %get3A_1351] {strides = array<i32>} : memref<50x1024xf32, #tpu.memory_space<vmem>>, vector<16xf32>,
      %get3A_1353 = arith.constant 34 : i32
      %get3A_1354 = arith.index_cast %get3A_1353 : i32 to index
      %get3A_1355 = arith.constant 1008 : index
      %get3A_1356 = tpu.vector_load %arg6[%get3A_1354, %get3A_1355] {strides = array<i32>} : memref<50x1024xf32, #tpu.memory_space<vmem>>, vector<16xf32>,
      %mul3A_1357 = arith.mulf %get3A_1352, %get3A_1356 : vector<16xf32>
      %lt3A_1358 = arith.constant 0 : i32
      %lt3A_1359 = vector.broadcast %lt3A_1358 : i32 to vector<16xi32>
      %lt3A_1360 = arith.cmpi slt, %select_n3A_70, %lt3A_1359 : vector<16xi32>
      %add3A_1361 = arith.constant 16 : i32
      %add3A_1362 = vector.broadcast %add3A_1361 : i32 to vector<16xi32>
      %add3A_1363 = arith.addi %select_n3A_70, %add3A_1362 : vector<16xi32>
      %select_n3A_1364 = arith.select %lt3A_1360, %add3A_1363, %select_n3A_70 : vector<16xi1>, vector<16xi32>
      %broadcast_in_dim3A_1365 = vector.shape_cast %select_n3A_1364 : vector<16xi32> to vector<16x1xi32>
      %gather3A_1366 = vector.shape_cast %broadcast_in_dim3A_1365 : vector<16x1xi32> to vector<16xi32>
      %gather3A_1367 = tpu.dynamic_gather %mul3A_1357[%gather3A_1366] in [0] : vector<16xf32>, vector<16xi32> -> vector<16xf32>
      %get3A_1368 = arith.constant 34 : i32
      %get3A_1369 = arith.index_cast %get3A_1368 : i32 to index
      %get3A_1370 = arith.constant 1007 : index
      %get3A_1371 = tpu.vector_load %arg6[%get3A_1369, %get3A_1370] {strides = array<i32>} : memref<50x1024xf32, #tpu.memory_space<vmem>>, vector<16xf32>,
      %get3A_1372 = arith.constant 35 : i32
      %get3A_1373 = arith.index_cast %get3A_1372 : i32 to index
      %get3A_1374 = arith.constant 1008 : index
      %get3A_1375 = tpu.vector_load %arg6[%get3A_1373, %get3A_1374] {strides = array<i32>} : memref<50x1024xf32, #tpu.memory_space<vmem>>, vector<16xf32>,
      %mul3A_1376 = arith.mulf %get3A_1371, %get3A_1375 : vector<16xf32>
      %lt3A_1377 = arith.constant 0 : i32
      %lt3A_1378 = vector.broadcast %lt3A_1377 : i32 to vector<16xi32>
      %lt3A_1379 = arith.cmpi slt, %select_n3A_70, %lt3A_1378 : vector<16xi32>
      %add3A_1380 = arith.constant 16 : i32
      %add3A_1381 = vector.broadcast %add3A_1380 : i32 to vector<16xi32>
      %add3A_1382 = arith.addi %select_n3A_70, %add3A_1381 : vector<16xi32>
      %select_n3A_1383 = arith.select %lt3A_1379, %add3A_1382, %select_n3A_70 : vector<16xi1>, vector<16xi32>
      %broadcast_in_dim3A_1384 = vector.shape_cast %select_n3A_1383 : vector<16xi32> to vector<16x1xi32>
      %gather3A_1385 = vector.shape_cast %broadcast_in_dim3A_1384 : vector<16x1xi32> to vector<16xi32>
      %gather3A_1386 = tpu.dynamic_gather %mul3A_1376[%gather3A_1385] in [0] : vector<16xf32>, vector<16xi32> -> vector<16xf32>
      %get3A_1387 = arith.constant 35 : i32
      %get3A_1388 = arith.index_cast %get3A_1387 : i32 to index
      %get3A_1389 = arith.constant 1007 : index
      %get3A_1390 = tpu.vector_load %arg6[%get3A_1388, %get3A_1389] {strides = array<i32>} : memref<50x1024xf32, #tpu.memory_space<vmem>>, vector<16xf32>,
      %get3A_1391 = arith.constant 36 : i32
      %get3A_1392 = arith.index_cast %get3A_1391 : i32 to index
      %get3A_1393 = arith.constant 1008 : index
      %get3A_1394 = tpu.vector_load %arg6[%get3A_1392, %get3A_1393] {strides = array<i32>} : memref<50x1024xf32, #tpu.memory_space<vmem>>, vector<16xf32>,
      %mul3A_1395 = arith.mulf %get3A_1390, %get3A_1394 : vector<16xf32>
      %lt3A_1396 = arith.constant 0 : i32
      %lt3A_1397 = vector.broadcast %lt3A_1396 : i32 to vector<16xi32>
      %lt3A_1398 = arith.cmpi slt, %select_n3A_70, %lt3A_1397 : vector<16xi32>
      %add3A_1399 = arith.constant 16 : i32
      %add3A_1400 = vector.broadcast %add3A_1399 : i32 to vector<16xi32>
      %add3A_1401 = arith.addi %select_n3A_70, %add3A_1400 : vector<16xi32>
      %select_n3A_1402 = arith.select %lt3A_1398, %add3A_1401, %select_n3A_70 : vector<16xi1>, vector<16xi32>
      %broadcast_in_dim3A_1403 = vector.shape_cast %select_n3A_1402 : vector<16xi32> to vector<16x1xi32>
      %gather3A_1404 = vector.shape_cast %broadcast_in_dim3A_1403 : vector<16x1xi32> to vector<16xi32>
      %gather3A_1405 = tpu.dynamic_gather %mul3A_1395[%gather3A_1404] in [0] : vector<16xf32>, vector<16xi32> -> vector<16xf32>
      %get3A_1406 = arith.constant 25 : i32
      %get3A_1407 = arith.index_cast %get3A_1406 : i32 to index
      %get3A_1408 = arith.constant 0 : index
      %get3A_1409 = tpu.vector_load %arg6[%get3A_1407, %get3A_1408] {strides = array<i32>} : memref<50x1024xf32, #tpu.memory_space<vmem>>, vector<16xf32>,
      %get3A_1410 = arith.constant 26 : i32
      %get3A_1411 = arith.index_cast %get3A_1410 : i32 to index
      %get3A_1412 = arith.constant 0 : index
      %get3A_1413 = tpu.vector_load %arg6[%get3A_1411, %get3A_1412] {strides = array<i32>} : memref<50x1024xf32, #tpu.memory_space<vmem>>, vector<16xf32>,
      %get3A_1414 = arith.constant 27 : i32
      %get3A_1415 = arith.index_cast %get3A_1414 : i32 to index
      %get3A_1416 = arith.constant 0 : index
      %get3A_1417 = tpu.vector_load %arg6[%get3A_1415, %get3A_1416] {strides = array<i32>} : memref<50x1024xf32, #tpu.memory_space<vmem>>, vector<16xf32>,
      %get3A_1418 = arith.constant 28 : i32
      %get3A_1419 = arith.index_cast %get3A_1418 : i32 to index
      %get3A_1420 = arith.constant 0 : index
      %get3A_1421 = tpu.vector_load %arg6[%get3A_1419, %get3A_1420] {strides = array<i32>} : memref<50x1024xf32, #tpu.memory_space<vmem>>, vector<16xf32>,
      %get3A_1422 = arith.constant 29 : i32
      %get3A_1423 = arith.index_cast %get3A_1422 : i32 to index
      %get3A_1424 = arith.constant 0 : index
      %get3A_1425 = tpu.vector_load %arg6[%get3A_1423, %get3A_1424] {strides = array<i32>} : memref<50x1024xf32, #tpu.memory_space<vmem>>, vector<16xf32>,
      %get3A_1426 = arith.constant 30 : i32
      %get3A_1427 = arith.index_cast %get3A_1426 : i32 to index
      %get3A_1428 = arith.constant 0 : index
      %get3A_1429 = tpu.vector_load %arg6[%get3A_1427, %get3A_1428] {strides = array<i32>} : memref<50x1024xf32, #tpu.memory_space<vmem>>, vector<16xf32>,
      %get3A_1430 = arith.constant 31 : i32
      %get3A_1431 = arith.index_cast %get3A_1430 : i32 to index
      %get3A_1432 = arith.constant 0 : index
      %get3A_1433 = tpu.vector_load %arg6[%get3A_1431, %get3A_1432] {strides = array<i32>} : memref<50x1024xf32, #tpu.memory_space<vmem>>, vector<16xf32>,
      %get3A_1434 = arith.constant 32 : i32
      %get3A_1435 = arith.index_cast %get3A_1434 : i32 to index
      %get3A_1436 = arith.constant 0 : index
      %get3A_1437 = tpu.vector_load %arg6[%get3A_1435, %get3A_1436] {strides = array<i32>} : memref<50x1024xf32, #tpu.memory_space<vmem>>, vector<16xf32>,
      %get3A_1438 = arith.constant 33 : i32
      %get3A_1439 = arith.index_cast %get3A_1438 : i32 to index
      %get3A_1440 = arith.constant 0 : index
      %get3A_1441 = tpu.vector_load %arg6[%get3A_1439, %get3A_1440] {strides = array<i32>} : memref<50x1024xf32, #tpu.memory_space<vmem>>, vector<16xf32>,
      %get3A_1442 = arith.constant 34 : i32
      %get3A_1443 = arith.index_cast %get3A_1442 : i32 to index
      %get3A_1444 = arith.constant 0 : index
      %get3A_1445 = tpu.vector_load %arg6[%get3A_1443, %get3A_1444] {strides = array<i32>} : memref<50x1024xf32, #tpu.memory_space<vmem>>, vector<16xf32>,
      %get3A_1446 = arith.constant 35 : i32
      %get3A_1447 = arith.index_cast %get3A_1446 : i32 to index
      %get3A_1448 = arith.constant 0 : index
      %get3A_1449 = tpu.vector_load %arg6[%get3A_1447, %get3A_1448] {strides = array<i32>} : memref<50x1024xf32, #tpu.memory_space<vmem>>, vector<16xf32>,
      %get3A_1450 = arith.constant 36 : i32
      %get3A_1451 = arith.index_cast %get3A_1450 : i32 to index
      %get3A_1452 = arith.constant 0 : index
      %get3A_1453 = tpu.vector_load %arg6[%get3A_1451, %get3A_1452] {strides = array<i32>} : memref<50x1024xf32, #tpu.memory_space<vmem>>, vector<16xf32>,
      %get3A_1454 = arith.constant 37 : i32
      %get3A_1455 = arith.index_cast %get3A_1454 : i32 to index
      %get3A_1456 = arith.constant 0 : index
      %get3A_1457 = tpu.vector_load %arg6[%get3A_1455, %get3A_1456] {strides = array<i32>} : memref<50x1024xf32, #tpu.memory_space<vmem>>, vector<16xf32>,
      %get3A_1458 = arith.constant 0 : index
      %get3A_1459 = tpu.vector_load %arg9[%get3A_1458] {strides = array<i32>} : memref<1024xf32, #tpu.memory_space<vmem>>, vector<16xf32>,
      %broadcast_in_dim3A_1460 = arith.constant 24 : i32
      %broadcast_in_dim3A_1461 = vector.broadcast %broadcast_in_dim3A_1460 : i32 to vector<16xi32>
      %gather3A_1462 = tpu.vector_load_idx %arg6[%broadcast_in_dim3A_1461, %select_n3A_45] : memref<50x1024xf32, #tpu.memory_space<vmem>>[vector<16xi32>, vector<16xi32>], vector<16xf32>,
      %mul3A_1463 = arith.mulf %gather3A_1462, %get3A_1409 : vector<16xf32>
      %lt3A_1464 = arith.constant 0 : i32
      %lt3A_1465 = vector.broadcast %lt3A_1464 : i32 to vector<16xi32>
      %lt3A_1466 = arith.cmpi slt, %select_n3A_70, %lt3A_1465 : vector<16xi32>
      %add3A_1467 = arith.constant 16 : i32
      %add3A_1468 = vector.broadcast %add3A_1467 : i32 to vector<16xi32>
      %add3A_1469 = arith.addi %select_n3A_70, %add3A_1468 : vector<16xi32>
      %select_n3A_1470 = arith.select %lt3A_1466, %add3A_1469, %select_n3A_70 : vector<16xi1>, vector<16xi32>
      %broadcast_in_dim3A_1471 = vector.shape_cast %select_n3A_1470 : vector<16xi32> to vector<16x1xi32>
      %gather3A_1472 = vector.shape_cast %broadcast_in_dim3A_1471 : vector<16x1xi32> to vector<16xi32>
      %gather3A_1473 = tpu.dynamic_gather %mul3A_1463[%gather3A_1472] in [0] : vector<16xf32>, vector<16xi32> -> vector<16xf32>
      %eq3A_1474 = arith.constant 0 : i32
      %eq3A_1475 = vector.broadcast %eq3A_1474 : i32 to vector<16xi32>
      %eq3A_1476 = arith.cmpi eq, %iota3A, %eq3A_1475 : vector<16xi32>
      %select_n3A_1477 = arith.select %eq3A_1476, %gather3A_1196, %gather3A_1473 : vector<16xi1>, vector<16xf32>
      %mul3A_1478 = arith.mulf %select_n3A_1477, %get3A_1413 : vector<16xf32>
      %add3A_1479 = arith.addf %get3A_1459, %mul3A_1478 : vector<16xf32>
      %broadcast_in_dim3A_1480 = arith.constant 25 : i32
      %broadcast_in_dim3A_1481 = vector.broadcast %broadcast_in_dim3A_1480 : i32 to vector<16xi32>
      %gather3A_1482 = tpu.vector_load_idx %arg6[%broadcast_in_dim3A_1481, %select_n3A_45] : memref<50x1024xf32, #tpu.memory_space<vmem>>[vector<16xi32>, vector<16xi32>], vector<16xf32>,
      %mul3A_1483 = arith.mulf %gather3A_1482, %get3A_1413 : vector<16xf32>
      %lt3A_1484 = arith.constant 0 : i32
      %lt3A_1485 = vector.broadcast %lt3A_1484 : i32 to vector<16xi32>
      %lt3A_1486 = arith.cmpi slt, %select_n3A_70, %lt3A_1485 : vector<16xi32>
      %add3A_1487 = arith.constant 16 : i32
      %add3A_1488 = vector.broadcast %add3A_1487 : i32 to vector<16xi32>
      %add3A_1489 = arith.addi %select_n3A_70, %add3A_1488 : vector<16xi32>
      %select_n3A_1490 = arith.select %lt3A_1486, %add3A_1489, %select_n3A_70 : vector<16xi1>, vector<16xi32>
      %broadcast_in_dim3A_1491 = vector.shape_cast %select_n3A_1490 : vector<16xi32> to vector<16x1xi32>
      %gather3A_1492 = vector.shape_cast %broadcast_in_dim3A_1491 : vector<16x1xi32> to vector<16xi32>
      %gather3A_1493 = tpu.dynamic_gather %mul3A_1483[%gather3A_1492] in [0] : vector<16xf32>, vector<16xi32> -> vector<16xf32>
      %eq3A_1494 = arith.constant 0 : i32
      %eq3A_1495 = vector.broadcast %eq3A_1494 : i32 to vector<16xi32>
      %eq3A_1496 = arith.cmpi eq, %iota3A, %eq3A_1495 : vector<16xi32>
      %select_n3A_1497 = arith.select %eq3A_1496, %gather3A_1215, %gather3A_1493 : vector<16xi1>, vector<16xf32>
      %mul3A_1498 = arith.mulf %select_n3A_1497, %get3A_1417 : vector<16xf32>
      %broadcast_in_dim3A_1499 = arith.constant 26 : i32
      %broadcast_in_dim3A_1500 = vector.broadcast %broadcast_in_dim3A_1499 : i32 to vector<16xi32>
      %gather3A_1501 = tpu.vector_load_idx %arg6[%broadcast_in_dim3A_1500, %select_n3A_45] : memref<50x1024xf32, #tpu.memory_space<vmem>>[vector<16xi32>, vector<16xi32>], vector<16xf32>,
      %mul3A_1502 = arith.mulf %gather3A_1501, %get3A_1417 : vector<16xf32>
      %lt3A_1503 = arith.constant 0 : i32
      %lt3A_1504 = vector.broadcast %lt3A_1503 : i32 to vector<16xi32>
      %lt3A_1505 = arith.cmpi slt, %select_n3A_70, %lt3A_1504 : vector<16xi32>
      %add3A_1506 = arith.constant 16 : i32
      %add3A_1507 = vector.broadcast %add3A_1506 : i32 to vector<16xi32>
      %add3A_1508 = arith.addi %select_n3A_70, %add3A_1507 : vector<16xi32>
      %select_n3A_1509 = arith.select %lt3A_1505, %add3A_1508, %select_n3A_70 : vector<16xi1>, vector<16xi32>
      %broadcast_in_dim3A_1510 = vector.shape_cast %select_n3A_1509 : vector<16xi32> to vector<16x1xi32>
      %gather3A_1511 = vector.shape_cast %broadcast_in_dim3A_1510 : vector<16x1xi32> to vector<16xi32>
      %gather3A_1512 = tpu.dynamic_gather %mul3A_1502[%gather3A_1511] in [0] : vector<16xf32>, vector<16xi32> -> vector<16xf32>
      %eq3A_1513 = arith.constant 0 : i32
      %eq3A_1514 = vector.broadcast %eq3A_1513 : i32 to vector<16xi32>
      %eq3A_1515 = arith.cmpi eq, %iota3A, %eq3A_1514 : vector<16xi32>
      %select_n3A_1516 = arith.select %eq3A_1515, %gather3A_1234, %gather3A_1512 : vector<16xi1>, vector<16xf32>
      %mul3A_1517 = arith.mulf %select_n3A_1516, %get3A_1421 : vector<16xf32>
      %broadcast_in_dim3A_1518 = arith.constant 27 : i32
      %broadcast_in_dim3A_1519 = vector.broadcast %broadcast_in_dim3A_1518 : i32 to vector<16xi32>
      %gather3A_1520 = tpu.vector_load_idx %arg6[%broadcast_in_dim3A_1519, %select_n3A_45] : memref<50x1024xf32, #tpu.memory_space<vmem>>[vector<16xi32>, vector<16xi32>], vector<16xf32>,
      %mul3A_1521 = arith.mulf %gather3A_1520, %get3A_1421 : vector<16xf32>
      %lt3A_1522 = arith.constant 0 : i32
      %lt3A_1523 = vector.broadcast %lt3A_1522 : i32 to vector<16xi32>
      %lt3A_1524 = arith.cmpi slt, %select_n3A_70, %lt3A_1523 : vector<16xi32>
      %add3A_1525 = arith.constant 16 : i32
      %add3A_1526 = vector.broadcast %add3A_1525 : i32 to vector<16xi32>
      %add3A_1527 = arith.addi %select_n3A_70, %add3A_1526 : vector<16xi32>
      %select_n3A_1528 = arith.select %lt3A_1524, %add3A_1527, %select_n3A_70 : vector<16xi1>, vector<16xi32>
      %broadcast_in_dim3A_1529 = vector.shape_cast %select_n3A_1528 : vector<16xi32> to vector<16x1xi32>
      %gather3A_1530 = vector.shape_cast %broadcast_in_dim3A_1529 : vector<16x1xi32> to vector<16xi32>
      %gather3A_1531 = tpu.dynamic_gather %mul3A_1521[%gather3A_1530] in [0] : vector<16xf32>, vector<16xi32> -> vector<16xf32>
      %eq3A_1532 = arith.constant 0 : i32
      %eq3A_1533 = vector.broadcast %eq3A_1532 : i32 to vector<16xi32>
      %eq3A_1534 = arith.cmpi eq, %iota3A, %eq3A_1533 : vector<16xi32>
      %select_n3A_1535 = arith.select %eq3A_1534, %gather3A_1253, %gather3A_1531 : vector<16xi1>, vector<16xf32>
      %mul3A_1536 = arith.mulf %select_n3A_1535, %get3A_1425 : vector<16xf32>
      %add3A_1537 = arith.addf %add3A_1479, %mul3A_1536 : vector<16xf32>
      %broadcast_in_dim3A_1538 = arith.constant 28 : i32
      %broadcast_in_dim3A_1539 = vector.broadcast %broadcast_in_dim3A_1538 : i32 to vector<16xi32>
      %gather3A_1540 = tpu.vector_load_idx %arg6[%broadcast_in_dim3A_1539, %select_n3A_45] : memref<50x1024xf32, #tpu.memory_space<vmem>>[vector<16xi32>, vector<16xi32>], vector<16xf32>,
      %mul3A_1541 = arith.mulf %gather3A_1540, %get3A_1425 : vector<16xf32>
      %lt3A_1542 = arith.constant 0 : i32
      %lt3A_1543 = vector.broadcast %lt3A_1542 : i32 to vector<16xi32>
      %lt3A_1544 = arith.cmpi slt, %select_n3A_70, %lt3A_1543 : vector<16xi32>
      %add3A_1545 = arith.constant 16 : i32
      %add3A_1546 = vector.broadcast %add3A_1545 : i32 to vector<16xi32>
      %add3A_1547 = arith.addi %select_n3A_70, %add3A_1546 : vector<16xi32>
      %select_n3A_1548 = arith.select %lt3A_1544, %add3A_1547, %select_n3A_70 : vector<16xi1>, vector<16xi32>
      %broadcast_in_dim3A_1549 = vector.shape_cast %select_n3A_1548 : vector<16xi32> to vector<16x1xi32>
      %gather3A_1550 = vector.shape_cast %broadcast_in_dim3A_1549 : vector<16x1xi32> to vector<16xi32>
      %gather3A_1551 = tpu.dynamic_gather %mul3A_1541[%gather3A_1550] in [0] : vector<16xf32>, vector<16xi32> -> vector<16xf32>
      %eq3A_1552 = arith.constant 0 : i32
      %eq3A_1553 = vector.broadcast %eq3A_1552 : i32 to vector<16xi32>
      %eq3A_1554 = arith.cmpi eq, %iota3A, %eq3A_1553 : vector<16xi32>
      %select_n3A_1555 = arith.select %eq3A_1554, %gather3A_1272, %gather3A_1551 : vector<16xi1>, vector<16xf32>
      %mul3A_1556 = arith.mulf %select_n3A_1555, %get3A_1429 : vector<16xf32>
      %add3A_1557 = arith.addf %mul3A_1498, %mul3A_1556 : vector<16xf32>
      %broadcast_in_dim3A_1558 = arith.constant 29 : i32
      %broadcast_in_dim3A_1559 = vector.broadcast %broadcast_in_dim3A_1558 : i32 to vector<16xi32>
      %gather3A_1560 = tpu.vector_load_idx %arg6[%broadcast_in_dim3A_1559, %select_n3A_45] : memref<50x1024xf32, #tpu.memory_space<vmem>>[vector<16xi32>, vector<16xi32>], vector<16xf32>,
      %mul3A_1561 = arith.mulf %gather3A_1560, %get3A_1429 : vector<16xf32>
      %lt3A_1562 = arith.constant 0 : i32
      %lt3A_1563 = vector.broadcast %lt3A_1562 : i32 to vector<16xi32>
      %lt3A_1564 = arith.cmpi slt, %select_n3A_70, %lt3A_1563 : vector<16xi32>
      %add3A_1565 = arith.constant 16 : i32
      %add3A_1566 = vector.broadcast %add3A_1565 : i32 to vector<16xi32>
      %add3A_1567 = arith.addi %select_n3A_70, %add3A_1566 : vector<16xi32>
      %select_n3A_1568 = arith.select %lt3A_1564, %add3A_1567, %select_n3A_70 : vector<16xi1>, vector<16xi32>
      %broadcast_in_dim3A_1569 = vector.shape_cast %select_n3A_1568 : vector<16xi32> to vector<16x1xi32>
      %gather3A_1570 = vector.shape_cast %broadcast_in_dim3A_1569 : vector<16x1xi32> to vector<16xi32>
      %gather3A_1571 = tpu.dynamic_gather %mul3A_1561[%gather3A_1570] in [0] : vector<16xf32>, vector<16xi32> -> vector<16xf32>
      %eq3A_1572 = arith.constant 0 : i32
      %eq3A_1573 = vector.broadcast %eq3A_1572 : i32 to vector<16xi32>
      %eq3A_1574 = arith.cmpi eq, %iota3A, %eq3A_1573 : vector<16xi32>
      %select_n3A_1575 = arith.select %eq3A_1574, %gather3A_1291, %gather3A_1571 : vector<16xi1>, vector<16xf32>
      %mul3A_1576 = arith.mulf %select_n3A_1575, %get3A_1433 : vector<16xf32>
      %add3A_1577 = arith.addf %mul3A_1517, %mul3A_1576 : vector<16xf32>
      %broadcast_in_dim3A_1578 = arith.constant 30 : i32
      %broadcast_in_dim3A_1579 = vector.broadcast %broadcast_in_dim3A_1578 : i32 to vector<16xi32>
      %gather3A_1580 = tpu.vector_load_idx %arg6[%broadcast_in_dim3A_1579, %select_n3A_45] : memref<50x1024xf32, #tpu.memory_space<vmem>>[vector<16xi32>, vector<16xi32>], vector<16xf32>,
      %mul3A_1581 = arith.mulf %gather3A_1580, %get3A_1433 : vector<16xf32>
      %lt3A_1582 = arith.constant 0 : i32
      %lt3A_1583 = vector.broadcast %lt3A_1582 : i32 to vector<16xi32>
      %lt3A_1584 = arith.cmpi slt, %select_n3A_70, %lt3A_1583 : vector<16xi32>
      %add3A_1585 = arith.constant 16 : i32
      %add3A_1586 = vector.broadcast %add3A_1585 : i32 to vector<16xi32>
      %add3A_1587 = arith.addi %select_n3A_70, %add3A_1586 : vector<16xi32>
      %select_n3A_1588 = arith.select %lt3A_1584, %add3A_1587, %select_n3A_70 : vector<16xi1>, vector<16xi32>
      %broadcast_in_dim3A_1589 = vector.shape_cast %select_n3A_1588 : vector<16xi32> to vector<16x1xi32>
      %gather3A_1590 = vector.shape_cast %broadcast_in_dim3A_1589 : vector<16x1xi32> to vector<16xi32>
      %gather3A_1591 = tpu.dynamic_gather %mul3A_1581[%gather3A_1590] in [0] : vector<16xf32>, vector<16xi32> -> vector<16xf32>
      %eq3A_1592 = arith.constant 0 : i32
      %eq3A_1593 = vector.broadcast %eq3A_1592 : i32 to vector<16xi32>
      %eq3A_1594 = arith.cmpi eq, %iota3A, %eq3A_1593 : vector<16xi32>
      %select_n3A_1595 = arith.select %eq3A_1594, %gather3A_1310, %gather3A_1591 : vector<16xi1>, vector<16xf32>
      %mul3A_1596 = arith.mulf %select_n3A_1595, %get3A_1437 : vector<16xf32>
      %add3A_1597 = arith.addf %add3A_1537, %mul3A_1596 : vector<16xf32>
      %broadcast_in_dim3A_1598 = arith.constant 31 : i32
      %broadcast_in_dim3A_1599 = vector.broadcast %broadcast_in_dim3A_1598 : i32 to vector<16xi32>
      %gather3A_1600 = tpu.vector_load_idx %arg6[%broadcast_in_dim3A_1599, %select_n3A_45] : memref<50x1024xf32, #tpu.memory_space<vmem>>[vector<16xi32>, vector<16xi32>], vector<16xf32>,
      %mul3A_1601 = arith.mulf %gather3A_1600, %get3A_1437 : vector<16xf32>
      %lt3A_1602 = arith.constant 0 : i32
      %lt3A_1603 = vector.broadcast %lt3A_1602 : i32 to vector<16xi32>
      %lt3A_1604 = arith.cmpi slt, %select_n3A_70, %lt3A_1603 : vector<16xi32>
      %add3A_1605 = arith.constant 16 : i32
      %add3A_1606 = vector.broadcast %add3A_1605 : i32 to vector<16xi32>
      %add3A_1607 = arith.addi %select_n3A_70, %add3A_1606 : vector<16xi32>
      %select_n3A_1608 = arith.select %lt3A_1604, %add3A_1607, %select_n3A_70 : vector<16xi1>, vector<16xi32>
      %broadcast_in_dim3A_1609 = vector.shape_cast %select_n3A_1608 : vector<16xi32> to vector<16x1xi32>
      %gather3A_1610 = vector.shape_cast %broadcast_in_dim3A_1609 : vector<16x1xi32> to vector<16xi32>
      %gather3A_1611 = tpu.dynamic_gather %mul3A_1601[%gather3A_1610] in [0] : vector<16xf32>, vector<16xi32> -> vector<16xf32>
      %eq3A_1612 = arith.constant 0 : i32
      %eq3A_1613 = vector.broadcast %eq3A_1612 : i32 to vector<16xi32>
      %eq3A_1614 = arith.cmpi eq, %iota3A, %eq3A_1613 : vector<16xi32>
      %select_n3A_1615 = arith.select %eq3A_1614, %gather3A_1329, %gather3A_1611 : vector<16xi1>, vector<16xf32>
      %mul3A_1616 = arith.mulf %select_n3A_1615, %get3A_1441 : vector<16xf32>
      %add3A_1617 = arith.addf %add3A_1557, %mul3A_1616 : vector<16xf32>
      %broadcast_in_dim3A_1618 = arith.constant 32 : i32
      %broadcast_in_dim3A_1619 = vector.broadcast %broadcast_in_dim3A_1618 : i32 to vector<16xi32>
      %gather3A_1620 = tpu.vector_load_idx %arg6[%broadcast_in_dim3A_1619, %select_n3A_45] : memref<50x1024xf32, #tpu.memory_space<vmem>>[vector<16xi32>, vector<16xi32>], vector<16xf32>,
      %mul3A_1621 = arith.mulf %gather3A_1620, %get3A_1441 : vector<16xf32>
      %lt3A_1622 = arith.constant 0 : i32
      %lt3A_1623 = vector.broadcast %lt3A_1622 : i32 to vector<16xi32>
      %lt3A_1624 = arith.cmpi slt, %select_n3A_70, %lt3A_1623 : vector<16xi32>
      %add3A_1625 = arith.constant 16 : i32
      %add3A_1626 = vector.broadcast %add3A_1625 : i32 to vector<16xi32>
      %add3A_1627 = arith.addi %select_n3A_70, %add3A_1626 : vector<16xi32>
      %select_n3A_1628 = arith.select %lt3A_1624, %add3A_1627, %select_n3A_70 : vector<16xi1>, vector<16xi32>
      %broadcast_in_dim3A_1629 = vector.shape_cast %select_n3A_1628 : vector<16xi32> to vector<16x1xi32>
      %gather3A_1630 = vector.shape_cast %broadcast_in_dim3A_1629 : vector<16x1xi32> to vector<16xi32>
      %gather3A_1631 = tpu.dynamic_gather %mul3A_1621[%gather3A_1630] in [0] : vector<16xf32>, vector<16xi32> -> vector<16xf32>
      %eq3A_1632 = arith.constant 0 : i32
      %eq3A_1633 = vector.broadcast %eq3A_1632 : i32 to vector<16xi32>
      %eq3A_1634 = arith.cmpi eq, %iota3A, %eq3A_1633 : vector<16xi32>
      %select_n3A_1635 = arith.select %eq3A_1634, %gather3A_1348, %gather3A_1631 : vector<16xi1>, vector<16xf32>
      %mul3A_1636 = arith.mulf %select_n3A_1635, %get3A_1445 : vector<16xf32>
      %add3A_1637 = arith.addf %add3A_1577, %mul3A_1636 : vector<16xf32>
      %broadcast_in_dim3A_1638 = arith.constant 33 : i32
      %broadcast_in_dim3A_1639 = vector.broadcast %broadcast_in_dim3A_1638 : i32 to vector<16xi32>
      %gather3A_1640 = tpu.vector_load_idx %arg6[%broadcast_in_dim3A_1639, %select_n3A_45] : memref<50x1024xf32, #tpu.memory_space<vmem>>[vector<16xi32>, vector<16xi32>], vector<16xf32>,
      %mul3A_1641 = arith.mulf %gather3A_1640, %get3A_1445 : vector<16xf32>
      %lt3A_1642 = arith.constant 0 : i32
      %lt3A_1643 = vector.broadcast %lt3A_1642 : i32 to vector<16xi32>
      %lt3A_1644 = arith.cmpi slt, %select_n3A_70, %lt3A_1643 : vector<16xi32>
      %add3A_1645 = arith.constant 16 : i32
      %add3A_1646 = vector.broadcast %add3A_1645 : i32 to vector<16xi32>
      %add3A_1647 = arith.addi %select_n3A_70, %add3A_1646 : vector<16xi32>
      %select_n3A_1648 = arith.select %lt3A_1644, %add3A_1647, %select_n3A_70 : vector<16xi1>, vector<16xi32>
      %broadcast_in_dim3A_1649 = vector.shape_cast %select_n3A_1648 : vector<16xi32> to vector<16x1xi32>
      %gather3A_1650 = vector.shape_cast %broadcast_in_dim3A_1649 : vector<16x1xi32> to vector<16xi32>
      %gather3A_1651 = tpu.dynamic_gather %mul3A_1641[%gather3A_1650] in [0] : vector<16xf32>, vector<16xi32> -> vector<16xf32>
      %eq3A_1652 = arith.constant 0 : i32
      %eq3A_1653 = vector.broadcast %eq3A_1652 : i32 to vector<16xi32>
      %eq3A_1654 = arith.cmpi eq, %iota3A, %eq3A_1653 : vector<16xi32>
      %select_n3A_1655 = arith.select %eq3A_1654, %gather3A_1367, %gather3A_1651 : vector<16xi1>, vector<16xf32>
      %mul3A_1656 = arith.mulf %select_n3A_1655, %get3A_1449 : vector<16xf32>
      %add3A_1657 = arith.addf %add3A_1597, %mul3A_1656 : vector<16xf32>
      %broadcast_in_dim3A_1658 = arith.constant 34 : i32
      %broadcast_in_dim3A_1659 = vector.broadcast %broadcast_in_dim3A_1658 : i32 to vector<16xi32>
      %gather3A_1660 = tpu.vector_load_idx %arg6[%broadcast_in_dim3A_1659, %select_n3A_45] : memref<50x1024xf32, #tpu.memory_space<vmem>>[vector<16xi32>, vector<16xi32>], vector<16xf32>,
      %mul3A_1661 = arith.mulf %gather3A_1660, %get3A_1449 : vector<16xf32>
      %lt3A_1662 = arith.constant 0 : i32
      %lt3A_1663 = vector.broadcast %lt3A_1662 : i32 to vector<16xi32>
      %lt3A_1664 = arith.cmpi slt, %select_n3A_70, %lt3A_1663 : vector<16xi32>
      %add3A_1665 = arith.constant 16 : i32
      %add3A_1666 = vector.broadcast %add3A_1665 : i32 to vector<16xi32>
      %add3A_1667 = arith.addi %select_n3A_70, %add3A_1666 : vector<16xi32>
      %select_n3A_1668 = arith.select %lt3A_1664, %add3A_1667, %select_n3A_70 : vector<16xi1>, vector<16xi32>
      %broadcast_in_dim3A_1669 = vector.shape_cast %select_n3A_1668 : vector<16xi32> to vector<16x1xi32>
      %gather3A_1670 = vector.shape_cast %broadcast_in_dim3A_1669 : vector<16x1xi32> to vector<16xi32>
      %gather3A_1671 = tpu.dynamic_gather %mul3A_1661[%gather3A_1670] in [0] : vector<16xf32>, vector<16xi32> -> vector<16xf32>
      %eq3A_1672 = arith.constant 0 : i32
      %eq3A_1673 = vector.broadcast %eq3A_1672 : i32 to vector<16xi32>
      %eq3A_1674 = arith.cmpi eq, %iota3A, %eq3A_1673 : vector<16xi32>
      %select_n3A_1675 = arith.select %eq3A_1674, %gather3A_1386, %gather3A_1671 : vector<16xi1>, vector<16xf32>
      %mul3A_1676 = arith.mulf %select_n3A_1675, %get3A_1453 : vector<16xf32>
      %add3A_1677 = arith.addf %add3A_1617, %mul3A_1676 : vector<16xf32>
      %broadcast_in_dim3A_1678 = arith.constant 35 : i32
      %broadcast_in_dim3A_1679 = vector.broadcast %broadcast_in_dim3A_1678 : i32 to vector<16xi32>
      %gather3A_1680 = tpu.vector_load_idx %arg6[%broadcast_in_dim3A_1679, %select_n3A_45] : memref<50x1024xf32, #tpu.memory_space<vmem>>[vector<16xi32>, vector<16xi32>], vector<16xf32>,
      %mul3A_1681 = arith.mulf %gather3A_1680, %get3A_1453 : vector<16xf32>
      %lt3A_1682 = arith.constant 0 : i32
      %lt3A_1683 = vector.broadcast %lt3A_1682 : i32 to vector<16xi32>
      %lt3A_1684 = arith.cmpi slt, %select_n3A_70, %lt3A_1683 : vector<16xi32>
      %add3A_1685 = arith.constant 16 : i32
      %add3A_1686 = vector.broadcast %add3A_1685 : i32 to vector<16xi32>
      %add3A_1687 = arith.addi %select_n3A_70, %add3A_1686 : vector<16xi32>
      %select_n3A_1688 = arith.select %lt3A_1684, %add3A_1687, %select_n3A_70 : vector<16xi1>, vector<16xi32>
      %broadcast_in_dim3A_1689 = vector.shape_cast %select_n3A_1688 : vector<16xi32> to vector<16x1xi32>
      %gather3A_1690 = vector.shape_cast %broadcast_in_dim3A_1689 : vector<16x1xi32> to vector<16xi32>
      %gather3A_1691 = tpu.dynamic_gather %mul3A_1681[%gather3A_1690] in [0] : vector<16xf32>, vector<16xi32> -> vector<16xf32>
      %eq3A_1692 = arith.constant 0 : i32
      %eq3A_1693 = vector.broadcast %eq3A_1692 : i32 to vector<16xi32>
      %eq3A_1694 = arith.cmpi eq, %iota3A, %eq3A_1693 : vector<16xi32>
      %select_n3A_1695 = arith.select %eq3A_1694, %gather3A_1405, %gather3A_1691 : vector<16xi1>, vector<16xf32>
      %mul3A_1696 = arith.mulf %select_n3A_1695, %get3A_1457 : vector<16xf32>
      %add3A_1697 = arith.addf %add3A_1637, %mul3A_1696 : vector<16xf32>
      %add3A_1698 = arith.addf %add3A_1657, %add3A_1677 : vector<16xf32>
      %add3A_1699 = arith.addf %add3A_1698, %add3A_1697 : vector<16xf32>
      %swap3A_1700 = arith.constant 0 : index
      %swap3A_1701 = tpu.vector_load %arg9[%swap3A_1700] {strides = array<i32>} : memref<1024xf32, #tpu.memory_space<vmem>>, vector<16xf32>,
      tpu.vector_store %arg9[%swap3A_1700], %add3A_1699 {strides = array<i32>} : memref<1024xf32, #tpu.memory_space<vmem>>, vector<16xf32>,
      %get3A_1702 = arith.constant 36 : i32
      %get3A_1703 = arith.index_cast %get3A_1702 : i32 to index
      %get3A_1704 = arith.constant 1007 : index
      %get3A_1705 = tpu.vector_load %arg6[%get3A_1703, %get3A_1704] {strides = array<i32>} : memref<50x1024xf32, #tpu.memory_space<vmem>>, vector<16xf32>,
      %get3A_1706 = arith.constant 37 : i32
      %get3A_1707 = arith.index_cast %get3A_1706 : i32 to index
      %get3A_1708 = arith.constant 1008 : index
      %get3A_1709 = tpu.vector_load %arg6[%get3A_1707, %get3A_1708] {strides = array<i32>} : memref<50x1024xf32, #tpu.memory_space<vmem>>, vector<16xf32>,
      %mul3A_1710 = arith.mulf %get3A_1705, %get3A_1709 : vector<16xf32>
      %lt3A_1711 = arith.constant 0 : i32
      %lt3A_1712 = vector.broadcast %lt3A_1711 : i32 to vector<16xi32>
      %lt3A_1713 = arith.cmpi slt, %select_n3A_70, %lt3A_1712 : vector<16xi32>
      %add3A_1714 = arith.constant 16 : i32
      %add3A_1715 = vector.broadcast %add3A_1714 : i32 to vector<16xi32>
      %add3A_1716 = arith.addi %select_n3A_70, %add3A_1715 : vector<16xi32>
      %select_n3A_1717 = arith.select %lt3A_1713, %add3A_1716, %select_n3A_70 : vector<16xi1>, vector<16xi32>
      %broadcast_in_dim3A_1718 = vector.shape_cast %select_n3A_1717 : vector<16xi32> to vector<16x1xi32>
      %gather3A_1719 = vector.shape_cast %broadcast_in_dim3A_1718 : vector<16x1xi32> to vector<16xi32>
      %gather3A_1720 = tpu.dynamic_gather %mul3A_1710[%gather3A_1719] in [0] : vector<16xf32>, vector<16xi32> -> vector<16xf32>
      %get3A_1721 = arith.constant 37 : i32
      %get3A_1722 = arith.index_cast %get3A_1721 : i32 to index
      %get3A_1723 = arith.constant 1007 : index
      %get3A_1724 = tpu.vector_load %arg6[%get3A_1722, %get3A_1723] {strides = array<i32>} : memref<50x1024xf32, #tpu.memory_space<vmem>>, vector<16xf32>,
      %get3A_1725 = arith.constant 38 : i32
      %get3A_1726 = arith.index_cast %get3A_1725 : i32 to index
      %get3A_1727 = arith.constant 1008 : index
      %get3A_1728 = tpu.vector_load %arg6[%get3A_1726, %get3A_1727] {strides = array<i32>} : memref<50x1024xf32, #tpu.memory_space<vmem>>, vector<16xf32>,
      %mul3A_1729 = arith.mulf %get3A_1724, %get3A_1728 : vector<16xf32>
      %lt3A_1730 = arith.constant 0 : i32
      %lt3A_1731 = vector.broadcast %lt3A_1730 : i32 to vector<16xi32>
      %lt3A_1732 = arith.cmpi slt, %select_n3A_70, %lt3A_1731 : vector<16xi32>
      %add3A_1733 = arith.constant 16 : i32
      %add3A_1734 = vector.broadcast %add3A_1733 : i32 to vector<16xi32>
      %add3A_1735 = arith.addi %select_n3A_70, %add3A_1734 : vector<16xi32>
      %select_n3A_1736 = arith.select %lt3A_1732, %add3A_1735, %select_n3A_70 : vector<16xi1>, vector<16xi32>
      %broadcast_in_dim3A_1737 = vector.shape_cast %select_n3A_1736 : vector<16xi32> to vector<16x1xi32>
      %gather3A_1738 = vector.shape_cast %broadcast_in_dim3A_1737 : vector<16x1xi32> to vector<16xi32>
      %gather3A_1739 = tpu.dynamic_gather %mul3A_1729[%gather3A_1738] in [0] : vector<16xf32>, vector<16xi32> -> vector<16xf32>
      %get3A_1740 = arith.constant 38 : i32
      %get3A_1741 = arith.index_cast %get3A_1740 : i32 to index
      %get3A_1742 = arith.constant 1007 : index
      %get3A_1743 = tpu.vector_load %arg6[%get3A_1741, %get3A_1742] {strides = array<i32>} : memref<50x1024xf32, #tpu.memory_space<vmem>>, vector<16xf32>,
      %get3A_1744 = arith.constant 39 : i32
      %get3A_1745 = arith.index_cast %get3A_1744 : i32 to index
      %get3A_1746 = arith.constant 1008 : index
      %get3A_1747 = tpu.vector_load %arg6[%get3A_1745, %get3A_1746] {strides = array<i32>} : memref<50x1024xf32, #tpu.memory_space<vmem>>, vector<16xf32>,
      %mul3A_1748 = arith.mulf %get3A_1743, %get3A_1747 : vector<16xf32>
      %lt3A_1749 = arith.constant 0 : i32
      %lt3A_1750 = vector.broadcast %lt3A_1749 : i32 to vector<16xi32>
      %lt3A_1751 = arith.cmpi slt, %select_n3A_70, %lt3A_1750 : vector<16xi32>
      %add3A_1752 = arith.constant 16 : i32
      %add3A_1753 = vector.broadcast %add3A_1752 : i32 to vector<16xi32>
      %add3A_1754 = arith.addi %select_n3A_70, %add3A_1753 : vector<16xi32>
      %select_n3A_1755 = arith.select %lt3A_1751, %add3A_1754, %select_n3A_70 : vector<16xi1>, vector<16xi32>
      %broadcast_in_dim3A_1756 = vector.shape_cast %select_n3A_1755 : vector<16xi32> to vector<16x1xi32>
      %gather3A_1757 = vector.shape_cast %broadcast_in_dim3A_1756 : vector<16x1xi32> to vector<16xi32>
      %gather3A_1758 = tpu.dynamic_gather %mul3A_1748[%gather3A_1757] in [0] : vector<16xf32>, vector<16xi32> -> vector<16xf32>
      %get3A_1759 = arith.constant 39 : i32
      %get3A_1760 = arith.index_cast %get3A_1759 : i32 to index
      %get3A_1761 = arith.constant 1007 : index
      %get3A_1762 = tpu.vector_load %arg6[%get3A_1760, %get3A_1761] {strides = array<i32>} : memref<50x1024xf32, #tpu.memory_space<vmem>>, vector<16xf32>,
      %get3A_1763 = arith.constant 40 : i32
      %get3A_1764 = arith.index_cast %get3A_1763 : i32 to index
      %get3A_1765 = arith.constant 1008 : index
      %get3A_1766 = tpu.vector_load %arg6[%get3A_1764, %get3A_1765] {strides = array<i32>} : memref<50x1024xf32, #tpu.memory_space<vmem>>, vector<16xf32>,
      %mul3A_1767 = arith.mulf %get3A_1762, %get3A_1766 : vector<16xf32>
      %lt3A_1768 = arith.constant 0 : i32
      %lt3A_1769 = vector.broadcast %lt3A_1768 : i32 to vector<16xi32>
      %lt3A_1770 = arith.cmpi slt, %select_n3A_70, %lt3A_1769 : vector<16xi32>
      %add3A_1771 = arith.constant 16 : i32
      %add3A_1772 = vector.broadcast %add3A_1771 : i32 to vector<16xi32>
      %add3A_1773 = arith.addi %select_n3A_70, %add3A_1772 : vector<16xi32>
      %select_n3A_1774 = arith.select %lt3A_1770, %add3A_1773, %select_n3A_70 : vector<16xi1>, vector<16xi32>
      %broadcast_in_dim3A_1775 = vector.shape_cast %select_n3A_1774 : vector<16xi32> to vector<16x1xi32>
      %gather3A_1776 = vector.shape_cast %broadcast_in_dim3A_1775 : vector<16x1xi32> to vector<16xi32>
      %gather3A_1777 = tpu.dynamic_gather %mul3A_1767[%gather3A_1776] in [0] : vector<16xf32>, vector<16xi32> -> vector<16xf32>
      %get3A_1778 = arith.constant 40 : i32
      %get3A_1779 = arith.index_cast %get3A_1778 : i32 to index
      %get3A_1780 = arith.constant 1007 : index
      %get3A_1781 = tpu.vector_load %arg6[%get3A_1779, %get3A_1780] {strides = array<i32>} : memref<50x1024xf32, #tpu.memory_space<vmem>>, vector<16xf32>,
      %get3A_1782 = arith.constant 41 : i32
      %get3A_1783 = arith.index_cast %get3A_1782 : i32 to index
      %get3A_1784 = arith.constant 1008 : index
      %get3A_1785 = tpu.vector_load %arg6[%get3A_1783, %get3A_1784] {strides = array<i32>} : memref<50x1024xf32, #tpu.memory_space<vmem>>, vector<16xf32>,
      %mul3A_1786 = arith.mulf %get3A_1781, %get3A_1785 : vector<16xf32>
      %lt3A_1787 = arith.constant 0 : i32
      %lt3A_1788 = vector.broadcast %lt3A_1787 : i32 to vector<16xi32>
      %lt3A_1789 = arith.cmpi slt, %select_n3A_70, %lt3A_1788 : vector<16xi32>
      %add3A_1790 = arith.constant 16 : i32
      %add3A_1791 = vector.broadcast %add3A_1790 : i32 to vector<16xi32>
      %add3A_1792 = arith.addi %select_n3A_70, %add3A_1791 : vector<16xi32>
      %select_n3A_1793 = arith.select %lt3A_1789, %add3A_1792, %select_n3A_70 : vector<16xi1>, vector<16xi32>
      %broadcast_in_dim3A_1794 = vector.shape_cast %select_n3A_1793 : vector<16xi32> to vector<16x1xi32>
      %gather3A_1795 = vector.shape_cast %broadcast_in_dim3A_1794 : vector<16x1xi32> to vector<16xi32>
      %gather3A_1796 = tpu.dynamic_gather %mul3A_1786[%gather3A_1795] in [0] : vector<16xf32>, vector<16xi32> -> vector<16xf32>
      %get3A_1797 = arith.constant 41 : i32
      %get3A_1798 = arith.index_cast %get3A_1797 : i32 to index
      %get3A_1799 = arith.constant 1007 : index
      %get3A_1800 = tpu.vector_load %arg6[%get3A_1798, %get3A_1799] {strides = array<i32>} : memref<50x1024xf32, #tpu.memory_space<vmem>>, vector<16xf32>,
      %get3A_1801 = arith.constant 42 : i32
      %get3A_1802 = arith.index_cast %get3A_1801 : i32 to index
      %get3A_1803 = arith.constant 1008 : index
      %get3A_1804 = tpu.vector_load %arg6[%get3A_1802, %get3A_1803] {strides = array<i32>} : memref<50x1024xf32, #tpu.memory_space<vmem>>, vector<16xf32>,
      %mul3A_1805 = arith.mulf %get3A_1800, %get3A_1804 : vector<16xf32>
      %lt3A_1806 = arith.constant 0 : i32
      %lt3A_1807 = vector.broadcast %lt3A_1806 : i32 to vector<16xi32>
      %lt3A_1808 = arith.cmpi slt, %select_n3A_70, %lt3A_1807 : vector<16xi32>
      %add3A_1809 = arith.constant 16 : i32
      %add3A_1810 = vector.broadcast %add3A_1809 : i32 to vector<16xi32>
      %add3A_1811 = arith.addi %select_n3A_70, %add3A_1810 : vector<16xi32>
      %select_n3A_1812 = arith.select %lt3A_1808, %add3A_1811, %select_n3A_70 : vector<16xi1>, vector<16xi32>
      %broadcast_in_dim3A_1813 = vector.shape_cast %select_n3A_1812 : vector<16xi32> to vector<16x1xi32>
      %gather3A_1814 = vector.shape_cast %broadcast_in_dim3A_1813 : vector<16x1xi32> to vector<16xi32>
      %gather3A_1815 = tpu.dynamic_gather %mul3A_1805[%gather3A_1814] in [0] : vector<16xf32>, vector<16xi32> -> vector<16xf32>
      %get3A_1816 = arith.constant 42 : i32
      %get3A_1817 = arith.index_cast %get3A_1816 : i32 to index
      %get3A_1818 = arith.constant 1007 : index
      %get3A_1819 = tpu.vector_load %arg6[%get3A_1817, %get3A_1818] {strides = array<i32>} : memref<50x1024xf32, #tpu.memory_space<vmem>>, vector<16xf32>,
      %get3A_1820 = arith.constant 43 : i32
      %get3A_1821 = arith.index_cast %get3A_1820 : i32 to index
      %get3A_1822 = arith.constant 1008 : index
      %get3A_1823 = tpu.vector_load %arg6[%get3A_1821, %get3A_1822] {strides = array<i32>} : memref<50x1024xf32, #tpu.memory_space<vmem>>, vector<16xf32>,
      %mul3A_1824 = arith.mulf %get3A_1819, %get3A_1823 : vector<16xf32>
      %lt3A_1825 = arith.constant 0 : i32
      %lt3A_1826 = vector.broadcast %lt3A_1825 : i32 to vector<16xi32>
      %lt3A_1827 = arith.cmpi slt, %select_n3A_70, %lt3A_1826 : vector<16xi32>
      %add3A_1828 = arith.constant 16 : i32
      %add3A_1829 = vector.broadcast %add3A_1828 : i32 to vector<16xi32>
      %add3A_1830 = arith.addi %select_n3A_70, %add3A_1829 : vector<16xi32>
      %select_n3A_1831 = arith.select %lt3A_1827, %add3A_1830, %select_n3A_70 : vector<16xi1>, vector<16xi32>
      %broadcast_in_dim3A_1832 = vector.shape_cast %select_n3A_1831 : vector<16xi32> to vector<16x1xi32>
      %gather3A_1833 = vector.shape_cast %broadcast_in_dim3A_1832 : vector<16x1xi32> to vector<16xi32>
      %gather3A_1834 = tpu.dynamic_gather %mul3A_1824[%gather3A_1833] in [0] : vector<16xf32>, vector<16xi32> -> vector<16xf32>
      %get3A_1835 = arith.constant 43 : i32
      %get3A_1836 = arith.index_cast %get3A_1835 : i32 to index
      %get3A_1837 = arith.constant 1007 : index
      %get3A_1838 = tpu.vector_load %arg6[%get3A_1836, %get3A_1837] {strides = array<i32>} : memref<50x1024xf32, #tpu.memory_space<vmem>>, vector<16xf32>,
      %get3A_1839 = arith.constant 44 : i32
      %get3A_1840 = arith.index_cast %get3A_1839 : i32 to index
      %get3A_1841 = arith.constant 1008 : index
      %get3A_1842 = tpu.vector_load %arg6[%get3A_1840, %get3A_1841] {strides = array<i32>} : memref<50x1024xf32, #tpu.memory_space<vmem>>, vector<16xf32>,
      %mul3A_1843 = arith.mulf %get3A_1838, %get3A_1842 : vector<16xf32>
      %lt3A_1844 = arith.constant 0 : i32
      %lt3A_1845 = vector.broadcast %lt3A_1844 : i32 to vector<16xi32>
      %lt3A_1846 = arith.cmpi slt, %select_n3A_70, %lt3A_1845 : vector<16xi32>
      %add3A_1847 = arith.constant 16 : i32
      %add3A_1848 = vector.broadcast %add3A_1847 : i32 to vector<16xi32>
      %add3A_1849 = arith.addi %select_n3A_70, %add3A_1848 : vector<16xi32>
      %select_n3A_1850 = arith.select %lt3A_1846, %add3A_1849, %select_n3A_70 : vector<16xi1>, vector<16xi32>
      %broadcast_in_dim3A_1851 = vector.shape_cast %select_n3A_1850 : vector<16xi32> to vector<16x1xi32>
      %gather3A_1852 = vector.shape_cast %broadcast_in_dim3A_1851 : vector<16x1xi32> to vector<16xi32>
      %gather3A_1853 = tpu.dynamic_gather %mul3A_1843[%gather3A_1852] in [0] : vector<16xf32>, vector<16xi32> -> vector<16xf32>
      %get3A_1854 = arith.constant 44 : i32
      %get3A_1855 = arith.index_cast %get3A_1854 : i32 to index
      %get3A_1856 = arith.constant 1007 : index
      %get3A_1857 = tpu.vector_load %arg6[%get3A_1855, %get3A_1856] {strides = array<i32>} : memref<50x1024xf32, #tpu.memory_space<vmem>>, vector<16xf32>,
      %get3A_1858 = arith.constant 45 : i32
      %get3A_1859 = arith.index_cast %get3A_1858 : i32 to index
      %get3A_1860 = arith.constant 1008 : index
      %get3A_1861 = tpu.vector_load %arg6[%get3A_1859, %get3A_1860] {strides = array<i32>} : memref<50x1024xf32, #tpu.memory_space<vmem>>, vector<16xf32>,
      %mul3A_1862 = arith.mulf %get3A_1857, %get3A_1861 : vector<16xf32>
      %lt3A_1863 = arith.constant 0 : i32
      %lt3A_1864 = vector.broadcast %lt3A_1863 : i32 to vector<16xi32>
      %lt3A_1865 = arith.cmpi slt, %select_n3A_70, %lt3A_1864 : vector<16xi32>
      %add3A_1866 = arith.constant 16 : i32
      %add3A_1867 = vector.broadcast %add3A_1866 : i32 to vector<16xi32>
      %add3A_1868 = arith.addi %select_n3A_70, %add3A_1867 : vector<16xi32>
      %select_n3A_1869 = arith.select %lt3A_1865, %add3A_1868, %select_n3A_70 : vector<16xi1>, vector<16xi32>
      %broadcast_in_dim3A_1870 = vector.shape_cast %select_n3A_1869 : vector<16xi32> to vector<16x1xi32>
      %gather3A_1871 = vector.shape_cast %broadcast_in_dim3A_1870 : vector<16x1xi32> to vector<16xi32>
      %gather3A_1872 = tpu.dynamic_gather %mul3A_1862[%gather3A_1871] in [0] : vector<16xf32>, vector<16xi32> -> vector<16xf32>
      %get3A_1873 = arith.constant 45 : i32
      %get3A_1874 = arith.index_cast %get3A_1873 : i32 to index
      %get3A_1875 = arith.constant 1007 : index
      %get3A_1876 = tpu.vector_load %arg6[%get3A_1874, %get3A_1875] {strides = array<i32>} : memref<50x1024xf32, #tpu.memory_space<vmem>>, vector<16xf32>,
      %get3A_1877 = arith.constant 46 : i32
      %get3A_1878 = arith.index_cast %get3A_1877 : i32 to index
      %get3A_1879 = arith.constant 1008 : index
      %get3A_1880 = tpu.vector_load %arg6[%get3A_1878, %get3A_1879] {strides = array<i32>} : memref<50x1024xf32, #tpu.memory_space<vmem>>, vector<16xf32>,
      %mul3A_1881 = arith.mulf %get3A_1876, %get3A_1880 : vector<16xf32>
      %lt3A_1882 = arith.constant 0 : i32
      %lt3A_1883 = vector.broadcast %lt3A_1882 : i32 to vector<16xi32>
      %lt3A_1884 = arith.cmpi slt, %select_n3A_70, %lt3A_1883 : vector<16xi32>
      %add3A_1885 = arith.constant 16 : i32
      %add3A_1886 = vector.broadcast %add3A_1885 : i32 to vector<16xi32>
      %add3A_1887 = arith.addi %select_n3A_70, %add3A_1886 : vector<16xi32>
      %select_n3A_1888 = arith.select %lt3A_1884, %add3A_1887, %select_n3A_70 : vector<16xi1>, vector<16xi32>
      %broadcast_in_dim3A_1889 = vector.shape_cast %select_n3A_1888 : vector<16xi32> to vector<16x1xi32>
      %gather3A_1890 = vector.shape_cast %broadcast_in_dim3A_1889 : vector<16x1xi32> to vector<16xi32>
      %gather3A_1891 = tpu.dynamic_gather %mul3A_1881[%gather3A_1890] in [0] : vector<16xf32>, vector<16xi32> -> vector<16xf32>
      %get3A_1892 = arith.constant 46 : i32
      %get3A_1893 = arith.index_cast %get3A_1892 : i32 to index
      %get3A_1894 = arith.constant 1007 : index
      %get3A_1895 = tpu.vector_load %arg6[%get3A_1893, %get3A_1894] {strides = array<i32>} : memref<50x1024xf32, #tpu.memory_space<vmem>>, vector<16xf32>,
      %get3A_1896 = arith.constant 47 : i32
      %get3A_1897 = arith.index_cast %get3A_1896 : i32 to index
      %get3A_1898 = arith.constant 1008 : index
      %get3A_1899 = tpu.vector_load %arg6[%get3A_1897, %get3A_1898] {strides = array<i32>} : memref<50x1024xf32, #tpu.memory_space<vmem>>, vector<16xf32>,
      %mul3A_1900 = arith.mulf %get3A_1895, %get3A_1899 : vector<16xf32>
      %lt3A_1901 = arith.constant 0 : i32
      %lt3A_1902 = vector.broadcast %lt3A_1901 : i32 to vector<16xi32>
      %lt3A_1903 = arith.cmpi slt, %select_n3A_70, %lt3A_1902 : vector<16xi32>
      %add3A_1904 = arith.constant 16 : i32
      %add3A_1905 = vector.broadcast %add3A_1904 : i32 to vector<16xi32>
      %add3A_1906 = arith.addi %select_n3A_70, %add3A_1905 : vector<16xi32>
      %select_n3A_1907 = arith.select %lt3A_1903, %add3A_1906, %select_n3A_70 : vector<16xi1>, vector<16xi32>
      %broadcast_in_dim3A_1908 = vector.shape_cast %select_n3A_1907 : vector<16xi32> to vector<16x1xi32>
      %gather3A_1909 = vector.shape_cast %broadcast_in_dim3A_1908 : vector<16x1xi32> to vector<16xi32>
      %gather3A_1910 = tpu.dynamic_gather %mul3A_1900[%gather3A_1909] in [0] : vector<16xf32>, vector<16xi32> -> vector<16xf32>
      %get3A_1911 = arith.constant 47 : i32
      %get3A_1912 = arith.index_cast %get3A_1911 : i32 to index
      %get3A_1913 = arith.constant 1007 : index
      %get3A_1914 = tpu.vector_load %arg6[%get3A_1912, %get3A_1913] {strides = array<i32>} : memref<50x1024xf32, #tpu.memory_space<vmem>>, vector<16xf32>,
      %get3A_1915 = arith.constant 48 : i32
      %get3A_1916 = arith.index_cast %get3A_1915 : i32 to index
      %get3A_1917 = arith.constant 1008 : index
      %get3A_1918 = tpu.vector_load %arg6[%get3A_1916, %get3A_1917] {strides = array<i32>} : memref<50x1024xf32, #tpu.memory_space<vmem>>, vector<16xf32>,
      %mul3A_1919 = arith.mulf %get3A_1914, %get3A_1918 : vector<16xf32>
      %lt3A_1920 = arith.constant 0 : i32
      %lt3A_1921 = vector.broadcast %lt3A_1920 : i32 to vector<16xi32>
      %lt3A_1922 = arith.cmpi slt, %select_n3A_70, %lt3A_1921 : vector<16xi32>
      %add3A_1923 = arith.constant 16 : i32
      %add3A_1924 = vector.broadcast %add3A_1923 : i32 to vector<16xi32>
      %add3A_1925 = arith.addi %select_n3A_70, %add3A_1924 : vector<16xi32>
      %select_n3A_1926 = arith.select %lt3A_1922, %add3A_1925, %select_n3A_70 : vector<16xi1>, vector<16xi32>
      %broadcast_in_dim3A_1927 = vector.shape_cast %select_n3A_1926 : vector<16xi32> to vector<16x1xi32>
      %gather3A_1928 = vector.shape_cast %broadcast_in_dim3A_1927 : vector<16x1xi32> to vector<16xi32>
      %gather3A_1929 = tpu.dynamic_gather %mul3A_1919[%gather3A_1928] in [0] : vector<16xf32>, vector<16xi32> -> vector<16xf32>
      %get3A_1930 = arith.constant 37 : i32
      %get3A_1931 = arith.index_cast %get3A_1930 : i32 to index
      %get3A_1932 = arith.constant 0 : index
      %get3A_1933 = tpu.vector_load %arg6[%get3A_1931, %get3A_1932] {strides = array<i32>} : memref<50x1024xf32, #tpu.memory_space<vmem>>, vector<16xf32>,
      %get3A_1934 = arith.constant 38 : i32
      %get3A_1935 = arith.index_cast %get3A_1934 : i32 to index
      %get3A_1936 = arith.constant 0 : index
      %get3A_1937 = tpu.vector_load %arg6[%get3A_1935, %get3A_1936] {strides = array<i32>} : memref<50x1024xf32, #tpu.memory_space<vmem>>, vector<16xf32>,
      %get3A_1938 = arith.constant 39 : i32
      %get3A_1939 = arith.index_cast %get3A_1938 : i32 to index
      %get3A_1940 = arith.constant 0 : index
      %get3A_1941 = tpu.vector_load %arg6[%get3A_1939, %get3A_1940] {strides = array<i32>} : memref<50x1024xf32, #tpu.memory_space<vmem>>, vector<16xf32>,
      %get3A_1942 = arith.constant 40 : i32
      %get3A_1943 = arith.index_cast %get3A_1942 : i32 to index
      %get3A_1944 = arith.constant 0 : index
      %get3A_1945 = tpu.vector_load %arg6[%get3A_1943, %get3A_1944] {strides = array<i32>} : memref<50x1024xf32, #tpu.memory_space<vmem>>, vector<16xf32>,
      %get3A_1946 = arith.constant 41 : i32
      %get3A_1947 = arith.index_cast %get3A_1946 : i32 to index
      %get3A_1948 = arith.constant 0 : index
      %get3A_1949 = tpu.vector_load %arg6[%get3A_1947, %get3A_1948] {strides = array<i32>} : memref<50x1024xf32, #tpu.memory_space<vmem>>, vector<16xf32>,
      %get3A_1950 = arith.constant 42 : i32
      %get3A_1951 = arith.index_cast %get3A_1950 : i32 to index
      %get3A_1952 = arith.constant 0 : index
      %get3A_1953 = tpu.vector_load %arg6[%get3A_1951, %get3A_1952] {strides = array<i32>} : memref<50x1024xf32, #tpu.memory_space<vmem>>, vector<16xf32>,
      %get3A_1954 = arith.constant 43 : i32
      %get3A_1955 = arith.index_cast %get3A_1954 : i32 to index
      %get3A_1956 = arith.constant 0 : index
      %get3A_1957 = tpu.vector_load %arg6[%get3A_1955, %get3A_1956] {strides = array<i32>} : memref<50x1024xf32, #tpu.memory_space<vmem>>, vector<16xf32>,
      %get3A_1958 = arith.constant 44 : i32
      %get3A_1959 = arith.index_cast %get3A_1958 : i32 to index
      %get3A_1960 = arith.constant 0 : index
      %get3A_1961 = tpu.vector_load %arg6[%get3A_1959, %get3A_1960] {strides = array<i32>} : memref<50x1024xf32, #tpu.memory_space<vmem>>, vector<16xf32>,
      %get3A_1962 = arith.constant 45 : i32
      %get3A_1963 = arith.index_cast %get3A_1962 : i32 to index
      %get3A_1964 = arith.constant 0 : index
      %get3A_1965 = tpu.vector_load %arg6[%get3A_1963, %get3A_1964] {strides = array<i32>} : memref<50x1024xf32, #tpu.memory_space<vmem>>, vector<16xf32>,
      %get3A_1966 = arith.constant 46 : i32
      %get3A_1967 = arith.index_cast %get3A_1966 : i32 to index
      %get3A_1968 = arith.constant 0 : index
      %get3A_1969 = tpu.vector_load %arg6[%get3A_1967, %get3A_1968] {strides = array<i32>} : memref<50x1024xf32, #tpu.memory_space<vmem>>, vector<16xf32>,
      %get3A_1970 = arith.constant 47 : i32
      %get3A_1971 = arith.index_cast %get3A_1970 : i32 to index
      %get3A_1972 = arith.constant 0 : index
      %get3A_1973 = tpu.vector_load %arg6[%get3A_1971, %get3A_1972] {strides = array<i32>} : memref<50x1024xf32, #tpu.memory_space<vmem>>, vector<16xf32>,
      %get3A_1974 = arith.constant 48 : i32
      %get3A_1975 = arith.index_cast %get3A_1974 : i32 to index
      %get3A_1976 = arith.constant 0 : index
      %get3A_1977 = tpu.vector_load %arg6[%get3A_1975, %get3A_1976] {strides = array<i32>} : memref<50x1024xf32, #tpu.memory_space<vmem>>, vector<16xf32>,
      %get3A_1978 = arith.constant 49 : i32
      %get3A_1979 = arith.index_cast %get3A_1978 : i32 to index
      %get3A_1980 = arith.constant 0 : index
      %get3A_1981 = tpu.vector_load %arg6[%get3A_1979, %get3A_1980] {strides = array<i32>} : memref<50x1024xf32, #tpu.memory_space<vmem>>, vector<16xf32>,
      %get3A_1982 = arith.constant 0 : index
      %get3A_1983 = tpu.vector_load %arg9[%get3A_1982] {strides = array<i32>} : memref<1024xf32, #tpu.memory_space<vmem>>, vector<16xf32>,
      %broadcast_in_dim3A_1984 = arith.constant 36 : i32
      %broadcast_in_dim3A_1985 = vector.broadcast %broadcast_in_dim3A_1984 : i32 to vector<16xi32>
      %gather3A_1986 = tpu.vector_load_idx %arg6[%broadcast_in_dim3A_1985, %select_n3A_45] : memref<50x1024xf32, #tpu.memory_space<vmem>>[vector<16xi32>, vector<16xi32>], vector<16xf32>,
      %mul3A_1987 = arith.mulf %gather3A_1986, %get3A_1933 : vector<16xf32>
      %lt3A_1988 = arith.constant 0 : i32
      %lt3A_1989 = vector.broadcast %lt3A_1988 : i32 to vector<16xi32>
      %lt3A_1990 = arith.cmpi slt, %select_n3A_70, %lt3A_1989 : vector<16xi32>
      %add3A_1991 = arith.constant 16 : i32
      %add3A_1992 = vector.broadcast %add3A_1991 : i32 to vector<16xi32>
      %add3A_1993 = arith.addi %select_n3A_70, %add3A_1992 : vector<16xi32>
      %select_n3A_1994 = arith.select %lt3A_1990, %add3A_1993, %select_n3A_70 : vector<16xi1>, vector<16xi32>
      %broadcast_in_dim3A_1995 = vector.shape_cast %select_n3A_1994 : vector<16xi32> to vector<16x1xi32>
      %gather3A_1996 = vector.shape_cast %broadcast_in_dim3A_1995 : vector<16x1xi32> to vector<16xi32>
      %gather3A_1997 = tpu.dynamic_gather %mul3A_1987[%gather3A_1996] in [0] : vector<16xf32>, vector<16xi32> -> vector<16xf32>
      %eq3A_1998 = arith.constant 0 : i32
      %eq3A_1999 = vector.broadcast %eq3A_1998 : i32 to vector<16xi32>
      %eq3A_2000 = arith.cmpi eq, %iota3A, %eq3A_1999 : vector<16xi32>
      %select_n3A_2001 = arith.select %eq3A_2000, %gather3A_1720, %gather3A_1997 : vector<16xi1>, vector<16xf32>
      %mul3A_2002 = arith.mulf %select_n3A_2001, %get3A_1937 : vector<16xf32>
      %add3A_2003 = arith.addf %get3A_1983, %mul3A_2002 : vector<16xf32>
      %broadcast_in_dim3A_2004 = arith.constant 37 : i32
      %broadcast_in_dim3A_2005 = vector.broadcast %broadcast_in_dim3A_2004 : i32 to vector<16xi32>
      %gather3A_2006 = tpu.vector_load_idx %arg6[%broadcast_in_dim3A_2005, %select_n3A_45] : memref<50x1024xf32, #tpu.memory_space<vmem>>[vector<16xi32>, vector<16xi32>], vector<16xf32>,
      %mul3A_2007 = arith.mulf %gather3A_2006, %get3A_1937 : vector<16xf32>
      %lt3A_2008 = arith.constant 0 : i32
      %lt3A_2009 = vector.broadcast %lt3A_2008 : i32 to vector<16xi32>
      %lt3A_2010 = arith.cmpi slt, %select_n3A_70, %lt3A_2009 : vector<16xi32>
      %add3A_2011 = arith.constant 16 : i32
      %add3A_2012 = vector.broadcast %add3A_2011 : i32 to vector<16xi32>
      %add3A_2013 = arith.addi %select_n3A_70, %add3A_2012 : vector<16xi32>
      %select_n3A_2014 = arith.select %lt3A_2010, %add3A_2013, %select_n3A_70 : vector<16xi1>, vector<16xi32>
      %broadcast_in_dim3A_2015 = vector.shape_cast %select_n3A_2014 : vector<16xi32> to vector<16x1xi32>
      %gather3A_2016 = vector.shape_cast %broadcast_in_dim3A_2015 : vector<16x1xi32> to vector<16xi32>
      %gather3A_2017 = tpu.dynamic_gather %mul3A_2007[%gather3A_2016] in [0] : vector<16xf32>, vector<16xi32> -> vector<16xf32>
      %eq3A_2018 = arith.constant 0 : i32
      %eq3A_2019 = vector.broadcast %eq3A_2018 : i32 to vector<16xi32>
      %eq3A_2020 = arith.cmpi eq, %iota3A, %eq3A_2019 : vector<16xi32>
      %select_n3A_2021 = arith.select %eq3A_2020, %gather3A_1739, %gather3A_2017 : vector<16xi1>, vector<16xf32>
      %mul3A_2022 = arith.mulf %select_n3A_2021, %get3A_1941 : vector<16xf32>
      %broadcast_in_dim3A_2023 = arith.constant 38 : i32
      %broadcast_in_dim3A_2024 = vector.broadcast %broadcast_in_dim3A_2023 : i32 to vector<16xi32>
      %gather3A_2025 = tpu.vector_load_idx %arg6[%broadcast_in_dim3A_2024, %select_n3A_45] : memref<50x1024xf32, #tpu.memory_space<vmem>>[vector<16xi32>, vector<16xi32>], vector<16xf32>,
      %mul3A_2026 = arith.mulf %gather3A_2025, %get3A_1941 : vector<16xf32>
      %lt3A_2027 = arith.constant 0 : i32
      %lt3A_2028 = vector.broadcast %lt3A_2027 : i32 to vector<16xi32>
      %lt3A_2029 = arith.cmpi slt, %select_n3A_70, %lt3A_2028 : vector<16xi32>
      %add3A_2030 = arith.constant 16 : i32
      %add3A_2031 = vector.broadcast %add3A_2030 : i32 to vector<16xi32>
      %add3A_2032 = arith.addi %select_n3A_70, %add3A_2031 : vector<16xi32>
      %select_n3A_2033 = arith.select %lt3A_2029, %add3A_2032, %select_n3A_70 : vector<16xi1>, vector<16xi32>
      %broadcast_in_dim3A_2034 = vector.shape_cast %select_n3A_2033 : vector<16xi32> to vector<16x1xi32>
      %gather3A_2035 = vector.shape_cast %broadcast_in_dim3A_2034 : vector<16x1xi32> to vector<16xi32>
      %gather3A_2036 = tpu.dynamic_gather %mul3A_2026[%gather3A_2035] in [0] : vector<16xf32>, vector<16xi32> -> vector<16xf32>
      %eq3A_2037 = arith.constant 0 : i32
      %eq3A_2038 = vector.broadcast %eq3A_2037 : i32 to vector<16xi32>
      %eq3A_2039 = arith.cmpi eq, %iota3A, %eq3A_2038 : vector<16xi32>
      %select_n3A_2040 = arith.select %eq3A_2039, %gather3A_1758, %gather3A_2036 : vector<16xi1>, vector<16xf32>
      %mul3A_2041 = arith.mulf %select_n3A_2040, %get3A_1945 : vector<16xf32>
      %broadcast_in_dim3A_2042 = arith.constant 39 : i32
      %broadcast_in_dim3A_2043 = vector.broadcast %broadcast_in_dim3A_2042 : i32 to vector<16xi32>
      %gather3A_2044 = tpu.vector_load_idx %arg6[%broadcast_in_dim3A_2043, %select_n3A_45] : memref<50x1024xf32, #tpu.memory_space<vmem>>[vector<16xi32>, vector<16xi32>], vector<16xf32>,
      %mul3A_2045 = arith.mulf %gather3A_2044, %get3A_1945 : vector<16xf32>
      %lt3A_2046 = arith.constant 0 : i32
      %lt3A_2047 = vector.broadcast %lt3A_2046 : i32 to vector<16xi32>
      %lt3A_2048 = arith.cmpi slt, %select_n3A_70, %lt3A_2047 : vector<16xi32>
      %add3A_2049 = arith.constant 16 : i32
      %add3A_2050 = vector.broadcast %add3A_2049 : i32 to vector<16xi32>
      %add3A_2051 = arith.addi %select_n3A_70, %add3A_2050 : vector<16xi32>
      %select_n3A_2052 = arith.select %lt3A_2048, %add3A_2051, %select_n3A_70 : vector<16xi1>, vector<16xi32>
      %broadcast_in_dim3A_2053 = vector.shape_cast %select_n3A_2052 : vector<16xi32> to vector<16x1xi32>
      %gather3A_2054 = vector.shape_cast %broadcast_in_dim3A_2053 : vector<16x1xi32> to vector<16xi32>
      %gather3A_2055 = tpu.dynamic_gather %mul3A_2045[%gather3A_2054] in [0] : vector<16xf32>, vector<16xi32> -> vector<16xf32>
      %eq3A_2056 = arith.constant 0 : i32
      %eq3A_2057 = vector.broadcast %eq3A_2056 : i32 to vector<16xi32>
      %eq3A_2058 = arith.cmpi eq, %iota3A, %eq3A_2057 : vector<16xi32>
      %select_n3A_2059 = arith.select %eq3A_2058, %gather3A_1777, %gather3A_2055 : vector<16xi1>, vector<16xf32>
      %mul3A_2060 = arith.mulf %select_n3A_2059, %get3A_1949 : vector<16xf32>
      %add3A_2061 = arith.addf %add3A_2003, %mul3A_2060 : vector<16xf32>
      %broadcast_in_dim3A_2062 = arith.constant 40 : i32
      %broadcast_in_dim3A_2063 = vector.broadcast %broadcast_in_dim3A_2062 : i32 to vector<16xi32>
      %gather3A_2064 = tpu.vector_load_idx %arg6[%broadcast_in_dim3A_2063, %select_n3A_45] : memref<50x1024xf32, #tpu.memory_space<vmem>>[vector<16xi32>, vector<16xi32>], vector<16xf32>,
      %mul3A_2065 = arith.mulf %gather3A_2064, %get3A_1949 : vector<16xf32>
      %lt3A_2066 = arith.constant 0 : i32
      %lt3A_2067 = vector.broadcast %lt3A_2066 : i32 to vector<16xi32>
      %lt3A_2068 = arith.cmpi slt, %select_n3A_70, %lt3A_2067 : vector<16xi32>
      %add3A_2069 = arith.constant 16 : i32
      %add3A_2070 = vector.broadcast %add3A_2069 : i32 to vector<16xi32>
      %add3A_2071 = arith.addi %select_n3A_70, %add3A_2070 : vector<16xi32>
      %select_n3A_2072 = arith.select %lt3A_2068, %add3A_2071, %select_n3A_70 : vector<16xi1>, vector<16xi32>
      %broadcast_in_dim3A_2073 = vector.shape_cast %select_n3A_2072 : vector<16xi32> to vector<16x1xi32>
      %gather3A_2074 = vector.shape_cast %broadcast_in_dim3A_2073 : vector<16x1xi32> to vector<16xi32>
      %gather3A_2075 = tpu.dynamic_gather %mul3A_2065[%gather3A_2074] in [0] : vector<16xf32>, vector<16xi32> -> vector<16xf32>
      %eq3A_2076 = arith.constant 0 : i32
      %eq3A_2077 = vector.broadcast %eq3A_2076 : i32 to vector<16xi32>
      %eq3A_2078 = arith.cmpi eq, %iota3A, %eq3A_2077 : vector<16xi32>
      %select_n3A_2079 = arith.select %eq3A_2078, %gather3A_1796, %gather3A_2075 : vector<16xi1>, vector<16xf32>
      %mul3A_2080 = arith.mulf %select_n3A_2079, %get3A_1953 : vector<16xf32>
      %add3A_2081 = arith.addf %mul3A_2022, %mul3A_2080 : vector<16xf32>
      %broadcast_in_dim3A_2082 = arith.constant 41 : i32
      %broadcast_in_dim3A_2083 = vector.broadcast %broadcast_in_dim3A_2082 : i32 to vector<16xi32>
      %gather3A_2084 = tpu.vector_load_idx %arg6[%broadcast_in_dim3A_2083, %select_n3A_45] : memref<50x1024xf32, #tpu.memory_space<vmem>>[vector<16xi32>, vector<16xi32>], vector<16xf32>,
      %mul3A_2085 = arith.mulf %gather3A_2084, %get3A_1953 : vector<16xf32>
      %lt3A_2086 = arith.constant 0 : i32
      %lt3A_2087 = vector.broadcast %lt3A_2086 : i32 to vector<16xi32>
      %lt3A_2088 = arith.cmpi slt, %select_n3A_70, %lt3A_2087 : vector<16xi32>
      %add3A_2089 = arith.constant 16 : i32
      %add3A_2090 = vector.broadcast %add3A_2089 : i32 to vector<16xi32>
      %add3A_2091 = arith.addi %select_n3A_70, %add3A_2090 : vector<16xi32>
      %select_n3A_2092 = arith.select %lt3A_2088, %add3A_2091, %select_n3A_70 : vector<16xi1>, vector<16xi32>
      %broadcast_in_dim3A_2093 = vector.shape_cast %select_n3A_2092 : vector<16xi32> to vector<16x1xi32>
      %gather3A_2094 = vector.shape_cast %broadcast_in_dim3A_2093 : vector<16x1xi32> to vector<16xi32>
      %gather3A_2095 = tpu.dynamic_gather %mul3A_2085[%gather3A_2094] in [0] : vector<16xf32>, vector<16xi32> -> vector<16xf32>
      %eq3A_2096 = arith.constant 0 : i32
      %eq3A_2097 = vector.broadcast %eq3A_2096 : i32 to vector<16xi32>
      %eq3A_2098 = arith.cmpi eq, %iota3A, %eq3A_2097 : vector<16xi32>
      %select_n3A_2099 = arith.select %eq3A_2098, %gather3A_1815, %gather3A_2095 : vector<16xi1>, vector<16xf32>
      %mul3A_2100 = arith.mulf %select_n3A_2099, %get3A_1957 : vector<16xf32>
      %add3A_2101 = arith.addf %mul3A_2041, %mul3A_2100 : vector<16xf32>
      %broadcast_in_dim3A_2102 = arith.constant 42 : i32
      %broadcast_in_dim3A_2103 = vector.broadcast %broadcast_in_dim3A_2102 : i32 to vector<16xi32>
      %gather3A_2104 = tpu.vector_load_idx %arg6[%broadcast_in_dim3A_2103, %select_n3A_45] : memref<50x1024xf32, #tpu.memory_space<vmem>>[vector<16xi32>, vector<16xi32>], vector<16xf32>,
      %mul3A_2105 = arith.mulf %gather3A_2104, %get3A_1957 : vector<16xf32>
      %lt3A_2106 = arith.constant 0 : i32
      %lt3A_2107 = vector.broadcast %lt3A_2106 : i32 to vector<16xi32>
      %lt3A_2108 = arith.cmpi slt, %select_n3A_70, %lt3A_2107 : vector<16xi32>
      %add3A_2109 = arith.constant 16 : i32
      %add3A_2110 = vector.broadcast %add3A_2109 : i32 to vector<16xi32>
      %add3A_2111 = arith.addi %select_n3A_70, %add3A_2110 : vector<16xi32>
      %select_n3A_2112 = arith.select %lt3A_2108, %add3A_2111, %select_n3A_70 : vector<16xi1>, vector<16xi32>
      %broadcast_in_dim3A_2113 = vector.shape_cast %select_n3A_2112 : vector<16xi32> to vector<16x1xi32>
      %gather3A_2114 = vector.shape_cast %broadcast_in_dim3A_2113 : vector<16x1xi32> to vector<16xi32>
      %gather3A_2115 = tpu.dynamic_gather %mul3A_2105[%gather3A_2114] in [0] : vector<16xf32>, vector<16xi32> -> vector<16xf32>
      %eq3A_2116 = arith.constant 0 : i32
      %eq3A_2117 = vector.broadcast %eq3A_2116 : i32 to vector<16xi32>
      %eq3A_2118 = arith.cmpi eq, %iota3A, %eq3A_2117 : vector<16xi32>
      %select_n3A_2119 = arith.select %eq3A_2118, %gather3A_1834, %gather3A_2115 : vector<16xi1>, vector<16xf32>
      %mul3A_2120 = arith.mulf %select_n3A_2119, %get3A_1961 : vector<16xf32>
      %add3A_2121 = arith.addf %add3A_2061, %mul3A_2120 : vector<16xf32>
      %broadcast_in_dim3A_2122 = arith.constant 43 : i32
      %broadcast_in_dim3A_2123 = vector.broadcast %broadcast_in_dim3A_2122 : i32 to vector<16xi32>
      %gather3A_2124 = tpu.vector_load_idx %arg6[%broadcast_in_dim3A_2123, %select_n3A_45] : memref<50x1024xf32, #tpu.memory_space<vmem>>[vector<16xi32>, vector<16xi32>], vector<16xf32>,
      %mul3A_2125 = arith.mulf %gather3A_2124, %get3A_1961 : vector<16xf32>
      %lt3A_2126 = arith.constant 0 : i32
      %lt3A_2127 = vector.broadcast %lt3A_2126 : i32 to vector<16xi32>
      %lt3A_2128 = arith.cmpi slt, %select_n3A_70, %lt3A_2127 : vector<16xi32>
      %add3A_2129 = arith.constant 16 : i32
      %add3A_2130 = vector.broadcast %add3A_2129 : i32 to vector<16xi32>
      %add3A_2131 = arith.addi %select_n3A_70, %add3A_2130 : vector<16xi32>
      %select_n3A_2132 = arith.select %lt3A_2128, %add3A_2131, %select_n3A_70 : vector<16xi1>, vector<16xi32>
      %broadcast_in_dim3A_2133 = vector.shape_cast %select_n3A_2132 : vector<16xi32> to vector<16x1xi32>
      %gather3A_2134 = vector.shape_cast %broadcast_in_dim3A_2133 : vector<16x1xi32> to vector<16xi32>
      %gather3A_2135 = tpu.dynamic_gather %mul3A_2125[%gather3A_2134] in [0] : vector<16xf32>, vector<16xi32> -> vector<16xf32>
      %eq3A_2136 = arith.constant 0 : i32
      %eq3A_2137 = vector.broadcast %eq3A_2136 : i32 to vector<16xi32>
      %eq3A_2138 = arith.cmpi eq, %iota3A, %eq3A_2137 : vector<16xi32>
      %select_n3A_2139 = arith.select %eq3A_2138, %gather3A_1853, %gather3A_2135 : vector<16xi1>, vector<16xf32>
      %mul3A_2140 = arith.mulf %select_n3A_2139, %get3A_1965 : vector<16xf32>
      %add3A_2141 = arith.addf %add3A_2081, %mul3A_2140 : vector<16xf32>
      %broadcast_in_dim3A_2142 = arith.constant 44 : i32
      %broadcast_in_dim3A_2143 = vector.broadcast %broadcast_in_dim3A_2142 : i32 to vector<16xi32>
      %gather3A_2144 = tpu.vector_load_idx %arg6[%broadcast_in_dim3A_2143, %select_n3A_45] : memref<50x1024xf32, #tpu.memory_space<vmem>>[vector<16xi32>, vector<16xi32>], vector<16xf32>,
      %mul3A_2145 = arith.mulf %gather3A_2144, %get3A_1965 : vector<16xf32>
      %lt3A_2146 = arith.constant 0 : i32
      %lt3A_2147 = vector.broadcast %lt3A_2146 : i32 to vector<16xi32>
      %lt3A_2148 = arith.cmpi slt, %select_n3A_70, %lt3A_2147 : vector<16xi32>
      %add3A_2149 = arith.constant 16 : i32
      %add3A_2150 = vector.broadcast %add3A_2149 : i32 to vector<16xi32>
      %add3A_2151 = arith.addi %select_n3A_70, %add3A_2150 : vector<16xi32>
      %select_n3A_2152 = arith.select %lt3A_2148, %add3A_2151, %select_n3A_70 : vector<16xi1>, vector<16xi32>
      %broadcast_in_dim3A_2153 = vector.shape_cast %select_n3A_2152 : vector<16xi32> to vector<16x1xi32>
      %gather3A_2154 = vector.shape_cast %broadcast_in_dim3A_2153 : vector<16x1xi32> to vector<16xi32>
      %gather3A_2155 = tpu.dynamic_gather %mul3A_2145[%gather3A_2154] in [0] : vector<16xf32>, vector<16xi32> -> vector<16xf32>
      %eq3A_2156 = arith.constant 0 : i32
      %eq3A_2157 = vector.broadcast %eq3A_2156 : i32 to vector<16xi32>
      %eq3A_2158 = arith.cmpi eq, %iota3A, %eq3A_2157 : vector<16xi32>
      %select_n3A_2159 = arith.select %eq3A_2158, %gather3A_1872, %gather3A_2155 : vector<16xi1>, vector<16xf32>
      %mul3A_2160 = arith.mulf %select_n3A_2159, %get3A_1969 : vector<16xf32>
      %add3A_2161 = arith.addf %add3A_2101, %mul3A_2160 : vector<16xf32>
      %broadcast_in_dim3A_2162 = arith.constant 45 : i32
      %broadcast_in_dim3A_2163 = vector.broadcast %broadcast_in_dim3A_2162 : i32 to vector<16xi32>
      %gather3A_2164 = tpu.vector_load_idx %arg6[%broadcast_in_dim3A_2163, %select_n3A_45] : memref<50x1024xf32, #tpu.memory_space<vmem>>[vector<16xi32>, vector<16xi32>], vector<16xf32>,
      %mul3A_2165 = arith.mulf %gather3A_2164, %get3A_1969 : vector<16xf32>
      %lt3A_2166 = arith.constant 0 : i32
      %lt3A_2167 = vector.broadcast %lt3A_2166 : i32 to vector<16xi32>
      %lt3A_2168 = arith.cmpi slt, %select_n3A_70, %lt3A_2167 : vector<16xi32>
      %add3A_2169 = arith.constant 16 : i32
      %add3A_2170 = vector.broadcast %add3A_2169 : i32 to vector<16xi32>
      %add3A_2171 = arith.addi %select_n3A_70, %add3A_2170 : vector<16xi32>
      %select_n3A_2172 = arith.select %lt3A_2168, %add3A_2171, %select_n3A_70 : vector<16xi1>, vector<16xi32>
      %broadcast_in_dim3A_2173 = vector.shape_cast %select_n3A_2172 : vector<16xi32> to vector<16x1xi32>
      %gather3A_2174 = vector.shape_cast %broadcast_in_dim3A_2173 : vector<16x1xi32> to vector<16xi32>
      %gather3A_2175 = tpu.dynamic_gather %mul3A_2165[%gather3A_2174] in [0] : vector<16xf32>, vector<16xi32> -> vector<16xf32>
      %eq3A_2176 = arith.constant 0 : i32
      %eq3A_2177 = vector.broadcast %eq3A_2176 : i32 to vector<16xi32>
      %eq3A_2178 = arith.cmpi eq, %iota3A, %eq3A_2177 : vector<16xi32>
      %select_n3A_2179 = arith.select %eq3A_2178, %gather3A_1891, %gather3A_2175 : vector<16xi1>, vector<16xf32>
      %mul3A_2180 = arith.mulf %select_n3A_2179, %get3A_1973 : vector<16xf32>
      %add3A_2181 = arith.addf %add3A_2121, %mul3A_2180 : vector<16xf32>
      %broadcast_in_dim3A_2182 = arith.constant 46 : i32
      %broadcast_in_dim3A_2183 = vector.broadcast %broadcast_in_dim3A_2182 : i32 to vector<16xi32>
      %gather3A_2184 = tpu.vector_load_idx %arg6[%broadcast_in_dim3A_2183, %select_n3A_45] : memref<50x1024xf32, #tpu.memory_space<vmem>>[vector<16xi32>, vector<16xi32>], vector<16xf32>,
      %mul3A_2185 = arith.mulf %gather3A_2184, %get3A_1973 : vector<16xf32>
      %lt3A_2186 = arith.constant 0 : i32
      %lt3A_2187 = vector.broadcast %lt3A_2186 : i32 to vector<16xi32>
      %lt3A_2188 = arith.cmpi slt, %select_n3A_70, %lt3A_2187 : vector<16xi32>
      %add3A_2189 = arith.constant 16 : i32
      %add3A_2190 = vector.broadcast %add3A_2189 : i32 to vector<16xi32>
      %add3A_2191 = arith.addi %select_n3A_70, %add3A_2190 : vector<16xi32>
      %select_n3A_2192 = arith.select %lt3A_2188, %add3A_2191, %select_n3A_70 : vector<16xi1>, vector<16xi32>
      %broadcast_in_dim3A_2193 = vector.shape_cast %select_n3A_2192 : vector<16xi32> to vector<16x1xi32>
      %gather3A_2194 = vector.shape_cast %broadcast_in_dim3A_2193 : vector<16x1xi32> to vector<16xi32>
      %gather3A_2195 = tpu.dynamic_gather %mul3A_2185[%gather3A_2194] in [0] : vector<16xf32>, vector<16xi32> -> vector<16xf32>
      %eq3A_2196 = arith.constant 0 : i32
      %eq3A_2197 = vector.broadcast %eq3A_2196 : i32 to vector<16xi32>
      %eq3A_2198 = arith.cmpi eq, %iota3A, %eq3A_2197 : vector<16xi32>
      %select_n3A_2199 = arith.select %eq3A_2198, %gather3A_1910, %gather3A_2195 : vector<16xi1>, vector<16xf32>
      %mul3A_2200 = arith.mulf %select_n3A_2199, %get3A_1977 : vector<16xf32>
      %add3A_2201 = arith.addf %add3A_2141, %mul3A_2200 : vector<16xf32>
      %broadcast_in_dim3A_2202 = arith.constant 47 : i32
      %broadcast_in_dim3A_2203 = vector.broadcast %broadcast_in_dim3A_2202 : i32 to vector<16xi32>
      %gather3A_2204 = tpu.vector_load_idx %arg6[%broadcast_in_dim3A_2203, %select_n3A_45] : memref<50x1024xf32, #tpu.memory_space<vmem>>[vector<16xi32>, vector<16xi32>], vector<16xf32>,
      %mul3A_2205 = arith.mulf %gather3A_2204, %get3A_1977 : vector<16xf32>
      %lt3A_2206 = arith.constant 0 : i32
      %lt3A_2207 = vector.broadcast %lt3A_2206 : i32 to vector<16xi32>
      %lt3A_2208 = arith.cmpi slt, %select_n3A_70, %lt3A_2207 : vector<16xi32>
      %add3A_2209 = arith.constant 16 : i32
      %add3A_2210 = vector.broadcast %add3A_2209 : i32 to vector<16xi32>
      %add3A_2211 = arith.addi %select_n3A_70, %add3A_2210 : vector<16xi32>
      %select_n3A_2212 = arith.select %lt3A_2208, %add3A_2211, %select_n3A_70 : vector<16xi1>, vector<16xi32>
      %broadcast_in_dim3A_2213 = vector.shape_cast %select_n3A_2212 : vector<16xi32> to vector<16x1xi32>
      %gather3A_2214 = vector.shape_cast %broadcast_in_dim3A_2213 : vector<16x1xi32> to vector<16xi32>
      %gather3A_2215 = tpu.dynamic_gather %mul3A_2205[%gather3A_2214] in [0] : vector<16xf32>, vector<16xi32> -> vector<16xf32>
      %eq3A_2216 = arith.constant 0 : i32
      %eq3A_2217 = vector.broadcast %eq3A_2216 : i32 to vector<16xi32>
      %eq3A_2218 = arith.cmpi eq, %iota3A, %eq3A_2217 : vector<16xi32>
      %select_n3A_2219 = arith.select %eq3A_2218, %gather3A_1929, %gather3A_2215 : vector<16xi1>, vector<16xf32>
      %mul3A_2220 = arith.mulf %select_n3A_2219, %get3A_1981 : vector<16xf32>
      %add3A_2221 = arith.addf %add3A_2161, %mul3A_2220 : vector<16xf32>
      %add3A_2222 = arith.addf %add3A_2181, %add3A_2201 : vector<16xf32>
      %add3A_2223 = arith.addf %add3A_2222, %add3A_2221 : vector<16xf32>
      %gt3A = arith.constant 0.000000e+00 : f32
      %gt3A_2224 = vector.broadcast %gt3A : f32 to vector<16xf32>
      %gt3A_2225 = arith.cmpf ogt, %add3A_2223, %gt3A_2224 : vector<16xf32>
      %jit3A_2226 = arith.constant 1.000000e+00 : f32
      %jit3A_2227 = arith.constant -1.000000e+00 : f32
      %broadcast_in_dim3A_2228 = vector.broadcast %jit3A_2226 : f32 to vector<16xf32>
      %broadcast_in_dim3A_2229 = vector.broadcast %jit3A_2227 : f32 to vector<16xf32>
      %select_n3A_2230 = arith.select %gt3A_2225, %broadcast_in_dim3A_2228, %broadcast_in_dim3A_2229 : vector<16xi1>, vector<16xf32>
      %swap3A_2231 = arith.constant 0 : index
      %swap3A_2232 = tpu.vector_load %arg8[%swap3A_2231] {strides = array<i32>} : memref<1024xf32, #tpu.memory_space<vmem>>, vector<16xf32>,
      tpu.vector_store %arg8[%swap3A_2231], %select_n3A_2230 {strides = array<i32>} : memref<1024xf32, #tpu.memory_space<vmem>>, vector<16xf32>,
      %add3A_2233 = arith.addi %mul3A_2, %mul3A_97 : i32
      "tpu.region"() ({
        %run_scoped3A = tpu.sem_alloc : memref<!tpu.dma_semaphore, #tpu.memory_space<semaphore_mem>>
        %dma_start3A_4361 = arith.constant 0 : i32
        %dma_start3A_4362 = tpu.memref_slice %arg4[%add3A_2233, %dma_start3A_4361] : memref<1024x1024xf32, #tpu.memory_space<hbm>> -> memref<1x1024xf32, #tpu.memory_space<hbm>>
        %dma_start3A_4363 = tpu.memref_squeeze %dma_start3A_4362 : memref<1x1024xf32, #tpu.memory_space<hbm>> -> memref<1024xf32, #tpu.memory_space<hbm>>
        %dma_start3A_4364 = arith.constant 0 : i32
        %dma_start3A_4365 = tpu.memref_slice %arg4[%add3A_2233, %dma_start3A_4364] : memref<1024x1024xf32, #tpu.memory_space<hbm>> -> memref<1x1024xf32, #tpu.memory_space<hbm>>
        %dma_start3A_4366 = tpu.memref_squeeze %dma_start3A_4365 : memref<1x1024xf32, #tpu.memory_space<hbm>> -> memref<1024xf32, #tpu.memory_space<hbm>>
        tpu.enqueue_dma source(%arg8 : memref<1024xf32, #tpu.memory_space<vmem>>) target(%dma_start3A_4366 : memref<1024xf32, #tpu.memory_space<hbm>>) target_semaphore(%run_scoped3A : memref<!tpu.dma_semaphore, #tpu.memory_space<semaphore_mem>>)
        %dma_wait3A_4367 = arith.constant 0 : i32
        %dma_wait3A_4368 = tpu.memref_slice %arg4[%add3A_2233, %dma_wait3A_4367] : memref<1024x1024xf32, #tpu.memory_space<hbm>> -> memref<1x1024xf32, #tpu.memory_space<hbm>>
        %dma_wait3A_4369 = tpu.memref_squeeze %dma_wait3A_4368 : memref<1x1024xf32, #tpu.memory_space<hbm>> -> memref<1024xf32, #tpu.memory_space<hbm>>
        %dma_wait3A_4370 = arith.constant 0 : i32
        %dma_wait3A_4371 = tpu.memref_slice %arg4[%add3A_2233, %dma_wait3A_4370] : memref<1024x1024xf32, #tpu.memory_space<hbm>> -> memref<1x1024xf32, #tpu.memory_space<hbm>>
        %dma_wait3A_4372 = tpu.memref_squeeze %dma_wait3A_4371 : memref<1x1024xf32, #tpu.memory_space<hbm>> -> memref<1024xf32, #tpu.memory_space<hbm>>
        tpu.wait_dma2 semaphore(%run_scoped3A : memref<!tpu.dma_semaphore, #tpu.memory_space<semaphore_mem>>) src(%arg8 : memref<1024xf32, #tpu.memory_space<vmem>>) dst(%dma_wait3A_4372 : memref<1024xf32, #tpu.memory_space<hbm>>)
        tpu.yield
      }) : () -> ()
      %dma_wait3A_2234 = arith.constant 0 : i32
      %dma_wait3A_2235 = arith.constant 0 : i32
      %dma_wait3A_2236 = arith.constant 0 : i32
      %dma_wait3A_2237 = tpu.memref_slice %arg7[%dma_wait3A_2235, %dma_wait3A_2236] : memref<50x1024xf32, #tpu.memory_space<vmem>> -> memref<24x1024xf32, #tpu.memory_space<vmem>>
      %dma_wait3A_2238 = arith.constant 0 : i32
      %dma_wait3A_2239 = tpu.memref_slice %arg5[%dma_wait3A_2234, %dma_wait3A_2238] : memref<32x56xi32, #tpu.memory_space<vmem>> -> memref<1x24xi32, #tpu.memory_space<vmem>>
      %dma_wait3A_2240 = tpu.memref_squeeze %dma_wait3A_2239 : memref<1x24xi32, #tpu.memory_space<vmem>> -> memref<24xi32, #tpu.memory_space<vmem>>
      %dma_wait3A_2241 = arith.constant 0 : i32
      %dma_wait3A_2242 = arith.constant 0 : i32
      %dma_wait3A_2243 = tpu.memref_slice %arg3[%dma_wait3A_2241, %dma_wait3A_2242] : memref<100000x1024xf32, #tpu.memory_space<hbm>> -> memref<100000x1024xf32, #tpu.memory_space<hbm>>
      tpu.wait_indirect_dma semaphore(%arg11 : memref<!tpu.dma_semaphore, #tpu.memory_space<semaphore_mem>>) src(%dma_wait3A_2243 : memref<100000x1024xf32, #tpu.memory_space<hbm>>) dst(%dma_wait3A_2237 : memref<24x1024xf32, #tpu.memory_space<vmem>>)
      %dma_wait3A_2244 = arith.constant 0 : i32
      %dma_wait3A_2245 = arith.constant 24 : i32
      %dma_wait3A_2246 = arith.constant 0 : i32
      %dma_wait3A_2247 = tpu.memref_slice %arg7[%dma_wait3A_2245, %dma_wait3A_2246] : memref<50x1024xf32, #tpu.memory_space<vmem>> -> memref<26x1024xf32, #tpu.memory_space<vmem>>
      %dma_wait3A_2248 = arith.constant 24 : i32
      %dma_wait3A_2249 = tpu.memref_slice %arg5[%dma_wait3A_2244, %dma_wait3A_2248] : memref<32x56xi32, #tpu.memory_space<vmem>> -> memref<1x26xi32, #tpu.memory_space<vmem>>
      %dma_wait3A_2250 = tpu.memref_squeeze %dma_wait3A_2249 : memref<1x26xi32, #tpu.memory_space<vmem>> -> memref<26xi32, #tpu.memory_space<vmem>>
      %dma_wait3A_2251 = arith.constant 0 : i32
      %dma_wait3A_2252 = arith.constant 0 : i32
      %dma_wait3A_2253 = tpu.memref_slice %arg3[%dma_wait3A_2251, %dma_wait3A_2252] : memref<100000x1024xf32, #tpu.memory_space<hbm>> -> memref<100000x1024xf32, #tpu.memory_space<hbm>>
      tpu.wait_indirect_dma semaphore(%arg11 : memref<!tpu.dma_semaphore, #tpu.memory_space<semaphore_mem>>) src(%dma_wait3A_2253 : memref<100000x1024xf32, #tpu.memory_space<hbm>>) dst(%dma_wait3A_2247 : memref<26x1024xf32, #tpu.memory_space<vmem>>)
      %lt3A_2254 = arith.constant 15 : i32
      %lt3A_2255 = arith.cmpi slt, %scan3A_95, %lt3A_2254 : i32
      %convert_element_type3A = arith.extui %lt3A_2255 : i1 to i32
      %cond3A = arith.constant 0 : i32
      %cond3A_2256 = arith.cmpi ne, %convert_element_type3A, %cond3A : i32
      scf.if %cond3A_2256 {
        %add3A_4361 = arith.constant 2 : i32
        %add3A_4362 = arith.addi %mul3A_97, %add3A_4361 : i32
        %dma_start3A_4363 = arith.constant 0 : i32
        %dma_start3A_4364 = arith.constant 0 : i32
        %dma_start3A_4365 = tpu.memref_slice %arg6[%dma_start3A_4363, %dma_start3A_4364] : memref<50x1024xf32, #tpu.memory_space<vmem>> -> memref<24x1024xf32, #tpu.memory_space<vmem>>
        %dma_start3A_4366 = arith.constant 0 : i32
        %dma_start3A_4367 = tpu.memref_slice %arg5[%add3A_4362, %dma_start3A_4366] : memref<32x56xi32, #tpu.memory_space<vmem>> -> memref<1x24xi32, #tpu.memory_space<vmem>>
        %dma_start3A_4368 = tpu.memref_squeeze %dma_start3A_4367 : memref<1x24xi32, #tpu.memory_space<vmem>> -> memref<24xi32, #tpu.memory_space<vmem>>
        %dma_start3A_4369 = arith.constant 0 : i32
        %dma_start3A_4370 = arith.constant 0 : i32
        %dma_start3A_4371 = tpu.memref_slice %arg3[%dma_start3A_4369, %dma_start3A_4370] : memref<100000x1024xf32, #tpu.memory_space<hbm>> -> memref<100000x1024xf32, #tpu.memory_space<hbm>>
        tpu.enqueue_indirect_dma source(%dma_start3A_4371 : memref<100000x1024xf32, #tpu.memory_space<hbm>>) target(%dma_start3A_4365 : memref<24x1024xf32, #tpu.memory_space<vmem>>) offsets(%dma_start3A_4368 : memref<24xi32, #tpu.memory_space<vmem>>) semaphore(%arg10 : memref<!tpu.dma_semaphore, #tpu.memory_space<semaphore_mem>>)
        %dma_start3A_4372 = arith.constant 24 : i32
        %dma_start3A_4373 = arith.constant 0 : i32
        %dma_start3A_4374 = tpu.memref_slice %arg6[%dma_start3A_4372, %dma_start3A_4373] : memref<50x1024xf32, #tpu.memory_space<vmem>> -> memref<26x1024xf32, #tpu.memory_space<vmem>>
        %dma_start3A_4375 = arith.constant 24 : i32
        %dma_start3A_4376 = tpu.memref_slice %arg5[%add3A_4362, %dma_start3A_4375] : memref<32x56xi32, #tpu.memory_space<vmem>> -> memref<1x26xi32, #tpu.memory_space<vmem>>
        %dma_start3A_4377 = tpu.memref_squeeze %dma_start3A_4376 : memref<1x26xi32, #tpu.memory_space<vmem>> -> memref<26xi32, #tpu.memory_space<vmem>>
        %dma_start3A_4378 = arith.constant 0 : i32
        %dma_start3A_4379 = arith.constant 0 : i32
        %dma_start3A_4380 = tpu.memref_slice %arg3[%dma_start3A_4378, %dma_start3A_4379] : memref<100000x1024xf32, #tpu.memory_space<hbm>> -> memref<100000x1024xf32, #tpu.memory_space<hbm>>
        tpu.enqueue_indirect_dma source(%dma_start3A_4380 : memref<100000x1024xf32, #tpu.memory_space<hbm>>) target(%dma_start3A_4374 : memref<26x1024xf32, #tpu.memory_space<vmem>>) offsets(%dma_start3A_4377 : memref<26xi32, #tpu.memory_space<vmem>>) semaphore(%arg10 : memref<!tpu.dma_semaphore, #tpu.memory_space<semaphore_mem>>)
      } else {
      }
      %add3A_2257 = arith.constant 1 : i32
      %add3A_2258 = arith.addi %mul3A_97, %add3A_2257 : i32
      %get3A_2259 = arith.constant 0 : i32
      %get3A_2260 = arith.index_cast %get3A_2259 : i32 to index
      %get3A_2261 = arith.constant 1007 : index
      %get3A_2262 = tpu.vector_load %arg7[%get3A_2260, %get3A_2261] {strides = array<i32>} : memref<50x1024xf32, #tpu.memory_space<vmem>>, vector<16xf32>,
      %get3A_2263 = arith.constant 1 : i32
      %get3A_2264 = arith.index_cast %get3A_2263 : i32 to index
      %get3A_2265 = arith.constant 1008 : index
      %get3A_2266 = tpu.vector_load %arg7[%get3A_2264, %get3A_2265] {strides = array<i32>} : memref<50x1024xf32, #tpu.memory_space<vmem>>, vector<16xf32>,
      %mul3A_2267 = arith.mulf %get3A_2262, %get3A_2266 : vector<16xf32>
      %lt3A_2268 = arith.constant 0 : i32
      %lt3A_2269 = vector.broadcast %lt3A_2268 : i32 to vector<16xi32>
      %lt3A_2270 = arith.cmpi slt, %select_n3A_70, %lt3A_2269 : vector<16xi32>
      %add3A_2271 = arith.constant 16 : i32
      %add3A_2272 = vector.broadcast %add3A_2271 : i32 to vector<16xi32>
      %add3A_2273 = arith.addi %select_n3A_70, %add3A_2272 : vector<16xi32>
      %select_n3A_2274 = arith.select %lt3A_2270, %add3A_2273, %select_n3A_70 : vector<16xi1>, vector<16xi32>
      %broadcast_in_dim3A_2275 = vector.shape_cast %select_n3A_2274 : vector<16xi32> to vector<16x1xi32>
      %gather3A_2276 = vector.shape_cast %broadcast_in_dim3A_2275 : vector<16x1xi32> to vector<16xi32>
      %gather3A_2277 = tpu.dynamic_gather %mul3A_2267[%gather3A_2276] in [0] : vector<16xf32>, vector<16xi32> -> vector<16xf32>
      %get3A_2278 = arith.constant 1 : i32
      %get3A_2279 = arith.index_cast %get3A_2278 : i32 to index
      %get3A_2280 = arith.constant 1007 : index
      %get3A_2281 = tpu.vector_load %arg7[%get3A_2279, %get3A_2280] {strides = array<i32>} : memref<50x1024xf32, #tpu.memory_space<vmem>>, vector<16xf32>,
      %get3A_2282 = arith.constant 2 : i32
      %get3A_2283 = arith.index_cast %get3A_2282 : i32 to index
      %get3A_2284 = arith.constant 1008 : index
      %get3A_2285 = tpu.vector_load %arg7[%get3A_2283, %get3A_2284] {strides = array<i32>} : memref<50x1024xf32, #tpu.memory_space<vmem>>, vector<16xf32>,
      %mul3A_2286 = arith.mulf %get3A_2281, %get3A_2285 : vector<16xf32>
      %lt3A_2287 = arith.constant 0 : i32
      %lt3A_2288 = vector.broadcast %lt3A_2287 : i32 to vector<16xi32>
      %lt3A_2289 = arith.cmpi slt, %select_n3A_70, %lt3A_2288 : vector<16xi32>
      %add3A_2290 = arith.constant 16 : i32
      %add3A_2291 = vector.broadcast %add3A_2290 : i32 to vector<16xi32>
      %add3A_2292 = arith.addi %select_n3A_70, %add3A_2291 : vector<16xi32>
      %select_n3A_2293 = arith.select %lt3A_2289, %add3A_2292, %select_n3A_70 : vector<16xi1>, vector<16xi32>
      %broadcast_in_dim3A_2294 = vector.shape_cast %select_n3A_2293 : vector<16xi32> to vector<16x1xi32>
      %gather3A_2295 = vector.shape_cast %broadcast_in_dim3A_2294 : vector<16x1xi32> to vector<16xi32>
      %gather3A_2296 = tpu.dynamic_gather %mul3A_2286[%gather3A_2295] in [0] : vector<16xf32>, vector<16xi32> -> vector<16xf32>
      %get3A_2297 = arith.constant 2 : i32
      %get3A_2298 = arith.index_cast %get3A_2297 : i32 to index
      %get3A_2299 = arith.constant 1007 : index
      %get3A_2300 = tpu.vector_load %arg7[%get3A_2298, %get3A_2299] {strides = array<i32>} : memref<50x1024xf32, #tpu.memory_space<vmem>>, vector<16xf32>,
      %get3A_2301 = arith.constant 3 : i32
      %get3A_2302 = arith.index_cast %get3A_2301 : i32 to index
      %get3A_2303 = arith.constant 1008 : index
      %get3A_2304 = tpu.vector_load %arg7[%get3A_2302, %get3A_2303] {strides = array<i32>} : memref<50x1024xf32, #tpu.memory_space<vmem>>, vector<16xf32>,
      %mul3A_2305 = arith.mulf %get3A_2300, %get3A_2304 : vector<16xf32>
      %lt3A_2306 = arith.constant 0 : i32
      %lt3A_2307 = vector.broadcast %lt3A_2306 : i32 to vector<16xi32>
      %lt3A_2308 = arith.cmpi slt, %select_n3A_70, %lt3A_2307 : vector<16xi32>
      %add3A_2309 = arith.constant 16 : i32
      %add3A_2310 = vector.broadcast %add3A_2309 : i32 to vector<16xi32>
      %add3A_2311 = arith.addi %select_n3A_70, %add3A_2310 : vector<16xi32>
      %select_n3A_2312 = arith.select %lt3A_2308, %add3A_2311, %select_n3A_70 : vector<16xi1>, vector<16xi32>
      %broadcast_in_dim3A_2313 = vector.shape_cast %select_n3A_2312 : vector<16xi32> to vector<16x1xi32>
      %gather3A_2314 = vector.shape_cast %broadcast_in_dim3A_2313 : vector<16x1xi32> to vector<16xi32>
      %gather3A_2315 = tpu.dynamic_gather %mul3A_2305[%gather3A_2314] in [0] : vector<16xf32>, vector<16xi32> -> vector<16xf32>
      %get3A_2316 = arith.constant 3 : i32
      %get3A_2317 = arith.index_cast %get3A_2316 : i32 to index
      %get3A_2318 = arith.constant 1007 : index
      %get3A_2319 = tpu.vector_load %arg7[%get3A_2317, %get3A_2318] {strides = array<i32>} : memref<50x1024xf32, #tpu.memory_space<vmem>>, vector<16xf32>,
      %get3A_2320 = arith.constant 4 : i32
      %get3A_2321 = arith.index_cast %get3A_2320 : i32 to index
      %get3A_2322 = arith.constant 1008 : index
      %get3A_2323 = tpu.vector_load %arg7[%get3A_2321, %get3A_2322] {strides = array<i32>} : memref<50x1024xf32, #tpu.memory_space<vmem>>, vector<16xf32>,
      %mul3A_2324 = arith.mulf %get3A_2319, %get3A_2323 : vector<16xf32>
      %lt3A_2325 = arith.constant 0 : i32
      %lt3A_2326 = vector.broadcast %lt3A_2325 : i32 to vector<16xi32>
      %lt3A_2327 = arith.cmpi slt, %select_n3A_70, %lt3A_2326 : vector<16xi32>
      %add3A_2328 = arith.constant 16 : i32
      %add3A_2329 = vector.broadcast %add3A_2328 : i32 to vector<16xi32>
      %add3A_2330 = arith.addi %select_n3A_70, %add3A_2329 : vector<16xi32>
      %select_n3A_2331 = arith.select %lt3A_2327, %add3A_2330, %select_n3A_70 : vector<16xi1>, vector<16xi32>
      %broadcast_in_dim3A_2332 = vector.shape_cast %select_n3A_2331 : vector<16xi32> to vector<16x1xi32>
      %gather3A_2333 = vector.shape_cast %broadcast_in_dim3A_2332 : vector<16x1xi32> to vector<16xi32>
      %gather3A_2334 = tpu.dynamic_gather %mul3A_2324[%gather3A_2333] in [0] : vector<16xf32>, vector<16xi32> -> vector<16xf32>
      %get3A_2335 = arith.constant 4 : i32
      %get3A_2336 = arith.index_cast %get3A_2335 : i32 to index
      %get3A_2337 = arith.constant 1007 : index
      %get3A_2338 = tpu.vector_load %arg7[%get3A_2336, %get3A_2337] {strides = array<i32>} : memref<50x1024xf32, #tpu.memory_space<vmem>>, vector<16xf32>,
      %get3A_2339 = arith.constant 5 : i32
      %get3A_2340 = arith.index_cast %get3A_2339 : i32 to index
      %get3A_2341 = arith.constant 1008 : index
      %get3A_2342 = tpu.vector_load %arg7[%get3A_2340, %get3A_2341] {strides = array<i32>} : memref<50x1024xf32, #tpu.memory_space<vmem>>, vector<16xf32>,
      %mul3A_2343 = arith.mulf %get3A_2338, %get3A_2342 : vector<16xf32>
      %lt3A_2344 = arith.constant 0 : i32
      %lt3A_2345 = vector.broadcast %lt3A_2344 : i32 to vector<16xi32>
      %lt3A_2346 = arith.cmpi slt, %select_n3A_70, %lt3A_2345 : vector<16xi32>
      %add3A_2347 = arith.constant 16 : i32
      %add3A_2348 = vector.broadcast %add3A_2347 : i32 to vector<16xi32>
      %add3A_2349 = arith.addi %select_n3A_70, %add3A_2348 : vector<16xi32>
      %select_n3A_2350 = arith.select %lt3A_2346, %add3A_2349, %select_n3A_70 : vector<16xi1>, vector<16xi32>
      %broadcast_in_dim3A_2351 = vector.shape_cast %select_n3A_2350 : vector<16xi32> to vector<16x1xi32>
      %gather3A_2352 = vector.shape_cast %broadcast_in_dim3A_2351 : vector<16x1xi32> to vector<16xi32>
      %gather3A_2353 = tpu.dynamic_gather %mul3A_2343[%gather3A_2352] in [0] : vector<16xf32>, vector<16xi32> -> vector<16xf32>
      %get3A_2354 = arith.constant 5 : i32
      %get3A_2355 = arith.index_cast %get3A_2354 : i32 to index
      %get3A_2356 = arith.constant 1007 : index
      %get3A_2357 = tpu.vector_load %arg7[%get3A_2355, %get3A_2356] {strides = array<i32>} : memref<50x1024xf32, #tpu.memory_space<vmem>>, vector<16xf32>,
      %get3A_2358 = arith.constant 6 : i32
      %get3A_2359 = arith.index_cast %get3A_2358 : i32 to index
      %get3A_2360 = arith.constant 1008 : index
      %get3A_2361 = tpu.vector_load %arg7[%get3A_2359, %get3A_2360] {strides = array<i32>} : memref<50x1024xf32, #tpu.memory_space<vmem>>, vector<16xf32>,
      %mul3A_2362 = arith.mulf %get3A_2357, %get3A_2361 : vector<16xf32>
      %lt3A_2363 = arith.constant 0 : i32
      %lt3A_2364 = vector.broadcast %lt3A_2363 : i32 to vector<16xi32>
      %lt3A_2365 = arith.cmpi slt, %select_n3A_70, %lt3A_2364 : vector<16xi32>
      %add3A_2366 = arith.constant 16 : i32
      %add3A_2367 = vector.broadcast %add3A_2366 : i32 to vector<16xi32>
      %add3A_2368 = arith.addi %select_n3A_70, %add3A_2367 : vector<16xi32>
      %select_n3A_2369 = arith.select %lt3A_2365, %add3A_2368, %select_n3A_70 : vector<16xi1>, vector<16xi32>
      %broadcast_in_dim3A_2370 = vector.shape_cast %select_n3A_2369 : vector<16xi32> to vector<16x1xi32>
      %gather3A_2371 = vector.shape_cast %broadcast_in_dim3A_2370 : vector<16x1xi32> to vector<16xi32>
      %gather3A_2372 = tpu.dynamic_gather %mul3A_2362[%gather3A_2371] in [0] : vector<16xf32>, vector<16xi32> -> vector<16xf32>
      %get3A_2373 = arith.constant 6 : i32
      %get3A_2374 = arith.index_cast %get3A_2373 : i32 to index
      %get3A_2375 = arith.constant 1007 : index
      %get3A_2376 = tpu.vector_load %arg7[%get3A_2374, %get3A_2375] {strides = array<i32>} : memref<50x1024xf32, #tpu.memory_space<vmem>>, vector<16xf32>,
      %get3A_2377 = arith.constant 7 : i32
      %get3A_2378 = arith.index_cast %get3A_2377 : i32 to index
      %get3A_2379 = arith.constant 1008 : index
      %get3A_2380 = tpu.vector_load %arg7[%get3A_2378, %get3A_2379] {strides = array<i32>} : memref<50x1024xf32, #tpu.memory_space<vmem>>, vector<16xf32>,
      %mul3A_2381 = arith.mulf %get3A_2376, %get3A_2380 : vector<16xf32>
      %lt3A_2382 = arith.constant 0 : i32
      %lt3A_2383 = vector.broadcast %lt3A_2382 : i32 to vector<16xi32>
      %lt3A_2384 = arith.cmpi slt, %select_n3A_70, %lt3A_2383 : vector<16xi32>
      %add3A_2385 = arith.constant 16 : i32
      %add3A_2386 = vector.broadcast %add3A_2385 : i32 to vector<16xi32>
      %add3A_2387 = arith.addi %select_n3A_70, %add3A_2386 : vector<16xi32>
      %select_n3A_2388 = arith.select %lt3A_2384, %add3A_2387, %select_n3A_70 : vector<16xi1>, vector<16xi32>
      %broadcast_in_dim3A_2389 = vector.shape_cast %select_n3A_2388 : vector<16xi32> to vector<16x1xi32>
      %gather3A_2390 = vector.shape_cast %broadcast_in_dim3A_2389 : vector<16x1xi32> to vector<16xi32>
      %gather3A_2391 = tpu.dynamic_gather %mul3A_2381[%gather3A_2390] in [0] : vector<16xf32>, vector<16xi32> -> vector<16xf32>
      %get3A_2392 = arith.constant 7 : i32
      %get3A_2393 = arith.index_cast %get3A_2392 : i32 to index
      %get3A_2394 = arith.constant 1007 : index
      %get3A_2395 = tpu.vector_load %arg7[%get3A_2393, %get3A_2394] {strides = array<i32>} : memref<50x1024xf32, #tpu.memory_space<vmem>>, vector<16xf32>,
      %get3A_2396 = arith.constant 8 : i32
      %get3A_2397 = arith.index_cast %get3A_2396 : i32 to index
      %get3A_2398 = arith.constant 1008 : index
      %get3A_2399 = tpu.vector_load %arg7[%get3A_2397, %get3A_2398] {strides = array<i32>} : memref<50x1024xf32, #tpu.memory_space<vmem>>, vector<16xf32>,
      %mul3A_2400 = arith.mulf %get3A_2395, %get3A_2399 : vector<16xf32>
      %lt3A_2401 = arith.constant 0 : i32
      %lt3A_2402 = vector.broadcast %lt3A_2401 : i32 to vector<16xi32>
      %lt3A_2403 = arith.cmpi slt, %select_n3A_70, %lt3A_2402 : vector<16xi32>
      %add3A_2404 = arith.constant 16 : i32
      %add3A_2405 = vector.broadcast %add3A_2404 : i32 to vector<16xi32>
      %add3A_2406 = arith.addi %select_n3A_70, %add3A_2405 : vector<16xi32>
      %select_n3A_2407 = arith.select %lt3A_2403, %add3A_2406, %select_n3A_70 : vector<16xi1>, vector<16xi32>
      %broadcast_in_dim3A_2408 = vector.shape_cast %select_n3A_2407 : vector<16xi32> to vector<16x1xi32>
      %gather3A_2409 = vector.shape_cast %broadcast_in_dim3A_2408 : vector<16x1xi32> to vector<16xi32>
      %gather3A_2410 = tpu.dynamic_gather %mul3A_2400[%gather3A_2409] in [0] : vector<16xf32>, vector<16xi32> -> vector<16xf32>
      %get3A_2411 = arith.constant 8 : i32
      %get3A_2412 = arith.index_cast %get3A_2411 : i32 to index
      %get3A_2413 = arith.constant 1007 : index
      %get3A_2414 = tpu.vector_load %arg7[%get3A_2412, %get3A_2413] {strides = array<i32>} : memref<50x1024xf32, #tpu.memory_space<vmem>>, vector<16xf32>,
      %get3A_2415 = arith.constant 9 : i32
      %get3A_2416 = arith.index_cast %get3A_2415 : i32 to index
      %get3A_2417 = arith.constant 1008 : index
      %get3A_2418 = tpu.vector_load %arg7[%get3A_2416, %get3A_2417] {strides = array<i32>} : memref<50x1024xf32, #tpu.memory_space<vmem>>, vector<16xf32>,
      %mul3A_2419 = arith.mulf %get3A_2414, %get3A_2418 : vector<16xf32>
      %lt3A_2420 = arith.constant 0 : i32
      %lt3A_2421 = vector.broadcast %lt3A_2420 : i32 to vector<16xi32>
      %lt3A_2422 = arith.cmpi slt, %select_n3A_70, %lt3A_2421 : vector<16xi32>
      %add3A_2423 = arith.constant 16 : i32
      %add3A_2424 = vector.broadcast %add3A_2423 : i32 to vector<16xi32>
      %add3A_2425 = arith.addi %select_n3A_70, %add3A_2424 : vector<16xi32>
      %select_n3A_2426 = arith.select %lt3A_2422, %add3A_2425, %select_n3A_70 : vector<16xi1>, vector<16xi32>
      %broadcast_in_dim3A_2427 = vector.shape_cast %select_n3A_2426 : vector<16xi32> to vector<16x1xi32>
      %gather3A_2428 = vector.shape_cast %broadcast_in_dim3A_2427 : vector<16x1xi32> to vector<16xi32>
      %gather3A_2429 = tpu.dynamic_gather %mul3A_2419[%gather3A_2428] in [0] : vector<16xf32>, vector<16xi32> -> vector<16xf32>
      %get3A_2430 = arith.constant 9 : i32
      %get3A_2431 = arith.index_cast %get3A_2430 : i32 to index
      %get3A_2432 = arith.constant 1007 : index
      %get3A_2433 = tpu.vector_load %arg7[%get3A_2431, %get3A_2432] {strides = array<i32>} : memref<50x1024xf32, #tpu.memory_space<vmem>>, vector<16xf32>,
      %get3A_2434 = arith.constant 10 : i32
      %get3A_2435 = arith.index_cast %get3A_2434 : i32 to index
      %get3A_2436 = arith.constant 1008 : index
      %get3A_2437 = tpu.vector_load %arg7[%get3A_2435, %get3A_2436] {strides = array<i32>} : memref<50x1024xf32, #tpu.memory_space<vmem>>, vector<16xf32>,
      %mul3A_2438 = arith.mulf %get3A_2433, %get3A_2437 : vector<16xf32>
      %lt3A_2439 = arith.constant 0 : i32
      %lt3A_2440 = vector.broadcast %lt3A_2439 : i32 to vector<16xi32>
      %lt3A_2441 = arith.cmpi slt, %select_n3A_70, %lt3A_2440 : vector<16xi32>
      %add3A_2442 = arith.constant 16 : i32
      %add3A_2443 = vector.broadcast %add3A_2442 : i32 to vector<16xi32>
      %add3A_2444 = arith.addi %select_n3A_70, %add3A_2443 : vector<16xi32>
      %select_n3A_2445 = arith.select %lt3A_2441, %add3A_2444, %select_n3A_70 : vector<16xi1>, vector<16xi32>
      %broadcast_in_dim3A_2446 = vector.shape_cast %select_n3A_2445 : vector<16xi32> to vector<16x1xi32>
      %gather3A_2447 = vector.shape_cast %broadcast_in_dim3A_2446 : vector<16x1xi32> to vector<16xi32>
      %gather3A_2448 = tpu.dynamic_gather %mul3A_2438[%gather3A_2447] in [0] : vector<16xf32>, vector<16xi32> -> vector<16xf32>
      %get3A_2449 = arith.constant 10 : i32
      %get3A_2450 = arith.index_cast %get3A_2449 : i32 to index
      %get3A_2451 = arith.constant 1007 : index
      %get3A_2452 = tpu.vector_load %arg7[%get3A_2450, %get3A_2451] {strides = array<i32>} : memref<50x1024xf32, #tpu.memory_space<vmem>>, vector<16xf32>,
      %get3A_2453 = arith.constant 11 : i32
      %get3A_2454 = arith.index_cast %get3A_2453 : i32 to index
      %get3A_2455 = arith.constant 1008 : index
      %get3A_2456 = tpu.vector_load %arg7[%get3A_2454, %get3A_2455] {strides = array<i32>} : memref<50x1024xf32, #tpu.memory_space<vmem>>, vector<16xf32>,
      %mul3A_2457 = arith.mulf %get3A_2452, %get3A_2456 : vector<16xf32>
      %lt3A_2458 = arith.constant 0 : i32
      %lt3A_2459 = vector.broadcast %lt3A_2458 : i32 to vector<16xi32>
      %lt3A_2460 = arith.cmpi slt, %select_n3A_70, %lt3A_2459 : vector<16xi32>
      %add3A_2461 = arith.constant 16 : i32
      %add3A_2462 = vector.broadcast %add3A_2461 : i32 to vector<16xi32>
      %add3A_2463 = arith.addi %select_n3A_70, %add3A_2462 : vector<16xi32>
      %select_n3A_2464 = arith.select %lt3A_2460, %add3A_2463, %select_n3A_70 : vector<16xi1>, vector<16xi32>
      %broadcast_in_dim3A_2465 = vector.shape_cast %select_n3A_2464 : vector<16xi32> to vector<16x1xi32>
      %gather3A_2466 = vector.shape_cast %broadcast_in_dim3A_2465 : vector<16x1xi32> to vector<16xi32>
      %gather3A_2467 = tpu.dynamic_gather %mul3A_2457[%gather3A_2466] in [0] : vector<16xf32>, vector<16xi32> -> vector<16xf32>
      %get3A_2468 = arith.constant 11 : i32
      %get3A_2469 = arith.index_cast %get3A_2468 : i32 to index
      %get3A_2470 = arith.constant 1007 : index
      %get3A_2471 = tpu.vector_load %arg7[%get3A_2469, %get3A_2470] {strides = array<i32>} : memref<50x1024xf32, #tpu.memory_space<vmem>>, vector<16xf32>,
      %get3A_2472 = arith.constant 12 : i32
      %get3A_2473 = arith.index_cast %get3A_2472 : i32 to index
      %get3A_2474 = arith.constant 1008 : index
      %get3A_2475 = tpu.vector_load %arg7[%get3A_2473, %get3A_2474] {strides = array<i32>} : memref<50x1024xf32, #tpu.memory_space<vmem>>, vector<16xf32>,
      %mul3A_2476 = arith.mulf %get3A_2471, %get3A_2475 : vector<16xf32>
      %lt3A_2477 = arith.constant 0 : i32
      %lt3A_2478 = vector.broadcast %lt3A_2477 : i32 to vector<16xi32>
      %lt3A_2479 = arith.cmpi slt, %select_n3A_70, %lt3A_2478 : vector<16xi32>
      %add3A_2480 = arith.constant 16 : i32
      %add3A_2481 = vector.broadcast %add3A_2480 : i32 to vector<16xi32>
      %add3A_2482 = arith.addi %select_n3A_70, %add3A_2481 : vector<16xi32>
      %select_n3A_2483 = arith.select %lt3A_2479, %add3A_2482, %select_n3A_70 : vector<16xi1>, vector<16xi32>
      %broadcast_in_dim3A_2484 = vector.shape_cast %select_n3A_2483 : vector<16xi32> to vector<16x1xi32>
      %gather3A_2485 = vector.shape_cast %broadcast_in_dim3A_2484 : vector<16x1xi32> to vector<16xi32>
      %gather3A_2486 = tpu.dynamic_gather %mul3A_2476[%gather3A_2485] in [0] : vector<16xf32>, vector<16xi32> -> vector<16xf32>
      %get3A_2487 = arith.constant 1 : i32
      %get3A_2488 = arith.index_cast %get3A_2487 : i32 to index
      %get3A_2489 = arith.constant 0 : index
      %get3A_2490 = tpu.vector_load %arg7[%get3A_2488, %get3A_2489] {strides = array<i32>} : memref<50x1024xf32, #tpu.memory_space<vmem>>, vector<16xf32>,
      %get3A_2491 = arith.constant 2 : i32
      %get3A_2492 = arith.index_cast %get3A_2491 : i32 to index
      %get3A_2493 = arith.constant 0 : index
      %get3A_2494 = tpu.vector_load %arg7[%get3A_2492, %get3A_2493] {strides = array<i32>} : memref<50x1024xf32, #tpu.memory_space<vmem>>, vector<16xf32>,
      %get3A_2495 = arith.constant 3 : i32
      %get3A_2496 = arith.index_cast %get3A_2495 : i32 to index
      %get3A_2497 = arith.constant 0 : index
      %get3A_2498 = tpu.vector_load %arg7[%get3A_2496, %get3A_2497] {strides = array<i32>} : memref<50x1024xf32, #tpu.memory_space<vmem>>, vector<16xf32>,
      %get3A_2499 = arith.constant 4 : i32
      %get3A_2500 = arith.index_cast %get3A_2499 : i32 to index
      %get3A_2501 = arith.constant 0 : index
      %get3A_2502 = tpu.vector_load %arg7[%get3A_2500, %get3A_2501] {strides = array<i32>} : memref<50x1024xf32, #tpu.memory_space<vmem>>, vector<16xf32>,
      %get3A_2503 = arith.constant 5 : i32
      %get3A_2504 = arith.index_cast %get3A_2503 : i32 to index
      %get3A_2505 = arith.constant 0 : index
      %get3A_2506 = tpu.vector_load %arg7[%get3A_2504, %get3A_2505] {strides = array<i32>} : memref<50x1024xf32, #tpu.memory_space<vmem>>, vector<16xf32>,
      %get3A_2507 = arith.constant 6 : i32
      %get3A_2508 = arith.index_cast %get3A_2507 : i32 to index
      %get3A_2509 = arith.constant 0 : index
      %get3A_2510 = tpu.vector_load %arg7[%get3A_2508, %get3A_2509] {strides = array<i32>} : memref<50x1024xf32, #tpu.memory_space<vmem>>, vector<16xf32>,
      %get3A_2511 = arith.constant 7 : i32
      %get3A_2512 = arith.index_cast %get3A_2511 : i32 to index
      %get3A_2513 = arith.constant 0 : index
      %get3A_2514 = tpu.vector_load %arg7[%get3A_2512, %get3A_2513] {strides = array<i32>} : memref<50x1024xf32, #tpu.memory_space<vmem>>, vector<16xf32>,
      %get3A_2515 = arith.constant 8 : i32
      %get3A_2516 = arith.index_cast %get3A_2515 : i32 to index
      %get3A_2517 = arith.constant 0 : index
      %get3A_2518 = tpu.vector_load %arg7[%get3A_2516, %get3A_2517] {strides = array<i32>} : memref<50x1024xf32, #tpu.memory_space<vmem>>, vector<16xf32>,
      %get3A_2519 = arith.constant 9 : i32
      %get3A_2520 = arith.index_cast %get3A_2519 : i32 to index
      %get3A_2521 = arith.constant 0 : index
      %get3A_2522 = tpu.vector_load %arg7[%get3A_2520, %get3A_2521] {strides = array<i32>} : memref<50x1024xf32, #tpu.memory_space<vmem>>, vector<16xf32>,
      %get3A_2523 = arith.constant 10 : i32
      %get3A_2524 = arith.index_cast %get3A_2523 : i32 to index
      %get3A_2525 = arith.constant 0 : index
      %get3A_2526 = tpu.vector_load %arg7[%get3A_2524, %get3A_2525] {strides = array<i32>} : memref<50x1024xf32, #tpu.memory_space<vmem>>, vector<16xf32>,
      %get3A_2527 = arith.constant 11 : i32
      %get3A_2528 = arith.index_cast %get3A_2527 : i32 to index
      %get3A_2529 = arith.constant 0 : index
      %get3A_2530 = tpu.vector_load %arg7[%get3A_2528, %get3A_2529] {strides = array<i32>} : memref<50x1024xf32, #tpu.memory_space<vmem>>, vector<16xf32>,
      %get3A_2531 = arith.constant 12 : i32
      %get3A_2532 = arith.index_cast %get3A_2531 : i32 to index
      %get3A_2533 = arith.constant 0 : index
      %get3A_2534 = tpu.vector_load %arg7[%get3A_2532, %get3A_2533] {strides = array<i32>} : memref<50x1024xf32, #tpu.memory_space<vmem>>, vector<16xf32>,
      %get3A_2535 = arith.constant 13 : i32
      %get3A_2536 = arith.index_cast %get3A_2535 : i32 to index
      %get3A_2537 = arith.constant 0 : index
      %get3A_2538 = tpu.vector_load %arg7[%get3A_2536, %get3A_2537] {strides = array<i32>} : memref<50x1024xf32, #tpu.memory_space<vmem>>, vector<16xf32>,
      %broadcast_in_dim3A_2539 = arith.constant 0 : i32
      %broadcast_in_dim3A_2540 = vector.broadcast %broadcast_in_dim3A_2539 : i32 to vector<16xi32>
      %gather3A_2541 = tpu.vector_load_idx %arg7[%broadcast_in_dim3A_2540, %select_n3A_45] : memref<50x1024xf32, #tpu.memory_space<vmem>>[vector<16xi32>, vector<16xi32>], vector<16xf32>,
      %mul3A_2542 = arith.mulf %gather3A_2541, %get3A_2490 : vector<16xf32>
      %lt3A_2543 = arith.constant 0 : i32
      %lt3A_2544 = vector.broadcast %lt3A_2543 : i32 to vector<16xi32>
      %lt3A_2545 = arith.cmpi slt, %select_n3A_70, %lt3A_2544 : vector<16xi32>
      %add3A_2546 = arith.constant 16 : i32
      %add3A_2547 = vector.broadcast %add3A_2546 : i32 to vector<16xi32>
      %add3A_2548 = arith.addi %select_n3A_70, %add3A_2547 : vector<16xi32>
      %select_n3A_2549 = arith.select %lt3A_2545, %add3A_2548, %select_n3A_70 : vector<16xi1>, vector<16xi32>
      %broadcast_in_dim3A_2550 = vector.shape_cast %select_n3A_2549 : vector<16xi32> to vector<16x1xi32>
      %gather3A_2551 = vector.shape_cast %broadcast_in_dim3A_2550 : vector<16x1xi32> to vector<16xi32>
      %gather3A_2552 = tpu.dynamic_gather %mul3A_2542[%gather3A_2551] in [0] : vector<16xf32>, vector<16xi32> -> vector<16xf32>
      %eq3A_2553 = arith.constant 0 : i32
      %eq3A_2554 = vector.broadcast %eq3A_2553 : i32 to vector<16xi32>
      %eq3A_2555 = arith.cmpi eq, %iota3A, %eq3A_2554 : vector<16xi32>
      %select_n3A_2556 = arith.select %eq3A_2555, %gather3A_2277, %gather3A_2552 : vector<16xi1>, vector<16xf32>
      %mul3A_2557 = arith.mulf %select_n3A_2556, %get3A_2494 : vector<16xf32>
      %broadcast_in_dim3A_2558 = arith.constant 1 : i32
      %broadcast_in_dim3A_2559 = vector.broadcast %broadcast_in_dim3A_2558 : i32 to vector<16xi32>
      %gather3A_2560 = tpu.vector_load_idx %arg7[%broadcast_in_dim3A_2559, %select_n3A_45] : memref<50x1024xf32, #tpu.memory_space<vmem>>[vector<16xi32>, vector<16xi32>], vector<16xf32>,
      %mul3A_2561 = arith.mulf %gather3A_2560, %get3A_2494 : vector<16xf32>
      %lt3A_2562 = arith.constant 0 : i32
      %lt3A_2563 = vector.broadcast %lt3A_2562 : i32 to vector<16xi32>
      %lt3A_2564 = arith.cmpi slt, %select_n3A_70, %lt3A_2563 : vector<16xi32>
      %add3A_2565 = arith.constant 16 : i32
      %add3A_2566 = vector.broadcast %add3A_2565 : i32 to vector<16xi32>
      %add3A_2567 = arith.addi %select_n3A_70, %add3A_2566 : vector<16xi32>
      %select_n3A_2568 = arith.select %lt3A_2564, %add3A_2567, %select_n3A_70 : vector<16xi1>, vector<16xi32>
      %broadcast_in_dim3A_2569 = vector.shape_cast %select_n3A_2568 : vector<16xi32> to vector<16x1xi32>
      %gather3A_2570 = vector.shape_cast %broadcast_in_dim3A_2569 : vector<16x1xi32> to vector<16xi32>
      %gather3A_2571 = tpu.dynamic_gather %mul3A_2561[%gather3A_2570] in [0] : vector<16xf32>, vector<16xi32> -> vector<16xf32>
      %eq3A_2572 = arith.constant 0 : i32
      %eq3A_2573 = vector.broadcast %eq3A_2572 : i32 to vector<16xi32>
      %eq3A_2574 = arith.cmpi eq, %iota3A, %eq3A_2573 : vector<16xi32>
      %select_n3A_2575 = arith.select %eq3A_2574, %gather3A_2296, %gather3A_2571 : vector<16xi1>, vector<16xf32>
      %mul3A_2576 = arith.mulf %select_n3A_2575, %get3A_2498 : vector<16xf32>
      %broadcast_in_dim3A_2577 = arith.constant 2 : i32
      %broadcast_in_dim3A_2578 = vector.broadcast %broadcast_in_dim3A_2577 : i32 to vector<16xi32>
      %gather3A_2579 = tpu.vector_load_idx %arg7[%broadcast_in_dim3A_2578, %select_n3A_45] : memref<50x1024xf32, #tpu.memory_space<vmem>>[vector<16xi32>, vector<16xi32>], vector<16xf32>,
      %mul3A_2580 = arith.mulf %gather3A_2579, %get3A_2498 : vector<16xf32>
      %lt3A_2581 = arith.constant 0 : i32
      %lt3A_2582 = vector.broadcast %lt3A_2581 : i32 to vector<16xi32>
      %lt3A_2583 = arith.cmpi slt, %select_n3A_70, %lt3A_2582 : vector<16xi32>
      %add3A_2584 = arith.constant 16 : i32
      %add3A_2585 = vector.broadcast %add3A_2584 : i32 to vector<16xi32>
      %add3A_2586 = arith.addi %select_n3A_70, %add3A_2585 : vector<16xi32>
      %select_n3A_2587 = arith.select %lt3A_2583, %add3A_2586, %select_n3A_70 : vector<16xi1>, vector<16xi32>
      %broadcast_in_dim3A_2588 = vector.shape_cast %select_n3A_2587 : vector<16xi32> to vector<16x1xi32>
      %gather3A_2589 = vector.shape_cast %broadcast_in_dim3A_2588 : vector<16x1xi32> to vector<16xi32>
      %gather3A_2590 = tpu.dynamic_gather %mul3A_2580[%gather3A_2589] in [0] : vector<16xf32>, vector<16xi32> -> vector<16xf32>
      %eq3A_2591 = arith.constant 0 : i32
      %eq3A_2592 = vector.broadcast %eq3A_2591 : i32 to vector<16xi32>
      %eq3A_2593 = arith.cmpi eq, %iota3A, %eq3A_2592 : vector<16xi32>
      %select_n3A_2594 = arith.select %eq3A_2593, %gather3A_2315, %gather3A_2590 : vector<16xi1>, vector<16xf32>
      %mul3A_2595 = arith.mulf %select_n3A_2594, %get3A_2502 : vector<16xf32>
      %broadcast_in_dim3A_2596 = arith.constant 3 : i32
      %broadcast_in_dim3A_2597 = vector.broadcast %broadcast_in_dim3A_2596 : i32 to vector<16xi32>
      %gather3A_2598 = tpu.vector_load_idx %arg7[%broadcast_in_dim3A_2597, %select_n3A_45] : memref<50x1024xf32, #tpu.memory_space<vmem>>[vector<16xi32>, vector<16xi32>], vector<16xf32>,
      %mul3A_2599 = arith.mulf %gather3A_2598, %get3A_2502 : vector<16xf32>
      %lt3A_2600 = arith.constant 0 : i32
      %lt3A_2601 = vector.broadcast %lt3A_2600 : i32 to vector<16xi32>
      %lt3A_2602 = arith.cmpi slt, %select_n3A_70, %lt3A_2601 : vector<16xi32>
      %add3A_2603 = arith.constant 16 : i32
      %add3A_2604 = vector.broadcast %add3A_2603 : i32 to vector<16xi32>
      %add3A_2605 = arith.addi %select_n3A_70, %add3A_2604 : vector<16xi32>
      %select_n3A_2606 = arith.select %lt3A_2602, %add3A_2605, %select_n3A_70 : vector<16xi1>, vector<16xi32>
      %broadcast_in_dim3A_2607 = vector.shape_cast %select_n3A_2606 : vector<16xi32> to vector<16x1xi32>
      %gather3A_2608 = vector.shape_cast %broadcast_in_dim3A_2607 : vector<16x1xi32> to vector<16xi32>
      %gather3A_2609 = tpu.dynamic_gather %mul3A_2599[%gather3A_2608] in [0] : vector<16xf32>, vector<16xi32> -> vector<16xf32>
      %eq3A_2610 = arith.constant 0 : i32
      %eq3A_2611 = vector.broadcast %eq3A_2610 : i32 to vector<16xi32>
      %eq3A_2612 = arith.cmpi eq, %iota3A, %eq3A_2611 : vector<16xi32>
      %select_n3A_2613 = arith.select %eq3A_2612, %gather3A_2334, %gather3A_2609 : vector<16xi1>, vector<16xf32>
      %mul3A_2614 = arith.mulf %select_n3A_2613, %get3A_2506 : vector<16xf32>
      %add3A_2615 = arith.addf %mul3A_2557, %mul3A_2614 : vector<16xf32>
      %broadcast_in_dim3A_2616 = arith.constant 4 : i32
      %broadcast_in_dim3A_2617 = vector.broadcast %broadcast_in_dim3A_2616 : i32 to vector<16xi32>
      %gather3A_2618 = tpu.vector_load_idx %arg7[%broadcast_in_dim3A_2617, %select_n3A_45] : memref<50x1024xf32, #tpu.memory_space<vmem>>[vector<16xi32>, vector<16xi32>], vector<16xf32>,
      %mul3A_2619 = arith.mulf %gather3A_2618, %get3A_2506 : vector<16xf32>
      %lt3A_2620 = arith.constant 0 : i32
      %lt3A_2621 = vector.broadcast %lt3A_2620 : i32 to vector<16xi32>
      %lt3A_2622 = arith.cmpi slt, %select_n3A_70, %lt3A_2621 : vector<16xi32>
      %add3A_2623 = arith.constant 16 : i32
      %add3A_2624 = vector.broadcast %add3A_2623 : i32 to vector<16xi32>
      %add3A_2625 = arith.addi %select_n3A_70, %add3A_2624 : vector<16xi32>
      %select_n3A_2626 = arith.select %lt3A_2622, %add3A_2625, %select_n3A_70 : vector<16xi1>, vector<16xi32>
      %broadcast_in_dim3A_2627 = vector.shape_cast %select_n3A_2626 : vector<16xi32> to vector<16x1xi32>
      %gather3A_2628 = vector.shape_cast %broadcast_in_dim3A_2627 : vector<16x1xi32> to vector<16xi32>
      %gather3A_2629 = tpu.dynamic_gather %mul3A_2619[%gather3A_2628] in [0] : vector<16xf32>, vector<16xi32> -> vector<16xf32>
      %eq3A_2630 = arith.constant 0 : i32
      %eq3A_2631 = vector.broadcast %eq3A_2630 : i32 to vector<16xi32>
      %eq3A_2632 = arith.cmpi eq, %iota3A, %eq3A_2631 : vector<16xi32>
      %select_n3A_2633 = arith.select %eq3A_2632, %gather3A_2353, %gather3A_2629 : vector<16xi1>, vector<16xf32>
      %mul3A_2634 = arith.mulf %select_n3A_2633, %get3A_2510 : vector<16xf32>
      %add3A_2635 = arith.addf %mul3A_2576, %mul3A_2634 : vector<16xf32>
      %broadcast_in_dim3A_2636 = arith.constant 5 : i32
      %broadcast_in_dim3A_2637 = vector.broadcast %broadcast_in_dim3A_2636 : i32 to vector<16xi32>
      %gather3A_2638 = tpu.vector_load_idx %arg7[%broadcast_in_dim3A_2637, %select_n3A_45] : memref<50x1024xf32, #tpu.memory_space<vmem>>[vector<16xi32>, vector<16xi32>], vector<16xf32>,
      %mul3A_2639 = arith.mulf %gather3A_2638, %get3A_2510 : vector<16xf32>
      %lt3A_2640 = arith.constant 0 : i32
      %lt3A_2641 = vector.broadcast %lt3A_2640 : i32 to vector<16xi32>
      %lt3A_2642 = arith.cmpi slt, %select_n3A_70, %lt3A_2641 : vector<16xi32>
      %add3A_2643 = arith.constant 16 : i32
      %add3A_2644 = vector.broadcast %add3A_2643 : i32 to vector<16xi32>
      %add3A_2645 = arith.addi %select_n3A_70, %add3A_2644 : vector<16xi32>
      %select_n3A_2646 = arith.select %lt3A_2642, %add3A_2645, %select_n3A_70 : vector<16xi1>, vector<16xi32>
      %broadcast_in_dim3A_2647 = vector.shape_cast %select_n3A_2646 : vector<16xi32> to vector<16x1xi32>
      %gather3A_2648 = vector.shape_cast %broadcast_in_dim3A_2647 : vector<16x1xi32> to vector<16xi32>
      %gather3A_2649 = tpu.dynamic_gather %mul3A_2639[%gather3A_2648] in [0] : vector<16xf32>, vector<16xi32> -> vector<16xf32>
      %eq3A_2650 = arith.constant 0 : i32
      %eq3A_2651 = vector.broadcast %eq3A_2650 : i32 to vector<16xi32>
      %eq3A_2652 = arith.cmpi eq, %iota3A, %eq3A_2651 : vector<16xi32>
      %select_n3A_2653 = arith.select %eq3A_2652, %gather3A_2372, %gather3A_2649 : vector<16xi1>, vector<16xf32>
      %mul3A_2654 = arith.mulf %select_n3A_2653, %get3A_2514 : vector<16xf32>
      %add3A_2655 = arith.addf %mul3A_2595, %mul3A_2654 : vector<16xf32>
      %broadcast_in_dim3A_2656 = arith.constant 6 : i32
      %broadcast_in_dim3A_2657 = vector.broadcast %broadcast_in_dim3A_2656 : i32 to vector<16xi32>
      %gather3A_2658 = tpu.vector_load_idx %arg7[%broadcast_in_dim3A_2657, %select_n3A_45] : memref<50x1024xf32, #tpu.memory_space<vmem>>[vector<16xi32>, vector<16xi32>], vector<16xf32>,
      %mul3A_2659 = arith.mulf %gather3A_2658, %get3A_2514 : vector<16xf32>
      %lt3A_2660 = arith.constant 0 : i32
      %lt3A_2661 = vector.broadcast %lt3A_2660 : i32 to vector<16xi32>
      %lt3A_2662 = arith.cmpi slt, %select_n3A_70, %lt3A_2661 : vector<16xi32>
      %add3A_2663 = arith.constant 16 : i32
      %add3A_2664 = vector.broadcast %add3A_2663 : i32 to vector<16xi32>
      %add3A_2665 = arith.addi %select_n3A_70, %add3A_2664 : vector<16xi32>
      %select_n3A_2666 = arith.select %lt3A_2662, %add3A_2665, %select_n3A_70 : vector<16xi1>, vector<16xi32>
      %broadcast_in_dim3A_2667 = vector.shape_cast %select_n3A_2666 : vector<16xi32> to vector<16x1xi32>
      %gather3A_2668 = vector.shape_cast %broadcast_in_dim3A_2667 : vector<16x1xi32> to vector<16xi32>
      %gather3A_2669 = tpu.dynamic_gather %mul3A_2659[%gather3A_2668] in [0] : vector<16xf32>, vector<16xi32> -> vector<16xf32>
      %eq3A_2670 = arith.constant 0 : i32
      %eq3A_2671 = vector.broadcast %eq3A_2670 : i32 to vector<16xi32>
      %eq3A_2672 = arith.cmpi eq, %iota3A, %eq3A_2671 : vector<16xi32>
      %select_n3A_2673 = arith.select %eq3A_2672, %gather3A_2391, %gather3A_2669 : vector<16xi1>, vector<16xf32>
      %mul3A_2674 = arith.mulf %select_n3A_2673, %get3A_2518 : vector<16xf32>
      %add3A_2675 = arith.addf %add3A_2615, %mul3A_2674 : vector<16xf32>
      %broadcast_in_dim3A_2676 = arith.constant 7 : i32
      %broadcast_in_dim3A_2677 = vector.broadcast %broadcast_in_dim3A_2676 : i32 to vector<16xi32>
      %gather3A_2678 = tpu.vector_load_idx %arg7[%broadcast_in_dim3A_2677, %select_n3A_45] : memref<50x1024xf32, #tpu.memory_space<vmem>>[vector<16xi32>, vector<16xi32>], vector<16xf32>,
      %mul3A_2679 = arith.mulf %gather3A_2678, %get3A_2518 : vector<16xf32>
      %lt3A_2680 = arith.constant 0 : i32
      %lt3A_2681 = vector.broadcast %lt3A_2680 : i32 to vector<16xi32>
      %lt3A_2682 = arith.cmpi slt, %select_n3A_70, %lt3A_2681 : vector<16xi32>
      %add3A_2683 = arith.constant 16 : i32
      %add3A_2684 = vector.broadcast %add3A_2683 : i32 to vector<16xi32>
      %add3A_2685 = arith.addi %select_n3A_70, %add3A_2684 : vector<16xi32>
      %select_n3A_2686 = arith.select %lt3A_2682, %add3A_2685, %select_n3A_70 : vector<16xi1>, vector<16xi32>
      %broadcast_in_dim3A_2687 = vector.shape_cast %select_n3A_2686 : vector<16xi32> to vector<16x1xi32>
      %gather3A_2688 = vector.shape_cast %broadcast_in_dim3A_2687 : vector<16x1xi32> to vector<16xi32>
      %gather3A_2689 = tpu.dynamic_gather %mul3A_2679[%gather3A_2688] in [0] : vector<16xf32>, vector<16xi32> -> vector<16xf32>
      %eq3A_2690 = arith.constant 0 : i32
      %eq3A_2691 = vector.broadcast %eq3A_2690 : i32 to vector<16xi32>
      %eq3A_2692 = arith.cmpi eq, %iota3A, %eq3A_2691 : vector<16xi32>
      %select_n3A_2693 = arith.select %eq3A_2692, %gather3A_2410, %gather3A_2689 : vector<16xi1>, vector<16xf32>
      %mul3A_2694 = arith.mulf %select_n3A_2693, %get3A_2522 : vector<16xf32>
      %add3A_2695 = arith.addf %add3A_2635, %mul3A_2694 : vector<16xf32>
      %broadcast_in_dim3A_2696 = arith.constant 8 : i32
      %broadcast_in_dim3A_2697 = vector.broadcast %broadcast_in_dim3A_2696 : i32 to vector<16xi32>
      %gather3A_2698 = tpu.vector_load_idx %arg7[%broadcast_in_dim3A_2697, %select_n3A_45] : memref<50x1024xf32, #tpu.memory_space<vmem>>[vector<16xi32>, vector<16xi32>], vector<16xf32>,
      %mul3A_2699 = arith.mulf %gather3A_2698, %get3A_2522 : vector<16xf32>
      %lt3A_2700 = arith.constant 0 : i32
      %lt3A_2701 = vector.broadcast %lt3A_2700 : i32 to vector<16xi32>
      %lt3A_2702 = arith.cmpi slt, %select_n3A_70, %lt3A_2701 : vector<16xi32>
      %add3A_2703 = arith.constant 16 : i32
      %add3A_2704 = vector.broadcast %add3A_2703 : i32 to vector<16xi32>
      %add3A_2705 = arith.addi %select_n3A_70, %add3A_2704 : vector<16xi32>
      %select_n3A_2706 = arith.select %lt3A_2702, %add3A_2705, %select_n3A_70 : vector<16xi1>, vector<16xi32>
      %broadcast_in_dim3A_2707 = vector.shape_cast %select_n3A_2706 : vector<16xi32> to vector<16x1xi32>
      %gather3A_2708 = vector.shape_cast %broadcast_in_dim3A_2707 : vector<16x1xi32> to vector<16xi32>
      %gather3A_2709 = tpu.dynamic_gather %mul3A_2699[%gather3A_2708] in [0] : vector<16xf32>, vector<16xi32> -> vector<16xf32>
      %eq3A_2710 = arith.constant 0 : i32
      %eq3A_2711 = vector.broadcast %eq3A_2710 : i32 to vector<16xi32>
      %eq3A_2712 = arith.cmpi eq, %iota3A, %eq3A_2711 : vector<16xi32>
      %select_n3A_2713 = arith.select %eq3A_2712, %gather3A_2429, %gather3A_2709 : vector<16xi1>, vector<16xf32>
      %mul3A_2714 = arith.mulf %select_n3A_2713, %get3A_2526 : vector<16xf32>
      %add3A_2715 = arith.addf %add3A_2655, %mul3A_2714 : vector<16xf32>
      %broadcast_in_dim3A_2716 = arith.constant 9 : i32
      %broadcast_in_dim3A_2717 = vector.broadcast %broadcast_in_dim3A_2716 : i32 to vector<16xi32>
      %gather3A_2718 = tpu.vector_load_idx %arg7[%broadcast_in_dim3A_2717, %select_n3A_45] : memref<50x1024xf32, #tpu.memory_space<vmem>>[vector<16xi32>, vector<16xi32>], vector<16xf32>,
      %mul3A_2719 = arith.mulf %gather3A_2718, %get3A_2526 : vector<16xf32>
      %lt3A_2720 = arith.constant 0 : i32
      %lt3A_2721 = vector.broadcast %lt3A_2720 : i32 to vector<16xi32>
      %lt3A_2722 = arith.cmpi slt, %select_n3A_70, %lt3A_2721 : vector<16xi32>
      %add3A_2723 = arith.constant 16 : i32
      %add3A_2724 = vector.broadcast %add3A_2723 : i32 to vector<16xi32>
      %add3A_2725 = arith.addi %select_n3A_70, %add3A_2724 : vector<16xi32>
      %select_n3A_2726 = arith.select %lt3A_2722, %add3A_2725, %select_n3A_70 : vector<16xi1>, vector<16xi32>
      %broadcast_in_dim3A_2727 = vector.shape_cast %select_n3A_2726 : vector<16xi32> to vector<16x1xi32>
      %gather3A_2728 = vector.shape_cast %broadcast_in_dim3A_2727 : vector<16x1xi32> to vector<16xi32>
      %gather3A_2729 = tpu.dynamic_gather %mul3A_2719[%gather3A_2728] in [0] : vector<16xf32>, vector<16xi32> -> vector<16xf32>
      %eq3A_2730 = arith.constant 0 : i32
      %eq3A_2731 = vector.broadcast %eq3A_2730 : i32 to vector<16xi32>
      %eq3A_2732 = arith.cmpi eq, %iota3A, %eq3A_2731 : vector<16xi32>
      %select_n3A_2733 = arith.select %eq3A_2732, %gather3A_2448, %gather3A_2729 : vector<16xi1>, vector<16xf32>
      %mul3A_2734 = arith.mulf %select_n3A_2733, %get3A_2530 : vector<16xf32>
      %add3A_2735 = arith.addf %add3A_2675, %mul3A_2734 : vector<16xf32>
      %broadcast_in_dim3A_2736 = arith.constant 10 : i32
      %broadcast_in_dim3A_2737 = vector.broadcast %broadcast_in_dim3A_2736 : i32 to vector<16xi32>
      %gather3A_2738 = tpu.vector_load_idx %arg7[%broadcast_in_dim3A_2737, %select_n3A_45] : memref<50x1024xf32, #tpu.memory_space<vmem>>[vector<16xi32>, vector<16xi32>], vector<16xf32>,
      %mul3A_2739 = arith.mulf %gather3A_2738, %get3A_2530 : vector<16xf32>
      %lt3A_2740 = arith.constant 0 : i32
      %lt3A_2741 = vector.broadcast %lt3A_2740 : i32 to vector<16xi32>
      %lt3A_2742 = arith.cmpi slt, %select_n3A_70, %lt3A_2741 : vector<16xi32>
      %add3A_2743 = arith.constant 16 : i32
      %add3A_2744 = vector.broadcast %add3A_2743 : i32 to vector<16xi32>
      %add3A_2745 = arith.addi %select_n3A_70, %add3A_2744 : vector<16xi32>
      %select_n3A_2746 = arith.select %lt3A_2742, %add3A_2745, %select_n3A_70 : vector<16xi1>, vector<16xi32>
      %broadcast_in_dim3A_2747 = vector.shape_cast %select_n3A_2746 : vector<16xi32> to vector<16x1xi32>
      %gather3A_2748 = vector.shape_cast %broadcast_in_dim3A_2747 : vector<16x1xi32> to vector<16xi32>
      %gather3A_2749 = tpu.dynamic_gather %mul3A_2739[%gather3A_2748] in [0] : vector<16xf32>, vector<16xi32> -> vector<16xf32>
      %eq3A_2750 = arith.constant 0 : i32
      %eq3A_2751 = vector.broadcast %eq3A_2750 : i32 to vector<16xi32>
      %eq3A_2752 = arith.cmpi eq, %iota3A, %eq3A_2751 : vector<16xi32>
      %select_n3A_2753 = arith.select %eq3A_2752, %gather3A_2467, %gather3A_2749 : vector<16xi1>, vector<16xf32>
      %mul3A_2754 = arith.mulf %select_n3A_2753, %get3A_2534 : vector<16xf32>
      %add3A_2755 = arith.addf %add3A_2695, %mul3A_2754 : vector<16xf32>
      %broadcast_in_dim3A_2756 = arith.constant 11 : i32
      %broadcast_in_dim3A_2757 = vector.broadcast %broadcast_in_dim3A_2756 : i32 to vector<16xi32>
      %gather3A_2758 = tpu.vector_load_idx %arg7[%broadcast_in_dim3A_2757, %select_n3A_45] : memref<50x1024xf32, #tpu.memory_space<vmem>>[vector<16xi32>, vector<16xi32>], vector<16xf32>,
      %mul3A_2759 = arith.mulf %gather3A_2758, %get3A_2534 : vector<16xf32>
      %lt3A_2760 = arith.constant 0 : i32
      %lt3A_2761 = vector.broadcast %lt3A_2760 : i32 to vector<16xi32>
      %lt3A_2762 = arith.cmpi slt, %select_n3A_70, %lt3A_2761 : vector<16xi32>
      %add3A_2763 = arith.constant 16 : i32
      %add3A_2764 = vector.broadcast %add3A_2763 : i32 to vector<16xi32>
      %add3A_2765 = arith.addi %select_n3A_70, %add3A_2764 : vector<16xi32>
      %select_n3A_2766 = arith.select %lt3A_2762, %add3A_2765, %select_n3A_70 : vector<16xi1>, vector<16xi32>
      %broadcast_in_dim3A_2767 = vector.shape_cast %select_n3A_2766 : vector<16xi32> to vector<16x1xi32>
      %gather3A_2768 = vector.shape_cast %broadcast_in_dim3A_2767 : vector<16x1xi32> to vector<16xi32>
      %gather3A_2769 = tpu.dynamic_gather %mul3A_2759[%gather3A_2768] in [0] : vector<16xf32>, vector<16xi32> -> vector<16xf32>
      %eq3A_2770 = arith.constant 0 : i32
      %eq3A_2771 = vector.broadcast %eq3A_2770 : i32 to vector<16xi32>
      %eq3A_2772 = arith.cmpi eq, %iota3A, %eq3A_2771 : vector<16xi32>
      %select_n3A_2773 = arith.select %eq3A_2772, %gather3A_2486, %gather3A_2769 : vector<16xi1>, vector<16xf32>
      %mul3A_2774 = arith.mulf %select_n3A_2773, %get3A_2538 : vector<16xf32>
      %add3A_2775 = arith.addf %add3A_2715, %mul3A_2774 : vector<16xf32>
      %add3A_2776 = arith.addf %add3A_2735, %add3A_2755 : vector<16xf32>
      %add3A_2777 = arith.addf %add3A_2776, %add3A_2775 : vector<16xf32>
      %swap3A_2778 = arith.constant 0 : index
      %swap3A_2779 = tpu.vector_load %arg9[%swap3A_2778] {strides = array<i32>} : memref<1024xf32, #tpu.memory_space<vmem>>, vector<16xf32>,
      tpu.vector_store %arg9[%swap3A_2778], %add3A_2777 {strides = array<i32>} : memref<1024xf32, #tpu.memory_space<vmem>>, vector<16xf32>,
      %get3A_2780 = arith.constant 12 : i32
      %get3A_2781 = arith.index_cast %get3A_2780 : i32 to index
      %get3A_2782 = arith.constant 1007 : index
      %get3A_2783 = tpu.vector_load %arg7[%get3A_2781, %get3A_2782] {strides = array<i32>} : memref<50x1024xf32, #tpu.memory_space<vmem>>, vector<16xf32>,
      %get3A_2784 = arith.constant 13 : i32
      %get3A_2785 = arith.index_cast %get3A_2784 : i32 to index
      %get3A_2786 = arith.constant 1008 : index
      %get3A_2787 = tpu.vector_load %arg7[%get3A_2785, %get3A_2786] {strides = array<i32>} : memref<50x1024xf32, #tpu.memory_space<vmem>>, vector<16xf32>,
      %mul3A_2788 = arith.mulf %get3A_2783, %get3A_2787 : vector<16xf32>
      %lt3A_2789 = arith.constant 0 : i32
      %lt3A_2790 = vector.broadcast %lt3A_2789 : i32 to vector<16xi32>
      %lt3A_2791 = arith.cmpi slt, %select_n3A_70, %lt3A_2790 : vector<16xi32>
      %add3A_2792 = arith.constant 16 : i32
      %add3A_2793 = vector.broadcast %add3A_2792 : i32 to vector<16xi32>
      %add3A_2794 = arith.addi %select_n3A_70, %add3A_2793 : vector<16xi32>
      %select_n3A_2795 = arith.select %lt3A_2791, %add3A_2794, %select_n3A_70 : vector<16xi1>, vector<16xi32>
      %broadcast_in_dim3A_2796 = vector.shape_cast %select_n3A_2795 : vector<16xi32> to vector<16x1xi32>
      %gather3A_2797 = vector.shape_cast %broadcast_in_dim3A_2796 : vector<16x1xi32> to vector<16xi32>
      %gather3A_2798 = tpu.dynamic_gather %mul3A_2788[%gather3A_2797] in [0] : vector<16xf32>, vector<16xi32> -> vector<16xf32>
      %get3A_2799 = arith.constant 13 : i32
      %get3A_2800 = arith.index_cast %get3A_2799 : i32 to index
      %get3A_2801 = arith.constant 1007 : index
      %get3A_2802 = tpu.vector_load %arg7[%get3A_2800, %get3A_2801] {strides = array<i32>} : memref<50x1024xf32, #tpu.memory_space<vmem>>, vector<16xf32>,
      %get3A_2803 = arith.constant 14 : i32
      %get3A_2804 = arith.index_cast %get3A_2803 : i32 to index
      %get3A_2805 = arith.constant 1008 : index
      %get3A_2806 = tpu.vector_load %arg7[%get3A_2804, %get3A_2805] {strides = array<i32>} : memref<50x1024xf32, #tpu.memory_space<vmem>>, vector<16xf32>,
      %mul3A_2807 = arith.mulf %get3A_2802, %get3A_2806 : vector<16xf32>
      %lt3A_2808 = arith.constant 0 : i32
      %lt3A_2809 = vector.broadcast %lt3A_2808 : i32 to vector<16xi32>
      %lt3A_2810 = arith.cmpi slt, %select_n3A_70, %lt3A_2809 : vector<16xi32>
      %add3A_2811 = arith.constant 16 : i32
      %add3A_2812 = vector.broadcast %add3A_2811 : i32 to vector<16xi32>
      %add3A_2813 = arith.addi %select_n3A_70, %add3A_2812 : vector<16xi32>
      %select_n3A_2814 = arith.select %lt3A_2810, %add3A_2813, %select_n3A_70 : vector<16xi1>, vector<16xi32>
      %broadcast_in_dim3A_2815 = vector.shape_cast %select_n3A_2814 : vector<16xi32> to vector<16x1xi32>
      %gather3A_2816 = vector.shape_cast %broadcast_in_dim3A_2815 : vector<16x1xi32> to vector<16xi32>
      %gather3A_2817 = tpu.dynamic_gather %mul3A_2807[%gather3A_2816] in [0] : vector<16xf32>, vector<16xi32> -> vector<16xf32>
      %get3A_2818 = arith.constant 14 : i32
      %get3A_2819 = arith.index_cast %get3A_2818 : i32 to index
      %get3A_2820 = arith.constant 1007 : index
      %get3A_2821 = tpu.vector_load %arg7[%get3A_2819, %get3A_2820] {strides = array<i32>} : memref<50x1024xf32, #tpu.memory_space<vmem>>, vector<16xf32>,
      %get3A_2822 = arith.constant 15 : i32
      %get3A_2823 = arith.index_cast %get3A_2822 : i32 to index
      %get3A_2824 = arith.constant 1008 : index
      %get3A_2825 = tpu.vector_load %arg7[%get3A_2823, %get3A_2824] {strides = array<i32>} : memref<50x1024xf32, #tpu.memory_space<vmem>>, vector<16xf32>,
      %mul3A_2826 = arith.mulf %get3A_2821, %get3A_2825 : vector<16xf32>
      %lt3A_2827 = arith.constant 0 : i32
      %lt3A_2828 = vector.broadcast %lt3A_2827 : i32 to vector<16xi32>
      %lt3A_2829 = arith.cmpi slt, %select_n3A_70, %lt3A_2828 : vector<16xi32>
      %add3A_2830 = arith.constant 16 : i32
      %add3A_2831 = vector.broadcast %add3A_2830 : i32 to vector<16xi32>
      %add3A_2832 = arith.addi %select_n3A_70, %add3A_2831 : vector<16xi32>
      %select_n3A_2833 = arith.select %lt3A_2829, %add3A_2832, %select_n3A_70 : vector<16xi1>, vector<16xi32>
      %broadcast_in_dim3A_2834 = vector.shape_cast %select_n3A_2833 : vector<16xi32> to vector<16x1xi32>
      %gather3A_2835 = vector.shape_cast %broadcast_in_dim3A_2834 : vector<16x1xi32> to vector<16xi32>
      %gather3A_2836 = tpu.dynamic_gather %mul3A_2826[%gather3A_2835] in [0] : vector<16xf32>, vector<16xi32> -> vector<16xf32>
      %get3A_2837 = arith.constant 15 : i32
      %get3A_2838 = arith.index_cast %get3A_2837 : i32 to index
      %get3A_2839 = arith.constant 1007 : index
      %get3A_2840 = tpu.vector_load %arg7[%get3A_2838, %get3A_2839] {strides = array<i32>} : memref<50x1024xf32, #tpu.memory_space<vmem>>, vector<16xf32>,
      %get3A_2841 = arith.constant 16 : i32
      %get3A_2842 = arith.index_cast %get3A_2841 : i32 to index
      %get3A_2843 = arith.constant 1008 : index
      %get3A_2844 = tpu.vector_load %arg7[%get3A_2842, %get3A_2843] {strides = array<i32>} : memref<50x1024xf32, #tpu.memory_space<vmem>>, vector<16xf32>,
      %mul3A_2845 = arith.mulf %get3A_2840, %get3A_2844 : vector<16xf32>
      %lt3A_2846 = arith.constant 0 : i32
      %lt3A_2847 = vector.broadcast %lt3A_2846 : i32 to vector<16xi32>
      %lt3A_2848 = arith.cmpi slt, %select_n3A_70, %lt3A_2847 : vector<16xi32>
      %add3A_2849 = arith.constant 16 : i32
      %add3A_2850 = vector.broadcast %add3A_2849 : i32 to vector<16xi32>
      %add3A_2851 = arith.addi %select_n3A_70, %add3A_2850 : vector<16xi32>
      %select_n3A_2852 = arith.select %lt3A_2848, %add3A_2851, %select_n3A_70 : vector<16xi1>, vector<16xi32>
      %broadcast_in_dim3A_2853 = vector.shape_cast %select_n3A_2852 : vector<16xi32> to vector<16x1xi32>
      %gather3A_2854 = vector.shape_cast %broadcast_in_dim3A_2853 : vector<16x1xi32> to vector<16xi32>
      %gather3A_2855 = tpu.dynamic_gather %mul3A_2845[%gather3A_2854] in [0] : vector<16xf32>, vector<16xi32> -> vector<16xf32>
      %get3A_2856 = arith.constant 16 : i32
      %get3A_2857 = arith.index_cast %get3A_2856 : i32 to index
      %get3A_2858 = arith.constant 1007 : index
      %get3A_2859 = tpu.vector_load %arg7[%get3A_2857, %get3A_2858] {strides = array<i32>} : memref<50x1024xf32, #tpu.memory_space<vmem>>, vector<16xf32>,
      %get3A_2860 = arith.constant 17 : i32
      %get3A_2861 = arith.index_cast %get3A_2860 : i32 to index
      %get3A_2862 = arith.constant 1008 : index
      %get3A_2863 = tpu.vector_load %arg7[%get3A_2861, %get3A_2862] {strides = array<i32>} : memref<50x1024xf32, #tpu.memory_space<vmem>>, vector<16xf32>,
      %mul3A_2864 = arith.mulf %get3A_2859, %get3A_2863 : vector<16xf32>
      %lt3A_2865 = arith.constant 0 : i32
      %lt3A_2866 = vector.broadcast %lt3A_2865 : i32 to vector<16xi32>
      %lt3A_2867 = arith.cmpi slt, %select_n3A_70, %lt3A_2866 : vector<16xi32>
      %add3A_2868 = arith.constant 16 : i32
      %add3A_2869 = vector.broadcast %add3A_2868 : i32 to vector<16xi32>
      %add3A_2870 = arith.addi %select_n3A_70, %add3A_2869 : vector<16xi32>
      %select_n3A_2871 = arith.select %lt3A_2867, %add3A_2870, %select_n3A_70 : vector<16xi1>, vector<16xi32>
      %broadcast_in_dim3A_2872 = vector.shape_cast %select_n3A_2871 : vector<16xi32> to vector<16x1xi32>
      %gather3A_2873 = vector.shape_cast %broadcast_in_dim3A_2872 : vector<16x1xi32> to vector<16xi32>
      %gather3A_2874 = tpu.dynamic_gather %mul3A_2864[%gather3A_2873] in [0] : vector<16xf32>, vector<16xi32> -> vector<16xf32>
      %get3A_2875 = arith.constant 17 : i32
      %get3A_2876 = arith.index_cast %get3A_2875 : i32 to index
      %get3A_2877 = arith.constant 1007 : index
      %get3A_2878 = tpu.vector_load %arg7[%get3A_2876, %get3A_2877] {strides = array<i32>} : memref<50x1024xf32, #tpu.memory_space<vmem>>, vector<16xf32>,
      %get3A_2879 = arith.constant 18 : i32
      %get3A_2880 = arith.index_cast %get3A_2879 : i32 to index
      %get3A_2881 = arith.constant 1008 : index
      %get3A_2882 = tpu.vector_load %arg7[%get3A_2880, %get3A_2881] {strides = array<i32>} : memref<50x1024xf32, #tpu.memory_space<vmem>>, vector<16xf32>,
      %mul3A_2883 = arith.mulf %get3A_2878, %get3A_2882 : vector<16xf32>
      %lt3A_2884 = arith.constant 0 : i32
      %lt3A_2885 = vector.broadcast %lt3A_2884 : i32 to vector<16xi32>
      %lt3A_2886 = arith.cmpi slt, %select_n3A_70, %lt3A_2885 : vector<16xi32>
      %add3A_2887 = arith.constant 16 : i32
      %add3A_2888 = vector.broadcast %add3A_2887 : i32 to vector<16xi32>
      %add3A_2889 = arith.addi %select_n3A_70, %add3A_2888 : vector<16xi32>
      %select_n3A_2890 = arith.select %lt3A_2886, %add3A_2889, %select_n3A_70 : vector<16xi1>, vector<16xi32>
      %broadcast_in_dim3A_2891 = vector.shape_cast %select_n3A_2890 : vector<16xi32> to vector<16x1xi32>
      %gather3A_2892 = vector.shape_cast %broadcast_in_dim3A_2891 : vector<16x1xi32> to vector<16xi32>
      %gather3A_2893 = tpu.dynamic_gather %mul3A_2883[%gather3A_2892] in [0] : vector<16xf32>, vector<16xi32> -> vector<16xf32>
      %get3A_2894 = arith.constant 18 : i32
      %get3A_2895 = arith.index_cast %get3A_2894 : i32 to index
      %get3A_2896 = arith.constant 1007 : index
      %get3A_2897 = tpu.vector_load %arg7[%get3A_2895, %get3A_2896] {strides = array<i32>} : memref<50x1024xf32, #tpu.memory_space<vmem>>, vector<16xf32>,
      %get3A_2898 = arith.constant 19 : i32
      %get3A_2899 = arith.index_cast %get3A_2898 : i32 to index
      %get3A_2900 = arith.constant 1008 : index
      %get3A_2901 = tpu.vector_load %arg7[%get3A_2899, %get3A_2900] {strides = array<i32>} : memref<50x1024xf32, #tpu.memory_space<vmem>>, vector<16xf32>,
      %mul3A_2902 = arith.mulf %get3A_2897, %get3A_2901 : vector<16xf32>
      %lt3A_2903 = arith.constant 0 : i32
      %lt3A_2904 = vector.broadcast %lt3A_2903 : i32 to vector<16xi32>
      %lt3A_2905 = arith.cmpi slt, %select_n3A_70, %lt3A_2904 : vector<16xi32>
      %add3A_2906 = arith.constant 16 : i32
      %add3A_2907 = vector.broadcast %add3A_2906 : i32 to vector<16xi32>
      %add3A_2908 = arith.addi %select_n3A_70, %add3A_2907 : vector<16xi32>
      %select_n3A_2909 = arith.select %lt3A_2905, %add3A_2908, %select_n3A_70 : vector<16xi1>, vector<16xi32>
      %broadcast_in_dim3A_2910 = vector.shape_cast %select_n3A_2909 : vector<16xi32> to vector<16x1xi32>
      %gather3A_2911 = vector.shape_cast %broadcast_in_dim3A_2910 : vector<16x1xi32> to vector<16xi32>
      %gather3A_2912 = tpu.dynamic_gather %mul3A_2902[%gather3A_2911] in [0] : vector<16xf32>, vector<16xi32> -> vector<16xf32>
      %get3A_2913 = arith.constant 19 : i32
      %get3A_2914 = arith.index_cast %get3A_2913 : i32 to index
      %get3A_2915 = arith.constant 1007 : index
      %get3A_2916 = tpu.vector_load %arg7[%get3A_2914, %get3A_2915] {strides = array<i32>} : memref<50x1024xf32, #tpu.memory_space<vmem>>, vector<16xf32>,
      %get3A_2917 = arith.constant 20 : i32
      %get3A_2918 = arith.index_cast %get3A_2917 : i32 to index
      %get3A_2919 = arith.constant 1008 : index
      %get3A_2920 = tpu.vector_load %arg7[%get3A_2918, %get3A_2919] {strides = array<i32>} : memref<50x1024xf32, #tpu.memory_space<vmem>>, vector<16xf32>,
      %mul3A_2921 = arith.mulf %get3A_2916, %get3A_2920 : vector<16xf32>
      %lt3A_2922 = arith.constant 0 : i32
      %lt3A_2923 = vector.broadcast %lt3A_2922 : i32 to vector<16xi32>
      %lt3A_2924 = arith.cmpi slt, %select_n3A_70, %lt3A_2923 : vector<16xi32>
      %add3A_2925 = arith.constant 16 : i32
      %add3A_2926 = vector.broadcast %add3A_2925 : i32 to vector<16xi32>
      %add3A_2927 = arith.addi %select_n3A_70, %add3A_2926 : vector<16xi32>
      %select_n3A_2928 = arith.select %lt3A_2924, %add3A_2927, %select_n3A_70 : vector<16xi1>, vector<16xi32>
      %broadcast_in_dim3A_2929 = vector.shape_cast %select_n3A_2928 : vector<16xi32> to vector<16x1xi32>
      %gather3A_2930 = vector.shape_cast %broadcast_in_dim3A_2929 : vector<16x1xi32> to vector<16xi32>
      %gather3A_2931 = tpu.dynamic_gather %mul3A_2921[%gather3A_2930] in [0] : vector<16xf32>, vector<16xi32> -> vector<16xf32>
      %get3A_2932 = arith.constant 20 : i32
      %get3A_2933 = arith.index_cast %get3A_2932 : i32 to index
      %get3A_2934 = arith.constant 1007 : index
      %get3A_2935 = tpu.vector_load %arg7[%get3A_2933, %get3A_2934] {strides = array<i32>} : memref<50x1024xf32, #tpu.memory_space<vmem>>, vector<16xf32>,
      %get3A_2936 = arith.constant 21 : i32
      %get3A_2937 = arith.index_cast %get3A_2936 : i32 to index
      %get3A_2938 = arith.constant 1008 : index
      %get3A_2939 = tpu.vector_load %arg7[%get3A_2937, %get3A_2938] {strides = array<i32>} : memref<50x1024xf32, #tpu.memory_space<vmem>>, vector<16xf32>,
      %mul3A_2940 = arith.mulf %get3A_2935, %get3A_2939 : vector<16xf32>
      %lt3A_2941 = arith.constant 0 : i32
      %lt3A_2942 = vector.broadcast %lt3A_2941 : i32 to vector<16xi32>
      %lt3A_2943 = arith.cmpi slt, %select_n3A_70, %lt3A_2942 : vector<16xi32>
      %add3A_2944 = arith.constant 16 : i32
      %add3A_2945 = vector.broadcast %add3A_2944 : i32 to vector<16xi32>
      %add3A_2946 = arith.addi %select_n3A_70, %add3A_2945 : vector<16xi32>
      %select_n3A_2947 = arith.select %lt3A_2943, %add3A_2946, %select_n3A_70 : vector<16xi1>, vector<16xi32>
      %broadcast_in_dim3A_2948 = vector.shape_cast %select_n3A_2947 : vector<16xi32> to vector<16x1xi32>
      %gather3A_2949 = vector.shape_cast %broadcast_in_dim3A_2948 : vector<16x1xi32> to vector<16xi32>
      %gather3A_2950 = tpu.dynamic_gather %mul3A_2940[%gather3A_2949] in [0] : vector<16xf32>, vector<16xi32> -> vector<16xf32>
      %get3A_2951 = arith.constant 21 : i32
      %get3A_2952 = arith.index_cast %get3A_2951 : i32 to index
      %get3A_2953 = arith.constant 1007 : index
      %get3A_2954 = tpu.vector_load %arg7[%get3A_2952, %get3A_2953] {strides = array<i32>} : memref<50x1024xf32, #tpu.memory_space<vmem>>, vector<16xf32>,
      %get3A_2955 = arith.constant 22 : i32
      %get3A_2956 = arith.index_cast %get3A_2955 : i32 to index
      %get3A_2957 = arith.constant 1008 : index
      %get3A_2958 = tpu.vector_load %arg7[%get3A_2956, %get3A_2957] {strides = array<i32>} : memref<50x1024xf32, #tpu.memory_space<vmem>>, vector<16xf32>,
      %mul3A_2959 = arith.mulf %get3A_2954, %get3A_2958 : vector<16xf32>
      %lt3A_2960 = arith.constant 0 : i32
      %lt3A_2961 = vector.broadcast %lt3A_2960 : i32 to vector<16xi32>
      %lt3A_2962 = arith.cmpi slt, %select_n3A_70, %lt3A_2961 : vector<16xi32>
      %add3A_2963 = arith.constant 16 : i32
      %add3A_2964 = vector.broadcast %add3A_2963 : i32 to vector<16xi32>
      %add3A_2965 = arith.addi %select_n3A_70, %add3A_2964 : vector<16xi32>
      %select_n3A_2966 = arith.select %lt3A_2962, %add3A_2965, %select_n3A_70 : vector<16xi1>, vector<16xi32>
      %broadcast_in_dim3A_2967 = vector.shape_cast %select_n3A_2966 : vector<16xi32> to vector<16x1xi32>
      %gather3A_2968 = vector.shape_cast %broadcast_in_dim3A_2967 : vector<16x1xi32> to vector<16xi32>
      %gather3A_2969 = tpu.dynamic_gather %mul3A_2959[%gather3A_2968] in [0] : vector<16xf32>, vector<16xi32> -> vector<16xf32>
      %get3A_2970 = arith.constant 22 : i32
      %get3A_2971 = arith.index_cast %get3A_2970 : i32 to index
      %get3A_2972 = arith.constant 1007 : index
      %get3A_2973 = tpu.vector_load %arg7[%get3A_2971, %get3A_2972] {strides = array<i32>} : memref<50x1024xf32, #tpu.memory_space<vmem>>, vector<16xf32>,
      %get3A_2974 = arith.constant 23 : i32
      %get3A_2975 = arith.index_cast %get3A_2974 : i32 to index
      %get3A_2976 = arith.constant 1008 : index
      %get3A_2977 = tpu.vector_load %arg7[%get3A_2975, %get3A_2976] {strides = array<i32>} : memref<50x1024xf32, #tpu.memory_space<vmem>>, vector<16xf32>,
      %mul3A_2978 = arith.mulf %get3A_2973, %get3A_2977 : vector<16xf32>
      %lt3A_2979 = arith.constant 0 : i32
      %lt3A_2980 = vector.broadcast %lt3A_2979 : i32 to vector<16xi32>
      %lt3A_2981 = arith.cmpi slt, %select_n3A_70, %lt3A_2980 : vector<16xi32>
      %add3A_2982 = arith.constant 16 : i32
      %add3A_2983 = vector.broadcast %add3A_2982 : i32 to vector<16xi32>
      %add3A_2984 = arith.addi %select_n3A_70, %add3A_2983 : vector<16xi32>
      %select_n3A_2985 = arith.select %lt3A_2981, %add3A_2984, %select_n3A_70 : vector<16xi1>, vector<16xi32>
      %broadcast_in_dim3A_2986 = vector.shape_cast %select_n3A_2985 : vector<16xi32> to vector<16x1xi32>
      %gather3A_2987 = vector.shape_cast %broadcast_in_dim3A_2986 : vector<16x1xi32> to vector<16xi32>
      %gather3A_2988 = tpu.dynamic_gather %mul3A_2978[%gather3A_2987] in [0] : vector<16xf32>, vector<16xi32> -> vector<16xf32>
      %get3A_2989 = arith.constant 23 : i32
      %get3A_2990 = arith.index_cast %get3A_2989 : i32 to index
      %get3A_2991 = arith.constant 1007 : index
      %get3A_2992 = tpu.vector_load %arg7[%get3A_2990, %get3A_2991] {strides = array<i32>} : memref<50x1024xf32, #tpu.memory_space<vmem>>, vector<16xf32>,
      %get3A_2993 = arith.constant 24 : i32
      %get3A_2994 = arith.index_cast %get3A_2993 : i32 to index
      %get3A_2995 = arith.constant 1008 : index
      %get3A_2996 = tpu.vector_load %arg7[%get3A_2994, %get3A_2995] {strides = array<i32>} : memref<50x1024xf32, #tpu.memory_space<vmem>>, vector<16xf32>,
      %mul3A_2997 = arith.mulf %get3A_2992, %get3A_2996 : vector<16xf32>
      %lt3A_2998 = arith.constant 0 : i32
      %lt3A_2999 = vector.broadcast %lt3A_2998 : i32 to vector<16xi32>
      %lt3A_3000 = arith.cmpi slt, %select_n3A_70, %lt3A_2999 : vector<16xi32>
      %add3A_3001 = arith.constant 16 : i32
      %add3A_3002 = vector.broadcast %add3A_3001 : i32 to vector<16xi32>
      %add3A_3003 = arith.addi %select_n3A_70, %add3A_3002 : vector<16xi32>
      %select_n3A_3004 = arith.select %lt3A_3000, %add3A_3003, %select_n3A_70 : vector<16xi1>, vector<16xi32>
      %broadcast_in_dim3A_3005 = vector.shape_cast %select_n3A_3004 : vector<16xi32> to vector<16x1xi32>
      %gather3A_3006 = vector.shape_cast %broadcast_in_dim3A_3005 : vector<16x1xi32> to vector<16xi32>
      %gather3A_3007 = tpu.dynamic_gather %mul3A_2997[%gather3A_3006] in [0] : vector<16xf32>, vector<16xi32> -> vector<16xf32>
      %get3A_3008 = arith.constant 13 : i32
      %get3A_3009 = arith.index_cast %get3A_3008 : i32 to index
      %get3A_3010 = arith.constant 0 : index
      %get3A_3011 = tpu.vector_load %arg7[%get3A_3009, %get3A_3010] {strides = array<i32>} : memref<50x1024xf32, #tpu.memory_space<vmem>>, vector<16xf32>,
      %get3A_3012 = arith.constant 14 : i32
      %get3A_3013 = arith.index_cast %get3A_3012 : i32 to index
      %get3A_3014 = arith.constant 0 : index
      %get3A_3015 = tpu.vector_load %arg7[%get3A_3013, %get3A_3014] {strides = array<i32>} : memref<50x1024xf32, #tpu.memory_space<vmem>>, vector<16xf32>,
      %get3A_3016 = arith.constant 15 : i32
      %get3A_3017 = arith.index_cast %get3A_3016 : i32 to index
      %get3A_3018 = arith.constant 0 : index
      %get3A_3019 = tpu.vector_load %arg7[%get3A_3017, %get3A_3018] {strides = array<i32>} : memref<50x1024xf32, #tpu.memory_space<vmem>>, vector<16xf32>,
      %get3A_3020 = arith.constant 16 : i32
      %get3A_3021 = arith.index_cast %get3A_3020 : i32 to index
      %get3A_3022 = arith.constant 0 : index
      %get3A_3023 = tpu.vector_load %arg7[%get3A_3021, %get3A_3022] {strides = array<i32>} : memref<50x1024xf32, #tpu.memory_space<vmem>>, vector<16xf32>,
      %get3A_3024 = arith.constant 17 : i32
      %get3A_3025 = arith.index_cast %get3A_3024 : i32 to index
      %get3A_3026 = arith.constant 0 : index
      %get3A_3027 = tpu.vector_load %arg7[%get3A_3025, %get3A_3026] {strides = array<i32>} : memref<50x1024xf32, #tpu.memory_space<vmem>>, vector<16xf32>,
      %get3A_3028 = arith.constant 18 : i32
      %get3A_3029 = arith.index_cast %get3A_3028 : i32 to index
      %get3A_3030 = arith.constant 0 : index
      %get3A_3031 = tpu.vector_load %arg7[%get3A_3029, %get3A_3030] {strides = array<i32>} : memref<50x1024xf32, #tpu.memory_space<vmem>>, vector<16xf32>,
      %get3A_3032 = arith.constant 19 : i32
      %get3A_3033 = arith.index_cast %get3A_3032 : i32 to index
      %get3A_3034 = arith.constant 0 : index
      %get3A_3035 = tpu.vector_load %arg7[%get3A_3033, %get3A_3034] {strides = array<i32>} : memref<50x1024xf32, #tpu.memory_space<vmem>>, vector<16xf32>,
      %get3A_3036 = arith.constant 20 : i32
      %get3A_3037 = arith.index_cast %get3A_3036 : i32 to index
      %get3A_3038 = arith.constant 0 : index
      %get3A_3039 = tpu.vector_load %arg7[%get3A_3037, %get3A_3038] {strides = array<i32>} : memref<50x1024xf32, #tpu.memory_space<vmem>>, vector<16xf32>,
      %get3A_3040 = arith.constant 21 : i32
      %get3A_3041 = arith.index_cast %get3A_3040 : i32 to index
      %get3A_3042 = arith.constant 0 : index
      %get3A_3043 = tpu.vector_load %arg7[%get3A_3041, %get3A_3042] {strides = array<i32>} : memref<50x1024xf32, #tpu.memory_space<vmem>>, vector<16xf32>,
      %get3A_3044 = arith.constant 22 : i32
      %get3A_3045 = arith.index_cast %get3A_3044 : i32 to index
      %get3A_3046 = arith.constant 0 : index
      %get3A_3047 = tpu.vector_load %arg7[%get3A_3045, %get3A_3046] {strides = array<i32>} : memref<50x1024xf32, #tpu.memory_space<vmem>>, vector<16xf32>,
      %get3A_3048 = arith.constant 23 : i32
      %get3A_3049 = arith.index_cast %get3A_3048 : i32 to index
      %get3A_3050 = arith.constant 0 : index
      %get3A_3051 = tpu.vector_load %arg7[%get3A_3049, %get3A_3050] {strides = array<i32>} : memref<50x1024xf32, #tpu.memory_space<vmem>>, vector<16xf32>,
      %get3A_3052 = arith.constant 24 : i32
      %get3A_3053 = arith.index_cast %get3A_3052 : i32 to index
      %get3A_3054 = arith.constant 0 : index
      %get3A_3055 = tpu.vector_load %arg7[%get3A_3053, %get3A_3054] {strides = array<i32>} : memref<50x1024xf32, #tpu.memory_space<vmem>>, vector<16xf32>,
      %get3A_3056 = arith.constant 25 : i32
      %get3A_3057 = arith.index_cast %get3A_3056 : i32 to index
      %get3A_3058 = arith.constant 0 : index
      %get3A_3059 = tpu.vector_load %arg7[%get3A_3057, %get3A_3058] {strides = array<i32>} : memref<50x1024xf32, #tpu.memory_space<vmem>>, vector<16xf32>,
      %get3A_3060 = arith.constant 0 : index
      %get3A_3061 = tpu.vector_load %arg9[%get3A_3060] {strides = array<i32>} : memref<1024xf32, #tpu.memory_space<vmem>>, vector<16xf32>,
      %broadcast_in_dim3A_3062 = arith.constant 12 : i32
      %broadcast_in_dim3A_3063 = vector.broadcast %broadcast_in_dim3A_3062 : i32 to vector<16xi32>
      %gather3A_3064 = tpu.vector_load_idx %arg7[%broadcast_in_dim3A_3063, %select_n3A_45] : memref<50x1024xf32, #tpu.memory_space<vmem>>[vector<16xi32>, vector<16xi32>], vector<16xf32>,
      %mul3A_3065 = arith.mulf %gather3A_3064, %get3A_3011 : vector<16xf32>
      %lt3A_3066 = arith.constant 0 : i32
      %lt3A_3067 = vector.broadcast %lt3A_3066 : i32 to vector<16xi32>
      %lt3A_3068 = arith.cmpi slt, %select_n3A_70, %lt3A_3067 : vector<16xi32>
      %add3A_3069 = arith.constant 16 : i32
      %add3A_3070 = vector.broadcast %add3A_3069 : i32 to vector<16xi32>
      %add3A_3071 = arith.addi %select_n3A_70, %add3A_3070 : vector<16xi32>
      %select_n3A_3072 = arith.select %lt3A_3068, %add3A_3071, %select_n3A_70 : vector<16xi1>, vector<16xi32>
      %broadcast_in_dim3A_3073 = vector.shape_cast %select_n3A_3072 : vector<16xi32> to vector<16x1xi32>
      %gather3A_3074 = vector.shape_cast %broadcast_in_dim3A_3073 : vector<16x1xi32> to vector<16xi32>
      %gather3A_3075 = tpu.dynamic_gather %mul3A_3065[%gather3A_3074] in [0] : vector<16xf32>, vector<16xi32> -> vector<16xf32>
      %eq3A_3076 = arith.constant 0 : i32
      %eq3A_3077 = vector.broadcast %eq3A_3076 : i32 to vector<16xi32>
      %eq3A_3078 = arith.cmpi eq, %iota3A, %eq3A_3077 : vector<16xi32>
      %select_n3A_3079 = arith.select %eq3A_3078, %gather3A_2798, %gather3A_3075 : vector<16xi1>, vector<16xf32>
      %mul3A_3080 = arith.mulf %select_n3A_3079, %get3A_3015 : vector<16xf32>
      %add3A_3081 = arith.addf %get3A_3061, %mul3A_3080 : vector<16xf32>
      %broadcast_in_dim3A_3082 = arith.constant 13 : i32
      %broadcast_in_dim3A_3083 = vector.broadcast %broadcast_in_dim3A_3082 : i32 to vector<16xi32>
      %gather3A_3084 = tpu.vector_load_idx %arg7[%broadcast_in_dim3A_3083, %select_n3A_45] : memref<50x1024xf32, #tpu.memory_space<vmem>>[vector<16xi32>, vector<16xi32>], vector<16xf32>,
      %mul3A_3085 = arith.mulf %gather3A_3084, %get3A_3015 : vector<16xf32>
      %lt3A_3086 = arith.constant 0 : i32
      %lt3A_3087 = vector.broadcast %lt3A_3086 : i32 to vector<16xi32>
      %lt3A_3088 = arith.cmpi slt, %select_n3A_70, %lt3A_3087 : vector<16xi32>
      %add3A_3089 = arith.constant 16 : i32
      %add3A_3090 = vector.broadcast %add3A_3089 : i32 to vector<16xi32>
      %add3A_3091 = arith.addi %select_n3A_70, %add3A_3090 : vector<16xi32>
      %select_n3A_3092 = arith.select %lt3A_3088, %add3A_3091, %select_n3A_70 : vector<16xi1>, vector<16xi32>
      %broadcast_in_dim3A_3093 = vector.shape_cast %select_n3A_3092 : vector<16xi32> to vector<16x1xi32>
      %gather3A_3094 = vector.shape_cast %broadcast_in_dim3A_3093 : vector<16x1xi32> to vector<16xi32>
      %gather3A_3095 = tpu.dynamic_gather %mul3A_3085[%gather3A_3094] in [0] : vector<16xf32>, vector<16xi32> -> vector<16xf32>
      %eq3A_3096 = arith.constant 0 : i32
      %eq3A_3097 = vector.broadcast %eq3A_3096 : i32 to vector<16xi32>
      %eq3A_3098 = arith.cmpi eq, %iota3A, %eq3A_3097 : vector<16xi32>
      %select_n3A_3099 = arith.select %eq3A_3098, %gather3A_2817, %gather3A_3095 : vector<16xi1>, vector<16xf32>
      %mul3A_3100 = arith.mulf %select_n3A_3099, %get3A_3019 : vector<16xf32>
      %broadcast_in_dim3A_3101 = arith.constant 14 : i32
      %broadcast_in_dim3A_3102 = vector.broadcast %broadcast_in_dim3A_3101 : i32 to vector<16xi32>
      %gather3A_3103 = tpu.vector_load_idx %arg7[%broadcast_in_dim3A_3102, %select_n3A_45] : memref<50x1024xf32, #tpu.memory_space<vmem>>[vector<16xi32>, vector<16xi32>], vector<16xf32>,
      %mul3A_3104 = arith.mulf %gather3A_3103, %get3A_3019 : vector<16xf32>
      %lt3A_3105 = arith.constant 0 : i32
      %lt3A_3106 = vector.broadcast %lt3A_3105 : i32 to vector<16xi32>
      %lt3A_3107 = arith.cmpi slt, %select_n3A_70, %lt3A_3106 : vector<16xi32>
      %add3A_3108 = arith.constant 16 : i32
      %add3A_3109 = vector.broadcast %add3A_3108 : i32 to vector<16xi32>
      %add3A_3110 = arith.addi %select_n3A_70, %add3A_3109 : vector<16xi32>
      %select_n3A_3111 = arith.select %lt3A_3107, %add3A_3110, %select_n3A_70 : vector<16xi1>, vector<16xi32>
      %broadcast_in_dim3A_3112 = vector.shape_cast %select_n3A_3111 : vector<16xi32> to vector<16x1xi32>
      %gather3A_3113 = vector.shape_cast %broadcast_in_dim3A_3112 : vector<16x1xi32> to vector<16xi32>
      %gather3A_3114 = tpu.dynamic_gather %mul3A_3104[%gather3A_3113] in [0] : vector<16xf32>, vector<16xi32> -> vector<16xf32>
      %eq3A_3115 = arith.constant 0 : i32
      %eq3A_3116 = vector.broadcast %eq3A_3115 : i32 to vector<16xi32>
      %eq3A_3117 = arith.cmpi eq, %iota3A, %eq3A_3116 : vector<16xi32>
      %select_n3A_3118 = arith.select %eq3A_3117, %gather3A_2836, %gather3A_3114 : vector<16xi1>, vector<16xf32>
      %mul3A_3119 = arith.mulf %select_n3A_3118, %get3A_3023 : vector<16xf32>
      %broadcast_in_dim3A_3120 = arith.constant 15 : i32
      %broadcast_in_dim3A_3121 = vector.broadcast %broadcast_in_dim3A_3120 : i32 to vector<16xi32>
      %gather3A_3122 = tpu.vector_load_idx %arg7[%broadcast_in_dim3A_3121, %select_n3A_45] : memref<50x1024xf32, #tpu.memory_space<vmem>>[vector<16xi32>, vector<16xi32>], vector<16xf32>,
      %mul3A_3123 = arith.mulf %gather3A_3122, %get3A_3023 : vector<16xf32>
      %lt3A_3124 = arith.constant 0 : i32
      %lt3A_3125 = vector.broadcast %lt3A_3124 : i32 to vector<16xi32>
      %lt3A_3126 = arith.cmpi slt, %select_n3A_70, %lt3A_3125 : vector<16xi32>
      %add3A_3127 = arith.constant 16 : i32
      %add3A_3128 = vector.broadcast %add3A_3127 : i32 to vector<16xi32>
      %add3A_3129 = arith.addi %select_n3A_70, %add3A_3128 : vector<16xi32>
      %select_n3A_3130 = arith.select %lt3A_3126, %add3A_3129, %select_n3A_70 : vector<16xi1>, vector<16xi32>
      %broadcast_in_dim3A_3131 = vector.shape_cast %select_n3A_3130 : vector<16xi32> to vector<16x1xi32>
      %gather3A_3132 = vector.shape_cast %broadcast_in_dim3A_3131 : vector<16x1xi32> to vector<16xi32>
      %gather3A_3133 = tpu.dynamic_gather %mul3A_3123[%gather3A_3132] in [0] : vector<16xf32>, vector<16xi32> -> vector<16xf32>
      %eq3A_3134 = arith.constant 0 : i32
      %eq3A_3135 = vector.broadcast %eq3A_3134 : i32 to vector<16xi32>
      %eq3A_3136 = arith.cmpi eq, %iota3A, %eq3A_3135 : vector<16xi32>
      %select_n3A_3137 = arith.select %eq3A_3136, %gather3A_2855, %gather3A_3133 : vector<16xi1>, vector<16xf32>
      %mul3A_3138 = arith.mulf %select_n3A_3137, %get3A_3027 : vector<16xf32>
      %add3A_3139 = arith.addf %add3A_3081, %mul3A_3138 : vector<16xf32>
      %broadcast_in_dim3A_3140 = arith.constant 16 : i32
      %broadcast_in_dim3A_3141 = vector.broadcast %broadcast_in_dim3A_3140 : i32 to vector<16xi32>
      %gather3A_3142 = tpu.vector_load_idx %arg7[%broadcast_in_dim3A_3141, %select_n3A_45] : memref<50x1024xf32, #tpu.memory_space<vmem>>[vector<16xi32>, vector<16xi32>], vector<16xf32>,
      %mul3A_3143 = arith.mulf %gather3A_3142, %get3A_3027 : vector<16xf32>
      %lt3A_3144 = arith.constant 0 : i32
      %lt3A_3145 = vector.broadcast %lt3A_3144 : i32 to vector<16xi32>
      %lt3A_3146 = arith.cmpi slt, %select_n3A_70, %lt3A_3145 : vector<16xi32>
      %add3A_3147 = arith.constant 16 : i32
      %add3A_3148 = vector.broadcast %add3A_3147 : i32 to vector<16xi32>
      %add3A_3149 = arith.addi %select_n3A_70, %add3A_3148 : vector<16xi32>
      %select_n3A_3150 = arith.select %lt3A_3146, %add3A_3149, %select_n3A_70 : vector<16xi1>, vector<16xi32>
      %broadcast_in_dim3A_3151 = vector.shape_cast %select_n3A_3150 : vector<16xi32> to vector<16x1xi32>
      %gather3A_3152 = vector.shape_cast %broadcast_in_dim3A_3151 : vector<16x1xi32> to vector<16xi32>
      %gather3A_3153 = tpu.dynamic_gather %mul3A_3143[%gather3A_3152] in [0] : vector<16xf32>, vector<16xi32> -> vector<16xf32>
      %eq3A_3154 = arith.constant 0 : i32
      %eq3A_3155 = vector.broadcast %eq3A_3154 : i32 to vector<16xi32>
      %eq3A_3156 = arith.cmpi eq, %iota3A, %eq3A_3155 : vector<16xi32>
      %select_n3A_3157 = arith.select %eq3A_3156, %gather3A_2874, %gather3A_3153 : vector<16xi1>, vector<16xf32>
      %mul3A_3158 = arith.mulf %select_n3A_3157, %get3A_3031 : vector<16xf32>
      %add3A_3159 = arith.addf %mul3A_3100, %mul3A_3158 : vector<16xf32>
      %broadcast_in_dim3A_3160 = arith.constant 17 : i32
      %broadcast_in_dim3A_3161 = vector.broadcast %broadcast_in_dim3A_3160 : i32 to vector<16xi32>
      %gather3A_3162 = tpu.vector_load_idx %arg7[%broadcast_in_dim3A_3161, %select_n3A_45] : memref<50x1024xf32, #tpu.memory_space<vmem>>[vector<16xi32>, vector<16xi32>], vector<16xf32>,
      %mul3A_3163 = arith.mulf %gather3A_3162, %get3A_3031 : vector<16xf32>
      %lt3A_3164 = arith.constant 0 : i32
      %lt3A_3165 = vector.broadcast %lt3A_3164 : i32 to vector<16xi32>
      %lt3A_3166 = arith.cmpi slt, %select_n3A_70, %lt3A_3165 : vector<16xi32>
      %add3A_3167 = arith.constant 16 : i32
      %add3A_3168 = vector.broadcast %add3A_3167 : i32 to vector<16xi32>
      %add3A_3169 = arith.addi %select_n3A_70, %add3A_3168 : vector<16xi32>
      %select_n3A_3170 = arith.select %lt3A_3166, %add3A_3169, %select_n3A_70 : vector<16xi1>, vector<16xi32>
      %broadcast_in_dim3A_3171 = vector.shape_cast %select_n3A_3170 : vector<16xi32> to vector<16x1xi32>
      %gather3A_3172 = vector.shape_cast %broadcast_in_dim3A_3171 : vector<16x1xi32> to vector<16xi32>
      %gather3A_3173 = tpu.dynamic_gather %mul3A_3163[%gather3A_3172] in [0] : vector<16xf32>, vector<16xi32> -> vector<16xf32>
      %eq3A_3174 = arith.constant 0 : i32
      %eq3A_3175 = vector.broadcast %eq3A_3174 : i32 to vector<16xi32>
      %eq3A_3176 = arith.cmpi eq, %iota3A, %eq3A_3175 : vector<16xi32>
      %select_n3A_3177 = arith.select %eq3A_3176, %gather3A_2893, %gather3A_3173 : vector<16xi1>, vector<16xf32>
      %mul3A_3178 = arith.mulf %select_n3A_3177, %get3A_3035 : vector<16xf32>
      %add3A_3179 = arith.addf %mul3A_3119, %mul3A_3178 : vector<16xf32>
      %broadcast_in_dim3A_3180 = arith.constant 18 : i32
      %broadcast_in_dim3A_3181 = vector.broadcast %broadcast_in_dim3A_3180 : i32 to vector<16xi32>
      %gather3A_3182 = tpu.vector_load_idx %arg7[%broadcast_in_dim3A_3181, %select_n3A_45] : memref<50x1024xf32, #tpu.memory_space<vmem>>[vector<16xi32>, vector<16xi32>], vector<16xf32>,
      %mul3A_3183 = arith.mulf %gather3A_3182, %get3A_3035 : vector<16xf32>
      %lt3A_3184 = arith.constant 0 : i32
      %lt3A_3185 = vector.broadcast %lt3A_3184 : i32 to vector<16xi32>
      %lt3A_3186 = arith.cmpi slt, %select_n3A_70, %lt3A_3185 : vector<16xi32>
      %add3A_3187 = arith.constant 16 : i32
      %add3A_3188 = vector.broadcast %add3A_3187 : i32 to vector<16xi32>
      %add3A_3189 = arith.addi %select_n3A_70, %add3A_3188 : vector<16xi32>
      %select_n3A_3190 = arith.select %lt3A_3186, %add3A_3189, %select_n3A_70 : vector<16xi1>, vector<16xi32>
      %broadcast_in_dim3A_3191 = vector.shape_cast %select_n3A_3190 : vector<16xi32> to vector<16x1xi32>
      %gather3A_3192 = vector.shape_cast %broadcast_in_dim3A_3191 : vector<16x1xi32> to vector<16xi32>
      %gather3A_3193 = tpu.dynamic_gather %mul3A_3183[%gather3A_3192] in [0] : vector<16xf32>, vector<16xi32> -> vector<16xf32>
      %eq3A_3194 = arith.constant 0 : i32
      %eq3A_3195 = vector.broadcast %eq3A_3194 : i32 to vector<16xi32>
      %eq3A_3196 = arith.cmpi eq, %iota3A, %eq3A_3195 : vector<16xi32>
      %select_n3A_3197 = arith.select %eq3A_3196, %gather3A_2912, %gather3A_3193 : vector<16xi1>, vector<16xf32>
      %mul3A_3198 = arith.mulf %select_n3A_3197, %get3A_3039 : vector<16xf32>
      %add3A_3199 = arith.addf %add3A_3139, %mul3A_3198 : vector<16xf32>
      %broadcast_in_dim3A_3200 = arith.constant 19 : i32
      %broadcast_in_dim3A_3201 = vector.broadcast %broadcast_in_dim3A_3200 : i32 to vector<16xi32>
      %gather3A_3202 = tpu.vector_load_idx %arg7[%broadcast_in_dim3A_3201, %select_n3A_45] : memref<50x1024xf32, #tpu.memory_space<vmem>>[vector<16xi32>, vector<16xi32>], vector<16xf32>,
      %mul3A_3203 = arith.mulf %gather3A_3202, %get3A_3039 : vector<16xf32>
      %lt3A_3204 = arith.constant 0 : i32
      %lt3A_3205 = vector.broadcast %lt3A_3204 : i32 to vector<16xi32>
      %lt3A_3206 = arith.cmpi slt, %select_n3A_70, %lt3A_3205 : vector<16xi32>
      %add3A_3207 = arith.constant 16 : i32
      %add3A_3208 = vector.broadcast %add3A_3207 : i32 to vector<16xi32>
      %add3A_3209 = arith.addi %select_n3A_70, %add3A_3208 : vector<16xi32>
      %select_n3A_3210 = arith.select %lt3A_3206, %add3A_3209, %select_n3A_70 : vector<16xi1>, vector<16xi32>
      %broadcast_in_dim3A_3211 = vector.shape_cast %select_n3A_3210 : vector<16xi32> to vector<16x1xi32>
      %gather3A_3212 = vector.shape_cast %broadcast_in_dim3A_3211 : vector<16x1xi32> to vector<16xi32>
      %gather3A_3213 = tpu.dynamic_gather %mul3A_3203[%gather3A_3212] in [0] : vector<16xf32>, vector<16xi32> -> vector<16xf32>
      %eq3A_3214 = arith.constant 0 : i32
      %eq3A_3215 = vector.broadcast %eq3A_3214 : i32 to vector<16xi32>
      %eq3A_3216 = arith.cmpi eq, %iota3A, %eq3A_3215 : vector<16xi32>
      %select_n3A_3217 = arith.select %eq3A_3216, %gather3A_2931, %gather3A_3213 : vector<16xi1>, vector<16xf32>
      %mul3A_3218 = arith.mulf %select_n3A_3217, %get3A_3043 : vector<16xf32>
      %add3A_3219 = arith.addf %add3A_3159, %mul3A_3218 : vector<16xf32>
      %broadcast_in_dim3A_3220 = arith.constant 20 : i32
      %broadcast_in_dim3A_3221 = vector.broadcast %broadcast_in_dim3A_3220 : i32 to vector<16xi32>
      %gather3A_3222 = tpu.vector_load_idx %arg7[%broadcast_in_dim3A_3221, %select_n3A_45] : memref<50x1024xf32, #tpu.memory_space<vmem>>[vector<16xi32>, vector<16xi32>], vector<16xf32>,
      %mul3A_3223 = arith.mulf %gather3A_3222, %get3A_3043 : vector<16xf32>
      %lt3A_3224 = arith.constant 0 : i32
      %lt3A_3225 = vector.broadcast %lt3A_3224 : i32 to vector<16xi32>
      %lt3A_3226 = arith.cmpi slt, %select_n3A_70, %lt3A_3225 : vector<16xi32>
      %add3A_3227 = arith.constant 16 : i32
      %add3A_3228 = vector.broadcast %add3A_3227 : i32 to vector<16xi32>
      %add3A_3229 = arith.addi %select_n3A_70, %add3A_3228 : vector<16xi32>
      %select_n3A_3230 = arith.select %lt3A_3226, %add3A_3229, %select_n3A_70 : vector<16xi1>, vector<16xi32>
      %broadcast_in_dim3A_3231 = vector.shape_cast %select_n3A_3230 : vector<16xi32> to vector<16x1xi32>
      %gather3A_3232 = vector.shape_cast %broadcast_in_dim3A_3231 : vector<16x1xi32> to vector<16xi32>
      %gather3A_3233 = tpu.dynamic_gather %mul3A_3223[%gather3A_3232] in [0] : vector<16xf32>, vector<16xi32> -> vector<16xf32>
      %eq3A_3234 = arith.constant 0 : i32
      %eq3A_3235 = vector.broadcast %eq3A_3234 : i32 to vector<16xi32>
      %eq3A_3236 = arith.cmpi eq, %iota3A, %eq3A_3235 : vector<16xi32>
      %select_n3A_3237 = arith.select %eq3A_3236, %gather3A_2950, %gather3A_3233 : vector<16xi1>, vector<16xf32>
      %mul3A_3238 = arith.mulf %select_n3A_3237, %get3A_3047 : vector<16xf32>
      %add3A_3239 = arith.addf %add3A_3179, %mul3A_3238 : vector<16xf32>
      %broadcast_in_dim3A_3240 = arith.constant 21 : i32
      %broadcast_in_dim3A_3241 = vector.broadcast %broadcast_in_dim3A_3240 : i32 to vector<16xi32>
      %gather3A_3242 = tpu.vector_load_idx %arg7[%broadcast_in_dim3A_3241, %select_n3A_45] : memref<50x1024xf32, #tpu.memory_space<vmem>>[vector<16xi32>, vector<16xi32>], vector<16xf32>,
      %mul3A_3243 = arith.mulf %gather3A_3242, %get3A_3047 : vector<16xf32>
      %lt3A_3244 = arith.constant 0 : i32
      %lt3A_3245 = vector.broadcast %lt3A_3244 : i32 to vector<16xi32>
      %lt3A_3246 = arith.cmpi slt, %select_n3A_70, %lt3A_3245 : vector<16xi32>
      %add3A_3247 = arith.constant 16 : i32
      %add3A_3248 = vector.broadcast %add3A_3247 : i32 to vector<16xi32>
      %add3A_3249 = arith.addi %select_n3A_70, %add3A_3248 : vector<16xi32>
      %select_n3A_3250 = arith.select %lt3A_3246, %add3A_3249, %select_n3A_70 : vector<16xi1>, vector<16xi32>
      %broadcast_in_dim3A_3251 = vector.shape_cast %select_n3A_3250 : vector<16xi32> to vector<16x1xi32>
      %gather3A_3252 = vector.shape_cast %broadcast_in_dim3A_3251 : vector<16x1xi32> to vector<16xi32>
      %gather3A_3253 = tpu.dynamic_gather %mul3A_3243[%gather3A_3252] in [0] : vector<16xf32>, vector<16xi32> -> vector<16xf32>
      %eq3A_3254 = arith.constant 0 : i32
      %eq3A_3255 = vector.broadcast %eq3A_3254 : i32 to vector<16xi32>
      %eq3A_3256 = arith.cmpi eq, %iota3A, %eq3A_3255 : vector<16xi32>
      %select_n3A_3257 = arith.select %eq3A_3256, %gather3A_2969, %gather3A_3253 : vector<16xi1>, vector<16xf32>
      %mul3A_3258 = arith.mulf %select_n3A_3257, %get3A_3051 : vector<16xf32>
      %add3A_3259 = arith.addf %add3A_3199, %mul3A_3258 : vector<16xf32>
      %broadcast_in_dim3A_3260 = arith.constant 22 : i32
      %broadcast_in_dim3A_3261 = vector.broadcast %broadcast_in_dim3A_3260 : i32 to vector<16xi32>
      %gather3A_3262 = tpu.vector_load_idx %arg7[%broadcast_in_dim3A_3261, %select_n3A_45] : memref<50x1024xf32, #tpu.memory_space<vmem>>[vector<16xi32>, vector<16xi32>], vector<16xf32>,
      %mul3A_3263 = arith.mulf %gather3A_3262, %get3A_3051 : vector<16xf32>
      %lt3A_3264 = arith.constant 0 : i32
      %lt3A_3265 = vector.broadcast %lt3A_3264 : i32 to vector<16xi32>
      %lt3A_3266 = arith.cmpi slt, %select_n3A_70, %lt3A_3265 : vector<16xi32>
      %add3A_3267 = arith.constant 16 : i32
      %add3A_3268 = vector.broadcast %add3A_3267 : i32 to vector<16xi32>
      %add3A_3269 = arith.addi %select_n3A_70, %add3A_3268 : vector<16xi32>
      %select_n3A_3270 = arith.select %lt3A_3266, %add3A_3269, %select_n3A_70 : vector<16xi1>, vector<16xi32>
      %broadcast_in_dim3A_3271 = vector.shape_cast %select_n3A_3270 : vector<16xi32> to vector<16x1xi32>
      %gather3A_3272 = vector.shape_cast %broadcast_in_dim3A_3271 : vector<16x1xi32> to vector<16xi32>
      %gather3A_3273 = tpu.dynamic_gather %mul3A_3263[%gather3A_3272] in [0] : vector<16xf32>, vector<16xi32> -> vector<16xf32>
      %eq3A_3274 = arith.constant 0 : i32
      %eq3A_3275 = vector.broadcast %eq3A_3274 : i32 to vector<16xi32>
      %eq3A_3276 = arith.cmpi eq, %iota3A, %eq3A_3275 : vector<16xi32>
      %select_n3A_3277 = arith.select %eq3A_3276, %gather3A_2988, %gather3A_3273 : vector<16xi1>, vector<16xf32>
      %mul3A_3278 = arith.mulf %select_n3A_3277, %get3A_3055 : vector<16xf32>
      %add3A_3279 = arith.addf %add3A_3219, %mul3A_3278 : vector<16xf32>
      %broadcast_in_dim3A_3280 = arith.constant 23 : i32
      %broadcast_in_dim3A_3281 = vector.broadcast %broadcast_in_dim3A_3280 : i32 to vector<16xi32>
      %gather3A_3282 = tpu.vector_load_idx %arg7[%broadcast_in_dim3A_3281, %select_n3A_45] : memref<50x1024xf32, #tpu.memory_space<vmem>>[vector<16xi32>, vector<16xi32>], vector<16xf32>,
      %mul3A_3283 = arith.mulf %gather3A_3282, %get3A_3055 : vector<16xf32>
      %lt3A_3284 = arith.constant 0 : i32
      %lt3A_3285 = vector.broadcast %lt3A_3284 : i32 to vector<16xi32>
      %lt3A_3286 = arith.cmpi slt, %select_n3A_70, %lt3A_3285 : vector<16xi32>
      %add3A_3287 = arith.constant 16 : i32
      %add3A_3288 = vector.broadcast %add3A_3287 : i32 to vector<16xi32>
      %add3A_3289 = arith.addi %select_n3A_70, %add3A_3288 : vector<16xi32>
      %select_n3A_3290 = arith.select %lt3A_3286, %add3A_3289, %select_n3A_70 : vector<16xi1>, vector<16xi32>
      %broadcast_in_dim3A_3291 = vector.shape_cast %select_n3A_3290 : vector<16xi32> to vector<16x1xi32>
      %gather3A_3292 = vector.shape_cast %broadcast_in_dim3A_3291 : vector<16x1xi32> to vector<16xi32>
      %gather3A_3293 = tpu.dynamic_gather %mul3A_3283[%gather3A_3292] in [0] : vector<16xf32>, vector<16xi32> -> vector<16xf32>
      %eq3A_3294 = arith.constant 0 : i32
      %eq3A_3295 = vector.broadcast %eq3A_3294 : i32 to vector<16xi32>
      %eq3A_3296 = arith.cmpi eq, %iota3A, %eq3A_3295 : vector<16xi32>
      %select_n3A_3297 = arith.select %eq3A_3296, %gather3A_3007, %gather3A_3293 : vector<16xi1>, vector<16xf32>
      %mul3A_3298 = arith.mulf %select_n3A_3297, %get3A_3059 : vector<16xf32>
      %add3A_3299 = arith.addf %add3A_3239, %mul3A_3298 : vector<16xf32>
      %add3A_3300 = arith.addf %add3A_3259, %add3A_3279 : vector<16xf32>
      %add3A_3301 = arith.addf %add3A_3300, %add3A_3299 : vector<16xf32>
      %swap3A_3302 = arith.constant 0 : index
      %swap3A_3303 = tpu.vector_load %arg9[%swap3A_3302] {strides = array<i32>} : memref<1024xf32, #tpu.memory_space<vmem>>, vector<16xf32>,
      tpu.vector_store %arg9[%swap3A_3302], %add3A_3301 {strides = array<i32>} : memref<1024xf32, #tpu.memory_space<vmem>>, vector<16xf32>,
      %get3A_3304 = arith.constant 24 : i32
      %get3A_3305 = arith.index_cast %get3A_3304 : i32 to index
      %get3A_3306 = arith.constant 1007 : index
      %get3A_3307 = tpu.vector_load %arg7[%get3A_3305, %get3A_3306] {strides = array<i32>} : memref<50x1024xf32, #tpu.memory_space<vmem>>, vector<16xf32>,
      %get3A_3308 = arith.constant 25 : i32
      %get3A_3309 = arith.index_cast %get3A_3308 : i32 to index
      %get3A_3310 = arith.constant 1008 : index
      %get3A_3311 = tpu.vector_load %arg7[%get3A_3309, %get3A_3310] {strides = array<i32>} : memref<50x1024xf32, #tpu.memory_space<vmem>>, vector<16xf32>,
      %mul3A_3312 = arith.mulf %get3A_3307, %get3A_3311 : vector<16xf32>
      %lt3A_3313 = arith.constant 0 : i32
      %lt3A_3314 = vector.broadcast %lt3A_3313 : i32 to vector<16xi32>
      %lt3A_3315 = arith.cmpi slt, %select_n3A_70, %lt3A_3314 : vector<16xi32>
      %add3A_3316 = arith.constant 16 : i32
      %add3A_3317 = vector.broadcast %add3A_3316 : i32 to vector<16xi32>
      %add3A_3318 = arith.addi %select_n3A_70, %add3A_3317 : vector<16xi32>
      %select_n3A_3319 = arith.select %lt3A_3315, %add3A_3318, %select_n3A_70 : vector<16xi1>, vector<16xi32>
      %broadcast_in_dim3A_3320 = vector.shape_cast %select_n3A_3319 : vector<16xi32> to vector<16x1xi32>
      %gather3A_3321 = vector.shape_cast %broadcast_in_dim3A_3320 : vector<16x1xi32> to vector<16xi32>
      %gather3A_3322 = tpu.dynamic_gather %mul3A_3312[%gather3A_3321] in [0] : vector<16xf32>, vector<16xi32> -> vector<16xf32>
      %get3A_3323 = arith.constant 25 : i32
      %get3A_3324 = arith.index_cast %get3A_3323 : i32 to index
      %get3A_3325 = arith.constant 1007 : index
      %get3A_3326 = tpu.vector_load %arg7[%get3A_3324, %get3A_3325] {strides = array<i32>} : memref<50x1024xf32, #tpu.memory_space<vmem>>, vector<16xf32>,
      %get3A_3327 = arith.constant 26 : i32
      %get3A_3328 = arith.index_cast %get3A_3327 : i32 to index
      %get3A_3329 = arith.constant 1008 : index
      %get3A_3330 = tpu.vector_load %arg7[%get3A_3328, %get3A_3329] {strides = array<i32>} : memref<50x1024xf32, #tpu.memory_space<vmem>>, vector<16xf32>,
      %mul3A_3331 = arith.mulf %get3A_3326, %get3A_3330 : vector<16xf32>
      %lt3A_3332 = arith.constant 0 : i32
      %lt3A_3333 = vector.broadcast %lt3A_3332 : i32 to vector<16xi32>
      %lt3A_3334 = arith.cmpi slt, %select_n3A_70, %lt3A_3333 : vector<16xi32>
      %add3A_3335 = arith.constant 16 : i32
      %add3A_3336 = vector.broadcast %add3A_3335 : i32 to vector<16xi32>
      %add3A_3337 = arith.addi %select_n3A_70, %add3A_3336 : vector<16xi32>
      %select_n3A_3338 = arith.select %lt3A_3334, %add3A_3337, %select_n3A_70 : vector<16xi1>, vector<16xi32>
      %broadcast_in_dim3A_3339 = vector.shape_cast %select_n3A_3338 : vector<16xi32> to vector<16x1xi32>
      %gather3A_3340 = vector.shape_cast %broadcast_in_dim3A_3339 : vector<16x1xi32> to vector<16xi32>
      %gather3A_3341 = tpu.dynamic_gather %mul3A_3331[%gather3A_3340] in [0] : vector<16xf32>, vector<16xi32> -> vector<16xf32>
      %get3A_3342 = arith.constant 26 : i32
      %get3A_3343 = arith.index_cast %get3A_3342 : i32 to index
      %get3A_3344 = arith.constant 1007 : index
      %get3A_3345 = tpu.vector_load %arg7[%get3A_3343, %get3A_3344] {strides = array<i32>} : memref<50x1024xf32, #tpu.memory_space<vmem>>, vector<16xf32>,
      %get3A_3346 = arith.constant 27 : i32
      %get3A_3347 = arith.index_cast %get3A_3346 : i32 to index
      %get3A_3348 = arith.constant 1008 : index
      %get3A_3349 = tpu.vector_load %arg7[%get3A_3347, %get3A_3348] {strides = array<i32>} : memref<50x1024xf32, #tpu.memory_space<vmem>>, vector<16xf32>,
      %mul3A_3350 = arith.mulf %get3A_3345, %get3A_3349 : vector<16xf32>
      %lt3A_3351 = arith.constant 0 : i32
      %lt3A_3352 = vector.broadcast %lt3A_3351 : i32 to vector<16xi32>
      %lt3A_3353 = arith.cmpi slt, %select_n3A_70, %lt3A_3352 : vector<16xi32>
      %add3A_3354 = arith.constant 16 : i32
      %add3A_3355 = vector.broadcast %add3A_3354 : i32 to vector<16xi32>
      %add3A_3356 = arith.addi %select_n3A_70, %add3A_3355 : vector<16xi32>
      %select_n3A_3357 = arith.select %lt3A_3353, %add3A_3356, %select_n3A_70 : vector<16xi1>, vector<16xi32>
      %broadcast_in_dim3A_3358 = vector.shape_cast %select_n3A_3357 : vector<16xi32> to vector<16x1xi32>
      %gather3A_3359 = vector.shape_cast %broadcast_in_dim3A_3358 : vector<16x1xi32> to vector<16xi32>
      %gather3A_3360 = tpu.dynamic_gather %mul3A_3350[%gather3A_3359] in [0] : vector<16xf32>, vector<16xi32> -> vector<16xf32>
      %get3A_3361 = arith.constant 27 : i32
      %get3A_3362 = arith.index_cast %get3A_3361 : i32 to index
      %get3A_3363 = arith.constant 1007 : index
      %get3A_3364 = tpu.vector_load %arg7[%get3A_3362, %get3A_3363] {strides = array<i32>} : memref<50x1024xf32, #tpu.memory_space<vmem>>, vector<16xf32>,
      %get3A_3365 = arith.constant 28 : i32
      %get3A_3366 = arith.index_cast %get3A_3365 : i32 to index
      %get3A_3367 = arith.constant 1008 : index
      %get3A_3368 = tpu.vector_load %arg7[%get3A_3366, %get3A_3367] {strides = array<i32>} : memref<50x1024xf32, #tpu.memory_space<vmem>>, vector<16xf32>,
      %mul3A_3369 = arith.mulf %get3A_3364, %get3A_3368 : vector<16xf32>
      %lt3A_3370 = arith.constant 0 : i32
      %lt3A_3371 = vector.broadcast %lt3A_3370 : i32 to vector<16xi32>
      %lt3A_3372 = arith.cmpi slt, %select_n3A_70, %lt3A_3371 : vector<16xi32>
      %add3A_3373 = arith.constant 16 : i32
      %add3A_3374 = vector.broadcast %add3A_3373 : i32 to vector<16xi32>
      %add3A_3375 = arith.addi %select_n3A_70, %add3A_3374 : vector<16xi32>
      %select_n3A_3376 = arith.select %lt3A_3372, %add3A_3375, %select_n3A_70 : vector<16xi1>, vector<16xi32>
      %broadcast_in_dim3A_3377 = vector.shape_cast %select_n3A_3376 : vector<16xi32> to vector<16x1xi32>
      %gather3A_3378 = vector.shape_cast %broadcast_in_dim3A_3377 : vector<16x1xi32> to vector<16xi32>
      %gather3A_3379 = tpu.dynamic_gather %mul3A_3369[%gather3A_3378] in [0] : vector<16xf32>, vector<16xi32> -> vector<16xf32>
      %get3A_3380 = arith.constant 28 : i32
      %get3A_3381 = arith.index_cast %get3A_3380 : i32 to index
      %get3A_3382 = arith.constant 1007 : index
      %get3A_3383 = tpu.vector_load %arg7[%get3A_3381, %get3A_3382] {strides = array<i32>} : memref<50x1024xf32, #tpu.memory_space<vmem>>, vector<16xf32>,
      %get3A_3384 = arith.constant 29 : i32
      %get3A_3385 = arith.index_cast %get3A_3384 : i32 to index
      %get3A_3386 = arith.constant 1008 : index
      %get3A_3387 = tpu.vector_load %arg7[%get3A_3385, %get3A_3386] {strides = array<i32>} : memref<50x1024xf32, #tpu.memory_space<vmem>>, vector<16xf32>,
      %mul3A_3388 = arith.mulf %get3A_3383, %get3A_3387 : vector<16xf32>
      %lt3A_3389 = arith.constant 0 : i32
      %lt3A_3390 = vector.broadcast %lt3A_3389 : i32 to vector<16xi32>
      %lt3A_3391 = arith.cmpi slt, %select_n3A_70, %lt3A_3390 : vector<16xi32>
      %add3A_3392 = arith.constant 16 : i32
      %add3A_3393 = vector.broadcast %add3A_3392 : i32 to vector<16xi32>
      %add3A_3394 = arith.addi %select_n3A_70, %add3A_3393 : vector<16xi32>
      %select_n3A_3395 = arith.select %lt3A_3391, %add3A_3394, %select_n3A_70 : vector<16xi1>, vector<16xi32>
      %broadcast_in_dim3A_3396 = vector.shape_cast %select_n3A_3395 : vector<16xi32> to vector<16x1xi32>
      %gather3A_3397 = vector.shape_cast %broadcast_in_dim3A_3396 : vector<16x1xi32> to vector<16xi32>
      %gather3A_3398 = tpu.dynamic_gather %mul3A_3388[%gather3A_3397] in [0] : vector<16xf32>, vector<16xi32> -> vector<16xf32>
      %get3A_3399 = arith.constant 29 : i32
      %get3A_3400 = arith.index_cast %get3A_3399 : i32 to index
      %get3A_3401 = arith.constant 1007 : index
      %get3A_3402 = tpu.vector_load %arg7[%get3A_3400, %get3A_3401] {strides = array<i32>} : memref<50x1024xf32, #tpu.memory_space<vmem>>, vector<16xf32>,
      %get3A_3403 = arith.constant 30 : i32
      %get3A_3404 = arith.index_cast %get3A_3403 : i32 to index
      %get3A_3405 = arith.constant 1008 : index
      %get3A_3406 = tpu.vector_load %arg7[%get3A_3404, %get3A_3405] {strides = array<i32>} : memref<50x1024xf32, #tpu.memory_space<vmem>>, vector<16xf32>,
      %mul3A_3407 = arith.mulf %get3A_3402, %get3A_3406 : vector<16xf32>
      %lt3A_3408 = arith.constant 0 : i32
      %lt3A_3409 = vector.broadcast %lt3A_3408 : i32 to vector<16xi32>
      %lt3A_3410 = arith.cmpi slt, %select_n3A_70, %lt3A_3409 : vector<16xi32>
      %add3A_3411 = arith.constant 16 : i32
      %add3A_3412 = vector.broadcast %add3A_3411 : i32 to vector<16xi32>
      %add3A_3413 = arith.addi %select_n3A_70, %add3A_3412 : vector<16xi32>
      %select_n3A_3414 = arith.select %lt3A_3410, %add3A_3413, %select_n3A_70 : vector<16xi1>, vector<16xi32>
      %broadcast_in_dim3A_3415 = vector.shape_cast %select_n3A_3414 : vector<16xi32> to vector<16x1xi32>
      %gather3A_3416 = vector.shape_cast %broadcast_in_dim3A_3415 : vector<16x1xi32> to vector<16xi32>
      %gather3A_3417 = tpu.dynamic_gather %mul3A_3407[%gather3A_3416] in [0] : vector<16xf32>, vector<16xi32> -> vector<16xf32>
      %get3A_3418 = arith.constant 30 : i32
      %get3A_3419 = arith.index_cast %get3A_3418 : i32 to index
      %get3A_3420 = arith.constant 1007 : index
      %get3A_3421 = tpu.vector_load %arg7[%get3A_3419, %get3A_3420] {strides = array<i32>} : memref<50x1024xf32, #tpu.memory_space<vmem>>, vector<16xf32>,
      %get3A_3422 = arith.constant 31 : i32
      %get3A_3423 = arith.index_cast %get3A_3422 : i32 to index
      %get3A_3424 = arith.constant 1008 : index
      %get3A_3425 = tpu.vector_load %arg7[%get3A_3423, %get3A_3424] {strides = array<i32>} : memref<50x1024xf32, #tpu.memory_space<vmem>>, vector<16xf32>,
      %mul3A_3426 = arith.mulf %get3A_3421, %get3A_3425 : vector<16xf32>
      %lt3A_3427 = arith.constant 0 : i32
      %lt3A_3428 = vector.broadcast %lt3A_3427 : i32 to vector<16xi32>
      %lt3A_3429 = arith.cmpi slt, %select_n3A_70, %lt3A_3428 : vector<16xi32>
      %add3A_3430 = arith.constant 16 : i32
      %add3A_3431 = vector.broadcast %add3A_3430 : i32 to vector<16xi32>
      %add3A_3432 = arith.addi %select_n3A_70, %add3A_3431 : vector<16xi32>
      %select_n3A_3433 = arith.select %lt3A_3429, %add3A_3432, %select_n3A_70 : vector<16xi1>, vector<16xi32>
      %broadcast_in_dim3A_3434 = vector.shape_cast %select_n3A_3433 : vector<16xi32> to vector<16x1xi32>
      %gather3A_3435 = vector.shape_cast %broadcast_in_dim3A_3434 : vector<16x1xi32> to vector<16xi32>
      %gather3A_3436 = tpu.dynamic_gather %mul3A_3426[%gather3A_3435] in [0] : vector<16xf32>, vector<16xi32> -> vector<16xf32>
      %get3A_3437 = arith.constant 31 : i32
      %get3A_3438 = arith.index_cast %get3A_3437 : i32 to index
      %get3A_3439 = arith.constant 1007 : index
      %get3A_3440 = tpu.vector_load %arg7[%get3A_3438, %get3A_3439] {strides = array<i32>} : memref<50x1024xf32, #tpu.memory_space<vmem>>, vector<16xf32>,
      %get3A_3441 = arith.constant 32 : i32
      %get3A_3442 = arith.index_cast %get3A_3441 : i32 to index
      %get3A_3443 = arith.constant 1008 : index
      %get3A_3444 = tpu.vector_load %arg7[%get3A_3442, %get3A_3443] {strides = array<i32>} : memref<50x1024xf32, #tpu.memory_space<vmem>>, vector<16xf32>,
      %mul3A_3445 = arith.mulf %get3A_3440, %get3A_3444 : vector<16xf32>
      %lt3A_3446 = arith.constant 0 : i32
      %lt3A_3447 = vector.broadcast %lt3A_3446 : i32 to vector<16xi32>
      %lt3A_3448 = arith.cmpi slt, %select_n3A_70, %lt3A_3447 : vector<16xi32>
      %add3A_3449 = arith.constant 16 : i32
      %add3A_3450 = vector.broadcast %add3A_3449 : i32 to vector<16xi32>
      %add3A_3451 = arith.addi %select_n3A_70, %add3A_3450 : vector<16xi32>
      %select_n3A_3452 = arith.select %lt3A_3448, %add3A_3451, %select_n3A_70 : vector<16xi1>, vector<16xi32>
      %broadcast_in_dim3A_3453 = vector.shape_cast %select_n3A_3452 : vector<16xi32> to vector<16x1xi32>
      %gather3A_3454 = vector.shape_cast %broadcast_in_dim3A_3453 : vector<16x1xi32> to vector<16xi32>
      %gather3A_3455 = tpu.dynamic_gather %mul3A_3445[%gather3A_3454] in [0] : vector<16xf32>, vector<16xi32> -> vector<16xf32>
      %get3A_3456 = arith.constant 32 : i32
      %get3A_3457 = arith.index_cast %get3A_3456 : i32 to index
      %get3A_3458 = arith.constant 1007 : index
      %get3A_3459 = tpu.vector_load %arg7[%get3A_3457, %get3A_3458] {strides = array<i32>} : memref<50x1024xf32, #tpu.memory_space<vmem>>, vector<16xf32>,
      %get3A_3460 = arith.constant 33 : i32
      %get3A_3461 = arith.index_cast %get3A_3460 : i32 to index
      %get3A_3462 = arith.constant 1008 : index
      %get3A_3463 = tpu.vector_load %arg7[%get3A_3461, %get3A_3462] {strides = array<i32>} : memref<50x1024xf32, #tpu.memory_space<vmem>>, vector<16xf32>,
      %mul3A_3464 = arith.mulf %get3A_3459, %get3A_3463 : vector<16xf32>
      %lt3A_3465 = arith.constant 0 : i32
      %lt3A_3466 = vector.broadcast %lt3A_3465 : i32 to vector<16xi32>
      %lt3A_3467 = arith.cmpi slt, %select_n3A_70, %lt3A_3466 : vector<16xi32>
      %add3A_3468 = arith.constant 16 : i32
      %add3A_3469 = vector.broadcast %add3A_3468 : i32 to vector<16xi32>
      %add3A_3470 = arith.addi %select_n3A_70, %add3A_3469 : vector<16xi32>
      %select_n3A_3471 = arith.select %lt3A_3467, %add3A_3470, %select_n3A_70 : vector<16xi1>, vector<16xi32>
      %broadcast_in_dim3A_3472 = vector.shape_cast %select_n3A_3471 : vector<16xi32> to vector<16x1xi32>
      %gather3A_3473 = vector.shape_cast %broadcast_in_dim3A_3472 : vector<16x1xi32> to vector<16xi32>
      %gather3A_3474 = tpu.dynamic_gather %mul3A_3464[%gather3A_3473] in [0] : vector<16xf32>, vector<16xi32> -> vector<16xf32>
      %get3A_3475 = arith.constant 33 : i32
      %get3A_3476 = arith.index_cast %get3A_3475 : i32 to index
      %get3A_3477 = arith.constant 1007 : index
      %get3A_3478 = tpu.vector_load %arg7[%get3A_3476, %get3A_3477] {strides = array<i32>} : memref<50x1024xf32, #tpu.memory_space<vmem>>, vector<16xf32>,
      %get3A_3479 = arith.constant 34 : i32
      %get3A_3480 = arith.index_cast %get3A_3479 : i32 to index
      %get3A_3481 = arith.constant 1008 : index
      %get3A_3482 = tpu.vector_load %arg7[%get3A_3480, %get3A_3481] {strides = array<i32>} : memref<50x1024xf32, #tpu.memory_space<vmem>>, vector<16xf32>,
      %mul3A_3483 = arith.mulf %get3A_3478, %get3A_3482 : vector<16xf32>
      %lt3A_3484 = arith.constant 0 : i32
      %lt3A_3485 = vector.broadcast %lt3A_3484 : i32 to vector<16xi32>
      %lt3A_3486 = arith.cmpi slt, %select_n3A_70, %lt3A_3485 : vector<16xi32>
      %add3A_3487 = arith.constant 16 : i32
      %add3A_3488 = vector.broadcast %add3A_3487 : i32 to vector<16xi32>
      %add3A_3489 = arith.addi %select_n3A_70, %add3A_3488 : vector<16xi32>
      %select_n3A_3490 = arith.select %lt3A_3486, %add3A_3489, %select_n3A_70 : vector<16xi1>, vector<16xi32>
      %broadcast_in_dim3A_3491 = vector.shape_cast %select_n3A_3490 : vector<16xi32> to vector<16x1xi32>
      %gather3A_3492 = vector.shape_cast %broadcast_in_dim3A_3491 : vector<16x1xi32> to vector<16xi32>
      %gather3A_3493 = tpu.dynamic_gather %mul3A_3483[%gather3A_3492] in [0] : vector<16xf32>, vector<16xi32> -> vector<16xf32>
      %get3A_3494 = arith.constant 34 : i32
      %get3A_3495 = arith.index_cast %get3A_3494 : i32 to index
      %get3A_3496 = arith.constant 1007 : index
      %get3A_3497 = tpu.vector_load %arg7[%get3A_3495, %get3A_3496] {strides = array<i32>} : memref<50x1024xf32, #tpu.memory_space<vmem>>, vector<16xf32>,
      %get3A_3498 = arith.constant 35 : i32
      %get3A_3499 = arith.index_cast %get3A_3498 : i32 to index
      %get3A_3500 = arith.constant 1008 : index
      %get3A_3501 = tpu.vector_load %arg7[%get3A_3499, %get3A_3500] {strides = array<i32>} : memref<50x1024xf32, #tpu.memory_space<vmem>>, vector<16xf32>,
      %mul3A_3502 = arith.mulf %get3A_3497, %get3A_3501 : vector<16xf32>
      %lt3A_3503 = arith.constant 0 : i32
      %lt3A_3504 = vector.broadcast %lt3A_3503 : i32 to vector<16xi32>
      %lt3A_3505 = arith.cmpi slt, %select_n3A_70, %lt3A_3504 : vector<16xi32>
      %add3A_3506 = arith.constant 16 : i32
      %add3A_3507 = vector.broadcast %add3A_3506 : i32 to vector<16xi32>
      %add3A_3508 = arith.addi %select_n3A_70, %add3A_3507 : vector<16xi32>
      %select_n3A_3509 = arith.select %lt3A_3505, %add3A_3508, %select_n3A_70 : vector<16xi1>, vector<16xi32>
      %broadcast_in_dim3A_3510 = vector.shape_cast %select_n3A_3509 : vector<16xi32> to vector<16x1xi32>
      %gather3A_3511 = vector.shape_cast %broadcast_in_dim3A_3510 : vector<16x1xi32> to vector<16xi32>
      %gather3A_3512 = tpu.dynamic_gather %mul3A_3502[%gather3A_3511] in [0] : vector<16xf32>, vector<16xi32> -> vector<16xf32>
      %get3A_3513 = arith.constant 35 : i32
      %get3A_3514 = arith.index_cast %get3A_3513 : i32 to index
      %get3A_3515 = arith.constant 1007 : index
      %get3A_3516 = tpu.vector_load %arg7[%get3A_3514, %get3A_3515] {strides = array<i32>} : memref<50x1024xf32, #tpu.memory_space<vmem>>, vector<16xf32>,
      %get3A_3517 = arith.constant 36 : i32
      %get3A_3518 = arith.index_cast %get3A_3517 : i32 to index
      %get3A_3519 = arith.constant 1008 : index
      %get3A_3520 = tpu.vector_load %arg7[%get3A_3518, %get3A_3519] {strides = array<i32>} : memref<50x1024xf32, #tpu.memory_space<vmem>>, vector<16xf32>,
      %mul3A_3521 = arith.mulf %get3A_3516, %get3A_3520 : vector<16xf32>
      %lt3A_3522 = arith.constant 0 : i32
      %lt3A_3523 = vector.broadcast %lt3A_3522 : i32 to vector<16xi32>
      %lt3A_3524 = arith.cmpi slt, %select_n3A_70, %lt3A_3523 : vector<16xi32>
      %add3A_3525 = arith.constant 16 : i32
      %add3A_3526 = vector.broadcast %add3A_3525 : i32 to vector<16xi32>
      %add3A_3527 = arith.addi %select_n3A_70, %add3A_3526 : vector<16xi32>
      %select_n3A_3528 = arith.select %lt3A_3524, %add3A_3527, %select_n3A_70 : vector<16xi1>, vector<16xi32>
      %broadcast_in_dim3A_3529 = vector.shape_cast %select_n3A_3528 : vector<16xi32> to vector<16x1xi32>
      %gather3A_3530 = vector.shape_cast %broadcast_in_dim3A_3529 : vector<16x1xi32> to vector<16xi32>
      %gather3A_3531 = tpu.dynamic_gather %mul3A_3521[%gather3A_3530] in [0] : vector<16xf32>, vector<16xi32> -> vector<16xf32>
      %get3A_3532 = arith.constant 25 : i32
      %get3A_3533 = arith.index_cast %get3A_3532 : i32 to index
      %get3A_3534 = arith.constant 0 : index
      %get3A_3535 = tpu.vector_load %arg7[%get3A_3533, %get3A_3534] {strides = array<i32>} : memref<50x1024xf32, #tpu.memory_space<vmem>>, vector<16xf32>,
      %get3A_3536 = arith.constant 26 : i32
      %get3A_3537 = arith.index_cast %get3A_3536 : i32 to index
      %get3A_3538 = arith.constant 0 : index
      %get3A_3539 = tpu.vector_load %arg7[%get3A_3537, %get3A_3538] {strides = array<i32>} : memref<50x1024xf32, #tpu.memory_space<vmem>>, vector<16xf32>,
      %get3A_3540 = arith.constant 27 : i32
      %get3A_3541 = arith.index_cast %get3A_3540 : i32 to index
      %get3A_3542 = arith.constant 0 : index
      %get3A_3543 = tpu.vector_load %arg7[%get3A_3541, %get3A_3542] {strides = array<i32>} : memref<50x1024xf32, #tpu.memory_space<vmem>>, vector<16xf32>,
      %get3A_3544 = arith.constant 28 : i32
      %get3A_3545 = arith.index_cast %get3A_3544 : i32 to index
      %get3A_3546 = arith.constant 0 : index
      %get3A_3547 = tpu.vector_load %arg7[%get3A_3545, %get3A_3546] {strides = array<i32>} : memref<50x1024xf32, #tpu.memory_space<vmem>>, vector<16xf32>,
      %get3A_3548 = arith.constant 29 : i32
      %get3A_3549 = arith.index_cast %get3A_3548 : i32 to index
      %get3A_3550 = arith.constant 0 : index
      %get3A_3551 = tpu.vector_load %arg7[%get3A_3549, %get3A_3550] {strides = array<i32>} : memref<50x1024xf32, #tpu.memory_space<vmem>>, vector<16xf32>,
      %get3A_3552 = arith.constant 30 : i32
      %get3A_3553 = arith.index_cast %get3A_3552 : i32 to index
      %get3A_3554 = arith.constant 0 : index
      %get3A_3555 = tpu.vector_load %arg7[%get3A_3553, %get3A_3554] {strides = array<i32>} : memref<50x1024xf32, #tpu.memory_space<vmem>>, vector<16xf32>,
      %get3A_3556 = arith.constant 31 : i32
      %get3A_3557 = arith.index_cast %get3A_3556 : i32 to index
      %get3A_3558 = arith.constant 0 : index
      %get3A_3559 = tpu.vector_load %arg7[%get3A_3557, %get3A_3558] {strides = array<i32>} : memref<50x1024xf32, #tpu.memory_space<vmem>>, vector<16xf32>,
      %get3A_3560 = arith.constant 32 : i32
      %get3A_3561 = arith.index_cast %get3A_3560 : i32 to index
      %get3A_3562 = arith.constant 0 : index
      %get3A_3563 = tpu.vector_load %arg7[%get3A_3561, %get3A_3562] {strides = array<i32>} : memref<50x1024xf32, #tpu.memory_space<vmem>>, vector<16xf32>,
      %get3A_3564 = arith.constant 33 : i32
      %get3A_3565 = arith.index_cast %get3A_3564 : i32 to index
      %get3A_3566 = arith.constant 0 : index
      %get3A_3567 = tpu.vector_load %arg7[%get3A_3565, %get3A_3566] {strides = array<i32>} : memref<50x1024xf32, #tpu.memory_space<vmem>>, vector<16xf32>,
      %get3A_3568 = arith.constant 34 : i32
      %get3A_3569 = arith.index_cast %get3A_3568 : i32 to index
      %get3A_3570 = arith.constant 0 : index
      %get3A_3571 = tpu.vector_load %arg7[%get3A_3569, %get3A_3570] {strides = array<i32>} : memref<50x1024xf32, #tpu.memory_space<vmem>>, vector<16xf32>,
      %get3A_3572 = arith.constant 35 : i32
      %get3A_3573 = arith.index_cast %get3A_3572 : i32 to index
      %get3A_3574 = arith.constant 0 : index
      %get3A_3575 = tpu.vector_load %arg7[%get3A_3573, %get3A_3574] {strides = array<i32>} : memref<50x1024xf32, #tpu.memory_space<vmem>>, vector<16xf32>,
      %get3A_3576 = arith.constant 36 : i32
      %get3A_3577 = arith.index_cast %get3A_3576 : i32 to index
      %get3A_3578 = arith.constant 0 : index
      %get3A_3579 = tpu.vector_load %arg7[%get3A_3577, %get3A_3578] {strides = array<i32>} : memref<50x1024xf32, #tpu.memory_space<vmem>>, vector<16xf32>,
      %get3A_3580 = arith.constant 37 : i32
      %get3A_3581 = arith.index_cast %get3A_3580 : i32 to index
      %get3A_3582 = arith.constant 0 : index
      %get3A_3583 = tpu.vector_load %arg7[%get3A_3581, %get3A_3582] {strides = array<i32>} : memref<50x1024xf32, #tpu.memory_space<vmem>>, vector<16xf32>,
      %get3A_3584 = arith.constant 0 : index
      %get3A_3585 = tpu.vector_load %arg9[%get3A_3584] {strides = array<i32>} : memref<1024xf32, #tpu.memory_space<vmem>>, vector<16xf32>,
      %broadcast_in_dim3A_3586 = arith.constant 24 : i32
      %broadcast_in_dim3A_3587 = vector.broadcast %broadcast_in_dim3A_3586 : i32 to vector<16xi32>
      %gather3A_3588 = tpu.vector_load_idx %arg7[%broadcast_in_dim3A_3587, %select_n3A_45] : memref<50x1024xf32, #tpu.memory_space<vmem>>[vector<16xi32>, vector<16xi32>], vector<16xf32>,
      %mul3A_3589 = arith.mulf %gather3A_3588, %get3A_3535 : vector<16xf32>
      %lt3A_3590 = arith.constant 0 : i32
      %lt3A_3591 = vector.broadcast %lt3A_3590 : i32 to vector<16xi32>
      %lt3A_3592 = arith.cmpi slt, %select_n3A_70, %lt3A_3591 : vector<16xi32>
      %add3A_3593 = arith.constant 16 : i32
      %add3A_3594 = vector.broadcast %add3A_3593 : i32 to vector<16xi32>
      %add3A_3595 = arith.addi %select_n3A_70, %add3A_3594 : vector<16xi32>
      %select_n3A_3596 = arith.select %lt3A_3592, %add3A_3595, %select_n3A_70 : vector<16xi1>, vector<16xi32>
      %broadcast_in_dim3A_3597 = vector.shape_cast %select_n3A_3596 : vector<16xi32> to vector<16x1xi32>
      %gather3A_3598 = vector.shape_cast %broadcast_in_dim3A_3597 : vector<16x1xi32> to vector<16xi32>
      %gather3A_3599 = tpu.dynamic_gather %mul3A_3589[%gather3A_3598] in [0] : vector<16xf32>, vector<16xi32> -> vector<16xf32>
      %eq3A_3600 = arith.constant 0 : i32
      %eq3A_3601 = vector.broadcast %eq3A_3600 : i32 to vector<16xi32>
      %eq3A_3602 = arith.cmpi eq, %iota3A, %eq3A_3601 : vector<16xi32>
      %select_n3A_3603 = arith.select %eq3A_3602, %gather3A_3322, %gather3A_3599 : vector<16xi1>, vector<16xf32>
      %mul3A_3604 = arith.mulf %select_n3A_3603, %get3A_3539 : vector<16xf32>
      %add3A_3605 = arith.addf %get3A_3585, %mul3A_3604 : vector<16xf32>
      %broadcast_in_dim3A_3606 = arith.constant 25 : i32
      %broadcast_in_dim3A_3607 = vector.broadcast %broadcast_in_dim3A_3606 : i32 to vector<16xi32>
      %gather3A_3608 = tpu.vector_load_idx %arg7[%broadcast_in_dim3A_3607, %select_n3A_45] : memref<50x1024xf32, #tpu.memory_space<vmem>>[vector<16xi32>, vector<16xi32>], vector<16xf32>,
      %mul3A_3609 = arith.mulf %gather3A_3608, %get3A_3539 : vector<16xf32>
      %lt3A_3610 = arith.constant 0 : i32
      %lt3A_3611 = vector.broadcast %lt3A_3610 : i32 to vector<16xi32>
      %lt3A_3612 = arith.cmpi slt, %select_n3A_70, %lt3A_3611 : vector<16xi32>
      %add3A_3613 = arith.constant 16 : i32
      %add3A_3614 = vector.broadcast %add3A_3613 : i32 to vector<16xi32>
      %add3A_3615 = arith.addi %select_n3A_70, %add3A_3614 : vector<16xi32>
      %select_n3A_3616 = arith.select %lt3A_3612, %add3A_3615, %select_n3A_70 : vector<16xi1>, vector<16xi32>
      %broadcast_in_dim3A_3617 = vector.shape_cast %select_n3A_3616 : vector<16xi32> to vector<16x1xi32>
      %gather3A_3618 = vector.shape_cast %broadcast_in_dim3A_3617 : vector<16x1xi32> to vector<16xi32>
      %gather3A_3619 = tpu.dynamic_gather %mul3A_3609[%gather3A_3618] in [0] : vector<16xf32>, vector<16xi32> -> vector<16xf32>
      %eq3A_3620 = arith.constant 0 : i32
      %eq3A_3621 = vector.broadcast %eq3A_3620 : i32 to vector<16xi32>
      %eq3A_3622 = arith.cmpi eq, %iota3A, %eq3A_3621 : vector<16xi32>
      %select_n3A_3623 = arith.select %eq3A_3622, %gather3A_3341, %gather3A_3619 : vector<16xi1>, vector<16xf32>
      %mul3A_3624 = arith.mulf %select_n3A_3623, %get3A_3543 : vector<16xf32>
      %broadcast_in_dim3A_3625 = arith.constant 26 : i32
      %broadcast_in_dim3A_3626 = vector.broadcast %broadcast_in_dim3A_3625 : i32 to vector<16xi32>
      %gather3A_3627 = tpu.vector_load_idx %arg7[%broadcast_in_dim3A_3626, %select_n3A_45] : memref<50x1024xf32, #tpu.memory_space<vmem>>[vector<16xi32>, vector<16xi32>], vector<16xf32>,
      %mul3A_3628 = arith.mulf %gather3A_3627, %get3A_3543 : vector<16xf32>
      %lt3A_3629 = arith.constant 0 : i32
      %lt3A_3630 = vector.broadcast %lt3A_3629 : i32 to vector<16xi32>
      %lt3A_3631 = arith.cmpi slt, %select_n3A_70, %lt3A_3630 : vector<16xi32>
      %add3A_3632 = arith.constant 16 : i32
      %add3A_3633 = vector.broadcast %add3A_3632 : i32 to vector<16xi32>
      %add3A_3634 = arith.addi %select_n3A_70, %add3A_3633 : vector<16xi32>
      %select_n3A_3635 = arith.select %lt3A_3631, %add3A_3634, %select_n3A_70 : vector<16xi1>, vector<16xi32>
      %broadcast_in_dim3A_3636 = vector.shape_cast %select_n3A_3635 : vector<16xi32> to vector<16x1xi32>
      %gather3A_3637 = vector.shape_cast %broadcast_in_dim3A_3636 : vector<16x1xi32> to vector<16xi32>
      %gather3A_3638 = tpu.dynamic_gather %mul3A_3628[%gather3A_3637] in [0] : vector<16xf32>, vector<16xi32> -> vector<16xf32>
      %eq3A_3639 = arith.constant 0 : i32
      %eq3A_3640 = vector.broadcast %eq3A_3639 : i32 to vector<16xi32>
      %eq3A_3641 = arith.cmpi eq, %iota3A, %eq3A_3640 : vector<16xi32>
      %select_n3A_3642 = arith.select %eq3A_3641, %gather3A_3360, %gather3A_3638 : vector<16xi1>, vector<16xf32>
      %mul3A_3643 = arith.mulf %select_n3A_3642, %get3A_3547 : vector<16xf32>
      %broadcast_in_dim3A_3644 = arith.constant 27 : i32
      %broadcast_in_dim3A_3645 = vector.broadcast %broadcast_in_dim3A_3644 : i32 to vector<16xi32>
      %gather3A_3646 = tpu.vector_load_idx %arg7[%broadcast_in_dim3A_3645, %select_n3A_45] : memref<50x1024xf32, #tpu.memory_space<vmem>>[vector<16xi32>, vector<16xi32>], vector<16xf32>,
      %mul3A_3647 = arith.mulf %gather3A_3646, %get3A_3547 : vector<16xf32>
      %lt3A_3648 = arith.constant 0 : i32
      %lt3A_3649 = vector.broadcast %lt3A_3648 : i32 to vector<16xi32>
      %lt3A_3650 = arith.cmpi slt, %select_n3A_70, %lt3A_3649 : vector<16xi32>
      %add3A_3651 = arith.constant 16 : i32
      %add3A_3652 = vector.broadcast %add3A_3651 : i32 to vector<16xi32>
      %add3A_3653 = arith.addi %select_n3A_70, %add3A_3652 : vector<16xi32>
      %select_n3A_3654 = arith.select %lt3A_3650, %add3A_3653, %select_n3A_70 : vector<16xi1>, vector<16xi32>
      %broadcast_in_dim3A_3655 = vector.shape_cast %select_n3A_3654 : vector<16xi32> to vector<16x1xi32>
      %gather3A_3656 = vector.shape_cast %broadcast_in_dim3A_3655 : vector<16x1xi32> to vector<16xi32>
      %gather3A_3657 = tpu.dynamic_gather %mul3A_3647[%gather3A_3656] in [0] : vector<16xf32>, vector<16xi32> -> vector<16xf32>
      %eq3A_3658 = arith.constant 0 : i32
      %eq3A_3659 = vector.broadcast %eq3A_3658 : i32 to vector<16xi32>
      %eq3A_3660 = arith.cmpi eq, %iota3A, %eq3A_3659 : vector<16xi32>
      %select_n3A_3661 = arith.select %eq3A_3660, %gather3A_3379, %gather3A_3657 : vector<16xi1>, vector<16xf32>
      %mul3A_3662 = arith.mulf %select_n3A_3661, %get3A_3551 : vector<16xf32>
      %add3A_3663 = arith.addf %add3A_3605, %mul3A_3662 : vector<16xf32>
      %broadcast_in_dim3A_3664 = arith.constant 28 : i32
      %broadcast_in_dim3A_3665 = vector.broadcast %broadcast_in_dim3A_3664 : i32 to vector<16xi32>
      %gather3A_3666 = tpu.vector_load_idx %arg7[%broadcast_in_dim3A_3665, %select_n3A_45] : memref<50x1024xf32, #tpu.memory_space<vmem>>[vector<16xi32>, vector<16xi32>], vector<16xf32>,
      %mul3A_3667 = arith.mulf %gather3A_3666, %get3A_3551 : vector<16xf32>
      %lt3A_3668 = arith.constant 0 : i32
      %lt3A_3669 = vector.broadcast %lt3A_3668 : i32 to vector<16xi32>
      %lt3A_3670 = arith.cmpi slt, %select_n3A_70, %lt3A_3669 : vector<16xi32>
      %add3A_3671 = arith.constant 16 : i32
      %add3A_3672 = vector.broadcast %add3A_3671 : i32 to vector<16xi32>
      %add3A_3673 = arith.addi %select_n3A_70, %add3A_3672 : vector<16xi32>
      %select_n3A_3674 = arith.select %lt3A_3670, %add3A_3673, %select_n3A_70 : vector<16xi1>, vector<16xi32>
      %broadcast_in_dim3A_3675 = vector.shape_cast %select_n3A_3674 : vector<16xi32> to vector<16x1xi32>
      %gather3A_3676 = vector.shape_cast %broadcast_in_dim3A_3675 : vector<16x1xi32> to vector<16xi32>
      %gather3A_3677 = tpu.dynamic_gather %mul3A_3667[%gather3A_3676] in [0] : vector<16xf32>, vector<16xi32> -> vector<16xf32>
      %eq3A_3678 = arith.constant 0 : i32
      %eq3A_3679 = vector.broadcast %eq3A_3678 : i32 to vector<16xi32>
      %eq3A_3680 = arith.cmpi eq, %iota3A, %eq3A_3679 : vector<16xi32>
      %select_n3A_3681 = arith.select %eq3A_3680, %gather3A_3398, %gather3A_3677 : vector<16xi1>, vector<16xf32>
      %mul3A_3682 = arith.mulf %select_n3A_3681, %get3A_3555 : vector<16xf32>
      %add3A_3683 = arith.addf %mul3A_3624, %mul3A_3682 : vector<16xf32>
      %broadcast_in_dim3A_3684 = arith.constant 29 : i32
      %broadcast_in_dim3A_3685 = vector.broadcast %broadcast_in_dim3A_3684 : i32 to vector<16xi32>
      %gather3A_3686 = tpu.vector_load_idx %arg7[%broadcast_in_dim3A_3685, %select_n3A_45] : memref<50x1024xf32, #tpu.memory_space<vmem>>[vector<16xi32>, vector<16xi32>], vector<16xf32>,
      %mul3A_3687 = arith.mulf %gather3A_3686, %get3A_3555 : vector<16xf32>
      %lt3A_3688 = arith.constant 0 : i32
      %lt3A_3689 = vector.broadcast %lt3A_3688 : i32 to vector<16xi32>
      %lt3A_3690 = arith.cmpi slt, %select_n3A_70, %lt3A_3689 : vector<16xi32>
      %add3A_3691 = arith.constant 16 : i32
      %add3A_3692 = vector.broadcast %add3A_3691 : i32 to vector<16xi32>
      %add3A_3693 = arith.addi %select_n3A_70, %add3A_3692 : vector<16xi32>
      %select_n3A_3694 = arith.select %lt3A_3690, %add3A_3693, %select_n3A_70 : vector<16xi1>, vector<16xi32>
      %broadcast_in_dim3A_3695 = vector.shape_cast %select_n3A_3694 : vector<16xi32> to vector<16x1xi32>
      %gather3A_3696 = vector.shape_cast %broadcast_in_dim3A_3695 : vector<16x1xi32> to vector<16xi32>
      %gather3A_3697 = tpu.dynamic_gather %mul3A_3687[%gather3A_3696] in [0] : vector<16xf32>, vector<16xi32> -> vector<16xf32>
      %eq3A_3698 = arith.constant 0 : i32
      %eq3A_3699 = vector.broadcast %eq3A_3698 : i32 to vector<16xi32>
      %eq3A_3700 = arith.cmpi eq, %iota3A, %eq3A_3699 : vector<16xi32>
      %select_n3A_3701 = arith.select %eq3A_3700, %gather3A_3417, %gather3A_3697 : vector<16xi1>, vector<16xf32>
      %mul3A_3702 = arith.mulf %select_n3A_3701, %get3A_3559 : vector<16xf32>
      %add3A_3703 = arith.addf %mul3A_3643, %mul3A_3702 : vector<16xf32>
      %broadcast_in_dim3A_3704 = arith.constant 30 : i32
      %broadcast_in_dim3A_3705 = vector.broadcast %broadcast_in_dim3A_3704 : i32 to vector<16xi32>
      %gather3A_3706 = tpu.vector_load_idx %arg7[%broadcast_in_dim3A_3705, %select_n3A_45] : memref<50x1024xf32, #tpu.memory_space<vmem>>[vector<16xi32>, vector<16xi32>], vector<16xf32>,
      %mul3A_3707 = arith.mulf %gather3A_3706, %get3A_3559 : vector<16xf32>
      %lt3A_3708 = arith.constant 0 : i32
      %lt3A_3709 = vector.broadcast %lt3A_3708 : i32 to vector<16xi32>
      %lt3A_3710 = arith.cmpi slt, %select_n3A_70, %lt3A_3709 : vector<16xi32>
      %add3A_3711 = arith.constant 16 : i32
      %add3A_3712 = vector.broadcast %add3A_3711 : i32 to vector<16xi32>
      %add3A_3713 = arith.addi %select_n3A_70, %add3A_3712 : vector<16xi32>
      %select_n3A_3714 = arith.select %lt3A_3710, %add3A_3713, %select_n3A_70 : vector<16xi1>, vector<16xi32>
      %broadcast_in_dim3A_3715 = vector.shape_cast %select_n3A_3714 : vector<16xi32> to vector<16x1xi32>
      %gather3A_3716 = vector.shape_cast %broadcast_in_dim3A_3715 : vector<16x1xi32> to vector<16xi32>
      %gather3A_3717 = tpu.dynamic_gather %mul3A_3707[%gather3A_3716] in [0] : vector<16xf32>, vector<16xi32> -> vector<16xf32>
      %eq3A_3718 = arith.constant 0 : i32
      %eq3A_3719 = vector.broadcast %eq3A_3718 : i32 to vector<16xi32>
      %eq3A_3720 = arith.cmpi eq, %iota3A, %eq3A_3719 : vector<16xi32>
      %select_n3A_3721 = arith.select %eq3A_3720, %gather3A_3436, %gather3A_3717 : vector<16xi1>, vector<16xf32>
      %mul3A_3722 = arith.mulf %select_n3A_3721, %get3A_3563 : vector<16xf32>
      %add3A_3723 = arith.addf %add3A_3663, %mul3A_3722 : vector<16xf32>
      %broadcast_in_dim3A_3724 = arith.constant 31 : i32
      %broadcast_in_dim3A_3725 = vector.broadcast %broadcast_in_dim3A_3724 : i32 to vector<16xi32>
      %gather3A_3726 = tpu.vector_load_idx %arg7[%broadcast_in_dim3A_3725, %select_n3A_45] : memref<50x1024xf32, #tpu.memory_space<vmem>>[vector<16xi32>, vector<16xi32>], vector<16xf32>,
      %mul3A_3727 = arith.mulf %gather3A_3726, %get3A_3563 : vector<16xf32>
      %lt3A_3728 = arith.constant 0 : i32
      %lt3A_3729 = vector.broadcast %lt3A_3728 : i32 to vector<16xi32>
      %lt3A_3730 = arith.cmpi slt, %select_n3A_70, %lt3A_3729 : vector<16xi32>
      %add3A_3731 = arith.constant 16 : i32
      %add3A_3732 = vector.broadcast %add3A_3731 : i32 to vector<16xi32>
      %add3A_3733 = arith.addi %select_n3A_70, %add3A_3732 : vector<16xi32>
      %select_n3A_3734 = arith.select %lt3A_3730, %add3A_3733, %select_n3A_70 : vector<16xi1>, vector<16xi32>
      %broadcast_in_dim3A_3735 = vector.shape_cast %select_n3A_3734 : vector<16xi32> to vector<16x1xi32>
      %gather3A_3736 = vector.shape_cast %broadcast_in_dim3A_3735 : vector<16x1xi32> to vector<16xi32>
      %gather3A_3737 = tpu.dynamic_gather %mul3A_3727[%gather3A_3736] in [0] : vector<16xf32>, vector<16xi32> -> vector<16xf32>
      %eq3A_3738 = arith.constant 0 : i32
      %eq3A_3739 = vector.broadcast %eq3A_3738 : i32 to vector<16xi32>
      %eq3A_3740 = arith.cmpi eq, %iota3A, %eq3A_3739 : vector<16xi32>
      %select_n3A_3741 = arith.select %eq3A_3740, %gather3A_3455, %gather3A_3737 : vector<16xi1>, vector<16xf32>
      %mul3A_3742 = arith.mulf %select_n3A_3741, %get3A_3567 : vector<16xf32>
      %add3A_3743 = arith.addf %add3A_3683, %mul3A_3742 : vector<16xf32>
      %broadcast_in_dim3A_3744 = arith.constant 32 : i32
      %broadcast_in_dim3A_3745 = vector.broadcast %broadcast_in_dim3A_3744 : i32 to vector<16xi32>
      %gather3A_3746 = tpu.vector_load_idx %arg7[%broadcast_in_dim3A_3745, %select_n3A_45] : memref<50x1024xf32, #tpu.memory_space<vmem>>[vector<16xi32>, vector<16xi32>], vector<16xf32>,
      %mul3A_3747 = arith.mulf %gather3A_3746, %get3A_3567 : vector<16xf32>
      %lt3A_3748 = arith.constant 0 : i32
      %lt3A_3749 = vector.broadcast %lt3A_3748 : i32 to vector<16xi32>
      %lt3A_3750 = arith.cmpi slt, %select_n3A_70, %lt3A_3749 : vector<16xi32>
      %add3A_3751 = arith.constant 16 : i32
      %add3A_3752 = vector.broadcast %add3A_3751 : i32 to vector<16xi32>
      %add3A_3753 = arith.addi %select_n3A_70, %add3A_3752 : vector<16xi32>
      %select_n3A_3754 = arith.select %lt3A_3750, %add3A_3753, %select_n3A_70 : vector<16xi1>, vector<16xi32>
      %broadcast_in_dim3A_3755 = vector.shape_cast %select_n3A_3754 : vector<16xi32> to vector<16x1xi32>
      %gather3A_3756 = vector.shape_cast %broadcast_in_dim3A_3755 : vector<16x1xi32> to vector<16xi32>
      %gather3A_3757 = tpu.dynamic_gather %mul3A_3747[%gather3A_3756] in [0] : vector<16xf32>, vector<16xi32> -> vector<16xf32>
      %eq3A_3758 = arith.constant 0 : i32
      %eq3A_3759 = vector.broadcast %eq3A_3758 : i32 to vector<16xi32>
      %eq3A_3760 = arith.cmpi eq, %iota3A, %eq3A_3759 : vector<16xi32>
      %select_n3A_3761 = arith.select %eq3A_3760, %gather3A_3474, %gather3A_3757 : vector<16xi1>, vector<16xf32>
      %mul3A_3762 = arith.mulf %select_n3A_3761, %get3A_3571 : vector<16xf32>
      %add3A_3763 = arith.addf %add3A_3703, %mul3A_3762 : vector<16xf32>
      %broadcast_in_dim3A_3764 = arith.constant 33 : i32
      %broadcast_in_dim3A_3765 = vector.broadcast %broadcast_in_dim3A_3764 : i32 to vector<16xi32>
      %gather3A_3766 = tpu.vector_load_idx %arg7[%broadcast_in_dim3A_3765, %select_n3A_45] : memref<50x1024xf32, #tpu.memory_space<vmem>>[vector<16xi32>, vector<16xi32>], vector<16xf32>,
      %mul3A_3767 = arith.mulf %gather3A_3766, %get3A_3571 : vector<16xf32>
      %lt3A_3768 = arith.constant 0 : i32
      %lt3A_3769 = vector.broadcast %lt3A_3768 : i32 to vector<16xi32>
      %lt3A_3770 = arith.cmpi slt, %select_n3A_70, %lt3A_3769 : vector<16xi32>
      %add3A_3771 = arith.constant 16 : i32
      %add3A_3772 = vector.broadcast %add3A_3771 : i32 to vector<16xi32>
      %add3A_3773 = arith.addi %select_n3A_70, %add3A_3772 : vector<16xi32>
      %select_n3A_3774 = arith.select %lt3A_3770, %add3A_3773, %select_n3A_70 : vector<16xi1>, vector<16xi32>
      %broadcast_in_dim3A_3775 = vector.shape_cast %select_n3A_3774 : vector<16xi32> to vector<16x1xi32>
      %gather3A_3776 = vector.shape_cast %broadcast_in_dim3A_3775 : vector<16x1xi32> to vector<16xi32>
      %gather3A_3777 = tpu.dynamic_gather %mul3A_3767[%gather3A_3776] in [0] : vector<16xf32>, vector<16xi32> -> vector<16xf32>
      %eq3A_3778 = arith.constant 0 : i32
      %eq3A_3779 = vector.broadcast %eq3A_3778 : i32 to vector<16xi32>
      %eq3A_3780 = arith.cmpi eq, %iota3A, %eq3A_3779 : vector<16xi32>
      %select_n3A_3781 = arith.select %eq3A_3780, %gather3A_3493, %gather3A_3777 : vector<16xi1>, vector<16xf32>
      %mul3A_3782 = arith.mulf %select_n3A_3781, %get3A_3575 : vector<16xf32>
      %add3A_3783 = arith.addf %add3A_3723, %mul3A_3782 : vector<16xf32>
      %broadcast_in_dim3A_3784 = arith.constant 34 : i32
      %broadcast_in_dim3A_3785 = vector.broadcast %broadcast_in_dim3A_3784 : i32 to vector<16xi32>
      %gather3A_3786 = tpu.vector_load_idx %arg7[%broadcast_in_dim3A_3785, %select_n3A_45] : memref<50x1024xf32, #tpu.memory_space<vmem>>[vector<16xi32>, vector<16xi32>], vector<16xf32>,
      %mul3A_3787 = arith.mulf %gather3A_3786, %get3A_3575 : vector<16xf32>
      %lt3A_3788 = arith.constant 0 : i32
      %lt3A_3789 = vector.broadcast %lt3A_3788 : i32 to vector<16xi32>
      %lt3A_3790 = arith.cmpi slt, %select_n3A_70, %lt3A_3789 : vector<16xi32>
      %add3A_3791 = arith.constant 16 : i32
      %add3A_3792 = vector.broadcast %add3A_3791 : i32 to vector<16xi32>
      %add3A_3793 = arith.addi %select_n3A_70, %add3A_3792 : vector<16xi32>
      %select_n3A_3794 = arith.select %lt3A_3790, %add3A_3793, %select_n3A_70 : vector<16xi1>, vector<16xi32>
      %broadcast_in_dim3A_3795 = vector.shape_cast %select_n3A_3794 : vector<16xi32> to vector<16x1xi32>
      %gather3A_3796 = vector.shape_cast %broadcast_in_dim3A_3795 : vector<16x1xi32> to vector<16xi32>
      %gather3A_3797 = tpu.dynamic_gather %mul3A_3787[%gather3A_3796] in [0] : vector<16xf32>, vector<16xi32> -> vector<16xf32>
      %eq3A_3798 = arith.constant 0 : i32
      %eq3A_3799 = vector.broadcast %eq3A_3798 : i32 to vector<16xi32>
      %eq3A_3800 = arith.cmpi eq, %iota3A, %eq3A_3799 : vector<16xi32>
      %select_n3A_3801 = arith.select %eq3A_3800, %gather3A_3512, %gather3A_3797 : vector<16xi1>, vector<16xf32>
      %mul3A_3802 = arith.mulf %select_n3A_3801, %get3A_3579 : vector<16xf32>
      %add3A_3803 = arith.addf %add3A_3743, %mul3A_3802 : vector<16xf32>
      %broadcast_in_dim3A_3804 = arith.constant 35 : i32
      %broadcast_in_dim3A_3805 = vector.broadcast %broadcast_in_dim3A_3804 : i32 to vector<16xi32>
      %gather3A_3806 = tpu.vector_load_idx %arg7[%broadcast_in_dim3A_3805, %select_n3A_45] : memref<50x1024xf32, #tpu.memory_space<vmem>>[vector<16xi32>, vector<16xi32>], vector<16xf32>,
      %mul3A_3807 = arith.mulf %gather3A_3806, %get3A_3579 : vector<16xf32>
      %lt3A_3808 = arith.constant 0 : i32
      %lt3A_3809 = vector.broadcast %lt3A_3808 : i32 to vector<16xi32>
      %lt3A_3810 = arith.cmpi slt, %select_n3A_70, %lt3A_3809 : vector<16xi32>
      %add3A_3811 = arith.constant 16 : i32
      %add3A_3812 = vector.broadcast %add3A_3811 : i32 to vector<16xi32>
      %add3A_3813 = arith.addi %select_n3A_70, %add3A_3812 : vector<16xi32>
      %select_n3A_3814 = arith.select %lt3A_3810, %add3A_3813, %select_n3A_70 : vector<16xi1>, vector<16xi32>
      %broadcast_in_dim3A_3815 = vector.shape_cast %select_n3A_3814 : vector<16xi32> to vector<16x1xi32>
      %gather3A_3816 = vector.shape_cast %broadcast_in_dim3A_3815 : vector<16x1xi32> to vector<16xi32>
      %gather3A_3817 = tpu.dynamic_gather %mul3A_3807[%gather3A_3816] in [0] : vector<16xf32>, vector<16xi32> -> vector<16xf32>
      %eq3A_3818 = arith.constant 0 : i32
      %eq3A_3819 = vector.broadcast %eq3A_3818 : i32 to vector<16xi32>
      %eq3A_3820 = arith.cmpi eq, %iota3A, %eq3A_3819 : vector<16xi32>
      %select_n3A_3821 = arith.select %eq3A_3820, %gather3A_3531, %gather3A_3817 : vector<16xi1>, vector<16xf32>
      %mul3A_3822 = arith.mulf %select_n3A_3821, %get3A_3583 : vector<16xf32>
      %add3A_3823 = arith.addf %add3A_3763, %mul3A_3822 : vector<16xf32>
      %add3A_3824 = arith.addf %add3A_3783, %add3A_3803 : vector<16xf32>
      %add3A_3825 = arith.addf %add3A_3824, %add3A_3823 : vector<16xf32>
      %swap3A_3826 = arith.constant 0 : index
      %swap3A_3827 = tpu.vector_load %arg9[%swap3A_3826] {strides = array<i32>} : memref<1024xf32, #tpu.memory_space<vmem>>, vector<16xf32>,
      tpu.vector_store %arg9[%swap3A_3826], %add3A_3825 {strides = array<i32>} : memref<1024xf32, #tpu.memory_space<vmem>>, vector<16xf32>,
      %get3A_3828 = arith.constant 36 : i32
      %get3A_3829 = arith.index_cast %get3A_3828 : i32 to index
      %get3A_3830 = arith.constant 1007 : index
      %get3A_3831 = tpu.vector_load %arg7[%get3A_3829, %get3A_3830] {strides = array<i32>} : memref<50x1024xf32, #tpu.memory_space<vmem>>, vector<16xf32>,
      %get3A_3832 = arith.constant 37 : i32
      %get3A_3833 = arith.index_cast %get3A_3832 : i32 to index
      %get3A_3834 = arith.constant 1008 : index
      %get3A_3835 = tpu.vector_load %arg7[%get3A_3833, %get3A_3834] {strides = array<i32>} : memref<50x1024xf32, #tpu.memory_space<vmem>>, vector<16xf32>,
      %mul3A_3836 = arith.mulf %get3A_3831, %get3A_3835 : vector<16xf32>
      %lt3A_3837 = arith.constant 0 : i32
      %lt3A_3838 = vector.broadcast %lt3A_3837 : i32 to vector<16xi32>
      %lt3A_3839 = arith.cmpi slt, %select_n3A_70, %lt3A_3838 : vector<16xi32>
      %add3A_3840 = arith.constant 16 : i32
      %add3A_3841 = vector.broadcast %add3A_3840 : i32 to vector<16xi32>
      %add3A_3842 = arith.addi %select_n3A_70, %add3A_3841 : vector<16xi32>
      %select_n3A_3843 = arith.select %lt3A_3839, %add3A_3842, %select_n3A_70 : vector<16xi1>, vector<16xi32>
      %broadcast_in_dim3A_3844 = vector.shape_cast %select_n3A_3843 : vector<16xi32> to vector<16x1xi32>
      %gather3A_3845 = vector.shape_cast %broadcast_in_dim3A_3844 : vector<16x1xi32> to vector<16xi32>
      %gather3A_3846 = tpu.dynamic_gather %mul3A_3836[%gather3A_3845] in [0] : vector<16xf32>, vector<16xi32> -> vector<16xf32>
      %get3A_3847 = arith.constant 37 : i32
      %get3A_3848 = arith.index_cast %get3A_3847 : i32 to index
      %get3A_3849 = arith.constant 1007 : index
      %get3A_3850 = tpu.vector_load %arg7[%get3A_3848, %get3A_3849] {strides = array<i32>} : memref<50x1024xf32, #tpu.memory_space<vmem>>, vector<16xf32>,
      %get3A_3851 = arith.constant 38 : i32
      %get3A_3852 = arith.index_cast %get3A_3851 : i32 to index
      %get3A_3853 = arith.constant 1008 : index
      %get3A_3854 = tpu.vector_load %arg7[%get3A_3852, %get3A_3853] {strides = array<i32>} : memref<50x1024xf32, #tpu.memory_space<vmem>>, vector<16xf32>,
      %mul3A_3855 = arith.mulf %get3A_3850, %get3A_3854 : vector<16xf32>
      %lt3A_3856 = arith.constant 0 : i32
      %lt3A_3857 = vector.broadcast %lt3A_3856 : i32 to vector<16xi32>
      %lt3A_3858 = arith.cmpi slt, %select_n3A_70, %lt3A_3857 : vector<16xi32>
      %add3A_3859 = arith.constant 16 : i32
      %add3A_3860 = vector.broadcast %add3A_3859 : i32 to vector<16xi32>
      %add3A_3861 = arith.addi %select_n3A_70, %add3A_3860 : vector<16xi32>
      %select_n3A_3862 = arith.select %lt3A_3858, %add3A_3861, %select_n3A_70 : vector<16xi1>, vector<16xi32>
      %broadcast_in_dim3A_3863 = vector.shape_cast %select_n3A_3862 : vector<16xi32> to vector<16x1xi32>
      %gather3A_3864 = vector.shape_cast %broadcast_in_dim3A_3863 : vector<16x1xi32> to vector<16xi32>
      %gather3A_3865 = tpu.dynamic_gather %mul3A_3855[%gather3A_3864] in [0] : vector<16xf32>, vector<16xi32> -> vector<16xf32>
      %get3A_3866 = arith.constant 38 : i32
      %get3A_3867 = arith.index_cast %get3A_3866 : i32 to index
      %get3A_3868 = arith.constant 1007 : index
      %get3A_3869 = tpu.vector_load %arg7[%get3A_3867, %get3A_3868] {strides = array<i32>} : memref<50x1024xf32, #tpu.memory_space<vmem>>, vector<16xf32>,
      %get3A_3870 = arith.constant 39 : i32
      %get3A_3871 = arith.index_cast %get3A_3870 : i32 to index
      %get3A_3872 = arith.constant 1008 : index
      %get3A_3873 = tpu.vector_load %arg7[%get3A_3871, %get3A_3872] {strides = array<i32>} : memref<50x1024xf32, #tpu.memory_space<vmem>>, vector<16xf32>,
      %mul3A_3874 = arith.mulf %get3A_3869, %get3A_3873 : vector<16xf32>
      %lt3A_3875 = arith.constant 0 : i32
      %lt3A_3876 = vector.broadcast %lt3A_3875 : i32 to vector<16xi32>
      %lt3A_3877 = arith.cmpi slt, %select_n3A_70, %lt3A_3876 : vector<16xi32>
      %add3A_3878 = arith.constant 16 : i32
      %add3A_3879 = vector.broadcast %add3A_3878 : i32 to vector<16xi32>
      %add3A_3880 = arith.addi %select_n3A_70, %add3A_3879 : vector<16xi32>
      %select_n3A_3881 = arith.select %lt3A_3877, %add3A_3880, %select_n3A_70 : vector<16xi1>, vector<16xi32>
      %broadcast_in_dim3A_3882 = vector.shape_cast %select_n3A_3881 : vector<16xi32> to vector<16x1xi32>
      %gather3A_3883 = vector.shape_cast %broadcast_in_dim3A_3882 : vector<16x1xi32> to vector<16xi32>
      %gather3A_3884 = tpu.dynamic_gather %mul3A_3874[%gather3A_3883] in [0] : vector<16xf32>, vector<16xi32> -> vector<16xf32>
      %get3A_3885 = arith.constant 39 : i32
      %get3A_3886 = arith.index_cast %get3A_3885 : i32 to index
      %get3A_3887 = arith.constant 1007 : index
      %get3A_3888 = tpu.vector_load %arg7[%get3A_3886, %get3A_3887] {strides = array<i32>} : memref<50x1024xf32, #tpu.memory_space<vmem>>, vector<16xf32>,
      %get3A_3889 = arith.constant 40 : i32
      %get3A_3890 = arith.index_cast %get3A_3889 : i32 to index
      %get3A_3891 = arith.constant 1008 : index
      %get3A_3892 = tpu.vector_load %arg7[%get3A_3890, %get3A_3891] {strides = array<i32>} : memref<50x1024xf32, #tpu.memory_space<vmem>>, vector<16xf32>,
      %mul3A_3893 = arith.mulf %get3A_3888, %get3A_3892 : vector<16xf32>
      %lt3A_3894 = arith.constant 0 : i32
      %lt3A_3895 = vector.broadcast %lt3A_3894 : i32 to vector<16xi32>
      %lt3A_3896 = arith.cmpi slt, %select_n3A_70, %lt3A_3895 : vector<16xi32>
      %add3A_3897 = arith.constant 16 : i32
      %add3A_3898 = vector.broadcast %add3A_3897 : i32 to vector<16xi32>
      %add3A_3899 = arith.addi %select_n3A_70, %add3A_3898 : vector<16xi32>
      %select_n3A_3900 = arith.select %lt3A_3896, %add3A_3899, %select_n3A_70 : vector<16xi1>, vector<16xi32>
      %broadcast_in_dim3A_3901 = vector.shape_cast %select_n3A_3900 : vector<16xi32> to vector<16x1xi32>
      %gather3A_3902 = vector.shape_cast %broadcast_in_dim3A_3901 : vector<16x1xi32> to vector<16xi32>
      %gather3A_3903 = tpu.dynamic_gather %mul3A_3893[%gather3A_3902] in [0] : vector<16xf32>, vector<16xi32> -> vector<16xf32>
      %get3A_3904 = arith.constant 40 : i32
      %get3A_3905 = arith.index_cast %get3A_3904 : i32 to index
      %get3A_3906 = arith.constant 1007 : index
      %get3A_3907 = tpu.vector_load %arg7[%get3A_3905, %get3A_3906] {strides = array<i32>} : memref<50x1024xf32, #tpu.memory_space<vmem>>, vector<16xf32>,
      %get3A_3908 = arith.constant 41 : i32
      %get3A_3909 = arith.index_cast %get3A_3908 : i32 to index
      %get3A_3910 = arith.constant 1008 : index
      %get3A_3911 = tpu.vector_load %arg7[%get3A_3909, %get3A_3910] {strides = array<i32>} : memref<50x1024xf32, #tpu.memory_space<vmem>>, vector<16xf32>,
      %mul3A_3912 = arith.mulf %get3A_3907, %get3A_3911 : vector<16xf32>
      %lt3A_3913 = arith.constant 0 : i32
      %lt3A_3914 = vector.broadcast %lt3A_3913 : i32 to vector<16xi32>
      %lt3A_3915 = arith.cmpi slt, %select_n3A_70, %lt3A_3914 : vector<16xi32>
      %add3A_3916 = arith.constant 16 : i32
      %add3A_3917 = vector.broadcast %add3A_3916 : i32 to vector<16xi32>
      %add3A_3918 = arith.addi %select_n3A_70, %add3A_3917 : vector<16xi32>
      %select_n3A_3919 = arith.select %lt3A_3915, %add3A_3918, %select_n3A_70 : vector<16xi1>, vector<16xi32>
      %broadcast_in_dim3A_3920 = vector.shape_cast %select_n3A_3919 : vector<16xi32> to vector<16x1xi32>
      %gather3A_3921 = vector.shape_cast %broadcast_in_dim3A_3920 : vector<16x1xi32> to vector<16xi32>
      %gather3A_3922 = tpu.dynamic_gather %mul3A_3912[%gather3A_3921] in [0] : vector<16xf32>, vector<16xi32> -> vector<16xf32>
      %get3A_3923 = arith.constant 41 : i32
      %get3A_3924 = arith.index_cast %get3A_3923 : i32 to index
      %get3A_3925 = arith.constant 1007 : index
      %get3A_3926 = tpu.vector_load %arg7[%get3A_3924, %get3A_3925] {strides = array<i32>} : memref<50x1024xf32, #tpu.memory_space<vmem>>, vector<16xf32>,
      %get3A_3927 = arith.constant 42 : i32
      %get3A_3928 = arith.index_cast %get3A_3927 : i32 to index
      %get3A_3929 = arith.constant 1008 : index
      %get3A_3930 = tpu.vector_load %arg7[%get3A_3928, %get3A_3929] {strides = array<i32>} : memref<50x1024xf32, #tpu.memory_space<vmem>>, vector<16xf32>,
      %mul3A_3931 = arith.mulf %get3A_3926, %get3A_3930 : vector<16xf32>
      %lt3A_3932 = arith.constant 0 : i32
      %lt3A_3933 = vector.broadcast %lt3A_3932 : i32 to vector<16xi32>
      %lt3A_3934 = arith.cmpi slt, %select_n3A_70, %lt3A_3933 : vector<16xi32>
      %add3A_3935 = arith.constant 16 : i32
      %add3A_3936 = vector.broadcast %add3A_3935 : i32 to vector<16xi32>
      %add3A_3937 = arith.addi %select_n3A_70, %add3A_3936 : vector<16xi32>
      %select_n3A_3938 = arith.select %lt3A_3934, %add3A_3937, %select_n3A_70 : vector<16xi1>, vector<16xi32>
      %broadcast_in_dim3A_3939 = vector.shape_cast %select_n3A_3938 : vector<16xi32> to vector<16x1xi32>
      %gather3A_3940 = vector.shape_cast %broadcast_in_dim3A_3939 : vector<16x1xi32> to vector<16xi32>
      %gather3A_3941 = tpu.dynamic_gather %mul3A_3931[%gather3A_3940] in [0] : vector<16xf32>, vector<16xi32> -> vector<16xf32>
      %get3A_3942 = arith.constant 42 : i32
      %get3A_3943 = arith.index_cast %get3A_3942 : i32 to index
      %get3A_3944 = arith.constant 1007 : index
      %get3A_3945 = tpu.vector_load %arg7[%get3A_3943, %get3A_3944] {strides = array<i32>} : memref<50x1024xf32, #tpu.memory_space<vmem>>, vector<16xf32>,
      %get3A_3946 = arith.constant 43 : i32
      %get3A_3947 = arith.index_cast %get3A_3946 : i32 to index
      %get3A_3948 = arith.constant 1008 : index
      %get3A_3949 = tpu.vector_load %arg7[%get3A_3947, %get3A_3948] {strides = array<i32>} : memref<50x1024xf32, #tpu.memory_space<vmem>>, vector<16xf32>,
      %mul3A_3950 = arith.mulf %get3A_3945, %get3A_3949 : vector<16xf32>
      %lt3A_3951 = arith.constant 0 : i32
      %lt3A_3952 = vector.broadcast %lt3A_3951 : i32 to vector<16xi32>
      %lt3A_3953 = arith.cmpi slt, %select_n3A_70, %lt3A_3952 : vector<16xi32>
      %add3A_3954 = arith.constant 16 : i32
      %add3A_3955 = vector.broadcast %add3A_3954 : i32 to vector<16xi32>
      %add3A_3956 = arith.addi %select_n3A_70, %add3A_3955 : vector<16xi32>
      %select_n3A_3957 = arith.select %lt3A_3953, %add3A_3956, %select_n3A_70 : vector<16xi1>, vector<16xi32>
      %broadcast_in_dim3A_3958 = vector.shape_cast %select_n3A_3957 : vector<16xi32> to vector<16x1xi32>
      %gather3A_3959 = vector.shape_cast %broadcast_in_dim3A_3958 : vector<16x1xi32> to vector<16xi32>
      %gather3A_3960 = tpu.dynamic_gather %mul3A_3950[%gather3A_3959] in [0] : vector<16xf32>, vector<16xi32> -> vector<16xf32>
      %get3A_3961 = arith.constant 43 : i32
      %get3A_3962 = arith.index_cast %get3A_3961 : i32 to index
      %get3A_3963 = arith.constant 1007 : index
      %get3A_3964 = tpu.vector_load %arg7[%get3A_3962, %get3A_3963] {strides = array<i32>} : memref<50x1024xf32, #tpu.memory_space<vmem>>, vector<16xf32>,
      %get3A_3965 = arith.constant 44 : i32
      %get3A_3966 = arith.index_cast %get3A_3965 : i32 to index
      %get3A_3967 = arith.constant 1008 : index
      %get3A_3968 = tpu.vector_load %arg7[%get3A_3966, %get3A_3967] {strides = array<i32>} : memref<50x1024xf32, #tpu.memory_space<vmem>>, vector<16xf32>,
      %mul3A_3969 = arith.mulf %get3A_3964, %get3A_3968 : vector<16xf32>
      %lt3A_3970 = arith.constant 0 : i32
      %lt3A_3971 = vector.broadcast %lt3A_3970 : i32 to vector<16xi32>
      %lt3A_3972 = arith.cmpi slt, %select_n3A_70, %lt3A_3971 : vector<16xi32>
      %add3A_3973 = arith.constant 16 : i32
      %add3A_3974 = vector.broadcast %add3A_3973 : i32 to vector<16xi32>
      %add3A_3975 = arith.addi %select_n3A_70, %add3A_3974 : vector<16xi32>
      %select_n3A_3976 = arith.select %lt3A_3972, %add3A_3975, %select_n3A_70 : vector<16xi1>, vector<16xi32>
      %broadcast_in_dim3A_3977 = vector.shape_cast %select_n3A_3976 : vector<16xi32> to vector<16x1xi32>
      %gather3A_3978 = vector.shape_cast %broadcast_in_dim3A_3977 : vector<16x1xi32> to vector<16xi32>
      %gather3A_3979 = tpu.dynamic_gather %mul3A_3969[%gather3A_3978] in [0] : vector<16xf32>, vector<16xi32> -> vector<16xf32>
      %get3A_3980 = arith.constant 44 : i32
      %get3A_3981 = arith.index_cast %get3A_3980 : i32 to index
      %get3A_3982 = arith.constant 1007 : index
      %get3A_3983 = tpu.vector_load %arg7[%get3A_3981, %get3A_3982] {strides = array<i32>} : memref<50x1024xf32, #tpu.memory_space<vmem>>, vector<16xf32>,
      %get3A_3984 = arith.constant 45 : i32
      %get3A_3985 = arith.index_cast %get3A_3984 : i32 to index
      %get3A_3986 = arith.constant 1008 : index
      %get3A_3987 = tpu.vector_load %arg7[%get3A_3985, %get3A_3986] {strides = array<i32>} : memref<50x1024xf32, #tpu.memory_space<vmem>>, vector<16xf32>,
      %mul3A_3988 = arith.mulf %get3A_3983, %get3A_3987 : vector<16xf32>
      %lt3A_3989 = arith.constant 0 : i32
      %lt3A_3990 = vector.broadcast %lt3A_3989 : i32 to vector<16xi32>
      %lt3A_3991 = arith.cmpi slt, %select_n3A_70, %lt3A_3990 : vector<16xi32>
      %add3A_3992 = arith.constant 16 : i32
      %add3A_3993 = vector.broadcast %add3A_3992 : i32 to vector<16xi32>
      %add3A_3994 = arith.addi %select_n3A_70, %add3A_3993 : vector<16xi32>
      %select_n3A_3995 = arith.select %lt3A_3991, %add3A_3994, %select_n3A_70 : vector<16xi1>, vector<16xi32>
      %broadcast_in_dim3A_3996 = vector.shape_cast %select_n3A_3995 : vector<16xi32> to vector<16x1xi32>
      %gather3A_3997 = vector.shape_cast %broadcast_in_dim3A_3996 : vector<16x1xi32> to vector<16xi32>
      %gather3A_3998 = tpu.dynamic_gather %mul3A_3988[%gather3A_3997] in [0] : vector<16xf32>, vector<16xi32> -> vector<16xf32>
      %get3A_3999 = arith.constant 45 : i32
      %get3A_4000 = arith.index_cast %get3A_3999 : i32 to index
      %get3A_4001 = arith.constant 1007 : index
      %get3A_4002 = tpu.vector_load %arg7[%get3A_4000, %get3A_4001] {strides = array<i32>} : memref<50x1024xf32, #tpu.memory_space<vmem>>, vector<16xf32>,
      %get3A_4003 = arith.constant 46 : i32
      %get3A_4004 = arith.index_cast %get3A_4003 : i32 to index
      %get3A_4005 = arith.constant 1008 : index
      %get3A_4006 = tpu.vector_load %arg7[%get3A_4004, %get3A_4005] {strides = array<i32>} : memref<50x1024xf32, #tpu.memory_space<vmem>>, vector<16xf32>,
      %mul3A_4007 = arith.mulf %get3A_4002, %get3A_4006 : vector<16xf32>
      %lt3A_4008 = arith.constant 0 : i32
      %lt3A_4009 = vector.broadcast %lt3A_4008 : i32 to vector<16xi32>
      %lt3A_4010 = arith.cmpi slt, %select_n3A_70, %lt3A_4009 : vector<16xi32>
      %add3A_4011 = arith.constant 16 : i32
      %add3A_4012 = vector.broadcast %add3A_4011 : i32 to vector<16xi32>
      %add3A_4013 = arith.addi %select_n3A_70, %add3A_4012 : vector<16xi32>
      %select_n3A_4014 = arith.select %lt3A_4010, %add3A_4013, %select_n3A_70 : vector<16xi1>, vector<16xi32>
      %broadcast_in_dim3A_4015 = vector.shape_cast %select_n3A_4014 : vector<16xi32> to vector<16x1xi32>
      %gather3A_4016 = vector.shape_cast %broadcast_in_dim3A_4015 : vector<16x1xi32> to vector<16xi32>
      %gather3A_4017 = tpu.dynamic_gather %mul3A_4007[%gather3A_4016] in [0] : vector<16xf32>, vector<16xi32> -> vector<16xf32>
      %get3A_4018 = arith.constant 46 : i32
      %get3A_4019 = arith.index_cast %get3A_4018 : i32 to index
      %get3A_4020 = arith.constant 1007 : index
      %get3A_4021 = tpu.vector_load %arg7[%get3A_4019, %get3A_4020] {strides = array<i32>} : memref<50x1024xf32, #tpu.memory_space<vmem>>, vector<16xf32>,
      %get3A_4022 = arith.constant 47 : i32
      %get3A_4023 = arith.index_cast %get3A_4022 : i32 to index
      %get3A_4024 = arith.constant 1008 : index
      %get3A_4025 = tpu.vector_load %arg7[%get3A_4023, %get3A_4024] {strides = array<i32>} : memref<50x1024xf32, #tpu.memory_space<vmem>>, vector<16xf32>,
      %mul3A_4026 = arith.mulf %get3A_4021, %get3A_4025 : vector<16xf32>
      %lt3A_4027 = arith.constant 0 : i32
      %lt3A_4028 = vector.broadcast %lt3A_4027 : i32 to vector<16xi32>
      %lt3A_4029 = arith.cmpi slt, %select_n3A_70, %lt3A_4028 : vector<16xi32>
      %add3A_4030 = arith.constant 16 : i32
      %add3A_4031 = vector.broadcast %add3A_4030 : i32 to vector<16xi32>
      %add3A_4032 = arith.addi %select_n3A_70, %add3A_4031 : vector<16xi32>
      %select_n3A_4033 = arith.select %lt3A_4029, %add3A_4032, %select_n3A_70 : vector<16xi1>, vector<16xi32>
      %broadcast_in_dim3A_4034 = vector.shape_cast %select_n3A_4033 : vector<16xi32> to vector<16x1xi32>
      %gather3A_4035 = vector.shape_cast %broadcast_in_dim3A_4034 : vector<16x1xi32> to vector<16xi32>
      %gather3A_4036 = tpu.dynamic_gather %mul3A_4026[%gather3A_4035] in [0] : vector<16xf32>, vector<16xi32> -> vector<16xf32>
      %get3A_4037 = arith.constant 47 : i32
      %get3A_4038 = arith.index_cast %get3A_4037 : i32 to index
      %get3A_4039 = arith.constant 1007 : index
      %get3A_4040 = tpu.vector_load %arg7[%get3A_4038, %get3A_4039] {strides = array<i32>} : memref<50x1024xf32, #tpu.memory_space<vmem>>, vector<16xf32>,
      %get3A_4041 = arith.constant 48 : i32
      %get3A_4042 = arith.index_cast %get3A_4041 : i32 to index
      %get3A_4043 = arith.constant 1008 : index
      %get3A_4044 = tpu.vector_load %arg7[%get3A_4042, %get3A_4043] {strides = array<i32>} : memref<50x1024xf32, #tpu.memory_space<vmem>>, vector<16xf32>,
      %mul3A_4045 = arith.mulf %get3A_4040, %get3A_4044 : vector<16xf32>
      %lt3A_4046 = arith.constant 0 : i32
      %lt3A_4047 = vector.broadcast %lt3A_4046 : i32 to vector<16xi32>
      %lt3A_4048 = arith.cmpi slt, %select_n3A_70, %lt3A_4047 : vector<16xi32>
      %add3A_4049 = arith.constant 16 : i32
      %add3A_4050 = vector.broadcast %add3A_4049 : i32 to vector<16xi32>
      %add3A_4051 = arith.addi %select_n3A_70, %add3A_4050 : vector<16xi32>
      %select_n3A_4052 = arith.select %lt3A_4048, %add3A_4051, %select_n3A_70 : vector<16xi1>, vector<16xi32>
      %broadcast_in_dim3A_4053 = vector.shape_cast %select_n3A_4052 : vector<16xi32> to vector<16x1xi32>
      %gather3A_4054 = vector.shape_cast %broadcast_in_dim3A_4053 : vector<16x1xi32> to vector<16xi32>
      %gather3A_4055 = tpu.dynamic_gather %mul3A_4045[%gather3A_4054] in [0] : vector<16xf32>, vector<16xi32> -> vector<16xf32>
      %get3A_4056 = arith.constant 37 : i32
      %get3A_4057 = arith.index_cast %get3A_4056 : i32 to index
      %get3A_4058 = arith.constant 0 : index
      %get3A_4059 = tpu.vector_load %arg7[%get3A_4057, %get3A_4058] {strides = array<i32>} : memref<50x1024xf32, #tpu.memory_space<vmem>>, vector<16xf32>,
      %get3A_4060 = arith.constant 38 : i32
      %get3A_4061 = arith.index_cast %get3A_4060 : i32 to index
      %get3A_4062 = arith.constant 0 : index
      %get3A_4063 = tpu.vector_load %arg7[%get3A_4061, %get3A_4062] {strides = array<i32>} : memref<50x1024xf32, #tpu.memory_space<vmem>>, vector<16xf32>,
      %get3A_4064 = arith.constant 39 : i32
      %get3A_4065 = arith.index_cast %get3A_4064 : i32 to index
      %get3A_4066 = arith.constant 0 : index
      %get3A_4067 = tpu.vector_load %arg7[%get3A_4065, %get3A_4066] {strides = array<i32>} : memref<50x1024xf32, #tpu.memory_space<vmem>>, vector<16xf32>,
      %get3A_4068 = arith.constant 40 : i32
      %get3A_4069 = arith.index_cast %get3A_4068 : i32 to index
      %get3A_4070 = arith.constant 0 : index
      %get3A_4071 = tpu.vector_load %arg7[%get3A_4069, %get3A_4070] {strides = array<i32>} : memref<50x1024xf32, #tpu.memory_space<vmem>>, vector<16xf32>,
      %get3A_4072 = arith.constant 41 : i32
      %get3A_4073 = arith.index_cast %get3A_4072 : i32 to index
      %get3A_4074 = arith.constant 0 : index
      %get3A_4075 = tpu.vector_load %arg7[%get3A_4073, %get3A_4074] {strides = array<i32>} : memref<50x1024xf32, #tpu.memory_space<vmem>>, vector<16xf32>,
      %get3A_4076 = arith.constant 42 : i32
      %get3A_4077 = arith.index_cast %get3A_4076 : i32 to index
      %get3A_4078 = arith.constant 0 : index
      %get3A_4079 = tpu.vector_load %arg7[%get3A_4077, %get3A_4078] {strides = array<i32>} : memref<50x1024xf32, #tpu.memory_space<vmem>>, vector<16xf32>,
      %get3A_4080 = arith.constant 43 : i32
      %get3A_4081 = arith.index_cast %get3A_4080 : i32 to index
      %get3A_4082 = arith.constant 0 : index
      %get3A_4083 = tpu.vector_load %arg7[%get3A_4081, %get3A_4082] {strides = array<i32>} : memref<50x1024xf32, #tpu.memory_space<vmem>>, vector<16xf32>,
      %get3A_4084 = arith.constant 44 : i32
      %get3A_4085 = arith.index_cast %get3A_4084 : i32 to index
      %get3A_4086 = arith.constant 0 : index
      %get3A_4087 = tpu.vector_load %arg7[%get3A_4085, %get3A_4086] {strides = array<i32>} : memref<50x1024xf32, #tpu.memory_space<vmem>>, vector<16xf32>,
      %get3A_4088 = arith.constant 45 : i32
      %get3A_4089 = arith.index_cast %get3A_4088 : i32 to index
      %get3A_4090 = arith.constant 0 : index
      %get3A_4091 = tpu.vector_load %arg7[%get3A_4089, %get3A_4090] {strides = array<i32>} : memref<50x1024xf32, #tpu.memory_space<vmem>>, vector<16xf32>,
      %get3A_4092 = arith.constant 46 : i32
      %get3A_4093 = arith.index_cast %get3A_4092 : i32 to index
      %get3A_4094 = arith.constant 0 : index
      %get3A_4095 = tpu.vector_load %arg7[%get3A_4093, %get3A_4094] {strides = array<i32>} : memref<50x1024xf32, #tpu.memory_space<vmem>>, vector<16xf32>,
      %get3A_4096 = arith.constant 47 : i32
      %get3A_4097 = arith.index_cast %get3A_4096 : i32 to index
      %get3A_4098 = arith.constant 0 : index
      %get3A_4099 = tpu.vector_load %arg7[%get3A_4097, %get3A_4098] {strides = array<i32>} : memref<50x1024xf32, #tpu.memory_space<vmem>>, vector<16xf32>,
      %get3A_4100 = arith.constant 48 : i32
      %get3A_4101 = arith.index_cast %get3A_4100 : i32 to index
      %get3A_4102 = arith.constant 0 : index
      %get3A_4103 = tpu.vector_load %arg7[%get3A_4101, %get3A_4102] {strides = array<i32>} : memref<50x1024xf32, #tpu.memory_space<vmem>>, vector<16xf32>,
      %get3A_4104 = arith.constant 49 : i32
      %get3A_4105 = arith.index_cast %get3A_4104 : i32 to index
      %get3A_4106 = arith.constant 0 : index
      %get3A_4107 = tpu.vector_load %arg7[%get3A_4105, %get3A_4106] {strides = array<i32>} : memref<50x1024xf32, #tpu.memory_space<vmem>>, vector<16xf32>,
      %get3A_4108 = arith.constant 0 : index
      %get3A_4109 = tpu.vector_load %arg9[%get3A_4108] {strides = array<i32>} : memref<1024xf32, #tpu.memory_space<vmem>>, vector<16xf32>,
      %broadcast_in_dim3A_4110 = arith.constant 36 : i32
      %broadcast_in_dim3A_4111 = vector.broadcast %broadcast_in_dim3A_4110 : i32 to vector<16xi32>
      %gather3A_4112 = tpu.vector_load_idx %arg7[%broadcast_in_dim3A_4111, %select_n3A_45] : memref<50x1024xf32, #tpu.memory_space<vmem>>[vector<16xi32>, vector<16xi32>], vector<16xf32>,
      %mul3A_4113 = arith.mulf %gather3A_4112, %get3A_4059 : vector<16xf32>
      %lt3A_4114 = arith.constant 0 : i32
      %lt3A_4115 = vector.broadcast %lt3A_4114 : i32 to vector<16xi32>
      %lt3A_4116 = arith.cmpi slt, %select_n3A_70, %lt3A_4115 : vector<16xi32>
      %add3A_4117 = arith.constant 16 : i32
      %add3A_4118 = vector.broadcast %add3A_4117 : i32 to vector<16xi32>
      %add3A_4119 = arith.addi %select_n3A_70, %add3A_4118 : vector<16xi32>
      %select_n3A_4120 = arith.select %lt3A_4116, %add3A_4119, %select_n3A_70 : vector<16xi1>, vector<16xi32>
      %broadcast_in_dim3A_4121 = vector.shape_cast %select_n3A_4120 : vector<16xi32> to vector<16x1xi32>
      %gather3A_4122 = vector.shape_cast %broadcast_in_dim3A_4121 : vector<16x1xi32> to vector<16xi32>
      %gather3A_4123 = tpu.dynamic_gather %mul3A_4113[%gather3A_4122] in [0] : vector<16xf32>, vector<16xi32> -> vector<16xf32>
      %eq3A_4124 = arith.constant 0 : i32
      %eq3A_4125 = vector.broadcast %eq3A_4124 : i32 to vector<16xi32>
      %eq3A_4126 = arith.cmpi eq, %iota3A, %eq3A_4125 : vector<16xi32>
      %select_n3A_4127 = arith.select %eq3A_4126, %gather3A_3846, %gather3A_4123 : vector<16xi1>, vector<16xf32>
      %mul3A_4128 = arith.mulf %select_n3A_4127, %get3A_4063 : vector<16xf32>
      %add3A_4129 = arith.addf %get3A_4109, %mul3A_4128 : vector<16xf32>
      %broadcast_in_dim3A_4130 = arith.constant 37 : i32
      %broadcast_in_dim3A_4131 = vector.broadcast %broadcast_in_dim3A_4130 : i32 to vector<16xi32>
      %gather3A_4132 = tpu.vector_load_idx %arg7[%broadcast_in_dim3A_4131, %select_n3A_45] : memref<50x1024xf32, #tpu.memory_space<vmem>>[vector<16xi32>, vector<16xi32>], vector<16xf32>,
      %mul3A_4133 = arith.mulf %gather3A_4132, %get3A_4063 : vector<16xf32>
      %lt3A_4134 = arith.constant 0 : i32
      %lt3A_4135 = vector.broadcast %lt3A_4134 : i32 to vector<16xi32>
      %lt3A_4136 = arith.cmpi slt, %select_n3A_70, %lt3A_4135 : vector<16xi32>
      %add3A_4137 = arith.constant 16 : i32
      %add3A_4138 = vector.broadcast %add3A_4137 : i32 to vector<16xi32>
      %add3A_4139 = arith.addi %select_n3A_70, %add3A_4138 : vector<16xi32>
      %select_n3A_4140 = arith.select %lt3A_4136, %add3A_4139, %select_n3A_70 : vector<16xi1>, vector<16xi32>
      %broadcast_in_dim3A_4141 = vector.shape_cast %select_n3A_4140 : vector<16xi32> to vector<16x1xi32>
      %gather3A_4142 = vector.shape_cast %broadcast_in_dim3A_4141 : vector<16x1xi32> to vector<16xi32>
      %gather3A_4143 = tpu.dynamic_gather %mul3A_4133[%gather3A_4142] in [0] : vector<16xf32>, vector<16xi32> -> vector<16xf32>
      %eq3A_4144 = arith.constant 0 : i32
      %eq3A_4145 = vector.broadcast %eq3A_4144 : i32 to vector<16xi32>
      %eq3A_4146 = arith.cmpi eq, %iota3A, %eq3A_4145 : vector<16xi32>
      %select_n3A_4147 = arith.select %eq3A_4146, %gather3A_3865, %gather3A_4143 : vector<16xi1>, vector<16xf32>
      %mul3A_4148 = arith.mulf %select_n3A_4147, %get3A_4067 : vector<16xf32>
      %broadcast_in_dim3A_4149 = arith.constant 38 : i32
      %broadcast_in_dim3A_4150 = vector.broadcast %broadcast_in_dim3A_4149 : i32 to vector<16xi32>
      %gather3A_4151 = tpu.vector_load_idx %arg7[%broadcast_in_dim3A_4150, %select_n3A_45] : memref<50x1024xf32, #tpu.memory_space<vmem>>[vector<16xi32>, vector<16xi32>], vector<16xf32>,
      %mul3A_4152 = arith.mulf %gather3A_4151, %get3A_4067 : vector<16xf32>
      %lt3A_4153 = arith.constant 0 : i32
      %lt3A_4154 = vector.broadcast %lt3A_4153 : i32 to vector<16xi32>
      %lt3A_4155 = arith.cmpi slt, %select_n3A_70, %lt3A_4154 : vector<16xi32>
      %add3A_4156 = arith.constant 16 : i32
      %add3A_4157 = vector.broadcast %add3A_4156 : i32 to vector<16xi32>
      %add3A_4158 = arith.addi %select_n3A_70, %add3A_4157 : vector<16xi32>
      %select_n3A_4159 = arith.select %lt3A_4155, %add3A_4158, %select_n3A_70 : vector<16xi1>, vector<16xi32>
      %broadcast_in_dim3A_4160 = vector.shape_cast %select_n3A_4159 : vector<16xi32> to vector<16x1xi32>
      %gather3A_4161 = vector.shape_cast %broadcast_in_dim3A_4160 : vector<16x1xi32> to vector<16xi32>
      %gather3A_4162 = tpu.dynamic_gather %mul3A_4152[%gather3A_4161] in [0] : vector<16xf32>, vector<16xi32> -> vector<16xf32>
      %eq3A_4163 = arith.constant 0 : i32
      %eq3A_4164 = vector.broadcast %eq3A_4163 : i32 to vector<16xi32>
      %eq3A_4165 = arith.cmpi eq, %iota3A, %eq3A_4164 : vector<16xi32>
      %select_n3A_4166 = arith.select %eq3A_4165, %gather3A_3884, %gather3A_4162 : vector<16xi1>, vector<16xf32>
      %mul3A_4167 = arith.mulf %select_n3A_4166, %get3A_4071 : vector<16xf32>
      %broadcast_in_dim3A_4168 = arith.constant 39 : i32
      %broadcast_in_dim3A_4169 = vector.broadcast %broadcast_in_dim3A_4168 : i32 to vector<16xi32>
      %gather3A_4170 = tpu.vector_load_idx %arg7[%broadcast_in_dim3A_4169, %select_n3A_45] : memref<50x1024xf32, #tpu.memory_space<vmem>>[vector<16xi32>, vector<16xi32>], vector<16xf32>,
      %mul3A_4171 = arith.mulf %gather3A_4170, %get3A_4071 : vector<16xf32>
      %lt3A_4172 = arith.constant 0 : i32
      %lt3A_4173 = vector.broadcast %lt3A_4172 : i32 to vector<16xi32>
      %lt3A_4174 = arith.cmpi slt, %select_n3A_70, %lt3A_4173 : vector<16xi32>
      %add3A_4175 = arith.constant 16 : i32
      %add3A_4176 = vector.broadcast %add3A_4175 : i32 to vector<16xi32>
      %add3A_4177 = arith.addi %select_n3A_70, %add3A_4176 : vector<16xi32>
      %select_n3A_4178 = arith.select %lt3A_4174, %add3A_4177, %select_n3A_70 : vector<16xi1>, vector<16xi32>
      %broadcast_in_dim3A_4179 = vector.shape_cast %select_n3A_4178 : vector<16xi32> to vector<16x1xi32>
      %gather3A_4180 = vector.shape_cast %broadcast_in_dim3A_4179 : vector<16x1xi32> to vector<16xi32>
      %gather3A_4181 = tpu.dynamic_gather %mul3A_4171[%gather3A_4180] in [0] : vector<16xf32>, vector<16xi32> -> vector<16xf32>
      %eq3A_4182 = arith.constant 0 : i32
      %eq3A_4183 = vector.broadcast %eq3A_4182 : i32 to vector<16xi32>
      %eq3A_4184 = arith.cmpi eq, %iota3A, %eq3A_4183 : vector<16xi32>
      %select_n3A_4185 = arith.select %eq3A_4184, %gather3A_3903, %gather3A_4181 : vector<16xi1>, vector<16xf32>
      %mul3A_4186 = arith.mulf %select_n3A_4185, %get3A_4075 : vector<16xf32>
      %add3A_4187 = arith.addf %add3A_4129, %mul3A_4186 : vector<16xf32>
      %broadcast_in_dim3A_4188 = arith.constant 40 : i32
      %broadcast_in_dim3A_4189 = vector.broadcast %broadcast_in_dim3A_4188 : i32 to vector<16xi32>
      %gather3A_4190 = tpu.vector_load_idx %arg7[%broadcast_in_dim3A_4189, %select_n3A_45] : memref<50x1024xf32, #tpu.memory_space<vmem>>[vector<16xi32>, vector<16xi32>], vector<16xf32>,
      %mul3A_4191 = arith.mulf %gather3A_4190, %get3A_4075 : vector<16xf32>
      %lt3A_4192 = arith.constant 0 : i32
      %lt3A_4193 = vector.broadcast %lt3A_4192 : i32 to vector<16xi32>
      %lt3A_4194 = arith.cmpi slt, %select_n3A_70, %lt3A_4193 : vector<16xi32>
      %add3A_4195 = arith.constant 16 : i32
      %add3A_4196 = vector.broadcast %add3A_4195 : i32 to vector<16xi32>
      %add3A_4197 = arith.addi %select_n3A_70, %add3A_4196 : vector<16xi32>
      %select_n3A_4198 = arith.select %lt3A_4194, %add3A_4197, %select_n3A_70 : vector<16xi1>, vector<16xi32>
      %broadcast_in_dim3A_4199 = vector.shape_cast %select_n3A_4198 : vector<16xi32> to vector<16x1xi32>
      %gather3A_4200 = vector.shape_cast %broadcast_in_dim3A_4199 : vector<16x1xi32> to vector<16xi32>
      %gather3A_4201 = tpu.dynamic_gather %mul3A_4191[%gather3A_4200] in [0] : vector<16xf32>, vector<16xi32> -> vector<16xf32>
      %eq3A_4202 = arith.constant 0 : i32
      %eq3A_4203 = vector.broadcast %eq3A_4202 : i32 to vector<16xi32>
      %eq3A_4204 = arith.cmpi eq, %iota3A, %eq3A_4203 : vector<16xi32>
      %select_n3A_4205 = arith.select %eq3A_4204, %gather3A_3922, %gather3A_4201 : vector<16xi1>, vector<16xf32>
      %mul3A_4206 = arith.mulf %select_n3A_4205, %get3A_4079 : vector<16xf32>
      %add3A_4207 = arith.addf %mul3A_4148, %mul3A_4206 : vector<16xf32>
      %broadcast_in_dim3A_4208 = arith.constant 41 : i32
      %broadcast_in_dim3A_4209 = vector.broadcast %broadcast_in_dim3A_4208 : i32 to vector<16xi32>
      %gather3A_4210 = tpu.vector_load_idx %arg7[%broadcast_in_dim3A_4209, %select_n3A_45] : memref<50x1024xf32, #tpu.memory_space<vmem>>[vector<16xi32>, vector<16xi32>], vector<16xf32>,
      %mul3A_4211 = arith.mulf %gather3A_4210, %get3A_4079 : vector<16xf32>
      %lt3A_4212 = arith.constant 0 : i32
      %lt3A_4213 = vector.broadcast %lt3A_4212 : i32 to vector<16xi32>
      %lt3A_4214 = arith.cmpi slt, %select_n3A_70, %lt3A_4213 : vector<16xi32>
      %add3A_4215 = arith.constant 16 : i32
      %add3A_4216 = vector.broadcast %add3A_4215 : i32 to vector<16xi32>
      %add3A_4217 = arith.addi %select_n3A_70, %add3A_4216 : vector<16xi32>
      %select_n3A_4218 = arith.select %lt3A_4214, %add3A_4217, %select_n3A_70 : vector<16xi1>, vector<16xi32>
      %broadcast_in_dim3A_4219 = vector.shape_cast %select_n3A_4218 : vector<16xi32> to vector<16x1xi32>
      %gather3A_4220 = vector.shape_cast %broadcast_in_dim3A_4219 : vector<16x1xi32> to vector<16xi32>
      %gather3A_4221 = tpu.dynamic_gather %mul3A_4211[%gather3A_4220] in [0] : vector<16xf32>, vector<16xi32> -> vector<16xf32>
      %eq3A_4222 = arith.constant 0 : i32
      %eq3A_4223 = vector.broadcast %eq3A_4222 : i32 to vector<16xi32>
      %eq3A_4224 = arith.cmpi eq, %iota3A, %eq3A_4223 : vector<16xi32>
      %select_n3A_4225 = arith.select %eq3A_4224, %gather3A_3941, %gather3A_4221 : vector<16xi1>, vector<16xf32>
      %mul3A_4226 = arith.mulf %select_n3A_4225, %get3A_4083 : vector<16xf32>
      %add3A_4227 = arith.addf %mul3A_4167, %mul3A_4226 : vector<16xf32>
      %broadcast_in_dim3A_4228 = arith.constant 42 : i32
      %broadcast_in_dim3A_4229 = vector.broadcast %broadcast_in_dim3A_4228 : i32 to vector<16xi32>
      %gather3A_4230 = tpu.vector_load_idx %arg7[%broadcast_in_dim3A_4229, %select_n3A_45] : memref<50x1024xf32, #tpu.memory_space<vmem>>[vector<16xi32>, vector<16xi32>], vector<16xf32>,
      %mul3A_4231 = arith.mulf %gather3A_4230, %get3A_4083 : vector<16xf32>
      %lt3A_4232 = arith.constant 0 : i32
      %lt3A_4233 = vector.broadcast %lt3A_4232 : i32 to vector<16xi32>
      %lt3A_4234 = arith.cmpi slt, %select_n3A_70, %lt3A_4233 : vector<16xi32>
      %add3A_4235 = arith.constant 16 : i32
      %add3A_4236 = vector.broadcast %add3A_4235 : i32 to vector<16xi32>
      %add3A_4237 = arith.addi %select_n3A_70, %add3A_4236 : vector<16xi32>
      %select_n3A_4238 = arith.select %lt3A_4234, %add3A_4237, %select_n3A_70 : vector<16xi1>, vector<16xi32>
      %broadcast_in_dim3A_4239 = vector.shape_cast %select_n3A_4238 : vector<16xi32> to vector<16x1xi32>
      %gather3A_4240 = vector.shape_cast %broadcast_in_dim3A_4239 : vector<16x1xi32> to vector<16xi32>
      %gather3A_4241 = tpu.dynamic_gather %mul3A_4231[%gather3A_4240] in [0] : vector<16xf32>, vector<16xi32> -> vector<16xf32>
      %eq3A_4242 = arith.constant 0 : i32
      %eq3A_4243 = vector.broadcast %eq3A_4242 : i32 to vector<16xi32>
      %eq3A_4244 = arith.cmpi eq, %iota3A, %eq3A_4243 : vector<16xi32>
      %select_n3A_4245 = arith.select %eq3A_4244, %gather3A_3960, %gather3A_4241 : vector<16xi1>, vector<16xf32>
      %mul3A_4246 = arith.mulf %select_n3A_4245, %get3A_4087 : vector<16xf32>
      %add3A_4247 = arith.addf %add3A_4187, %mul3A_4246 : vector<16xf32>
      %broadcast_in_dim3A_4248 = arith.constant 43 : i32
      %broadcast_in_dim3A_4249 = vector.broadcast %broadcast_in_dim3A_4248 : i32 to vector<16xi32>
      %gather3A_4250 = tpu.vector_load_idx %arg7[%broadcast_in_dim3A_4249, %select_n3A_45] : memref<50x1024xf32, #tpu.memory_space<vmem>>[vector<16xi32>, vector<16xi32>], vector<16xf32>,
      %mul3A_4251 = arith.mulf %gather3A_4250, %get3A_4087 : vector<16xf32>
      %lt3A_4252 = arith.constant 0 : i32
      %lt3A_4253 = vector.broadcast %lt3A_4252 : i32 to vector<16xi32>
      %lt3A_4254 = arith.cmpi slt, %select_n3A_70, %lt3A_4253 : vector<16xi32>
      %add3A_4255 = arith.constant 16 : i32
      %add3A_4256 = vector.broadcast %add3A_4255 : i32 to vector<16xi32>
      %add3A_4257 = arith.addi %select_n3A_70, %add3A_4256 : vector<16xi32>
      %select_n3A_4258 = arith.select %lt3A_4254, %add3A_4257, %select_n3A_70 : vector<16xi1>, vector<16xi32>
      %broadcast_in_dim3A_4259 = vector.shape_cast %select_n3A_4258 : vector<16xi32> to vector<16x1xi32>
      %gather3A_4260 = vector.shape_cast %broadcast_in_dim3A_4259 : vector<16x1xi32> to vector<16xi32>
      %gather3A_4261 = tpu.dynamic_gather %mul3A_4251[%gather3A_4260] in [0] : vector<16xf32>, vector<16xi32> -> vector<16xf32>
      %eq3A_4262 = arith.constant 0 : i32
      %eq3A_4263 = vector.broadcast %eq3A_4262 : i32 to vector<16xi32>
      %eq3A_4264 = arith.cmpi eq, %iota3A, %eq3A_4263 : vector<16xi32>
      %select_n3A_4265 = arith.select %eq3A_4264, %gather3A_3979, %gather3A_4261 : vector<16xi1>, vector<16xf32>
      %mul3A_4266 = arith.mulf %select_n3A_4265, %get3A_4091 : vector<16xf32>
      %add3A_4267 = arith.addf %add3A_4207, %mul3A_4266 : vector<16xf32>
      %broadcast_in_dim3A_4268 = arith.constant 44 : i32
      %broadcast_in_dim3A_4269 = vector.broadcast %broadcast_in_dim3A_4268 : i32 to vector<16xi32>
      %gather3A_4270 = tpu.vector_load_idx %arg7[%broadcast_in_dim3A_4269, %select_n3A_45] : memref<50x1024xf32, #tpu.memory_space<vmem>>[vector<16xi32>, vector<16xi32>], vector<16xf32>,
      %mul3A_4271 = arith.mulf %gather3A_4270, %get3A_4091 : vector<16xf32>
      %lt3A_4272 = arith.constant 0 : i32
      %lt3A_4273 = vector.broadcast %lt3A_4272 : i32 to vector<16xi32>
      %lt3A_4274 = arith.cmpi slt, %select_n3A_70, %lt3A_4273 : vector<16xi32>
      %add3A_4275 = arith.constant 16 : i32
      %add3A_4276 = vector.broadcast %add3A_4275 : i32 to vector<16xi32>
      %add3A_4277 = arith.addi %select_n3A_70, %add3A_4276 : vector<16xi32>
      %select_n3A_4278 = arith.select %lt3A_4274, %add3A_4277, %select_n3A_70 : vector<16xi1>, vector<16xi32>
      %broadcast_in_dim3A_4279 = vector.shape_cast %select_n3A_4278 : vector<16xi32> to vector<16x1xi32>
      %gather3A_4280 = vector.shape_cast %broadcast_in_dim3A_4279 : vector<16x1xi32> to vector<16xi32>
      %gather3A_4281 = tpu.dynamic_gather %mul3A_4271[%gather3A_4280] in [0] : vector<16xf32>, vector<16xi32> -> vector<16xf32>
      %eq3A_4282 = arith.constant 0 : i32
      %eq3A_4283 = vector.broadcast %eq3A_4282 : i32 to vector<16xi32>
      %eq3A_4284 = arith.cmpi eq, %iota3A, %eq3A_4283 : vector<16xi32>
      %select_n3A_4285 = arith.select %eq3A_4284, %gather3A_3998, %gather3A_4281 : vector<16xi1>, vector<16xf32>
      %mul3A_4286 = arith.mulf %select_n3A_4285, %get3A_4095 : vector<16xf32>
      %add3A_4287 = arith.addf %add3A_4227, %mul3A_4286 : vector<16xf32>
      %broadcast_in_dim3A_4288 = arith.constant 45 : i32
      %broadcast_in_dim3A_4289 = vector.broadcast %broadcast_in_dim3A_4288 : i32 to vector<16xi32>
      %gather3A_4290 = tpu.vector_load_idx %arg7[%broadcast_in_dim3A_4289, %select_n3A_45] : memref<50x1024xf32, #tpu.memory_space<vmem>>[vector<16xi32>, vector<16xi32>], vector<16xf32>,
      %mul3A_4291 = arith.mulf %gather3A_4290, %get3A_4095 : vector<16xf32>
      %lt3A_4292 = arith.constant 0 : i32
      %lt3A_4293 = vector.broadcast %lt3A_4292 : i32 to vector<16xi32>
      %lt3A_4294 = arith.cmpi slt, %select_n3A_70, %lt3A_4293 : vector<16xi32>
      %add3A_4295 = arith.constant 16 : i32
      %add3A_4296 = vector.broadcast %add3A_4295 : i32 to vector<16xi32>
      %add3A_4297 = arith.addi %select_n3A_70, %add3A_4296 : vector<16xi32>
      %select_n3A_4298 = arith.select %lt3A_4294, %add3A_4297, %select_n3A_70 : vector<16xi1>, vector<16xi32>
      %broadcast_in_dim3A_4299 = vector.shape_cast %select_n3A_4298 : vector<16xi32> to vector<16x1xi32>
      %gather3A_4300 = vector.shape_cast %broadcast_in_dim3A_4299 : vector<16x1xi32> to vector<16xi32>
      %gather3A_4301 = tpu.dynamic_gather %mul3A_4291[%gather3A_4300] in [0] : vector<16xf32>, vector<16xi32> -> vector<16xf32>
      %eq3A_4302 = arith.constant 0 : i32
      %eq3A_4303 = vector.broadcast %eq3A_4302 : i32 to vector<16xi32>
      %eq3A_4304 = arith.cmpi eq, %iota3A, %eq3A_4303 : vector<16xi32>
      %select_n3A_4305 = arith.select %eq3A_4304, %gather3A_4017, %gather3A_4301 : vector<16xi1>, vector<16xf32>
      %mul3A_4306 = arith.mulf %select_n3A_4305, %get3A_4099 : vector<16xf32>
      %add3A_4307 = arith.addf %add3A_4247, %mul3A_4306 : vector<16xf32>
      %broadcast_in_dim3A_4308 = arith.constant 46 : i32
      %broadcast_in_dim3A_4309 = vector.broadcast %broadcast_in_dim3A_4308 : i32 to vector<16xi32>
      %gather3A_4310 = tpu.vector_load_idx %arg7[%broadcast_in_dim3A_4309, %select_n3A_45] : memref<50x1024xf32, #tpu.memory_space<vmem>>[vector<16xi32>, vector<16xi32>], vector<16xf32>,
      %mul3A_4311 = arith.mulf %gather3A_4310, %get3A_4099 : vector<16xf32>
      %lt3A_4312 = arith.constant 0 : i32
      %lt3A_4313 = vector.broadcast %lt3A_4312 : i32 to vector<16xi32>
      %lt3A_4314 = arith.cmpi slt, %select_n3A_70, %lt3A_4313 : vector<16xi32>
      %add3A_4315 = arith.constant 16 : i32
      %add3A_4316 = vector.broadcast %add3A_4315 : i32 to vector<16xi32>
      %add3A_4317 = arith.addi %select_n3A_70, %add3A_4316 : vector<16xi32>
      %select_n3A_4318 = arith.select %lt3A_4314, %add3A_4317, %select_n3A_70 : vector<16xi1>, vector<16xi32>
      %broadcast_in_dim3A_4319 = vector.shape_cast %select_n3A_4318 : vector<16xi32> to vector<16x1xi32>
      %gather3A_4320 = vector.shape_cast %broadcast_in_dim3A_4319 : vector<16x1xi32> to vector<16xi32>
      %gather3A_4321 = tpu.dynamic_gather %mul3A_4311[%gather3A_4320] in [0] : vector<16xf32>, vector<16xi32> -> vector<16xf32>
      %eq3A_4322 = arith.constant 0 : i32
      %eq3A_4323 = vector.broadcast %eq3A_4322 : i32 to vector<16xi32>
      %eq3A_4324 = arith.cmpi eq, %iota3A, %eq3A_4323 : vector<16xi32>
      %select_n3A_4325 = arith.select %eq3A_4324, %gather3A_4036, %gather3A_4321 : vector<16xi1>, vector<16xf32>
      %mul3A_4326 = arith.mulf %select_n3A_4325, %get3A_4103 : vector<16xf32>
      %add3A_4327 = arith.addf %add3A_4267, %mul3A_4326 : vector<16xf32>
      %broadcast_in_dim3A_4328 = arith.constant 47 : i32
      %broadcast_in_dim3A_4329 = vector.broadcast %broadcast_in_dim3A_4328 : i32 to vector<16xi32>
      %gather3A_4330 = tpu.vector_load_idx %arg7[%broadcast_in_dim3A_4329, %select_n3A_45] : memref<50x1024xf32, #tpu.memory_space<vmem>>[vector<16xi32>, vector<16xi32>], vector<16xf32>,
      %mul3A_4331 = arith.mulf %gather3A_4330, %get3A_4103 : vector<16xf32>
      %lt3A_4332 = arith.constant 0 : i32
      %lt3A_4333 = vector.broadcast %lt3A_4332 : i32 to vector<16xi32>
      %lt3A_4334 = arith.cmpi slt, %select_n3A_70, %lt3A_4333 : vector<16xi32>
      %add3A_4335 = arith.constant 16 : i32
      %add3A_4336 = vector.broadcast %add3A_4335 : i32 to vector<16xi32>
      %add3A_4337 = arith.addi %select_n3A_70, %add3A_4336 : vector<16xi32>
      %select_n3A_4338 = arith.select %lt3A_4334, %add3A_4337, %select_n3A_70 : vector<16xi1>, vector<16xi32>
      %broadcast_in_dim3A_4339 = vector.shape_cast %select_n3A_4338 : vector<16xi32> to vector<16x1xi32>
      %gather3A_4340 = vector.shape_cast %broadcast_in_dim3A_4339 : vector<16x1xi32> to vector<16xi32>
      %gather3A_4341 = tpu.dynamic_gather %mul3A_4331[%gather3A_4340] in [0] : vector<16xf32>, vector<16xi32> -> vector<16xf32>
      %eq3A_4342 = arith.constant 0 : i32
      %eq3A_4343 = vector.broadcast %eq3A_4342 : i32 to vector<16xi32>
      %eq3A_4344 = arith.cmpi eq, %iota3A, %eq3A_4343 : vector<16xi32>
      %select_n3A_4345 = arith.select %eq3A_4344, %gather3A_4055, %gather3A_4341 : vector<16xi1>, vector<16xf32>
      %mul3A_4346 = arith.mulf %select_n3A_4345, %get3A_4107 : vector<16xf32>
      %add3A_4347 = arith.addf %add3A_4287, %mul3A_4346 : vector<16xf32>
      %add3A_4348 = arith.addf %add3A_4307, %add3A_4327 : vector<16xf32>
      %add3A_4349 = arith.addf %add3A_4348, %add3A_4347 : vector<16xf32>
      %gt3A_4350 = arith.constant 0.000000e+00 : f32
      %gt3A_4351 = vector.broadcast %gt3A_4350 : f32 to vector<16xf32>
      %gt3A_4352 = arith.cmpf ogt, %add3A_4349, %gt3A_4351 : vector<16xf32>
      %jit3A_4353 = arith.constant 1.000000e+00 : f32
      %jit3A_4354 = arith.constant -1.000000e+00 : f32
      %broadcast_in_dim3A_4355 = vector.broadcast %jit3A_4353 : f32 to vector<16xf32>
      %broadcast_in_dim3A_4356 = vector.broadcast %jit3A_4354 : f32 to vector<16xf32>
      %select_n3A_4357 = arith.select %gt3A_4352, %broadcast_in_dim3A_4355, %broadcast_in_dim3A_4356 : vector<16xi1>, vector<16xf32>
      %swap3A_4358 = arith.constant 0 : index
      %swap3A_4359 = tpu.vector_load %arg8[%swap3A_4358] {strides = array<i32>} : memref<1024xf32, #tpu.memory_space<vmem>>, vector<16xf32>,
      tpu.vector_store %arg8[%swap3A_4358], %select_n3A_4357 {strides = array<i32>} : memref<1024xf32, #tpu.memory_space<vmem>>, vector<16xf32>,
      %add3A_4360 = arith.addi %mul3A_2, %add3A_2258 : i32
      "tpu.region"() ({
        %run_scoped3A = tpu.sem_alloc : memref<!tpu.dma_semaphore, #tpu.memory_space<semaphore_mem>>
        %dma_start3A_4361 = arith.constant 0 : i32
        %dma_start3A_4362 = tpu.memref_slice %arg4[%add3A_4360, %dma_start3A_4361] : memref<1024x1024xf32, #tpu.memory_space<hbm>> -> memref<1x1024xf32, #tpu.memory_space<hbm>>
        %dma_start3A_4363 = tpu.memref_squeeze %dma_start3A_4362 : memref<1x1024xf32, #tpu.memory_space<hbm>> -> memref<1024xf32, #tpu.memory_space<hbm>>
        %dma_start3A_4364 = arith.constant 0 : i32
        %dma_start3A_4365 = tpu.memref_slice %arg4[%add3A_4360, %dma_start3A_4364] : memref<1024x1024xf32, #tpu.memory_space<hbm>> -> memref<1x1024xf32, #tpu.memory_space<hbm>>
        %dma_start3A_4366 = tpu.memref_squeeze %dma_start3A_4365 : memref<1x1024xf32, #tpu.memory_space<hbm>> -> memref<1024xf32, #tpu.memory_space<hbm>>
        tpu.enqueue_dma source(%arg8 : memref<1024xf32, #tpu.memory_space<vmem>>) target(%dma_start3A_4366 : memref<1024xf32, #tpu.memory_space<hbm>>) target_semaphore(%run_scoped3A : memref<!tpu.dma_semaphore, #tpu.memory_space<semaphore_mem>>)
        %dma_wait3A_4367 = arith.constant 0 : i32
        %dma_wait3A_4368 = tpu.memref_slice %arg4[%add3A_4360, %dma_wait3A_4367] : memref<1024x1024xf32, #tpu.memory_space<hbm>> -> memref<1x1024xf32, #tpu.memory_space<hbm>>
        %dma_wait3A_4369 = tpu.memref_squeeze %dma_wait3A_4368 : memref<1x1024xf32, #tpu.memory_space<hbm>> -> memref<1024xf32, #tpu.memory_space<hbm>>
        %dma_wait3A_4370 = arith.constant 0 : i32
        %dma_wait3A_4371 = tpu.memref_slice %arg4[%add3A_4360, %dma_wait3A_4370] : memref<1024x1024xf32, #tpu.memory_space<hbm>> -> memref<1x1024xf32, #tpu.memory_space<hbm>>
        %dma_wait3A_4372 = tpu.memref_squeeze %dma_wait3A_4371 : memref<1x1024xf32, #tpu.memory_space<hbm>> -> memref<1024xf32, #tpu.memory_space<hbm>>
        tpu.wait_dma2 semaphore(%run_scoped3A : memref<!tpu.dma_semaphore, #tpu.memory_space<semaphore_mem>>) src(%arg8 : memref<1024xf32, #tpu.memory_space<vmem>>) dst(%dma_wait3A_4372 : memref<1024xf32, #tpu.memory_space<hbm>>)
        tpu.yield
      }) : () -> ()
    }
    %scan3A_94 = arith.constant 16 : i32
    return
  }
}

module attributes {stable_mosaic.version = 14 : i64} {
  func.func @mm_kernel(%arg0: memref<1024x1024xf32, #tpu.memory_space<vmem>>, %arg1: memref<100x1024xf32, #tpu.memory_space<vmem>>, %arg2: memref<1024x100xf32, #tpu.memory_space<vmem>>) attributes {dimension_semantics = [], scalar_prefetch = 0 : i64, scratch_operands = 0 : i64, tpu.core_type = #tpu.core_type<tc>} {
    %get3A = arith.constant 0 : index
    %get3A_0 = arith.constant 0 : index
    %get3A_1 = vector.load %arg0[%get3A, %get3A_0] : memref<1024x1024xf32, #tpu.memory_space<vmem>>, vector<1024x1024xf32>
    %get3A_2 = arith.constant 0 : index
    %get3A_3 = arith.constant 0 : index
    %get3A_4 = vector.load %arg1[%get3A_2, %get3A_3] : memref<100x1024xf32, #tpu.memory_space<vmem>>, vector<100x1024xf32>
    %dot_general3A = arith.constant dense<0.000000e+00> : vector<1024x100xf32>
    %dot_general3A_5 = tpu.matmul %get3A_1, %get3A_4, %dot_general3A {dimension_numbers = #tpu.dot_dimension_numbers<[1], [1], [0], [0], [0, 0, 1, 0], [], []>, transpose_lhs_hint = false} : vector<1024x1024xf32>, vector<100x1024xf32>, vector<1024x100xf32> -> vector<1024x100xf32>
    %swap3A = arith.constant 0 : index
    %swap3A_6 = arith.constant 0 : index
    %swap3A_7 = vector.load %arg2[%swap3A, %swap3A_6] : memref<1024x100xf32, #tpu.memory_space<vmem>>, vector<1024x100xf32>
    tpu.vector_store %arg2[%swap3A, %swap3A_6], %dot_general3A_5 {strides = array<i32>} : memref<1024x100xf32, #tpu.memory_space<vmem>>, vector<1024x100xf32>,
    return
  }
}

</mosaic_0001>

<sc_bundles>
// kernel: kernel.4.cloned.1.call-start
scs
__scs_entry_jumppad:
0x0: {  	(pc) =	sbr.rel $0x88, $3  }
0x1: {  	(tag) =	ssettag $0x0;
	lr =	simm.s32 $0x1  }
0x2: {  	[smem:$0x3F9E] =	sst lr;
	_ =	strace $0xD0000000  }
0x3: {  	_ = 	snop  }
0x4: {  	_ = 	snop  }
0x5: {  	_ = 	snop  }
0x6: {  	_ = 	snop  }
0x7: {  	_ = 	snop  }
__scs_overlays_trampoline_lowered:
0x8: {  	[smem:$0x3FAD] =	sst s0  }
0x9: {  	[smem:$0x3FAE] =	sst s1  }
0xa: {  	[smem:$0x3FAF] =	sst s2  }
0xb: {  	[smem:$0x3FB0] =	sst s3  }
0xc: {  	[smem:$0x3FB1] =	sst s4  }
0xd: {  	[smem:$0x3FB2] =	sst s5  }
0xe: {  	[smem:$0x3FB3] =	sst s6  }
0xf: {  	[smem:$0x3FB4] =	sst s7  }
0x10: {  	[smem:$0x3FB5] =	sst s8  }
0x11: {  	[smem:$0x3FB6] =	sst s9;
	s0 =	simm.s32 @!p0 $0x0  }
0x12: {  	s1 =	sld [smem:$0x3F9C];
	s0 =	simm.s32 @p0 $0x1  }
0x13: {  	[smem:$0x3FB7] =	sst s0;
	s0 =	simm.s32 @!p1 $0x0  }
0x14: {  	s2 =	sld [smem:$0x3F9B];
	s0 =	simm.s32 @p1 $0x1  }
0x15: {  	[smem:$0x3FB8] =	sst s0;
	s0 =	simm.s32 @!p2 $0x0  }
0x16: {  	s3 =	sld [smem:$0x3FDB];
	s0 =	simm.s32 @p2 $0x1  }
0x17: {  	s4 =	simm.s32 $0x1BF5;
	[smem:$0x3FBA] =	sst s0  }
0x18: {  	s0 =	sld [smem:$0x3F9D];
	_ =	swait.ge [sflag:s4], $0x0  }
0x19: {  	s7 =	sld [smem:$0x3F9E]  }
0x1a: {  	s8 =	sadd.s32 $0xFFFFE003, lr  }
0x1b: {  	s9 =	sadd.s32 $0xFFFFFEF7, lr;
	s5 =	simm.s32 $0xFFFFFFFF;
	p2 =	slt.u32 s8, $0xFFFFF086  }
0x1c: {  	p1 =	slt.u32 s9, $0xF7A;
	s5 =	simm.s32 @!p2 $0x0  }
0x1d: {  	s5 =	simm.s32 @p1 $0x1;
	p0 =	seq.s32 s7, s2  }
0x1e: {  	s7 =	smul.u32 @!p0 $0xF7A, s2;
	p2 =	seq.s32 @!p0 s5, $0x0  }
0x1f: {  	s9 =	smul.u32 $0xF7A, s1;
	s8 =	simm.s32 @!p0 $0x1BF5;
	p2 =	por !p2, p0  }
0x20: {  	[sflag:s8] =	ssyncset.s32 @!p0 $0xFFFFF086;
	s6 =	sadd.s32 @!p0 s3, s7;
	s7 =	simm.s32 @!p0 $0x108  }
0x21: {  	s3 =	sadd.s32 s3, s9;
	s6 =	sadd.s32 @!p0 $0x88, s6;
	s7 =	simm.s32 @p2 $0x1082  }
0x22: {  	[simem:s7], [sflag:s8] =	dma.local @!p0 [hbm:s6], $0xF7A  }
0x23: {  	s9 =	sor.u32 $0xD0000000, s2;
	s6 =	simm.s32 $0x108;
	_ =	swait.ge @!p0 [sflag:s8], $0x0  }
0x24: {  	s3 =	sadd.s32 $0x88, s3;
	s6 =	simm.s32 @!p1 $0x1082;
	[sflag:s4] =	ssyncset.s32 $0xFFFFF086  }
0x25: {  	[simem:s6], [sflag:s4] =	dma.local [hbm:s3], $0xF7A  }
0x26: {  	[smem:$0x3F9E] =	sst s1;
	(tag) =	ssettag s2;
	_ =	strace s9  }
0x27: {  	s1 =	sld [smem:$0x3FAE]  }
0x28: {  	s2 =	sld [smem:$0x3FAF]  }
0x29: {  	s4 =	sld [smem:$0x3FB1]  }
0x2a: {  	p0 =	seq.s32 s5, $0x0;
	s5 =	sld [smem:$0x3FB2]  }
0x2b: {  	s6 =	sld [smem:$0x3FB3]  }
0x2c: {  	s7 =	sld [smem:$0x3FB4]  }
0x2d: {  	s3 =	simm.s32 $0x108;
	s8 =	sld [smem:$0x3FB5]  }
0x2e: {  	s3 =	simm.s32 @!p0 $0x1082;
	s9 =	sld [smem:$0x3FB6]  }
0x2f: {  	lr =	sadd.s32 s0, s3;
	s0 =	sld [smem:$0x3FAD]  }
0x30: {  	s3 =	sld [smem:$0x3FB0]  }
0x31: {  	[smem:$0x3FB9] =	sst s10  }
0x32: {  	s10 =	sld [smem:$0x3FB7];
	_ =	sdelay $0x3  }
0x33: {  	p0 =	seq.s32 s10, $0x1;
	s10 =	sld [smem:$0x3FB9];
	_ =	sdelay $0x3  }
0x34: {  	[smem:$0x3FB9] =	sst s10  }
0x35: {  	s10 =	sld [smem:$0x3FB8];
	_ =	sdelay $0x3  }
0x36: {  	p1 =	seq.s32 s10, $0x1;
	s10 =	sld [smem:$0x3FB9];
	_ =	sdelay $0x3  }
0x37: {  	[smem:$0x3FB9] =	sst s10  }
0x38: {  	s10 =	sld [smem:$0x3FBA]  }
0x39: {  	_ = 	snop;
	(pc) =	sbr.ind lr, $3  }
0x3a: {  	_ = 	snop  }
0x3b: {  	_ = 	snop  }
0x3c: {  	p2 =	seq.s32 s10, $0x1;
	s10 =	sld [smem:$0x3FB9]  }
0x3d: {  	_ =	shalt  }
0x3e: {  	_ =	shalt  }
0x3f: {  	_ =	shalt  }
0x40: {  	_ =	shalt  }
0x41: {  	_ =	shalt  }
0x42: {  	_ =	shalt  }
0x43: {  	_ =	shalt  }
0x44: {  	_ =	shalt  }
0x45: {  	_ =	shalt  }
0x46: {  	_ =	shalt  }
0x47: {  	_ =	shalt  }
0x48: {  	_ =	shalt  }
0x49: {  	_ =	shalt  }
0x4a: {  	_ =	shalt  }
0x4b: {  	_ =	shalt  }
0x4c: {  	_ =	shalt  }
0x4d: {  	_ =	shalt  }
0x4e: {  	_ =	shalt  }
0x4f: {  	_ =	shalt  }
0x50: {  	_ =	shalt  }
0x51: {  	_ =	shalt  }
0x52: {  	_ =	shalt  }
0x53: {  	_ =	shalt  }
0x54: {  	_ =	shalt  }
0x55: {  	_ =	shalt  }
0x56: {  	_ =	shalt  }
0x57: {  	_ =	shalt  }
0x58: {  	_ =	shalt  }
0x59: {  	_ =	shalt  }
0x5a: {  	_ =	shalt  }
0x5b: {  	_ =	shalt  }
0x5c: {  	_ =	shalt  }
0x5d: {  	_ =	shalt  }
0x5e: {  	_ =	shalt  }
0x5f: {  	_ =	shalt  }
0x60: {  	_ =	shalt  }
0x61: {  	_ =	shalt  }
0x62: {  	_ =	shalt  }
0x63: {  	_ =	shalt  }
0x64: {  	_ =	shalt  }
0x65: {  	_ =	shalt  }
0x66: {  	_ =	shalt  }
0x67: {  	_ =	shalt  }
0x68: {  	_ =	shalt  }
0x69: {  	_ =	shalt  }
0x6a: {  	_ =	shalt  }
0x6b: {  	_ =	shalt  }
0x6c: {  	_ =	shalt  }
0x6d: {  	_ =	shalt  }
0x6e: {  	_ =	shalt  }
0x6f: {  	_ =	shalt  }
0x70: {  	_ =	shalt  }
0x71: {  	_ =	shalt  }
0x72: {  	_ =	shalt  }
0x73: {  	_ =	shalt  }
0x74: {  	_ =	shalt  }
0x75: {  	_ =	shalt  }
0x76: {  	_ =	shalt  }
0x77: {  	_ =	shalt  }
0x78: {  	_ =	shalt  }
0x79: {  	_ =	shalt  }
0x7a: {  	_ =	shalt  }
0x7b: {  	_ =	shalt  }
0x7c: {  	_ =	shalt  }
0x7d: {  	_ =	shalt  }
0x7e: {  	_ =	shalt  }
0x7f: {  	_ =	shalt  }
0x80: {  	_ =	shalt  }
0x81: {  	_ =	shalt  }
0x82: {  	_ =	shalt  }
0x83: {  	_ =	shalt  }
0x84: {  	_ =	shalt  }
0x85: {  	_ =	shalt  }
0x86: {  	_ =	shalt  }
0x87: {  	_ =	shalt  }
.Lfunc_end0:
.L_simem_size_0:
called_computation_lowered:
.L_overlay_start_0:
0x88: {  	s2 =	sld [smem:$0x3FD9]  }
0x89: {  	s3 =	sld [smem:$0x3FFE];
	_ =	sdelay $0x1  }
0x8a: {  	s1 =	srdreg.scid  }
0x8b: {  	s0 =	sand.u32 $0x1, s1  }
0x8c: {  	s17 =	sshll.u32 s0, $0xA;
	s2 =	sadd.s32 s3, s2  }
0x8d: {  	s2 =	sadd.s32 s2, s17  }
0x8e: {  	[smem:$0x3FC5] =	sst s2  }
0x8f: {  	_ = 	snop  }
0x90: {  	s2 =	sld [smem:$0x3FC8];
	(tm) =	ssettm $0x1  }
0x91: {  	s18 =	sld [smem:$0x3FFB];
	_ =	sdelay $0x3  }
0x92: {  	_ =	strace s18  }
0x93: {  	s3 =	sld [smem:$0x3FFC];
	_ =	sdelay $0x3  }
0x94: {  	_ =	strace s3  }
0x95: {  	s3 =	sld [smem:$0x3FFD];
	_ =	sdelay $0x3  }
0x96: {  	_ =	strace s3  }
0x97: {  	_ =	strace $0x8FFFFFFF  }
0x98: {  	s19 =	sld [smem:$0x3FDB];
	_ =	sdelay $0x1  }
0x99: {  	s4 =	simm.s32 $_scs_section_size  }
0x9a: {  	s5 =	simm.s32 $_size__tile_overlayer_lowered;
	s6 =	simm.s32 $_tile_overlayer_lowered  }
0x9b: {  	s22 =	simm.s32 $0x1BFF;
	s21 =	sshll.u32 s6, $0x1;
	s3 =	sadd.s32 s4, s19  }
0x9c: {  	s7 =	simm.s32 $0x0;
	s20 =	sshll.u32 s5, $0x1;
	s5 =	sadd.s32 s21, s3  }
0x9d: {  	[timem:s7], [sflag:s22] =	dma.local [hbm:s5], s20  }
0x9e: {  	_ =	swait.ge [sflag:s22], s20  }
0x9f: {  	s4 =	ssub.s32 $0x0, s20;
	[sflag:s22] =	ssyncset.done $0x0  }
0xa0: {  	[sflag:s22] =	ssyncadd.s32 s4;
	_ =	sdelay $0x1  }
0xa1: {  	s23 =	simm.s32 $0x1B8B  }
0xa2: {  	_ =	swait.ge [sflag:s23], $0x1  }
0xa3: {  	[sflag:s23] =	ssyncset.done $0x0  }
0xa4: {  	s25 =	simm.s32 $0x1B8E;
	s24 =	sld [smem:$0x3FFE];
	[sflag:s23] =	ssyncadd.s32 $0xFFFFFFFF  }
0xa5: {  	s26 =	simm.s32 $execute0_lowered;
	[smem:$0x3FD2] =	sst s25  }
0xa6: {  	s5 =	sshll.u32 s26, $0x1;
	_ =	strace $0x80000046;
	[dreg:$0x1] =	wrdreg $0xFFFFFFFF  }
0xa7: {  	s28 =	simm.s32 $_size_execute0_lowered;
	s3 =	sadd.s32 s3, s5;
	[dreg:$0x0] =	wrdreg $0x0  }
0xa8: {  	s5 =	sshll.u32 s28, $0x1;
	[dreg:$0x2] =	wrdreg s3  }
0xa9: {  	[dreg:$0x3] =	wrdreg s5  }
0xaa: {  	[dreg:$0x4] =	wrdreg $0xC0  }
0xab: {  	_ =	task [dreg:s7], $0x5FFFF  }
0xac: {  	[dreg:$0x1] =	wrdreg $0xFFFFFFFF  }
0xad: {  	[dreg:$0x0] =	wrdreg $0x60  }
0xae: {  	[dreg:$0x2] =	wrdreg s24  }
0xaf: {  	[dreg:$0x3] =	wrdreg s2  }
0xb0: {  	[dreg:$0x4] =	wrdreg $0x9  }
0xb1: {  	_ =	task.clear_ibuf [dreg:s7], $0x5FFFF;
	_ =	strace $0x90000046  }
0xb2: {  	s29 =	simm.s32 $0x9;
	_ =	strace $0x80000048  }
0xb3: {  	_ =	swait.ge [sflag:s29], $0x1  }
0xb4: {  	[sflag:s29] =	ssyncadd.s32 $0xFFFFFFFF  }
0xb5: {  	_ =	strace $0x90000048  }
0xb6: {  	_ =	sfence  }
0xb7: {  	s30 =	sld [smem:$0x0];
	_ =	sdelay $0x2  }
0xb8: {  	s31 =	sshll.u32 s1, $0xD;
	s1 =	sshrl.u32 s1, $0x2  }
0xb9: {  	s3 =	sand.u32 $0x4000, s31;
	s1 =	sadd.s32 s1, s30  }
0xba: {  	s0 =	sor.u32 s3, s0;
	s1 =	sshll.u32 s1, $0x11  }
0xbb: {  	s0 =	sor.u32 s1, s0  }
0xbc: {  	s0 =	sadd.s32 $0x8F2B, s0  }
0xbd: {  	[sflag:s0] =	ssyncadd.remote.s32 $0x1  }
0xbe: {  	_ =	sfence.sel $0xFFFF  }
0xbf: {  	[dreg:$0x0] =	wrdreg $0xFFFFFFFF;
	(pc) =	sbr.abs _section_cstart, $3  }
0xc0: {  	[dreg:$0x1] =	wrdreg $0xFFFFFFFF  }
0xc1: {  	_ =	task.clear_ibuf [dreg:s7], $0x2FFFF;
	_ =	strace $0x9FFFFFFF  }
0xc2: {  	(tm) =	ssettm $0x7FFFFFFF  }
0xc3: {  	_ =	shalt  }
tec
execute0_lowered:
.L_overlay_start_1:
0x0: {  	(tag) =	ssettag $0x1  }
0x1: {  	v0 =	vimm.s32 $0x65432107;
	v1 =	vimm.s32 $0xEDCBA980;
	vm0 =	vcmask $0x2720  }
0x2: {  	vm1 =	vcmask $0x700;
	vm2 =	vcmask $0x2304;
	v2 =	vimm.s32 $0x82818083  }
0x3: {  	v3 =	vimm.s32 $0x8E;
	v4 =	vimm.s32 $0x86858487;
	vm3 =	vcmask $0x1304  }
0x4: {  	vm4 =	vcmask $0x3F24;
	v27 =	vimm.s32 $0x18E;
	v32 =	vimm.s32 $0x20E  }
0x5: {  	v6 =	vimm.s32 $0x28E;
	v33 =	vimm.s32 $0x30E;
	v34 =	vimm.s32 $0x38E  }
0x6: {  	v9 =	vimm.s32 $0x200E;
	v35 =	vimm.s32 $0x208E;
	v36 =	vimm.s32 $0x210E  }
0x7: {  	v12 =	vimm.s32 $0x218E;
	v37 =	vimm.s32 $0x220E;
	v38 =	vimm.s32 $0x228E  }
0x8: {  	v15 =	vimm.s32 $0x230E;
	v39 =	vimm.s32 $0x238E;
	v40 =	vimm.s32 $0x400E  }
0x9: {  	v18 =	vimm.s32 $0x408E;
	v41 =	vimm.s32 $0x410E;
	v42 =	vimm.s32 $0x418E  }
0xa: {  	v21 =	vimm.s32 $0x420E;
	v43 =	vimm.s32 $0x428E;
	v44 =	vimm.s32 $0x430E  }
0xb: {  	v24 =	vimm.s32 $0x438E;
	v45 =	vimm.s32 $0x600E;
	v46 =	vimm.s32 $0x608E  }
0xc: {  	v47 =	vimm.s32 $0x618E;
	v48 =	vimm.s32 $0x620E;
	v30 =	vimm.s32 $0x628E  }
0xd: {  	v49 =	vimm.s32 $0x630E;
	v50 =	vimm.s32 $0x638E;
	v51 =	vimm.s32 $0x808E  }
0xe: {  	v52 =	vimm.s32 $0x810E;
	v53 =	vimm.s32 $0x820E;
	v54 =	vimm.s32 $0x828E  }
0xf: {  	v55 =	vimm.s32 $0x838E;
	v56 =	vimm.s32 $0xA00E;
	v0 =	vunpack.c.l.s4.s8 v0  }
0x10: {  	v57 =	vimm.s32 $0xA10E;
	v58 =	vimm.s32 $0xA18E;
	v1 =	vunpack.c.l.s4.s8 v1  }
0x11: {  	v59 =	vimm.s32 $0xA28E;
	v2 =	vunpack.c.0.s8.s32 v2;
	v0 =	vunpack.c.0.s8.s32 v0  }
0x12: {  	v4 =	vunpack.c.0.s8.s32 v4;
	vm0 =	vmor vm1, vm0;
	v1 =	vunpack.c.0.s8.s32 v1  }
0x13: {  	vm1 =	vcmask $0x3324;
	v2 =	vand.u32 $0xFF, v2;
	v0 =	vand.u32 $0xF, v0  }
0x14: {  	v1 =	vand.u32 $0xF, v1;
	v0 =	vnsel vm2, $0x1C7F, v0;
	vm2 =	vcmask $0x300  }
0x15: {  	v4 =	vand.u32 $0xFF, v4;
	v3 =	vsel vm2, $0x1CFF, v3;
	v0 =	vsel vm4, v1, v0  }
0x16: {  	v5 =	vsel vm2, $0x1DFF, v27;
	v7 =	vsel vm2, $0x1E7F, v32;
	v6 =	vsel vm2, $0x1EFF, v6  }
0x17: {  	v8 =	vsel vm2, $0x1F7F, v33;
	v10 =	vsel vm2, $0x1FFF, v34;
	v9 =	vsel vm2, $0x3C7F, v9  }
0x18: {  	v11 =	vsel vm2, $0x3CFF, v35;
	v13 =	vsel vm2, $0x3D7F, v36;
	v12 =	vsel vm2, $0x3DFF, v12  }
0x19: {  	v14 =	vsel vm2, $0x3E7F, v37;
	v16 =	vsel vm2, $0x3EFF, v38;
	v15 =	vsel vm2, $0x3F7F, v15  }
0x1a: {  	v17 =	vsel vm2, $0x3FFF, v39;
	v19 =	vsel vm2, $0x5C7F, v40;
	v18 =	vsel vm2, $0x5CFF, v18  }
0x1b: {  	v20 =	vsel vm2, $0x5D7F, v41;
	v22 =	vsel vm2, $0x5DFF, v42;
	v21 =	vsel vm2, $0x5E7F, v21  }
0x1c: {  	v23 =	vsel vm2, $0x5EFF, v43;
	v25 =	vsel vm2, $0x5F7F, v44;
	v24 =	vsel vm2, $0x5FFF, v24  }
0x1d: {  	v26 =	vsel vm2, $0x7C7F, v45;
	v27 =	vimm.s32 $0x610E;
	v28 =	vsel vm2, $0x7CFF, v46  }
0x1e: {  	v29 =	vsel vm2, $0x7DFF, v47;
	v31 =	vsel vm2, $0x7E7F, v48;
	v30 =	vsel vm2, $0x7EFF, v30  }
0x1f: {  	v32 =	vsel vm2, $0x7F7F, v49;
	v33 =	vimm.s32 $0x800E;
	v34 =	vsel vm2, $0x7FFF, v50  }
0x20: {  	v35 =	vsel vm2, $0x9CFF, v51;
	v36 =	vimm.s32 $0x818E;
	v37 =	vsel vm2, $0x9D7F, v52  }
0x21: {  	v38 =	vsel vm2, $0x9E7F, v53;
	v39 =	vimm.s32 $0x830E;
	v40 =	vsel vm2, $0x9EFF, v54  }
0x22: {  	v41 =	vsel vm2, $0x9FFF, v55;
	v42 =	vimm.s32 $0xA08E;
	v43 =	vsel vm2, $0xBC7F, v56  }
0x23: {  	v44 =	vsel vm2, $0xBD7F, v57;
	v45 =	vimm.s32 $0xA20E;
	v46 =	vsel vm2, $0xBDFF, v58  }
0x24: {  	v47 =	vsel vm2, $0xBEFF, v59;
	v48 =	vimm.s32 $0xA38E;
	v2 =	vsel vm3, v2, v3  }
0x25: {  	v3 =	vimm.s32 $0x8A89888B;
	vm3 =	vcmask $0x2314;
	v27 =	vsel vm2, $0x7D7F, v27  }
0x26: {  	v33 =	vsel vm2, $0x9C7F, v33;
	v36 =	vsel vm2, $0x9DFF, v36;
	v3 =	vunpack.c.0.s8.s32 v3  }
0x27: {  	v39 =	vsel vm2, $0x9F7F, v39;
	v42 =	vsel vm2, $0xBCFF, v42;
	v45 =	vsel vm2, $0xBE7F, v45  }
0x28: {  	v48 =	vsel vm2, $0xBFFF, v48;
	v60 =	vsel vm3, v4, v2;
	v61 =	vand.u32 $0xFF, v3  }
0x29: {  	vm3 =	vcmask $0x1714;
	v3 =	vimm.s32 $0x10E;
	v4 =	vsel vm1, v61, v60  }
0x2a: {  	v62 =	vsel vm2, $0x1D7F, v3;
	vm1 =	vcmask $0x704;
	v60 =	vimm.s32 $0xA30E  }
0x2b: {  	v3 =	vlaneseq.u32;
	v63 =	vsel vm1, $0x100, v62;
	v49 =	vsel vm2, $0xBF7F, v60  }
0x2c: {  	vm2 =	vcmask $0xB08;
	v5 =	vsel vm1, $0x180, v5;
	v7 =	vsel vm1, $0x200, v7  }
0x2d: {  	v6 =	vsel vm1, $0x280, v6;
	v8 =	vsel vm1, $0x300, v8;
	v10 =	vsel vm1, $0x380, v10  }
0x2e: {  	v9 =	vsel vm1, $0x2000, v9;
	v11 =	vsel vm1, $0x2080, v11;
	v13 =	vsel vm1, $0x2100, v13  }
0x2f: {  	v12 =	vsel vm1, $0x2180, v12;
	v14 =	vsel vm1, $0x2200, v14;
	v16 =	vsel vm1, $0x2280, v16  }
0x30: {  	v15 =	vsel vm1, $0x2300, v15;
	v17 =	vsel vm1, $0x2380, v17;
	v19 =	vsel vm1, $0x4000, v19  }
0x31: {  	v18 =	vsel vm1, $0x4080, v18;
	v20 =	vsel vm1, $0x4100, v20;
	v22 =	vsel vm1, $0x4180, v22  }
0x32: {  	v21 =	vsel vm1, $0x4200, v21;
	v23 =	vsel vm1, $0x4280, v23;
	v25 =	vsel vm1, $0x4300, v25  }
0x33: {  	v24 =	vsel vm1, $0x4380, v24;
	v26 =	vsel vm1, $0x6000, v26;
	v28 =	vsel vm1, $0x6080, v28  }
0x34: {  	v27 =	vsel vm1, $0x6100, v27;
	v29 =	vsel vm1, $0x6180, v29;
	v31 =	vsel vm1, $0x6200, v31  }
0x35: {  	v30 =	vsel vm1, $0x6280, v30;
	v32 =	vsel vm1, $0x6300, v32;
	v34 =	vsel vm1, $0x6380, v34  }
0x36: {  	v33 =	vsel vm1, $0x8000, v33;
	v35 =	vsel vm1, $0x8080, v35;
	v37 =	vsel vm1, $0x8100, v37  }
0x37: {  	v36 =	vsel vm1, $0x8180, v36;
	v38 =	vsel vm1, $0x8200, v38;
	v40 =	vsel vm1, $0x8280, v40  }
0x38: {  	v39 =	vsel vm1, $0x8300, v39;
	v41 =	vsel vm1, $0x8380, v41;
	v43 =	vsel vm1, $0xA000, v43  }
0x39: {  	v42 =	vsel vm1, $0xA080, v42;
	v44 =	vsel vm1, $0xA100, v44;
	v46 =	vsel vm1, $0xA180, v46  }
0x3a: {  	v45 =	vsel vm1, $0xA200, v45;
	v47 =	vsel vm1, $0xA280, v47;
	v48 =	vsel vm1, $0xA380, v48  }
0x3b: {  	v50 =	vshrl.u32 v3, $0x3;
	v2 =	vsel vm2, $0x101, v63;
	v49 =	vsel vm1, $0xA300, v49  }
0x3c: {  	vm1 =	vcmask $0xF0C;
	v5 =	vsel vm2, $0x181, v5;
	v7 =	vsel vm2, $0x201, v7  }
0x3d: {  	v6 =	vsel vm2, $0x281, v6;
	v8 =	vsel vm2, $0x301, v8;
	v10 =	vsel vm2, $0x381, v10  }
0x3e: {  	v9 =	vsel vm2, $0x2001, v9;
	v11 =	vsel vm2, $0x2081, v11;
	v13 =	vsel vm2, $0x2101, v13  }
0x3f: {  	v12 =	vsel vm2, $0x2181, v12;
	v14 =	vsel vm2, $0x2201, v14;
	v16 =	vsel vm2, $0x2281, v16  }
0x40: {  	v15 =	vsel vm2, $0x2301, v15;
	v17 =	vsel vm2, $0x2381, v17;
	v19 =	vsel vm2, $0x4001, v19  }
0x41: {  	v18 =	vsel vm2, $0x4081, v18;
	v20 =	vsel vm2, $0x4101, v20;
	v22 =	vsel vm2, $0x4181, v22  }
0x42: {  	v21 =	vsel vm2, $0x4201, v21;
	v23 =	vsel vm2, $0x4281, v23;
	v25 =	vsel vm2, $0x4301, v25  }
0x43: {  	v24 =	vsel vm2, $0x4381, v24;
	v26 =	vsel vm2, $0x6001, v26;
	v28 =	vsel vm2, $0x6081, v28  }
0x44: {  	v27 =	vsel vm2, $0x6101, v27;
	v29 =	vsel vm2, $0x6181, v29;
	v31 =	vsel vm2, $0x6201, v31  }
0x45: {  	v30 =	vsel vm2, $0x6281, v30;
	v32 =	vsel vm2, $0x6301, v32;
	v34 =	vsel vm2, $0x6381, v34  }
0x46: {  	v33 =	vsel vm2, $0x8001, v33;
	v35 =	vsel vm2, $0x8081, v35;
	v37 =	vsel vm2, $0x8101, v37  }
0x47: {  	v36 =	vsel vm2, $0x8181, v36;
	v38 =	vsel vm2, $0x8201, v38;
	v40 =	vsel vm2, $0x8281, v40  }
0x48: {  	v39 =	vsel vm2, $0x8301, v39;
	v41 =	vsel vm2, $0x8381, v41;
	v43 =	vsel vm2, $0xA001, v43  }
0x49: {  	v42 =	vsel vm2, $0xA081, v42;
	v44 =	vsel vm2, $0xA101, v44;
	v46 =	vsel vm2, $0xA181, v46  }
0x4a: {  	v45 =	vsel vm2, $0xA201, v45;
	v47 =	vsel vm2, $0xA281, v47;
	v48 =	vsel vm2, $0xA381, v48  }
0x4b: {  	v62 =	vmul.u32 $0x8, v50;
	v51 =	vsel vm1, $0x102, v2;
	v49 =	vsel vm2, $0xA301, v49  }
0x4c: {  	vm2 =	vcmask $0x1310;
	v5 =	vsel vm1, $0x182, v5;
	v7 =	vsel vm1, $0x202, v7  }
0x4d: {  	v6 =	vsel vm1, $0x282, v6;
	v8 =	vsel vm1, $0x302, v8;
	v10 =	vsel vm1, $0x382, v10  }
0x4e: {  	v9 =	vsel vm1, $0x2002, v9;
	v11 =	vsel vm1, $0x2082, v11;
	v13 =	vsel vm1, $0x2102, v13  }
0x4f: {  	v12 =	vsel vm1, $0x2182, v12;
	v14 =	vsel vm1, $0x2202, v14;
	v16 =	vsel vm1, $0x2282, v16  }
0x50: {  	v15 =	vsel vm1, $0x2302, v15;
	v17 =	vsel vm1, $0x2382, v17;
	v19 =	vsel vm1, $0x4002, v19  }
0x51: {  	v18 =	vsel vm1, $0x4082, v18;
	v20 =	vsel vm1, $0x4102, v20;
	v22 =	vsel vm1, $0x4182, v22  }
0x52: {  	v21 =	vsel vm1, $0x4202, v21;
	v23 =	vsel vm1, $0x4282, v23;
	v25 =	vsel vm1, $0x4302, v25  }
0x53: {  	v24 =	vsel vm1, $0x4382, v24;
	v26 =	vsel vm1, $0x6002, v26;
	v28 =	vsel vm1, $0x6082, v28  }
0x54: {  	v27 =	vsel vm1, $0x6102, v27;
	v29 =	vsel vm1, $0x6182, v29;
	v31 =	vsel vm1, $0x6202, v31  }
0x55: {  	v30 =	vsel vm1, $0x6282, v30;
	v32 =	vsel vm1, $0x6302, v32;
	v34 =	vsel vm1, $0x6382, v34  }
0x56: {  	v33 =	vsel vm1, $0x8002, v33;
	v35 =	vsel vm1, $0x8082, v35;
	v37 =	vsel vm1, $0x8102, v37  }
0x57: {  	v36 =	vsel vm1, $0x8182, v36;
	v38 =	vsel vm1, $0x8202, v38;
	v40 =	vsel vm1, $0x8282, v40  }
0x58: {  	v39 =	vsel vm1, $0x8302, v39;
	v41 =	vsel vm1, $0x8382, v41;
	v43 =	vsel vm1, $0xA002, v43  }
0x59: {  	v42 =	vsel vm1, $0xA082, v42;
	v44 =	vsel vm1, $0xA102, v44;
	v46 =	vsel vm1, $0xA182, v46  }
0x5a: {  	v45 =	vsel vm1, $0xA202, v45;
	v47 =	vsel vm1, $0xA282, v47;
	v48 =	vsel vm1, $0xA382, v48  }
0x5b: {  	v63 =	vsel vm2, $0x103, v51;
	v49 =	vsel vm1, $0xA302, v49;
	v5 =	vsel vm2, $0x183, v5  }
0x5c: {  	v7 =	vsel vm2, $0x203, v7;
	v6 =	vsel vm2, $0x283, v6;
	v8 =	vsel vm2, $0x303, v8  }
0x5d: {  	v10 =	vsel vm2, $0x383, v10;
	v9 =	vsel vm2, $0x2003, v9;
	v11 =	vsel vm2, $0x2083, v11  }
0x5e: {  	v13 =	vsel vm2, $0x2103, v13;
	v12 =	vsel vm2, $0x2183, v12;
	v14 =	vsel vm2, $0x2203, v14  }
0x5f: {  	v16 =	vsel vm2, $0x2283, v16;
	v15 =	vsel vm2, $0x2303, v15;
	v17 =	vsel vm2, $0x2383, v17  }
0x60: {  	v19 =	vsel vm2, $0x4003, v19;
	v18 =	vsel vm2, $0x4083, v18;
	v20 =	vsel vm2, $0x4103, v20  }
0x61: {  	v22 =	vsel vm2, $0x4183, v22;
	v21 =	vsel vm2, $0x4203, v21;
	v23 =	vsel vm2, $0x4283, v23  }
0x62: {  	v25 =	vsel vm2, $0x4303, v25;
	v24 =	vsel vm2, $0x4383, v24;
	v26 =	vsel vm2, $0x6003, v26  }
0x63: {  	v28 =	vsel vm2, $0x6083, v28;
	v27 =	vsel vm2, $0x6103, v27;
	v29 =	vsel vm2, $0x6183, v29  }
0x64: {  	v31 =	vsel vm2, $0x6203, v31;
	v30 =	vsel vm2, $0x6283, v30;
	v32 =	vsel vm2, $0x6303, v32  }
0x65: {  	v34 =	vsel vm2, $0x6383, v34;
	v33 =	vsel vm2, $0x8003, v33;
	v35 =	vsel vm2, $0x8083, v35  }
0x66: {  	v37 =	vsel vm2, $0x8103, v37;
	v36 =	vsel vm2, $0x8183, v36;
	v38 =	vsel vm2, $0x8203, v38  }
0x67: {  	v40 =	vsel vm2, $0x8283, v40;
	v39 =	vsel vm2, $0x8303, v39;
	v41 =	vsel vm2, $0x8383, v41  }
0x68: {  	v43 =	vsel vm2, $0xA003, v43;
	v42 =	vsel vm2, $0xA083, v42;
	v44 =	vsel vm2, $0xA103, v44  }
0x69: {  	v46 =	vsel vm2, $0xA183, v46;
	v45 =	vsel vm2, $0xA203, v45;
	v47 =	vsel vm2, $0xA283, v47  }
0x6a: {  	v48 =	vsel vm2, $0xA383, v48;
	v49 =	vsel vm2, $0xA303, v49;
	v50 =	vsel vm3, $0x104, v63  }
0x6b: {  	v5 =	vsel vm3, $0x184, v5;
	v7 =	vsel vm3, $0x204, v7;
	v6 =	vsel vm3, $0x284, v6  }
0x6c: {  	v8 =	vsel vm3, $0x304, v8;
	v10 =	vsel vm3, $0x384, v10;
	v9 =	vsel vm3, $0x2004, v9  }
0x6d: {  	v11 =	vsel vm3, $0x2084, v11;
	v13 =	vsel vm3, $0x2104, v13;
	v12 =	vsel vm3, $0x2184, v12  }
0x6e: {  	v14 =	vsel vm3, $0x2204, v14;
	v16 =	vsel vm3, $0x2284, v16;
	v15 =	vsel vm3, $0x2304, v15  }
0x6f: {  	v17 =	vsel vm3, $0x2384, v17;
	v19 =	vsel vm3, $0x4004, v19;
	v18 =	vsel vm3, $0x4084, v18  }
0x70: {  	v20 =	vsel vm3, $0x4104, v20;
	v22 =	vsel vm3, $0x4184, v22;
	v21 =	vsel vm3, $0x4204, v21  }
0x71: {  	v23 =	vsel vm3, $0x4284, v23;
	v25 =	vsel vm3, $0x4304, v25;
	v24 =	vsel vm3, $0x4384, v24  }
0x72: {  	v26 =	vsel vm3, $0x6004, v26;
	v28 =	vsel vm3, $0x6084, v28;
	v27 =	vsel vm3, $0x6104, v27  }
0x73: {  	v29 =	vsel vm3, $0x6184, v29;
	v31 =	vsel vm3, $0x6204, v31;
	v30 =	vsel vm3, $0x6284, v30  }
0x74: {  	v32 =	vsel vm3, $0x6304, v32;
	v34 =	vsel vm3, $0x6384, v34;
	v33 =	vsel vm3, $0x8004, v33  }
0x75: {  	v35 =	vsel vm3, $0x8084, v35;
	v37 =	vsel vm3, $0x8104, v37;
	v36 =	vsel vm3, $0x8184, v36  }
0x76: {  	v38 =	vsel vm3, $0x8204, v38;
	v40 =	vsel vm3, $0x8284, v40;
	v39 =	vsel vm3, $0x8304, v39  }
0x77: {  	v41 =	vsel vm3, $0x8384, v41;
	v43 =	vsel vm3, $0xA004, v43;
	v42 =	vsel vm3, $0xA084, v42  }
0x78: {  	v44 =	vsel vm3, $0xA104, v44;
	v46 =	vsel vm3, $0xA184, v46;
	v45 =	vsel vm3, $0xA204, v45  }
0x79: {  	v47 =	vsel vm3, $0xA284, v47;
	v48 =	vsel vm3, $0xA384, v48;
	vm2 =	vcmask $0x1B18  }
0x7a: {  	v49 =	vsel vm3, $0xA304, v49;
	v50 =	vsel vm2, $0x105, v50;
	v5 =	vsel vm2, $0x185, v5  }
0x7b: {  	v7 =	vsel vm2, $0x205, v7;
	v6 =	vsel vm2, $0x285, v6;
	v8 =	vsel vm2, $0x305, v8  }
0x7c: {  	v10 =	vsel vm2, $0x385, v10;
	v9 =	vsel vm2, $0x2005, v9;
	v11 =	vsel vm2, $0x2085, v11  }
0x7d: {  	v13 =	vsel vm2, $0x2105, v13;
	v12 =	vsel vm2, $0x2185, v12;
	v14 =	vsel vm2, $0x2205, v14  }
0x7e: {  	v16 =	vsel vm2, $0x2285, v16;
	v15 =	vsel vm2, $0x2305, v15;
	v17 =	vsel vm2, $0x2385, v17  }
0x7f: {  	v19 =	vsel vm2, $0x4005, v19;
	v18 =	vsel vm2, $0x4085, v18;
	v20 =	vsel vm2, $0x4105, v20  }
0x80: {  	v22 =	vsel vm2, $0x4185, v22;
	v21 =	vsel vm2, $0x4205, v21;
	v23 =	vsel vm2, $0x4285, v23  }
0x81: {  	v25 =	vsel vm2, $0x4305, v25;
	v24 =	vsel vm2, $0x4385, v24;
	v26 =	vsel vm2, $0x6005, v26  }
0x82: {  	v28 =	vsel vm2, $0x6085, v28;
	v27 =	vsel vm2, $0x6105, v27;
	v29 =	vsel vm2, $0x6185, v29  }
0x83: {  	v31 =	vsel vm2, $0x6205, v31;
	v30 =	vsel vm2, $0x6285, v30;
	v32 =	vsel vm2, $0x6305, v32  }
0x84: {  	v34 =	vsel vm2, $0x6385, v34;
	v33 =	vsel vm2, $0x8005, v33;
	v35 =	vsel vm2, $0x8085, v35  }
0x85: {  	v37 =	vsel vm2, $0x8105, v37;
	v36 =	vsel vm2, $0x8185, v36;
	v38 =	vsel vm2, $0x8205, v38  }
0x86: {  	v40 =	vsel vm2, $0x8285, v40;
	v39 =	vsel vm2, $0x8305, v39;
	v41 =	vsel vm2, $0x8385, v41  }
0x87: {  	v43 =	vsel vm2, $0xA005, v43;
	v42 =	vsel vm2, $0xA085, v42;
	v44 =	vsel vm2, $0xA105, v44  }
0x88: {  	v46 =	vsel vm2, $0xA185, v46;
	v45 =	vsel vm2, $0xA205, v45;
	v47 =	vsel vm2, $0xA285, v47  }
0x89: {  	v48 =	vsel vm2, $0xA385, v48;
	v49 =	vsel vm2, $0xA305, v49;
	vm2 =	vcmask $0x1F1C  }
0x8a: {  	[tilespmem:$0x1FC90] =	vst v0;
	v0 =	vimm.s32 $0xEDCBA987;
	v50 =	vsel vm2, $0x106, v50;
	v52 =	vsel vm2, $0x186, v5  }
0x8b: {  	v7 =	vsel vm2, $0x206, v7;
	v6 =	vsel vm2, $0x286, v6;
	v8 =	vsel vm2, $0x306, v8  }
0x8c: {  	v10 =	vsel vm2, $0x386, v10;
	v9 =	vsel vm2, $0x2006, v9;
	v11 =	vsel vm2, $0x2086, v11  }
0x8d: {  	v13 =	vsel vm2, $0x2106, v13;
	v12 =	vsel vm2, $0x2186, v12;
	v14 =	vsel vm2, $0x2206, v14  }
0x8e: {  	v16 =	vsel vm2, $0x2286, v16;
	v15 =	vsel vm2, $0x2306, v15;
	v17 =	vsel vm2, $0x2386, v17  }
0x8f: {  	v19 =	vsel vm2, $0x4006, v19;
	v18 =	vsel vm2, $0x4086, v18;
	v20 =	vsel vm2, $0x4106, v20  }
0x90: {  	v22 =	vsel vm2, $0x4186, v22;
	v21 =	vsel vm2, $0x4206, v21;
	v23 =	vsel vm2, $0x4286, v23  }
0x91: {  	v25 =	vsel vm2, $0x4306, v25;
	v24 =	vsel vm2, $0x4386, v24;
	v26 =	vsel vm2, $0x6006, v26  }
0x92: {  	v28 =	vsel vm2, $0x6086, v28;
	v27 =	vsel vm2, $0x6106, v27;
	v29 =	vsel vm2, $0x6186, v29  }
0x93: {  	v31 =	vsel vm2, $0x6206, v31;
	v30 =	vsel vm2, $0x6286, v30;
	v32 =	vsel vm2, $0x6306, v32  }
0x94: {  	v34 =	vsel vm2, $0x6386, v34;
	v33 =	vsel vm2, $0x8006, v33;
	v35 =	vsel vm2, $0x8086, v35  }
0x95: {  	v37 =	vsel vm2, $0x8106, v37;
	v36 =	vsel vm2, $0x8186, v36;
	v38 =	vsel vm2, $0x8206, v38  }
0x96: {  	v40 =	vsel vm2, $0x8286, v40;
	v39 =	vsel vm2, $0x8306, v39;
	v41 =	vsel vm2, $0x8386, v41  }
0x97: {  	v43 =	vsel vm2, $0xA006, v43;
	v42 =	vsel vm2, $0xA086, v42;
	v44 =	vsel vm2, $0xA106, v44  }
0x98: {  	v46 =	vsel vm2, $0xA186, v46;
	v45 =	vsel vm2, $0xA206, v45;
	v47 =	vsel vm2, $0xA286, v47  }
0x99: {  	v49 =	vsel vm2, $0xA306, v49;
	v48 =	vsel vm2, $0xA386, v48;
	vm2 =	vcmask $0x2320  }
0x9a: {  	v51 =	vunpack.c.l.s4.s8 v0;
	v50 =	vsel vm2, $0x107, v50;
	v1 =	vsel vm2, $0x187, v52  }
0x9b: {  	v7 =	vsel vm2, $0x207, v7;
	v6 =	vsel vm2, $0x287, v6;
	v8 =	vsel vm2, $0x307, v8  }
0x9c: {  	v10 =	vsel vm2, $0x387, v10;
	v9 =	vsel vm2, $0x2007, v9;
	v11 =	vsel vm2, $0x2087, v11  }
0x9d: {  	v13 =	vsel vm2, $0x2107, v13;
	v12 =	vsel vm2, $0x2187, v12;
	v14 =	vsel vm2, $0x2207, v14  }
0x9e: {  	v16 =	vsel vm2, $0x2287, v16;
	v15 =	vsel vm2, $0x2307, v15;
	v17 =	vsel vm2, $0x2387, v17  }
0x9f: {  	v19 =	vsel vm2, $0x4007, v19;
	v18 =	vsel vm2, $0x4087, v18;
	v20 =	vsel vm2, $0x4107, v20  }
0xa0: {  	v22 =	vsel vm2, $0x4187, v22;
	v21 =	vsel vm2, $0x4207, v21;
	v23 =	vsel vm2, $0x4287, v23  }
0xa1: {  	v25 =	vsel vm2, $0x4307, v25;
	v24 =	vsel vm2, $0x4387, v24;
	v26 =	vsel vm2, $0x6007, v26  }
0xa2: {  	v28 =	vsel vm2, $0x6087, v28;
	v27 =	vsel vm2, $0x6107, v27;
	v29 =	vsel vm2, $0x6187, v29  }
0xa3: {  	v31 =	vsel vm2, $0x6207, v31;
	v30 =	vsel vm2, $0x6287, v30;
	v32 =	vsel vm2, $0x6307, v32  }
0xa4: {  	v34 =	vsel vm2, $0x6387, v34;
	v33 =	vsel vm2, $0x8007, v33;
	v35 =	vsel vm2, $0x8087, v35  }
0xa5: {  	v37 =	vsel vm2, $0x8107, v37;
	v36 =	vsel vm2, $0x8187, v36;
	v38 =	vsel vm2, $0x8207, v38  }
0xa6: {  	v40 =	vsel vm2, $0x8287, v40;
	v39 =	vsel vm2, $0x8307, v39;
	v41 =	vsel vm2, $0x8387, v41  }
0xa7: {  	v43 =	vsel vm2, $0xA007, v43;
	v42 =	vsel vm2, $0xA087, v42;
	v44 =	vsel vm2, $0xA107, v44  }
0xa8: {  	v46 =	vsel vm2, $0xA187, v46;
	v45 =	vsel vm2, $0xA207, v45;
	v47 =	vsel vm2, $0xA287, v47  }
0xa9: {  	v49 =	vsel vm2, $0xA307, v49;
	v48 =	vsel vm2, $0xA387, v48;
	vm2 =	vcmask $0x2724  }
0xaa: {  	v5 =	vunpack.c.0.s8.s32 v51;
	v50 =	vsel vm2, $0x108, v50;
	v51 =	vsel vm2, $0x188, v1  }
0xab: {  	v7 =	vsel vm2, $0x208, v7;
	v6 =	vsel vm2, $0x288, v6;
	v8 =	vsel vm2, $0x308, v8  }
0xac: {  	v10 =	vsel vm2, $0x388, v10;
	v9 =	vsel vm2, $0x2008, v9;
	v11 =	vsel vm2, $0x2088, v11  }
0xad: {  	v13 =	vsel vm2, $0x2108, v13;
	v12 =	vsel vm2, $0x2188, v12;
	v14 =	vsel vm2, $0x2208, v14  }
0xae: {  	v16 =	vsel vm2, $0x2288, v16;
	v15 =	vsel vm2, $0x2308, v15;
	v17 =	vsel vm2, $0x2388, v17  }
0xaf: {  	v19 =	vsel vm2, $0x4008, v19;
	v18 =	vsel vm2, $0x4088, v18;
	v20 =	vsel vm2, $0x4108, v20  }
0xb0: {  	v22 =	vsel vm2, $0x4188, v22;
	v21 =	vsel vm2, $0x4208, v21;
	v23 =	vsel vm2, $0x4288, v23  }
0xb1: {  	v25 =	vsel vm2, $0x4308, v25;
	v24 =	vsel vm2, $0x4388, v24;
	v26 =	vsel vm2, $0x6008, v26  }
0xb2: {  	v28 =	vsel vm2, $0x6088, v28;
	v27 =	vsel vm2, $0x6108, v27;
	v29 =	vsel vm2, $0x6188, v29  }
0xb3: {  	v31 =	vsel vm2, $0x6208, v31;
	v30 =	vsel vm2, $0x6288, v30;
	v32 =	vsel vm2, $0x6308, v32  }
0xb4: {  	v34 =	vsel vm2, $0x6388, v34;
	v33 =	vsel vm2, $0x8008, v33;
	v35 =	vsel vm2, $0x8088, v35  }
0xb5: {  	v37 =	vsel vm2, $0x8108, v37;
	v36 =	vsel vm2, $0x8188, v36;
	v38 =	vsel vm2, $0x8208, v38  }
0xb6: {  	v40 =	vsel vm2, $0x8288, v40;
	v39 =	vsel vm2, $0x8308, v39;
	v41 =	vsel vm2, $0x8388, v41  }
0xb7: {  	v43 =	vsel vm2, $0xA008, v43;
	v42 =	vsel vm2, $0xA088, v42;
	v44 =	vsel vm2, $0xA108, v44  }
0xb8: {  	v46 =	vsel vm2, $0xA188, v46;
	v45 =	vsel vm2, $0xA208, v45;
	v47 =	vsel vm2, $0xA288, v47  }
0xb9: {  	v49 =	vsel vm2, $0xA308, v49;
	v48 =	vsel vm2, $0xA388, v48;
	vm2 =	vcmask $0x2B28  }
0xba: {  	v2 =	vimm.s32 $0x6543210F;
	v50 =	vsel vm2, $0x109, v50;
	v51 =	vsel vm2, $0x189, v51  }
0xbb: {  	v7 =	vsel vm2, $0x209, v7;
	v6 =	vsel vm2, $0x289, v6;
	v8 =	vsel vm2, $0x309, v8  }
0xbc: {  	v10 =	vsel vm2, $0x389, v10;
	v9 =	vsel vm2, $0x2009, v9;
	v11 =	vsel vm2, $0x2089, v11  }
0xbd: {  	v13 =	vsel vm2, $0x2109, v13;
	v12 =	vsel vm2, $0x2189, v12;
	v14 =	vsel vm2, $0x2209, v14  }
0xbe: {  	v16 =	vsel vm2, $0x2289, v16;
	v15 =	vsel vm2, $0x2309, v15;
	v17 =	vsel vm2, $0x2389, v17  }
0xbf: {  	v19 =	vsel vm2, $0x4009, v19;
	v18 =	vsel vm2, $0x4089, v18;
	v20 =	vsel vm2, $0x4109, v20  }
0xc0: {  	v22 =	vsel vm2, $0x4189, v22;
	v21 =	vsel vm2, $0x4209, v21;
	v23 =	vsel vm2, $0x4289, v23  }
0xc1: {  	v25 =	vsel vm2, $0x4309, v25;
	v24 =	vsel vm2, $0x4389, v24;
	v26 =	vsel vm2, $0x6009, v26  }
0xc2: {  	v28 =	vsel vm2, $0x6089, v28;
	v27 =	vsel vm2, $0x6109, v27;
	v29 =	vsel vm2, $0x6189, v29  }
0xc3: {  	v31 =	vsel vm2, $0x6209, v31;
	v30 =	vsel vm2, $0x6289, v30;
	v32 =	vsel vm2, $0x6309, v32  }
0xc4: {  	v34 =	vsel vm2, $0x6389, v34;
	v33 =	vsel vm2, $0x8009, v33;
	v35 =	vsel vm2, $0x8089, v35  }
0xc5: {  	v37 =	vsel vm2, $0x8109, v37;
	v36 =	vsel vm2, $0x8189, v36;
	v38 =	vsel vm2, $0x8209, v38  }
0xc6: {  	v40 =	vsel vm2, $0x8289, v40;
	v39 =	vsel vm2, $0x8309, v39;
	v41 =	vsel vm2, $0x8389, v41  }
0xc7: {  	v43 =	vsel vm2, $0xA009, v43;
	v42 =	vsel vm2, $0xA089, v42;
	v44 =	vsel vm2, $0xA109, v44  }
0xc8: {  	v46 =	vsel vm2, $0xA189, v46;
	v45 =	vsel vm2, $0xA209, v45;
	v47 =	vsel vm2, $0xA289, v47  }
0xc9: {  	v49 =	vsel vm2, $0xA309, v49;
	v48 =	vsel vm2, $0xA389, v48;
	vm2 =	vcmask $0x2F2C  }
0xca: {  	v52 =	vunpack.c.l.s4.s8 v2;
	v50 =	vsel vm2, $0x10A, v50;
	v51 =	vsel vm2, $0x18A, v51  }
0xcb: {  	v7 =	vsel vm2, $0x20A, v7;
	v6 =	vsel vm2, $0x28A, v6;
	v8 =	vsel vm2, $0x30A, v8  }
0xcc: {  	v10 =	vsel vm2, $0x38A, v10;
	v9 =	vsel vm2, $0x200A, v9;
	v11 =	vsel vm2, $0x208A, v11  }
0xcd: {  	v13 =	vsel vm2, $0x210A, v13;
	v12 =	vsel vm2, $0x218A, v12;
	v14 =	vsel vm2, $0x220A, v14  }
0xce: {  	v16 =	vsel vm2, $0x228A, v16;
	v15 =	vsel vm2, $0x230A, v15;
	v17 =	vsel vm2, $0x238A, v17  }
0xcf: {  	v19 =	vsel vm2, $0x400A, v19;
	v18 =	vsel vm2, $0x408A, v18;
	v20 =	vsel vm2, $0x410A, v20  }
0xd0: {  	v22 =	vsel vm2, $0x418A, v22;
	v21 =	vsel vm2, $0x420A, v21;
	v23 =	vsel vm2, $0x428A, v23  }
0xd1: {  	v25 =	vsel vm2, $0x430A, v25;
	v24 =	vsel vm2, $0x438A, v24;
	v26 =	vsel vm2, $0x600A, v26  }
0xd2: {  	v28 =	vsel vm2, $0x608A, v28;
	v27 =	vsel vm2, $0x610A, v27;
	v29 =	vsel vm2, $0x618A, v29  }
0xd3: {  	v31 =	vsel vm2, $0x620A, v31;
	v30 =	vsel vm2, $0x628A, v30;
	v32 =	vsel vm2, $0x630A, v32  }
0xd4: {  	v34 =	vsel vm2, $0x638A, v34;
	v33 =	vsel vm2, $0x800A, v33;
	v35 =	vsel vm2, $0x808A, v35  }
0xd5: {  	v37 =	vsel vm2, $0x810A, v37;
	v36 =	vsel vm2, $0x818A, v36;
	v38 =	vsel vm2, $0x820A, v38  }
0xd6: {  	v40 =	vsel vm2, $0x828A, v40;
	v39 =	vsel vm2, $0x830A, v39;
	v41 =	vsel vm2, $0x838A, v41  }
0xd7: {  	v43 =	vsel vm2, $0xA00A, v43;
	v42 =	vsel vm2, $0xA08A, v42;
	v44 =	vsel vm2, $0xA10A, v44  }
0xd8: {  	v46 =	vsel vm2, $0xA18A, v46;
	v45 =	vsel vm2, $0xA20A, v45;
	v47 =	vsel vm2, $0xA28A, v47  }
0xd9: {  	v49 =	vsel vm2, $0xA30A, v49;
	v48 =	vsel vm2, $0xA38A, v48;
	vm2 =	vcmask $0x3330  }
0xda: {  	v52 =	vunpack.c.0.s8.s32 v52;
	v50 =	vsel vm2, $0x10B, v50;
	v51 =	vsel vm2, $0x18B, v51  }
0xdb: {  	v7 =	vsel vm2, $0x20B, v7;
	v6 =	vsel vm2, $0x28B, v6;
	v8 =	vsel vm2, $0x30B, v8  }
0xdc: {  	v10 =	vsel vm2, $0x38B, v10;
	v9 =	vsel vm2, $0x200B, v9;
	v11 =	vsel vm2, $0x208B, v11  }
0xdd: {  	v13 =	vsel vm2, $0x210B, v13;
	v12 =	vsel vm2, $0x218B, v12;
	v14 =	vsel vm2, $0x220B, v14  }
0xde: {  	v16 =	vsel vm2, $0x228B, v16;
	v15 =	vsel vm2, $0x230B, v15;
	v17 =	vsel vm2, $0x238B, v17  }
0xdf: {  	v19 =	vsel vm2, $0x400B, v19;
	v18 =	vsel vm2, $0x408B, v18;
	v20 =	vsel vm2, $0x410B, v20  }
0xe0: {  	v22 =	vsel vm2, $0x418B, v22;
	v21 =	vsel vm2, $0x420B, v21;
	v23 =	vsel vm2, $0x428B, v23  }
0xe1: {  	v25 =	vsel vm2, $0x430B, v25;
	v24 =	vsel vm2, $0x438B, v24;
	v26 =	vsel vm2, $0x600B, v26  }
0xe2: {  	v28 =	vsel vm2, $0x608B, v28;
	v27 =	vsel vm2, $0x610B, v27;
	v29 =	vsel vm2, $0x618B, v29  }
0xe3: {  	v31 =	vsel vm2, $0x620B, v31;
	v30 =	vsel vm2, $0x628B, v30;
	v32 =	vsel vm2, $0x630B, v32  }
0xe4: {  	v34 =	vsel vm2, $0x638B, v34;
	v33 =	vsel vm2, $0x800B, v33;
	v35 =	vsel vm2, $0x808B, v35  }
0xe5: {  	v37 =	vsel vm2, $0x810B, v37;
	v36 =	vsel vm2, $0x818B, v36;
	v38 =	vsel vm2, $0x820B, v38  }
0xe6: {  	v40 =	vsel vm2, $0x828B, v40;
	v39 =	vsel vm2, $0x830B, v39;
	v41 =	vsel vm2, $0x838B, v41  }
0xe7: {  	v43 =	vsel vm2, $0xA00B, v43;
	v42 =	vsel vm2, $0xA08B, v42;
	v44 =	vsel vm2, $0xA10B, v44  }
0xe8: {  	v46 =	vsel vm2, $0xA18B, v46;
	v45 =	vsel vm2, $0xA20B, v45;
	v47 =	vsel vm2, $0xA28B, v47  }
0xe9: {  	v49 =	vsel vm2, $0xA30B, v49;
	v48 =	vsel vm2, $0xA38B, v48;
	vm2 =	vcmask $0x3734  }
0xea: {  	v61 =	vand.u32 $0x7, v3;
	v5 =	vcombine.low v52, v5;
	v52 =	vsel vm2, $0x8C, v4  }
0xeb: {  	v50 =	vsel vm2, $0x10C, v50;
	v51 =	vsel vm2, $0x18C, v51;
	v53 =	vsel vm2, $0x20C, v7  }
0xec: {  	v54 =	vsel vm2, $0x28C, v6;
	v55 =	vsel vm2, $0x30C, v8;
	v56 =	vsel vm2, $0x38C, v10  }
0xed: {  	v57 =	vsel vm2, $0x200C, v9;
	v58 =	vsel vm2, $0x208C, v11;
	v59 =	vsel vm2, $0x210C, v13  }
0xee: {  	[tilespmem:$0x1FCB0] =	vst v62;
	v13 =	vsel vm2, $0x218C, v12;
	v14 =	vsel vm2, $0x220C, v14;
	v62 =	vsel vm2, $0x228C, v16  }
0xef: {  	v1 =	vsel vm2, $0x230C, v15;
	v2 =	vsel vm2, $0x238C, v17;
	v60 =	vsel vm2, $0x400C, v19  }
0xf0: {  	[tilespmem:$0x1FCA0] =	vst v61;
	v6 =	vsel vm2, $0x408C, v18;
	v7 =	vsel vm2, $0x410C, v20;
	v61 =	vsel vm2, $0x418C, v22  }
0xf1: {  	v8 =	vsel vm2, $0x420C, v21;
	v9 =	vsel vm2, $0x428C, v23;
	v63 =	vsel vm2, $0x430C, v25  }
0xf2: {  	v10 =	vsel vm2, $0x438C, v24;
	v11 =	vsel vm2, $0x600C, v26;
	v28 =	vsel vm2, $0x608C, v28  }
0xf3: {  	v12 =	vsel vm2, $0x610C, v27;
	v27 =	vsel vm2, $0x620C, v31;
	v15 =	vsel vm2, $0x630C, v32  }
0xf4: {  	v16 =	vsel vm2, $0x800C, v33;
	v17 =	vsel vm2, $0x808C, v35;
	v37 =	vsel vm2, $0x810C, v37  }
0xf5: {  	v18 =	vsel vm2, $0x818C, v36;
	v19 =	vsel vm2, $0x820C, v38;
	v40 =	vsel vm2, $0x828C, v40  }
0xf6: {  	v20 =	vsel vm2, $0x830C, v39;
	v21 =	vsel vm2, $0x838C, v41;
	v41 =	vsel vm2, $0xA00C, v43  }
0xf7: {  	s0 =	rddreg [dreg:$0x0];
	s3 =	simm.s32 $0x0;
	v22 =	vsel vm2, $0xA08C, v42;
	v23 =	vsel vm2, $0xA10C, v44;
	v42 =	vsel vm2, $0xA18C, v46;
	[tilespmem:$0x1FCD0] =	vst v13  }
0xf8: {  	[smem:$0x7FF] =	sst s3;
	v24 =	vsel vm2, $0xA20C, v45;
	v25 =	vsel vm2, $0xA28C, v47;
	v44 =	vsel vm2, $0xA30C, v49;
	[tilespmem:$0x1FCE0] =	vst v14  }
0xf9: {  	s1 =	rddreg [dreg:$0x1];
	v26 =	vsel vm2, $0xA38C, v48;
	v49 =	vor.u32 $0x8, v3;
	v13 =	vsel vm2, $0x618C, v29;
	_ =	strace $0x80000047;
	[tilespmem:$0x1FDD0] =	vst v37  }
0xfa: {  	v14 =	vsel vm2, $0x628C, v30;
	v29 =	vsel vm2, $0x638C, v34;
	vm2 =	vcmask $0x3B38;
	[tilespmem:$0x1FDF0] =	vst v40  }
0xfb: {  	[tilespmem:$0x1FCC0] =	vst v49;
	v35 =	vsel vm2, $0x30D, v55;
	v55 =	vsel vm2, $0x228D, v62  }
0xfc: {  	v36 =	vsel vm2, $0x38D, v56;
	v56 =	vsel vm2, $0x230D, v1;
	[tilespmem:$0x1FD00] =	vst v55  }
0xfd: {  	v37 =	vsel vm2, $0x200D, v57;
	v57 =	vsel vm2, $0x238D, v2;
	[tilespmem:$0x1FD10] =	vst v56  }
0xfe: {  	v38 =	vsel vm2, $0x208D, v58;
	v58 =	vsel vm2, $0x400D, v60;
	[tilespmem:$0x1FD20] =	vst v57  }
0xff: {  	v39 =	vsel vm2, $0x210D, v59;
	v59 =	vsel vm2, $0x408D, v6;
	[tilespmem:$0x1FD30] =	vst v58  }
0x100: {  	v60 =	vsel vm2, $0x410D, v7;
	[tilespmem:$0x1FD40] =	vst v59  }
0x101: {  	v61 =	vsel vm2, $0x418D, v61;
	[tilespmem:$0x1FD50] =	vst v60  }
0x102: {  	v62 =	vsel vm2, $0x420D, v8;
	[tilespmem:$0x1FD60] =	vst v61  }
0x103: {  	v8 =	vsel vm2, $0x428D, v9;
	[tilespmem:$0x1FD70] =	vst v62  }
0x104: {  	v9 =	vsel vm2, $0x430D, v63;
	[tilespmem:$0x1FD80] =	vst v8  }
0x105: {  	v10 =	vsel vm2, $0x438D, v10;
	[tilespmem:$0x1FD90] =	vst v9  }
0x106: {  	v30 =	vsel vm2, $0x8D, v52;
	v52 =	vsel vm2, $0x610D, v12;
	v12 =	vsel vm2, $0x808D, v17;
	[tilespmem:$0x1FDA0] =	vst v10  }
0x107: {  	v47 =	vsel vm2, $0xA18D, v42;
	[tilespmem:$0x1FDC0] =	vst v12  }
0x108: {  	[tilespmem:$0x1FE00] =	vst v47  }
0x109: {  	v32 =	vsel vm2, $0x18D, v51;
	[tilespmem:$0x1FE10] =	vst v30  }
0x10a: {  	[tilespmem:$0x1FE20] =	vst v32  }
0x10b: {  	[tilespmem:$0x1FE30] =	vst v35  }
0x10c: {  	v34 =	vsel vm2, $0x28D, v54;
	[tilespmem:$0x1FE40] =	vst v36  }
0x10d: {  	v31 =	vsel vm2, $0x10D, v50;
	[tilespmem:$0x1FE50] =	vst v34  }
0x10e: {  	[tilespmem:$0x1FE90] =	vst v31  }
0x10f: {  	v33 =	vsel vm2, $0x20D, v53;
	[tilespmem:$0x1FEA0] =	vst v52  }
0x110: {  	[tilespmem:$0x1FEB0] =	vst v33  }
0x111: {  	v51 =	vsel vm2, $0x620D, v27;
	[tilespmem:$0x1FED0] =	vst v37  }
0x112: {  	[tilespmem:$0x1FEE0] =	vst v51  }
0x113: {  	[tilespmem:$0x1FEF0] =	vst v39  }
0x114: {  	v46 =	vsel vm2, $0xA10D, v23;
	[tilespmem:$0x1FF10] =	vst v38  }
0x115: {  	v48 =	vsel vm2, $0xA28D, v25;
	[tilespmem:$0x1FFB0] =	vst v46  }
0x116: {  	v57 =	vsel vm2, $0x600D, v11;
	v11 =	vsel vm2, $0x638D, v29;
	[tilespmem:$0x1FFD0] =	vst v48  }
0x117: {  	v55 =	vsel vm2, $0x628D, v14;
	v14 =	vsel vm2, $0x818D, v18;
	[tilespmem:$0x1FDB0] =	vst v11  }
0x118: {  	[tilespmem:$0x1FDE0] =	vst v14  }
0x119: {  	v58 =	vsel vm2, $0x608D, v28;
	[tilespmem:$0x1FE60] =	vst v57  }
0x11a: {  	v59 =	vsel vm2, $0x618D, v13;
	[tilespmem:$0x1FE80] =	vst v58  }
0x11b: {  	[tilespmem:$0x1FEC0] =	vst v59  }
0x11c: {  	s2 =	srdreg.scid;
	s8 =	stileid.u32;
	v60 =	vsel vm2, $0x630D, v15;
	[tilespmem:$0x1FF00] =	vst v55  }
0x11d: {  	s11 =	simm.s32 $0x3;
	s12 =	simm.s32 $0x1000;
	s17 =	simm.s32 $0x1;
	v61 =	vsel vm2, $0x800D, v16;
	[tilespmem:$0x1FF20] =	vst v60  }
0x11e: {  	s18 =	simm.s32 $0xF000;
	s9 =	simm.s32 $0x17000;
	s10 =	simm.s32 $0x17800;
	v15 =	vsel vm2, $0x820D, v19;
	[tilespmem:$0x1FF30] =	vst v61  }
0x11f: {  	s13 =	simm.s32 $0x18000;
	s14 =	simm.s32 $0x18800;
	s15 =	simm.s32 $0x19000;
	v54 =	vld [tilespmem:$0x1FCE0];
	v29 =	vsel vm2, $0x830D, v20;
	[tilespmem:$0x1FF50] =	vst v15  }
0x120: {  	s16 =	simm.s32 $0x19800;
	s19 =	simm.s32 $0x1A000;
	s20 =	simm.s32 $0x1A800;
	v53 =	vld [tilespmem:$0x1FCD0];
	v18 =	vsel vm2, $0x838D, v21;
	[tilespmem:$0x1FF70] =	vst v29  }
0x121: {  	s21 =	simm.s32 $0x1B000;
	s22 =	simm.s32 $0x1B800;
	s23 =	simm.s32 $0x1C000;
	v13 =	vld [tilespmem:$0x1FDD0];
	v19 =	vsel vm2, $0xA00D, v41;
	[tilespmem:$0x1FF80] =	vst v18  }
0x122: {  	s28 =	simm.s32 $0x1D000;
	s29 =	simm.s32 $0x2;
	s2 =	sand.u32 $0x1, s2;
	v16 =	vld [tilespmem:$0x1FDF0];
	v41 =	vsel vm2, $0xA08D, v22;
	[tilespmem:$0x1FF90] =	vst v19  }
0x123: {  	s4 =	sshll.u32 s8, $0xA;
	s7 =	sadd.s32 $0x200, s1;
	s30 =	sshll.u32 s8, $0xD;
	v28 =	vsel vm2, $0xA20D, v24;
	[tilespmem:$0x1FFA0] =	vst v41  }
0x124: {  	s8 =	sadd.s32 $0x300, s1;
	s5 =	sshll.u32 s2, $0x9;
	s24 =	ssub.s32 $0x2, s2;
	[tilespmem:$0x1FFC0] =	vst v28;
	v0 =	vsel vm2, $0x220D, v54  }
0x125: {  	s2 =	sshll.u32 s2, $0xC;
	s4 =	sor.u32 s5, s4;
	s25 =	sshrl.u32 s24, $0x1;
	v40 =	vsel vm2, $0x218D, v53;
	[tilespmem:$0x1FCF0] =	vst v0  }
.Ltmp0:
0x126: {  	s31 =	sor.u32 s2, s30;
	s6 =	sadd.s32 s4, s0;
	v56 =	vsel vm2, $0x810D, v13;
	[tilespmem:$0x1FE70] =	vst v40;
	(pc) =	sbr.rel .LBB2_1-.Ltmp0, $4  }
0x127: {  	s4 =	sadd.s32 $0x4800, s0;
	s0 =	ssub.s32 s24, s25;
	s26 =	sadd.s32 $0x800, s6;
	v17 =	vsel vm2, $0x828D, v16;
	[tilespmem:$0x1FF40] =	vst v56  }
0x128: {  	s2 =	simm.s32 $0x0;
	s0 =	smax.u32 s0, $0x1;
	[dreg:$0x3] =	wrdreg s26;
	v53 =	vsel vm2, $0xA30D, v44;
	[tilespmem:$0x1FF60] =	vst v17  }
0x129: {  	s24 =	simm.s32 $0x1C800;
	s25 =	simm.s32 $0x80;
	[dreg:$0x4] =	wrdreg s0;
	v54 =	vsel vm2, $0xA38D, v26;
	[tilespmem:$0x1FFE0] =	vst v53  }
0x12a: {  	s6 =	sadd.s32 $0x100, s1;
	vm1 =	vmmov $0xffff;
	v4 =	vand.u32 $0xF, v5;
	[dreg:$0x5] =	wrdreg s31;
	s26 =	simm.s32 $0x400;
	vm2 =	vmmov $0x1;
	[tilespmem:$0x1FFF0] =	vst v54  }
.LBB2_5:
0x12b: {  	s2 =	rddreg [dreg:$0x6]  }
0x12c: {  	s0 =	rddreg [dreg:$0x4];
	s2 =	sadd.s32 $0x1, s2  }
0x12d: {  	p0 =	sne.s32 s2, s0  }
.Ltmp1:
0x12e: {  	_ = 	snop;
	(pc) =	sbr.rel @!p0 .LBB2_6-.Ltmp1, $1  }
0x12f: {  	_ =	sdelay $0x3  }
.LBB2_1:
0x130: {  	[dreg:$0x6] =	wrdreg s2  }
0x131: {  	s0 =	rddreg [dreg:$0x3]  }
0x132: {  	[tilespmem:s3], [sflag:$0x3] =	stream.linear.gather [hbm4b:s0+s3], $0x1000, $0x38;
	[tilespmem:$0x1D800] =	vst v63  }
0x133: {  	_ =	swait.ge [sflag:s11], $0x1000  }
0x134: {  	[sflag:s11] =	ssyncset.done $0x0  }
0x135: {  	[sflag:s11] =	ssyncadd.s32 $0xFFFFF000  }
0x136: {  	v53 =	vld [tilespmem:$0x0];
	_ =	sdelay $0x2  }
0x137: {  	v0 =	vld [tilespmem:$0x1FCA0];
	_ =	sdelay $0x1  }
0x138: {  	v2 =	vld [tilespmem:$0x1FCB0];
	v54 =	vshll.u32 v53, $0x3  }
0x139: {  	v53 =	vand.u32 $0x7, v53;
	v54 =	vand.u32 $0xFFFFFFC0, v54  }
0x13a: {  	v53 =	vor.u32 v53, v54  }
0x13b: {  	v54 =	vperm.xlane v53, v0;
	_ =	sdelay $0x1  }
0x13c: {  	v54 =	vadd.s32 v2, v54  }
0x13d: {  	v1 =	vld [tilespmem:$0x1FCC0];
	_ =	sdelay $0x3  }
0x13e: {  	[tilespmem:s12], [sflag:$0x1] =	stream.indirect_vreg.gather [hbm4b:s1+s3], $0x80, v54, vm1, $0xb8;
	[tilespmem:$0x1D800] =	vst v63  }
0x13f: {  	s5 =	simm.s32 $0x1800;
	v53 =	vperm.xlane v53, v1  }
0x140: {  	[tilespmem:s5], [sflag:$0x1] =	stream.indirect_vreg.gather [hbm4b:s6+s3], $0x80, v54, vm1, $0xb8;
	[tilespmem:$0x1D800] =	vst v63  }
0x141: {  	s2 =	simm.s32 $0x2000;
	v53 =	vadd.s32 v2, v53  }
0x142: {  	[tilespmem:s2], [sflag:$0x1] =	stream.indirect_vreg.gather [hbm4b:s7+s3], $0x80, v54, vm1, $0xb8;
	[tilespmem:$0x1D800] =	vst v63  }
0x143: {  	s5 =	simm.s32 $0x2800  }
0x144: {  	[tilespmem:s5], [sflag:$0x1] =	stream.indirect_vreg.gather [hbm4b:s8+s3], $0x80, v54, vm1, $0xb8;
	[tilespmem:$0x1D800] =	vst v63  }
0x145: {  	s2 =	simm.s32 $0x3000  }
0x146: {  	[tilespmem:s2], [sflag:$0x1] =	stream.indirect_vreg.gather [hbm4b:s1+s3], $0x80, v53, vm1, $0xb8;
	[tilespmem:$0x1D800] =	vst v63  }
0x147: {  	s5 =	simm.s32 $0x3800  }
0x148: {  	[tilespmem:s5], [sflag:$0x1] =	stream.indirect_vreg.gather [hbm4b:s6+s3], $0x80, v53, vm1, $0xb8;
	[tilespmem:$0x1D800] =	vst v63  }
0x149: {  	s2 =	simm.s32 $0x4000  }
0x14a: {  	[tilespmem:s2], [sflag:$0x1] =	stream.indirect_vreg.gather [hbm4b:s7+s3], $0x80, v53, vm1, $0xb8;
	[tilespmem:$0x1D800] =	vst v63  }
0x14b: {  	s5 =	simm.s32 $0x4800  }
0x14c: {  	[tilespmem:s5], [sflag:$0x1] =	stream.indirect_vreg.gather [hbm4b:s8+s3], $0x80, v53, vm1, $0xb8;
	[tilespmem:$0x1D800] =	vst v63  }
0x14d: {  	v53 =	vld.msk [tilespmem:$0x10], $0xff;
	_ =	sdelay $0x4  }
0x14e: {  	v50 =	vshll.u32 v53, $0x3  }
0x14f: {  	v53 =	vand.u32 $0x7, v53;
	v54 =	vand.u32 $0xFFFFFFC0, v50  }
0x150: {  	v53 =	vor.u32 v53, v54  }
0x151: {  	v53 =	vperm.xlane v53, v0;
	_ =	sdelay $0x1  }
0x152: {  	v53 =	vadd.s32 v2, v53;
	_ =	sdelay $0x3  }
0x153: {  	s2 =	simm.s32 $0x5000  }
0x154: {  	[tilespmem:s2], [sflag:$0x1] =	stream.indirect_vreg.gather [hbm4b:s1+s3], $0x80, v53, vm1, $0xb8;
	[tilespmem:$0x1D800] =	vst v63  }
0x155: {  	s5 =	simm.s32 $0x5800  }
0x156: {  	[tilespmem:s5], [sflag:$0x1] =	stream.indirect_vreg.gather [hbm4b:s6+s3], $0x80, v53, vm1, $0xb8;
	[tilespmem:$0x1D800] =	vst v63  }
0x157: {  	s2 =	simm.s32 $0x6000  }
0x158: {  	[tilespmem:s2], [sflag:$0x1] =	stream.indirect_vreg.gather [hbm4b:s7+s3], $0x80, v53, vm1, $0xb8;
	[tilespmem:$0x1D800] =	vst v63  }
0x159: {  	s5 =	simm.s32 $0x6800  }
0x15a: {  	[tilespmem:s5], [sflag:$0x1] =	stream.indirect_vreg.gather [hbm4b:s8+s3], $0x80, v53, vm1, $0xb8;
	[tilespmem:$0x1D800] =	vst v63  }
0x15b: {  	v53 =	vld [tilespmem:$0x18];
	_ =	sdelay $0x4  }
0x15c: {  	v62 =	vshll.u32 v53, $0x3  }
0x15d: {  	v53 =	vand.u32 $0x7, v53;
	v54 =	vand.u32 $0xFFFFFFC0, v62  }
0x15e: {  	v53 =	vor.u32 v53, v54  }
0x15f: {  	v54 =	vperm.xlane v53, v0;
	_ =	sdelay $0x1  }
0x160: {  	v54 =	vadd.s32 v2, v54;
	_ =	sdelay $0x3  }
0x161: {  	s2 =	simm.s32 $0x7000  }
0x162: {  	[tilespmem:s2], [sflag:$0x1] =	stream.indirect_vreg.gather [hbm4b:s1+s3], $0x80, v54, vm1, $0xb8;
	[tilespmem:$0x1D800] =	vst v63  }
0x163: {  	s5 =	simm.s32 $0x7800;
	v53 =	vperm.xlane v53, v1  }
0x164: {  	[tilespmem:s5], [sflag:$0x1] =	stream.indirect_vreg.gather [hbm4b:s6+s3], $0x80, v54, vm1, $0xb8;
	[tilespmem:$0x1D800] =	vst v63  }
0x165: {  	v53 =	vadd.s32 v2, v53;
	s2 =	simm.s32 $0x8000  }
0x166: {  	[tilespmem:s2], [sflag:$0x1] =	stream.indirect_vreg.gather [hbm4b:s7+s3], $0x80, v54, vm1, $0xb8;
	[tilespmem:$0x1D800] =	vst v63  }
0x167: {  	s5 =	simm.s32 $0x8800  }
0x168: {  	[tilespmem:s5], [sflag:$0x1] =	stream.indirect_vreg.gather [hbm4b:s8+s3], $0x80, v54, vm1, $0xb8;
	[tilespmem:$0x1D800] =	vst v63  }
0x169: {  	s2 =	simm.s32 $0x9000  }
0x16a: {  	[tilespmem:s2], [sflag:$0x1] =	stream.indirect_vreg.gather [hbm4b:s1+s3], $0x80, v53, vm1, $0xb8;
	[tilespmem:$0x1D800] =	vst v63  }
0x16b: {  	s5 =	simm.s32 $0x9800  }
0x16c: {  	[tilespmem:s5], [sflag:$0x1] =	stream.indirect_vreg.gather [hbm4b:s6+s3], $0x80, v53, vm1, $0xb8;
	[tilespmem:$0x1D800] =	vst v63  }
0x16d: {  	s2 =	simm.s32 $0xA000  }
0x16e: {  	[tilespmem:s2], [sflag:$0x1] =	stream.indirect_vreg.gather [hbm4b:s7+s3], $0x80, v53, vm1, $0xb8;
	[tilespmem:$0x1D800] =	vst v63  }
0x16f: {  	s5 =	simm.s32 $0xA800  }
0x170: {  	[tilespmem:s5], [sflag:$0x1] =	stream.indirect_vreg.gather [hbm4b:s8+s3], $0x80, v53, vm1, $0xb8;
	[tilespmem:$0x1D800] =	vst v63  }
0x171: {  	v53 =	vld.msk [tilespmem:$0x28], $0x3ff;
	_ =	sdelay $0x4  }
0x172: {  	v63 =	vshll.u32 v53, $0x3  }
0x173: {  	v53 =	vand.u32 $0x7, v53;
	v54 =	vand.u32 $0xFFFFFFC0, v63  }
0x174: {  	v53 =	vor.u32 v53, v54  }
0x175: {  	v54 =	vperm.xlane v53, v0;
	_ =	sdelay $0x1  }
0x176: {  	v54 =	vadd.s32 v2, v54;
	_ =	sdelay $0x3  }
0x177: {  	s2 =	simm.s32 $0xB000  }
0x178: {  	[tilespmem:s2], [sflag:$0x1] =	stream.indirect_vreg.gather [hbm4b:s1+s3], $0x80, v54, vm1, $0xb8;
	[tilespmem:$0x1D800] =	vst v63  }
0x179: {  	s5 =	simm.s32 $0xB800;
	v53 =	vperm.xlane v53, v1  }
0x17a: {  	[tilespmem:s5], [sflag:$0x1] =	stream.indirect_vreg.gather [hbm4b:s6+s3], $0x80, v54, vm1, $0xb8;
	[tilespmem:$0x1D800] =	vst v63  }
0x17b: {  	v53 =	vadd.s32 v2, v53;
	s2 =	simm.s32 $0xC000  }
0x17c: {  	[tilespmem:s2], [sflag:$0x1] =	stream.indirect_vreg.gather [hbm4b:s7+s3], $0x80, v54, vm1, $0xb8;
	[tilespmem:$0x1D800] =	vst v63  }
0x17d: {  	s5 =	simm.s32 $0xC800  }
0x17e: {  	[tilespmem:s5], [sflag:$0x1] =	stream.indirect_vreg.gather [hbm4b:s8+s3], $0x80, v54, vm1, $0xb8;
	[tilespmem:$0x1D800] =	vst v63  }
0x17f: {  	s2 =	simm.s32 $0xD000  }
0x180: {  	[tilespmem:s2], [sflag:$0x1] =	stream.indirect_vreg.gather [hbm4b:s1+s3], $0x80, v53, vm0, $0xb8;
	[tilespmem:$0x1D800] =	vst v63  }
0x181: {  	s5 =	simm.s32 $0xD800  }
0x182: {  	[tilespmem:s5], [sflag:$0x1] =	stream.indirect_vreg.gather [hbm4b:s6+s3], $0x80, v53, vm0, $0xb8;
	[tilespmem:$0x1D800] =	vst v63  }
.Ltmp2:
0x183: {  	v3 =	vld [tilespmem:$0x1FD70];
	(pc) =	sbr.rel .LBB2_2-.Ltmp2, $4  }
0x184: {  	s30 =	simm.s32 $0x98;
	v41 =	vld [tilespmem:$0x1FD90];
	s2 =	simm.s32 $0xE000  }
0x185: {  	v42 =	vld [tilespmem:$0x1FDA0];
	[tilespmem:s2], [sflag:$0x1] =	stream.indirect_vreg.gather [hbm4b:s7+s3], $0x80, v53, vm0, $0xb8  }
0x186: {  	s0 =	simm.s32 $0x0;
	s31 =	rddreg [dreg:$0x5];
	v46 =	vld [tilespmem:$0x1FE00];
	s5 =	simm.s32 $0xE800  }
0x187: {  	v2 =	vld [tilespmem:$0x1FD80];
	[tilespmem:s5], [sflag:$0x1] =	stream.indirect_vreg.gather [hbm4b:s8+s3], $0x80, v53, vm0, $0xb8  }
.LBB2_4:
0x188: {  	v0 =	vld [tilespmem:$0x10C6F]  }
0x189: {  	v5 =	vld [tilespmem:$0x10CF0]  }
0x18a: {  	v6 =	vld [tilespmem:$0x10CEF]  }
0x18b: {  	v7 =	vld [tilespmem:$0x10D70]  }
0x18c: {  	v8 =	vld [tilespmem:$0x10D6F]  }
0x18d: {  	v9 =	vld [tilespmem:$0x10DF0]  }
0x18e: {  	v10 =	vld [tilespmem:$0x10DEF]  }
0x18f: {  	v11 =	vld [tilespmem:$0x10E70]  }
0x190: {  	v12 =	vld [tilespmem:$0x10E6F]  }
0x191: {  	v13 =	vld [tilespmem:$0x10EF0]  }
0x192: {  	v14 =	vld [tilespmem:$0x10EEF]  }
0x193: {  	v15 =	vld [tilespmem:$0x10F70]  }
0x194: {  	v16 =	vld [tilespmem:$0x10F6F]  }
0x195: {  	v17 =	vld [tilespmem:$0x10FF0]  }
0x196: {  	v18 =	vld [tilespmem:$0x10FEF]  }
0x197: {  	v19 =	vld [tilespmem:$0x12C70]  }
0x198: {  	v20 =	vld [tilespmem:$0x12C6F]  }
0x199: {  	v21 =	vld [tilespmem:$0x12CF0]  }
0x19a: {  	v22 =	vld [tilespmem:$0x12CEF]  }
0x19b: {  	v23 =	vld [tilespmem:$0x12D70]  }
0x19c: {  	v24 =	vld [tilespmem:$0x12D6F]  }
0x19d: {  	v25 =	vld [tilespmem:$0x12DF0]  }
0x19e: {  	v26 =	vld [tilespmem:$0x12DEF]  }
0x19f: {  	v27 =	vld [tilespmem:$0x12E70]  }
0x1a0: {  	v28 =	vld [tilespmem:$0xF080]  }
0x1a1: {  	v29 =	vld [tilespmem:$0xF100]  }
0x1a2: {  	v30 =	vld [tilespmem:$0xF180]  }
0x1a3: {  	v31 =	vld [tilespmem:$0xF200]  }
0x1a4: {  	v32 =	vld [tilespmem:$0xF280]  }
0x1a5: {  	v33 =	vld [tilespmem:$0xF300]  }
0x1a6: {  	v34 =	vld [tilespmem:$0xF380]  }
0x1a7: {  	v37 =	vld [tilespmem:$0x11100]  }
0x1a8: {  	v38 =	vld [tilespmem:$0x11180]  }
0x1a9: {  	v1 =	vld [tilespmem:$0x1FC90]  }
0x1aa: {  	v46 =	vld [tilespmem:$0x1FE10]  }
0x1ab: {  	v43 =	vld [tilespmem:$0x1FE90]  }
0x1ac: {  	v45 =	vld [tilespmem:$0x1FEB0]  }
0x1ad: {  	v44 =	vld [tilespmem:$0x1FE50]  }
0x1ae: {  	v47 =	vld [tilespmem:$0x1FE30]  }
0x1af: {  	v48 =	vld [tilespmem:$0x1FE40];
	v0 =	vmul.f32 v5, v0;
	v6 =	vmul.f32 v7, v6  }
0x1b0: {  	v50 =	vld [tilespmem:$0x1FF10];
	v8 =	vmul.f32 v9, v8;
	v41 =	vmul.f32 v11, v10  }
0x1b1: {  	v49 =	vld [tilespmem:$0x1FED0];
	v42 =	vmul.f32 v13, v12;
	v14 =	vmul.f32 v15, v14  }
0x1b2: {  	v51 =	vld [tilespmem:$0x1FEF0];
	v16 =	vmul.f32 v17, v16;
	v62 =	vmul.f32 v19, v18  }
0x1b3: {  	v63 =	vmul.f32 v21, v20;
	v22 =	vmul.f32 v23, v22;
	v52 =	vld.idx.msk [tilespmem:v1+s18+$0x0], $0xffff  }
0x1b4: {  	v0 =	vperm.xlane v0, v4;
	v6 =	vperm.xlane v6, v4;
	v1 =	vld [tilespmem:$0x1FE20]  }
0x1b5: {  	v8 =	vperm.xlane v8, v4;
	v9 =	vperm.xlane v41, v4;
	v53 =	vld.idx.msk [tilespmem:v46+s18+$0x0], $0xffff  }
0x1b6: {  	v11 =	vperm.xlane v42, v4;
	v14 =	vperm.xlane v14, v4;
	v56 =	vld.idx.msk [tilespmem:v45+s18+$0x0], $0xffff  }
0x1b7: {  	v16 =	vperm.xlane v16, v4;
	v17 =	vperm.xlane v62, v4;
	v57 =	vld.idx.msk [tilespmem:v44+s18+$0x0], $0xffff  }
0x1b8: {  	v19 =	vperm.xlane v63, v4;
	v41 =	vmul.f32 v25, v24;
	v5 =	vld.idx.msk [tilespmem:v50+s18+$0x0], $0xffff  }
0x1b9: {  	v42 =	vmul.f32 v27, v26;
	v22 =	vperm.xlane v22, v4;
	v58 =	vld.idx.msk [tilespmem:v47+s18+$0x0], $0xffff  }
0x1ba: {  	v54 =	vld.idx.msk [tilespmem:v43+s18+$0x0], $0xffff;
	v23 =	vperm.xlane v41, v4;
	v28 =	vmul.f32 v52, v28  }
0x1bb: {  	v61 =	vld.idx.msk [tilespmem:v51+s18+$0x0], $0xffff;
	v25 =	vperm.xlane v42, v4;
	v63 =	vmul.f32 v53, v29  }
0x1bc: {  	v56 =	vmul.f32 v56, v32;
	v62 =	vperm.xlane v28, v4;
	v55 =	vld.idx.msk [tilespmem:v1+s18+$0x0], $0xffff  }
0x1bd: {  	v5 =	vmul.f32 v5, v37;
	v26 =	vperm.xlane v63, v4;
	v1 =	vld [tilespmem:$0x1FE70]  }
0x1be: {  	v35 =	vld [tilespmem:$0x11000];
	v42 =	vmul.f32 v57, v33;
	v58 =	vmul.f32 v58, v34;
	v0 =	vsel vm2, v0, v62  }
0x1bf: {  	v36 =	vld [tilespmem:$0x11080];
	v5 =	vperm.xlane v5, v4;
	v6 =	vsel vm2, v6, v26;
	v0 =	vmul.f32 v0, v29  }
0x1c0: {  	v59 =	vld.idx.msk [tilespmem:v48+s18+$0x0], $0xffff;
	v29 =	vmul.f32 v54, v30;
	v6 =	vmul.f32 v6, v30  }
0x1c1: {  	v60 =	vld.idx.msk [tilespmem:v49+s18+$0x0], $0xffff;
	v30 =	vperm.xlane v56, v4;
	v55 =	vmul.f32 v55, v31  }
0x1c2: {  	v39 =	vld [tilespmem:$0x11200];
	v61 =	vmul.f32 v61, v38;
	v5 =	vsel vm2, v22, v5;
	v29 =	vperm.xlane v29, v4  }
0x1c3: {  	v40 =	vld [tilespmem:$0x11280];
	v5 =	vmul.f32 v5, v38;
	v11 =	vsel vm2, v11, v30;
	v41 =	vperm.xlane v55, v4  }
0x1c4: {  	v2 =	vld [tilespmem:$0x1FCF0];
	v11 =	vmul.f32 v11, v33;
	v8 =	vsel vm2, v8, v29;
	v55 =	vperm.xlane v42, v4  }
0x1c5: {  	v8 =	vmul.f32 v8, v31;
	v42 =	vmul.f32 v59, v35;
	v7 =	vld.idx.msk [tilespmem:v1+s18+$0x0], $0xffff;
	v9 =	vsel vm2, v9, v41  }
0x1c6: {  	v3 =	vld [tilespmem:$0x1FD70];
	v14 =	vsel vm2, v14, v55;
	v55 =	vperm.xlane v58, v4;
	v58 =	vmul.f32 v60, v36  }
0x1c7: {  	v10 =	vld [tilespmem:$0x12E6F];
	v9 =	vmul.f32 v9, v32;
	v41 =	vmul.f32 v14, v34  }
0x1c8: {  	v13 =	vld [tilespmem:$0x12EEF];
	v6 =	vadd.f32 v11, v6;
	v59 =	vperm.xlane v42, v4;
	v11 =	vsel vm2, v16, v55  }
0x1c9: {  	v15 =	vld [tilespmem:$0x12F70];
	v60 =	vperm.xlane v58, v4;
	v0 =	vadd.f32 v9, v0;
	v8 =	vadd.f32 v41, v8  }
0x1ca: {  	v18 =	vld [tilespmem:$0x12F6F];
	v9 =	vsel vm2, v17, v59;
	v41 =	vperm.xlane v61, v4;
	v7 =	vmul.f32 v7, v39  }
0x1cb: {  	v20 =	vld [tilespmem:$0x12FF0];
	v11 =	vmul.f32 v11, v35;
	v16 =	vsel vm2, v19, v60;
	v9 =	vmul.f32 v9, v36  }
0x1cc: {  	v12 =	vld [tilespmem:$0x12EF0];
	v42 =	vmul.f32 v16, v37;
	v19 =	vsel vm2, v23, v41;
	v7 =	vperm.xlane v7, v4  }
0x1cd: {  	v21 =	vld [tilespmem:$0x12FEF];
	v0 =	vadd.f32 v11, v0;
	v6 =	vadd.f32 v9, v6;
	v55 =	vmul.f32 v19, v39  }
0x1ce: {  	v24 =	vld [tilespmem:$0x14C6F];
	v8 =	vadd.f32 v42, v8;
	v7 =	vsel vm2, v25, v7  }
0x1cf: {  	v27 =	vld [tilespmem:$0x14CF0];
	v0 =	vadd.f32 v5, v0;
	v5 =	vadd.f32 v55, v6;
	v6 =	vmul.f32 v7, v40  }
0x1d0: {  	v13 =	vmul.f32 v15, v13;
	v15 =	vmul.f32 v20, v18;
	v18 =	vld [tilespmem:$0x16C6F]  }
0x1d1: {  	v52 =	vld [tilespmem:$0x14C70];
	v0 =	vadd.f32 v5, v0;
	v6 =	vadd.f32 v6, v8  }
0x1d2: {  	v53 =	vld [tilespmem:$0x14D70]  }
0x1d3: {  	v57 =	vld [tilespmem:$0x14E70];
	v0 =	vadd.f32 v6, v0  }
0x1d4: {  	v28 =	vld [tilespmem:$0x14CEF]  }
0x1d5: {  	v63 =	vld [tilespmem:$0x14DEF];
	[tilespmem:$0x1D400] =	vst v0  }
0x1d6: {  	v35 =	vld.idx.msk [tilespmem:v2+s18+$0x0], $0xffff  }
0x1d7: {  	v2 =	vld [tilespmem:$0x1FD00]  }
0x1d8: {  	v62 =	vld [tilespmem:$0x14DF0]  }
0x1d9: {  	v26 =	vld [tilespmem:$0x11300]  }
0x1da: {  	v22 =	vld [tilespmem:$0x13000]  }
0x1db: {  	v54 =	vld [tilespmem:$0x14D6F]  }
0x1dc: {  	v56 =	vld [tilespmem:$0x14E6F]  }
0x1dd: {  	v20 =	vmul.f32 v52, v21;
	v21 =	vmul.f32 v27, v24;
	v24 =	vld [tilespmem:$0x16CF0]  }
0x1de: {  	v52 =	vld [tilespmem:$0x16CEF]  }
0x1df: {  	v36 =	vld.idx.msk [tilespmem:v2+s18+$0x0], $0xffff  }
0x1e0: {  	v2 =	vld [tilespmem:$0x1FD10]  }
0x1e1: {  	v30 =	vld [tilespmem:$0x14EEF]  }
0x1e2: {  	v33 =	vld [tilespmem:$0x14FF0]  }
0x1e3: {  	v29 =	vld [tilespmem:$0x14EF0]  }
0x1e4: {  	v31 =	vld [tilespmem:$0x14F70]  }
0x1e5: {  	v27 =	vmul.f32 v53, v28;
	v28 =	vmul.f32 v62, v54;
	v54 =	vld [tilespmem:$0x16D70]  }
0x1e6: {  	v32 =	vld [tilespmem:$0x14F6F]  }
0x1e7: {  	v14 =	vld [tilespmem:$0x14FEF]  }
0x1e8: {  	v37 =	vld.idx.msk [tilespmem:v2+s18+$0x0], $0xffff  }
0x1e9: {  	v2 =	vld [tilespmem:$0x1FD20]  }
0x1ea: {  	v34 =	vld [tilespmem:$0x16C70]  }
0x1eb: {  	v17 =	vld [tilespmem:$0x11280]  }
0x1ec: {  	v16 =	vld [tilespmem:$0x11380]  }
0x1ed: {  	v11 =	vld [tilespmem:$0x13100]  }
0x1ee: {  	v23 =	vld [tilespmem:$0x15000]  }
0x1ef: {  	v41 =	vld [tilespmem:$0x1FD90]  }
0x1f0: {  	v19 =	vld [tilespmem:$0x13080]  }
0x1f1: {  	v38 =	vld.idx.msk [tilespmem:v2+s18+$0x0], $0xffff  }
0x1f2: {  	v2 =	vld [tilespmem:$0x1FD30]  }
0x1f3: {  	v9 =	vld [tilespmem:$0x13200]  }
0x1f4: {  	v30 =	vmul.f32 v31, v30;
	v31 =	vmul.f32 v33, v32;
	v32 =	vld [tilespmem:$0x16DF0]  }
0x1f5: {  	v14 =	vmul.f32 v34, v14;
	v34 =	vld [tilespmem:$0x16E70]  }
0x1f6: {  	v33 =	vld [tilespmem:$0x18CEF]  }
0x1f7: {  	v42 =	vld [tilespmem:$0x1FDA0]  }
0x1f8: {  	v25 =	vld [tilespmem:$0x15080]  }
0x1f9: {  	v7 =	vld [tilespmem:$0x13180]  }
0x1fa: {  	v39 =	vld.idx.msk [tilespmem:v2+s18+$0x0], $0xffff  }
0x1fb: {  	v2 =	vld [tilespmem:$0x1FD40]  }
0x1fc: {  	v5 =	vld [tilespmem:$0x13280]  }
0x1fd: {  	v8 =	vld [tilespmem:$0x13300]  }
0x1fe: {  	v6 =	vld [tilespmem:$0x13380]  }
0x1ff: {  	v10 =	vmul.f32 v12, v10;
	v59 =	vld.idx.msk [tilespmem:v3+s18+$0x0], $0xffff  }
0x200: {  	v61 =	vld.idx.msk [tilespmem:v41+s18+$0x0], $0xffff  }
0x201: {  	v10 =	vperm.xlane v10, v4;
	v12 =	vld.idx.msk [tilespmem:v42+s18+$0x0], $0xffff;
	v17 =	vmul.f32 v35, v17  }
0x202: {  	v13 =	vperm.xlane v13, v4;
	v53 =	vmul.f32 v57, v63;
	v35 =	vld [tilespmem:$0x16D6F]  }
0x203: {  	v17 =	vperm.xlane v17, v4;
	v57 =	vmul.f32 v36, v26;
	v40 =	vld.idx.msk [tilespmem:v2+s18+$0x0], $0xffff  }
0x204: {  	v15 =	vperm.xlane v15, v4;
	v20 =	vperm.xlane v20, v4;
	v2 =	vld [tilespmem:$0x1FD50]  }
0x205: {  	v10 =	vsel vm2, v10, v17;
	v36 =	vld [tilespmem:$0x16DEF];
	v62 =	vperm.xlane v57, v4;
	v63 =	vmul.f32 v37, v16  }
0x206: {  	v10 =	vmul.f32 v10, v26;
	v26 =	vld [tilespmem:$0x16EF0];
	v57 =	vmul.f32 v38, v22  }
0x207: {  	v29 =	vmul.f32 v29, v56;
	v13 =	vsel vm2, v13, v62;
	v37 =	vld [tilespmem:$0x16E6F];
	v56 =	vperm.xlane v63, v4  }
0x208: {  	v13 =	vmul.f32 v13, v16;
	v16 =	vld [tilespmem:$0x16F70];
	v62 =	vperm.xlane v57, v4  }
0x209: {  	v15 =	vsel vm2, v15, v56;
	v38 =	vld [tilespmem:$0x16EEF]  }
0x20a: {  	v15 =	vmul.f32 v15, v22;
	v22 =	vld [tilespmem:$0x16FF0];
	v17 =	vsel vm2, v20, v62  }
0x20b: {  	v0 =	vadd.f32 v10, v0;
	v17 =	vmul.f32 v17, v19;
	v63 =	vmul.f32 v39, v19;
	v39 =	vld [tilespmem:$0x16F6F]  }
0x20c: {  	v55 =	vld.idx.msk [tilespmem:v2+s18+$0x0], $0xffff  }
0x20d: {  	v21 =	vperm.xlane v21, v4;
	v0 =	vadd.f32 v17, v0;
	v17 =	vperm.xlane v29, v4;
	v2 =	vld [tilespmem:$0x1FD60]  }
0x20e: {  	v29 =	vperm.xlane v30, v4;
	v30 =	vld [tilespmem:$0x18D6F];
	v56 =	vperm.xlane v63, v4  }
0x20f: {  	v19 =	vld [tilespmem:$0x18C70]  }
0x210: {  	v20 =	vsel vm2, v21, v56;
	v56 =	vperm.xlane v28, v4;
	v28 =	vperm.xlane v53, v4;
	v53 =	vld [tilespmem:$0x18DEF]  }
0x211: {  	v22 =	vmul.f32 v22, v39;
	v39 =	vmov v51;
	v51 =	vld [tilespmem:$0x1FEE0]  }
0x212: {  	v57 =	vmul.f32 v40, v11;
	v40 =	vld [tilespmem:$0x16FEF];
	v11 =	vmul.f32 v20, v11  }
0x213: {  	v20 =	vld [tilespmem:$0x18CF0]  }
0x214: {  	v11 =	vadd.f32 v11, v13;
	v13 =	vld [tilespmem:$0x18DF0]  }
0x215: {  	v27 =	vperm.xlane v27, v4;
	v58 =	vld.idx.msk [tilespmem:v2+s18+$0x0], $0xffff  }
0x216: {  	v12 =	vmul.f32 v12, v23;
	v62 =	vperm.xlane v57, v4;
	v2 =	vld [tilespmem:$0x1FD80]  }
0x217: {  	v19 =	vmul.f32 v19, v40;
	v40 =	vmov v1;
	v1 =	vld [tilespmem:$0x1FDB0];
	v63 =	vmul.f32 v55, v7  }
0x218: {  	v14 =	vperm.xlane v14, v4;
	v12 =	vperm.xlane v12, v4;
	v21 =	vsel vm2, v27, v62;
	v55 =	vld [tilespmem:$0x18C6F]  }
0x219: {  	v7 =	vmul.f32 v21, v7;
	v21 =	vld [tilespmem:$0x18D70];
	v57 =	vperm.xlane v63, v4  }
0x21a: {  	v63 =	vmul.f32 v61, v6;
	v61 =	vsel vm2, v14, v12;
	v12 =	vld [tilespmem:$0x17200]  }
0x21b: {  	v10 =	vsel vm2, v56, v57;
	v56 =	vld [tilespmem:$0x18E70]  }
0x21c: {  	v59 =	vmul.f32 v59, v5;
	v14 =	vld [tilespmem:$0x17280]  }
0x21d: {  	v26 =	vmul.f32 v26, v37;
	v57 =	vld [tilespmem:$0x1FE60]  }
0x21e: {  	v62 =	vperm.xlane v59, v4;
	v58 =	vmul.f32 v58, v9;
	v60 =	vld.idx.msk [tilespmem:v2+s18+$0x0], $0xffff  }
0x21f: {  	v20 =	vmul.f32 v20, v55;
	v55 =	vld [tilespmem:$0x1FF00];
	v9 =	vmul.f32 v10, v9  }
0x220: {  	v7 =	vadd.f32 v7, v15;
	v37 =	vmul.f32 v56, v53;
	v56 =	vld [tilespmem:$0x1FF40];
	v15 =	vperm.xlane v58, v4  }
0x221: {  	v0 =	vadd.f32 v9, v0;
	v9 =	vsel vm2, v17, v62;
	v17 =	vld [tilespmem:$0x15100]  }
0x222: {  	v58 =	vld [tilespmem:$0x1FE80];
	v15 =	vsel vm2, v28, v15  }
0x223: {  	v28 =	vld [tilespmem:$0x15080];
	v5 =	vmul.f32 v15, v5;
	v60 =	vmul.f32 v60, v8  }
0x224: {  	v31 =	vperm.xlane v31, v4;
	v10 =	vperm.xlane v63, v4;
	v15 =	vld [tilespmem:$0x15180]  }
0x225: {  	v5 =	vadd.f32 v5, v11;
	v11 =	vld [tilespmem:$0x15300];
	v27 =	vperm.xlane v60, v4  }
0x226: {  	v10 =	vsel vm2, v31, v10;
	v8 =	vmul.f32 v9, v8;
	v9 =	vld [tilespmem:$0x17000]  }
0x227: {  	v60 =	vmul.f32 v10, v23;
	v10 =	vld [tilespmem:$0x15280];
	v59 =	vsel vm2, v29, v27  }
0x228: {  	v7 =	vadd.f32 v8, v7;
	v8 =	vld [tilespmem:$0x15380];
	v6 =	vmul.f32 v59, v6  }
0x229: {  	v27 =	vld [tilespmem:$0x15200]  }
0x22a: {  	v5 =	vadd.f32 v60, v5;
	v60 =	vld [tilespmem:$0x1FF20];
	v0 =	vadd.f32 v6, v0;
	v6 =	vmul.f32 v61, v25  }
0x22b: {  	v59 =	vld [tilespmem:$0x1FEC0]  }
0x22c: {  	v25 =	vmul.f32 v54, v52;
	v52 =	vld [tilespmem:$0x1FEA0];
	v6 =	vadd.f32 v6, v7;
	v0 =	vadd.f32 v5, v0  }
0x22d: {  	v61 =	vld [tilespmem:$0x1FF30]  }
0x22e: {  	v5 =	vld [tilespmem:$0x17080];
	v0 =	vadd.f32 v6, v0  }
0x22f: {  	v7 =	vld [tilespmem:$0x17100]  }
0x230: {  	v6 =	vld [tilespmem:$0x17180];
	[tilespmem:$0x1D400] =	vst v0  }
0x231: {  	v62 =	vld.idx.msk [tilespmem:v57+s18+$0x0], $0xffff  }
0x232: {  	v18 =	vmul.f32 v24, v18;
	v24 =	vld.idx.msk [tilespmem:v58+s18+$0x0], $0xffff  }
0x233: {  	v29 =	vmul.f32 v32, v35;
	v32 =	vmul.f32 v34, v36;
	v34 =	vld.idx.msk [tilespmem:v59+s18+$0x0], $0xffff  }
0x234: {  	v13 =	vmul.f32 v13, v30;
	v30 =	vld.idx.msk [tilespmem:v1+s18+$0x0], $0xffff  }
0x235: {  	v1 =	vld [tilespmem:$0x1FDC0]  }
0x236: {  	v35 =	vld.idx.msk [tilespmem:v51+s18+$0x0], $0xffff  }
0x237: {  	v31 =	vld.idx.msk [tilespmem:v52+s18+$0x0], $0xffff  }
0x238: {  	v18 =	vperm.xlane v18, v4;
	v36 =	vld.idx.msk [tilespmem:v55+s18+$0x0], $0xffff  }
0x239: {  	v16 =	vmul.f32 v16, v38;
	v21 =	vmul.f32 v21, v33;
	v33 =	vld.idx.msk [tilespmem:v61+s18+$0x0], $0xffff  }
0x23a: {  	v26 =	vperm.xlane v26, v4;
	v23 =	vmul.f32 v62, v28;
	v28 =	vld.idx.msk [tilespmem:v60+s18+$0x0], $0xffff  }
0x23b: {  	v16 =	vperm.xlane v16, v4;
	v62 =	vmul.f32 v34, v27;
	v34 =	vld [tilespmem:$0x18E6F]  }
0x23c: {  	v24 =	vmul.f32 v24, v17;
	v53 =	vmul.f32 v31, v15;
	v31 =	vld.idx.msk [tilespmem:v56+s18+$0x0], $0xffff  }
0x23d: {  	v29 =	vperm.xlane v29, v4;
	v25 =	vperm.xlane v25, v4;
	v38 =	vld.idx.msk [tilespmem:v1+s18+$0x0], $0xffff  }
0x23e: {  	v23 =	vperm.xlane v23, v4;
	v63 =	vperm.xlane v24, v4;
	v1 =	vld [tilespmem:$0x1FDE0]  }
0x23f: {  	v24 =	vperm.xlane v53, v4;
	v53 =	vperm.xlane v22, v4;
	v22 =	vld [tilespmem:$0x1AC70]  }
0x240: {  	v18 =	vsel vm2, v18, v23;
	v23 =	vsel vm2, v25, v63;
	v63 =	vmul.f32 v36, v11;
	v36 =	vld [tilespmem:$0x18F6F]  }
0x241: {  	v25 =	vperm.xlane v62, v4;
	v62 =	vmul.f32 v30, v9;
	v30 =	vld [tilespmem:$0x1ADF0]  }
0x242: {  	v19 =	vperm.xlane v19, v4;
	v15 =	vmul.f32 v23, v15;
	v23 =	vld [tilespmem:$0x18EF0]  }
0x243: {  	v32 =	vperm.xlane v32, v4;
	v24 =	vsel vm2, v29, v24;
	v29 =	vmul.f32 v35, v10;
	v35 =	vld [tilespmem:$0x18EEF]  }
0x244: {  	v28 =	vmul.f32 v28, v8;
	v24 =	vmul.f32 v24, v27;
	v27 =	vld [tilespmem:$0x18F70]  }
0x245: {  	v17 =	vmul.f32 v18, v17;
	v25 =	vsel vm2, v32, v25;
	v32 =	vld [tilespmem:$0x18FEF];
	v29 =	vperm.xlane v29, v4  }
0x246: {  	v10 =	vmul.f32 v25, v10;
	v25 =	vld [tilespmem:$0x18FF0];
	v54 =	vperm.xlane v28, v4  }
0x247: {  	v13 =	vperm.xlane v13, v4;
	v0 =	vadd.f32 v17, v0;
	v28 =	vld [tilespmem:$0x1AC6F];
	v26 =	vsel vm2, v26, v29  }
0x248: {  	v29 =	vperm.xlane v63, v4;
	v17 =	vsel vm2, v53, v54;
	v11 =	vmul.f32 v26, v11;
	v26 =	vld [tilespmem:$0x1ACEF]  }
0x249: {  	v0 =	vadd.f32 v10, v0;
	v10 =	vperm.xlane v20, v4;
	v9 =	vmul.f32 v17, v9;
	v17 =	vld [tilespmem:$0x1AD70]  }
0x24a: {  	v20 =	vperm.xlane v21, v4;
	v21 =	vperm.xlane v62, v4;
	v18 =	vld.idx.msk [tilespmem:v1+s18+$0x0], $0xffff  }
0x24b: {  	v63 =	vmul.f32 v33, v5;
	v33 =	vmovc v45;
	v45 =	vmul.f32 v38, v7;
	v16 =	vsel vm2, v16, v29;
	v29 =	vld [tilespmem:$0x1AD6F]  }
0x24c: {  	v53 =	vmul.f32 v31, v6;
	v19 =	vsel vm2, v19, v21;
	v8 =	vmul.f32 v16, v8;
	v16 =	vld [tilespmem:$0x1ACF0]  }
0x24d: {  	v54 =	vperm.xlane v45, v4;
	v5 =	vmul.f32 v19, v5;
	v19 =	vld [tilespmem:$0x1AE6F]  }
0x24e: {  	v38 =	vmovc v50;
	v50 =	vperm.xlane v63, v4;
	v62 =	vperm.xlane v53, v4;
	v11 =	vadd.f32 v11, v15;
	v15 =	vld [tilespmem:$0x1AEF0]  }
0x24f: {  	v31 =	vmovc v43;
	v0 =	vadd.f32 v9, v0;
	v43 =	vsel vm2, v20, v54;
	v54 =	vmul.f32 v23, v34;
	v23 =	vld [tilespmem:$0x19280]  }
0x250: {  	v9 =	vsel vm2, v10, v50;
	v10 =	vsel vm2, v13, v62;
	v8 =	vadd.f32 v8, v24;
	v24 =	vld [tilespmem:$0x1ADEF]  }
0x251: {  	v50 =	vmul.f32 v10, v12;
	v10 =	vld [tilespmem:$0x1AEEF]  }
0x252: {  	v5 =	vadd.f32 v5, v11;
	v11 =	vld [tilespmem:$0x1AF70]  }
0x253: {  	v7 =	vmul.f32 v9, v7;
	v9 =	vld [tilespmem:$0x1AFF0]  }
0x254: {  	v62 =	vmul.f32 v27, v35;
	v6 =	vmul.f32 v43, v6;
	v43 =	vld [tilespmem:$0x1FF80]  }
0x255: {  	v17 =	vmul.f32 v17, v26;
	v26 =	vld [tilespmem:$0x19000]  }
0x256: {  	v20 =	vperm.xlane v62, v4;
	v62 =	vld [tilespmem:$0x1FFE0];
	v63 =	vmul.f32 v18, v12  }
0x257: {  	v18 =	vld [tilespmem:$0x1AE70]  }
0x258: {  	v45 =	vperm.xlane v37, v4;
	v37 =	vmovc v49;
	v7 =	vadd.f32 v7, v8;
	v8 =	vld [tilespmem:$0x1AF6F];
	v49 =	vperm.xlane v63, v4  }
0x259: {  	v12 =	vld [tilespmem:$0x17300]  }
0x25a: {  	v63 =	vmul.f32 v25, v36;
	v36 =	vmov v48;
	v48 =	vld [tilespmem:$0x1FF50];
	v53 =	vsel vm2, v45, v49  }
0x25b: {  	v0 =	vadd.f32 v6, v0;
	v5 =	vadd.f32 v50, v5;
	v50 =	vld [tilespmem:$0x1FF60];
	v6 =	vmul.f32 v53, v14  }
0x25c: {  	v27 =	vmul.f32 v30, v29;
	v29 =	vld [tilespmem:$0x1FF70]  }
0x25d: {  	v16 =	vmul.f32 v16, v28;
	v28 =	vld [tilespmem:$0x19080];
	v0 =	vadd.f32 v5, v0;
	v6 =	vadd.f32 v6, v7  }
0x25e: {  	v5 =	vld [tilespmem:$0x1AFEF]  }
0x25f: {  	v45 =	vld [tilespmem:$0x1FF90];
	v0 =	vadd.f32 v6, v0  }
0x260: {  	v14 =	vld [tilespmem:$0x17380]  }
0x261: {  	v6 =	vld [tilespmem:$0x17280];
	[tilespmem:$0x1D400] =	vst v0  }
0x262: {  	v49 =	vld.idx.msk [tilespmem:v48+s18+$0x0], $0xffff  }
0x263: {  	v53 =	vld.idx.msk [tilespmem:v50+s18+$0x0], $0xffff  }
0x264: {  	v13 =	vperm.xlane v54, v4;
	v54 =	vld.idx.msk [tilespmem:v29+s18+$0x0], $0xffff  }
0x265: {  	v22 =	vmul.f32 v22, v32;
	v7 =	vld [tilespmem:$0x1CC70]  }
0x266: {  	v34 =	vmov v44;
	v44 =	vld.idx.msk [tilespmem:v43+s18+$0x0], $0xffff  }
0x267: {  	v22 =	vperm.xlane v22, v4;
	v30 =	vmov v46;
	v10 =	vmul.f32 v11, v10;
	v46 =	vld.idx.msk [tilespmem:v45+s18+$0x0], $0xffff  }
0x268: {  	v21 =	vperm.xlane v63, v4;
	v6 =	vmul.f32 v49, v6;
	v49 =	vld [tilespmem:$0x1FFA0]  }
0x269: {  	v63 =	vmul.f32 v53, v12;
	v53 =	vmul.f32 v54, v14;
	v54 =	vld [tilespmem:$0x1FFB0]  }
0x26a: {  	v25 =	vld [tilespmem:$0x19300];
	v18 =	vmul.f32 v18, v24;
	v8 =	vmul.f32 v9, v8  }
0x26b: {  	v24 =	vld [tilespmem:$0x19100];
	v6 =	vperm.xlane v6, v4;
	v48 =	vperm.xlane v63, v4  }
0x26c: {  	v35 =	vmov v47;
	v5 =	vmul.f32 v7, v5;
	v7 =	vld [tilespmem:$0x19180];
	v47 =	vmul.f32 v44, v26  }
0x26d: {  	v11 =	vmul.f32 v46, v28;
	v46 =	vld [tilespmem:$0x1FE00];
	v6 =	vsel vm2, v13, v6;
	v9 =	vsel vm2, v20, v48  }
0x26e: {  	v44 =	vld [tilespmem:$0x1FFF0];
	v6 =	vmul.f32 v6, v12;
	v9 =	vmul.f32 v9, v14  }
0x26f: {  	v12 =	vperm.xlane v53, v4;
	v14 =	vperm.xlane v47, v4;
	v53 =	vld [tilespmem:$0x1FFD0]  }
0x270: {  	v50 =	vld.idx.msk [tilespmem:v49+s18+$0x0], $0xffff  }
0x271: {  	v14 =	vsel vm2, v22, v14;
	v63 =	vld.idx.msk [tilespmem:v54+s18+$0x0], $0xffff  }
0x272: {  	v14 =	vmul.f32 v14, v28;
	v28 =	vld [tilespmem:$0x1FFC0]  }
0x273: {  	v15 =	vmul.f32 v15, v19;
	v43 =	vld [tilespmem:$0x19200]  }
0x274: {  	v17 =	vperm.xlane v17, v4;
	v16 =	vperm.xlane v16, v4;
	v12 =	vsel vm2, v21, v12;
	v21 =	vld [tilespmem:$0x19380]  }
0x275: {  	v15 =	vperm.xlane v15, v4;
	v8 =	vperm.xlane v8, v4;
	v48 =	vld.idx.msk [tilespmem:v46+s18+$0x0], $0xffff  }
0x276: {  	v5 =	vperm.xlane v5, v4;
	v11 =	vperm.xlane v11, v4;
	v45 =	vld.idx.msk [tilespmem:v44+s18+$0x0], $0xffff  }
0x277: {  	v19 =	vmul.f32 v50, v24;
	v13 =	vmul.f32 v63, v7;
	v54 =	vld.idx.msk [tilespmem:v53+s18+$0x0], $0xffff  }
0x278: {  	v47 =	vperm.xlane v10, v4;
	v50 =	vperm.xlane v27, v4;
	v63 =	vld.idx.msk [tilespmem:v62+s18+$0x0], $0xffff  }
0x279: {  	v11 =	vsel vm2, v16, v11;
	v27 =	vld [tilespmem:$0x1B000];
	v19 =	vperm.xlane v19, v4;
	v13 =	vperm.xlane v13, v4  }
0x27a: {  	v0 =	vadd.f32 v6, v0;
	v6 =	vmul.f32 v11, v24;
	v12 =	vmul.f32 v12, v26;
	v49 =	vld.idx.msk [tilespmem:v28+s18+$0x0], $0xffff  }
0x27b: {  	v24 =	vperm.xlane v18, v4;
	v17 =	vsel vm2, v17, v19;
	v13 =	vsel vm2, v50, v13  }
0x27c: {  	v7 =	vmul.f32 v17, v7;
	v13 =	vmul.f32 v13, v43  }
0x27d: {  	v43 =	vmul.f32 v48, v43;
	v50 =	vmul.f32 v54, v25  }
0x27e: {  	v0 =	vadd.f32 v14, v0;
	v11 =	vmul.f32 v63, v21;
	v62 =	vmul.f32 v45, v27  }
0x27f: {  	v6 =	vadd.f32 v6, v9;
	v48 =	vmul.f32 v49, v23;
	v49 =	vperm.xlane v43, v4  }
0x280: {  	v7 =	vadd.f32 v7, v12;
	v0 =	vadd.f32 v13, v0;
	v53 =	vperm.xlane v50, v4  }
0x281: {  	v54 =	vld [tilespmem:$0x1B080];
	v11 =	vperm.xlane v11, v4;
	v10 =	vperm.xlane v48, v4;
	v12 =	vsel vm2, v24, v49  }
0x282: {  	v63 =	vperm.xlane v62, v4;
	v9 =	vsel vm2, v47, v53;
	v12 =	vmul.f32 v12, v23  }
0x283: {  	v8 =	vsel vm2, v8, v11;
	v9 =	vmul.f32 v9, v21;
	v10 =	vsel vm2, v15, v10  }
0x284: {  	v8 =	vmul.f32 v8, v27;
	v10 =	vmul.f32 v10, v25;
	v6 =	vadd.f32 v12, v6  }
0x285: {  	v5 =	vsel vm2, v5, v63;
	v0 =	vadd.f32 v9, v0  }
0x286: {  	v5 =	vmul.f32 v5, v54;
	v7 =	vadd.f32 v10, v7;
	v6 =	vadd.f32 v8, v6;
	_ =	sdelay $0x1  }
0x287: {  	v5 =	vadd.f32 v5, v7;
	v0 =	vadd.f32 v6, v0;
	_ =	sdelay $0x1  }
0x288: {  	v0 =	vadd.f32 v5, v0  }
0x289: {  	s5 =	sadd.s32 $0x10, s0  }
0x28a: {  	s0 =	sadd.s32 $0x20, s0;
	s5 =	sand.u32 $0x70, s5;
	vm3 =	vgt.f32 v0, $0.0e+00;
	v0 =	vimm.f32 $-1.000000000e+00  }
0x28b: {  	p0 =	sne.s32 s0, $0x200;
	s5 =	sadd.s32 s4, s5;
	v0 =	vsel vm3, $0x3F800000, v0  }
.Ltmp3:
0x28c: {  	s2 =	sadd.s32 s2, s5;
	[tilespmem:$0x1D000] =	vst v0;
	(pc) =	sbr.rel @!p0 .LBB2_5-.Ltmp3, $4  }
0x28d: {  	[hbm4b:s2+s25] =	stream.strided.scatter [tilespmem:s28], [sflag:$0x3], $0x400, s26, s25, $0x38;
	[tilespmem:$0x1D800] =	vst v63  }
0x28e: {  	v32 =	vld [tilespmem:$0x1FE20];
	_ =	swait.ge [sflag:s11], $0x400  }
0x28f: {  	[sflag:s11] =	ssyncset.done $0x0  }
0x290: {  	s31 =	sadd.s32 $0x100, s31;
	s30 =	sadd.s32 $0x100, s30;
	[sflag:s11] =	ssyncadd.s32 $0xFFFFFC00  }
.LBB2_2:
0x291: {  	_ =	swait.ge [sflag:s17], $0x6000  }
0x292: {  	[sflag:s17] =	ssyncset.done $0x0  }
0x293: {  	[sflag:s17] =	ssyncadd.s32 $0xFFFFA000  }
0x294: {  	_ =	swait.ge [sflag:s17], $0x6800  }
0x295: {  	[sflag:s17] =	ssyncset.done $0x0  }
0x296: {  	[sflag:s17] =	ssyncadd.s32 $0xFFFF9800  }
0x297: {  	v53 =	vld [tilespmem:s30+$0xFFFFFFE8];
	_ =	sdelay $0x2  }
0x298: {  	v0 =	vld [tilespmem:$0x1FCA0];
	_ =	sdelay $0x1  }
0x299: {  	v5 =	vld [tilespmem:$0x1FCB0];
	v54 =	vshll.u32 v53, $0x3  }
0x29a: {  	v53 =	vand.u32 $0x7, v53;
	v54 =	vand.u32 $0xFFFFFFC0, v54  }
0x29b: {  	v53 =	vor.u32 v53, v54  }
0x29c: {  	v54 =	vperm.xlane v53, v0;
	_ =	sdelay $0x1  }
0x29d: {  	v54 =	vadd.s32 v5, v54  }
0x29e: {  	v1 =	vld [tilespmem:$0x1FCC0];
	_ =	sdelay $0x3  }
0x29f: {  	[tilespmem:s18], [sflag:$0x2] =	stream.indirect_vreg.gather [hbm4b:s1+s3], $0x80, v54, vm1, $0xb8;
	[tilespmem:$0x1D800] =	vst v63  }
0x2a0: {  	s2 =	simm.s32 $0xF800;
	v53 =	vperm.xlane v53, v1  }
0x2a1: {  	[tilespmem:s2], [sflag:$0x2] =	stream.indirect_vreg.gather [hbm4b:s6+s3], $0x80, v54, vm1, $0xb8;
	[tilespmem:$0x1D800] =	vst v63  }
0x2a2: {  	s5 =	simm.s32 $0x10000;
	v53 =	vadd.s32 v5, v53  }
0x2a3: {  	[tilespmem:s5], [sflag:$0x2] =	stream.indirect_vreg.gather [hbm4b:s7+s3], $0x80, v54, vm1, $0xb8;
	[tilespmem:$0x1D800] =	vst v63  }
0x2a4: {  	s5 =	simm.s32 $0x10800  }
0x2a5: {  	[tilespmem:s5], [sflag:$0x2] =	stream.indirect_vreg.gather [hbm4b:s8+s3], $0x80, v54, vm1, $0xb8;
	[tilespmem:$0x1D800] =	vst v63  }
0x2a6: {  	s5 =	simm.s32 $0x11000  }
0x2a7: {  	[tilespmem:s5], [sflag:$0x2] =	stream.indirect_vreg.gather [hbm4b:s1+s3], $0x80, v53, vm1, $0xb8;
	[tilespmem:$0x1D800] =	vst v63  }
0x2a8: {  	s5 =	simm.s32 $0x11800  }
0x2a9: {  	[tilespmem:s5], [sflag:$0x2] =	stream.indirect_vreg.gather [hbm4b:s6+s3], $0x80, v53, vm1, $0xb8;
	[tilespmem:$0x1D800] =	vst v63  }
0x2aa: {  	s5 =	simm.s32 $0x12000  }
0x2ab: {  	[tilespmem:s5], [sflag:$0x2] =	stream.indirect_vreg.gather [hbm4b:s7+s3], $0x80, v53, vm1, $0xb8;
	[tilespmem:$0x1D800] =	vst v63  }
0x2ac: {  	s5 =	simm.s32 $0x12800  }
0x2ad: {  	[tilespmem:s5], [sflag:$0x2] =	stream.indirect_vreg.gather [hbm4b:s8+s3], $0x80, v53, vm1, $0xb8;
	[tilespmem:$0x1D800] =	vst v63  }
0x2ae: {  	v53 =	vld.msk [tilespmem:s30+$0xFFFFFFF8], $0xff;
	_ =	sdelay $0x4  }
0x2af: {  	v27 =	vshll.u32 v53, $0x3  }
0x2b0: {  	v53 =	vand.u32 $0x7, v53;
	v54 =	vand.u32 $0xFFFFFFC0, v27  }
0x2b1: {  	v53 =	vor.u32 v53, v54  }
0x2b2: {  	v53 =	vperm.xlane v53, v0;
	_ =	sdelay $0x1  }
0x2b3: {  	v53 =	vadd.s32 v5, v53;
	_ =	sdelay $0x3  }
0x2b4: {  	s5 =	simm.s32 $0x13000  }
0x2b5: {  	[tilespmem:s5], [sflag:$0x2] =	stream.indirect_vreg.gather [hbm4b:s1+s3], $0x80, v53, vm1, $0xb8;
	[tilespmem:$0x1D800] =	vst v63  }
0x2b6: {  	s5 =	simm.s32 $0x13800  }
0x2b7: {  	[tilespmem:s5], [sflag:$0x2] =	stream.indirect_vreg.gather [hbm4b:s6+s3], $0x80, v53, vm1, $0xb8;
	[tilespmem:$0x1D800] =	vst v63  }
0x2b8: {  	s5 =	simm.s32 $0x14000  }
0x2b9: {  	[tilespmem:s5], [sflag:$0x2] =	stream.indirect_vreg.gather [hbm4b:s7+s3], $0x80, v53, vm1, $0xb8;
	[tilespmem:$0x1D800] =	vst v63  }
0x2ba: {  	s5 =	simm.s32 $0x14800  }
0x2bb: {  	[tilespmem:s5], [sflag:$0x2] =	stream.indirect_vreg.gather [hbm4b:s8+s3], $0x80, v53, vm1, $0xb8;
	[tilespmem:$0x1D800] =	vst v63  }
0x2bc: {  	v53 =	vld [tilespmem:s30+$0x0];
	_ =	sdelay $0x4  }
0x2bd: {  	v28 =	vshll.u32 v53, $0x3  }
0x2be: {  	v53 =	vand.u32 $0x7, v53;
	v54 =	vand.u32 $0xFFFFFFC0, v28  }
0x2bf: {  	v53 =	vor.u32 v53, v54  }
0x2c0: {  	v54 =	vperm.xlane v53, v0;
	_ =	sdelay $0x1  }
0x2c1: {  	v54 =	vadd.s32 v5, v54;
	_ =	sdelay $0x3  }
0x2c2: {  	s5 =	simm.s32 $0x15000  }
0x2c3: {  	[tilespmem:s5], [sflag:$0x2] =	stream.indirect_vreg.gather [hbm4b:s1+s3], $0x80, v54, vm1, $0xb8;
	[tilespmem:$0x1D800] =	vst v63  }
0x2c4: {  	v53 =	vperm.xlane v53, v1;
	s5 =	simm.s32 $0x15800  }
0x2c5: {  	[tilespmem:s5], [sflag:$0x2] =	stream.indirect_vreg.gather [hbm4b:s6+s3], $0x80, v54, vm1, $0xb8;
	[tilespmem:$0x1D800] =	vst v63  }
0x2c6: {  	v53 =	vadd.s32 v5, v53;
	s5 =	simm.s32 $0x16000  }
0x2c7: {  	[tilespmem:s5], [sflag:$0x2] =	stream.indirect_vreg.gather [hbm4b:s7+s3], $0x80, v54, vm1, $0xb8;
	[tilespmem:$0x1D800] =	vst v63  }
0x2c8: {  	s5 =	simm.s32 $0x16800  }
0x2c9: {  	[tilespmem:s5], [sflag:$0x2] =	stream.indirect_vreg.gather [hbm4b:s8+s3], $0x80, v54, vm1, $0xb8;
	[tilespmem:$0x1D800] =	vst v63  }
0x2ca: {  	_ = 	snop  }
0x2cb: {  	[tilespmem:s9], [sflag:$0x2] =	stream.indirect_vreg.gather [hbm4b:s1+s3], $0x80, v53, vm1, $0xb8;
	[tilespmem:$0x1D800] =	vst v63  }
0x2cc: {  	_ = 	snop  }
0x2cd: {  	[tilespmem:s10], [sflag:$0x2] =	stream.indirect_vreg.gather [hbm4b:s6+s3], $0x80, v53, vm1, $0xb8;
	[tilespmem:$0x1D800] =	vst v63  }
0x2ce: {  	_ = 	snop  }
0x2cf: {  	[tilespmem:s13], [sflag:$0x2] =	stream.indirect_vreg.gather [hbm4b:s7+s3], $0x80, v53, vm1, $0xb8;
	[tilespmem:$0x1D800] =	vst v63  }
0x2d0: {  	_ = 	snop  }
0x2d1: {  	[tilespmem:s14], [sflag:$0x2] =	stream.indirect_vreg.gather [hbm4b:s8+s3], $0x80, v53, vm1, $0xb8;
	[tilespmem:$0x1D800] =	vst v63  }
0x2d2: {  	v53 =	vld.msk [tilespmem:s30+$0x10], $0x3ff;
	_ =	sdelay $0x4  }
0x2d3: {  	v29 =	vshll.u32 v53, $0x3  }
0x2d4: {  	v53 =	vand.u32 $0x7, v53;
	v54 =	vand.u32 $0xFFFFFFC0, v29  }
0x2d5: {  	v53 =	vor.u32 v53, v54  }
0x2d6: {  	v54 =	vperm.xlane v53, v0;
	_ =	sdelay $0x1  }
0x2d7: {  	v54 =	vadd.s32 v5, v54;
	_ =	sdelay $0x4  }
0x2d8: {  	[tilespmem:s15], [sflag:$0x2] =	stream.indirect_vreg.gather [hbm4b:s1+s3], $0x80, v54, vm1, $0xb8;
	[tilespmem:$0x1D800] =	vst v63  }
0x2d9: {  	v53 =	vperm.xlane v53, v1  }
0x2da: {  	[tilespmem:s16], [sflag:$0x2] =	stream.indirect_vreg.gather [hbm4b:s6+s3], $0x80, v54, vm1, $0xb8;
	[tilespmem:$0x1D800] =	vst v63  }
0x2db: {  	v53 =	vadd.s32 v5, v53  }
0x2dc: {  	[tilespmem:s19], [sflag:$0x2] =	stream.indirect_vreg.gather [hbm4b:s7+s3], $0x80, v54, vm1, $0xb8;
	[tilespmem:$0x1D800] =	vst v63  }
0x2dd: {  	_ = 	snop  }
0x2de: {  	[tilespmem:s20], [sflag:$0x2] =	stream.indirect_vreg.gather [hbm4b:s8+s3], $0x80, v54, vm1, $0xb8;
	[tilespmem:$0x1D800] =	vst v63  }
0x2df: {  	_ = 	snop  }
0x2e0: {  	[tilespmem:s21], [sflag:$0x2] =	stream.indirect_vreg.gather [hbm4b:s1+s3], $0x80, v53, vm0, $0xb8;
	[tilespmem:$0x1D800] =	vst v63  }
0x2e1: {  	_ = 	snop  }
0x2e2: {  	[tilespmem:s22], [sflag:$0x2] =	stream.indirect_vreg.gather [hbm4b:s6+s3], $0x80, v53, vm0, $0xb8;
	[tilespmem:$0x1D800] =	vst v63  }
0x2e3: {  	_ = 	snop  }
0x2e4: {  	[tilespmem:s23], [sflag:$0x2] =	stream.indirect_vreg.gather [hbm4b:s7+s3], $0x80, v53, vm0, $0xb8;
	[tilespmem:$0x1D800] =	vst v63  }
0x2e5: {  	_ = 	snop  }
0x2e6: {  	v29 =	vld [tilespmem:$0x1FC90];
	[tilespmem:s24], [sflag:$0x2] =	stream.indirect_vreg.gather [hbm4b:s8+s3], $0x80, v53, vm0, $0xb8  }
0x2e7: {  	v53 =	vld [tilespmem:$0x2C6F]  }
0x2e8: {  	v54 =	vld [tilespmem:$0x2CF0]  }
0x2e9: {  	v50 =	vmov v55;
	v55 =	vld [tilespmem:$0x2CEF]  }
0x2ea: {  	v48 =	vmov v56;
	v56 =	vld [tilespmem:$0x2D70]  }
0x2eb: {  	v1 =	vmov v57;
	v57 =	vld [tilespmem:$0x2D6F]  }
0x2ec: {  	v43 =	vmov v58;
	v58 =	vld [tilespmem:$0x2DF0]  }
0x2ed: {  	v49 =	vmov v59;
	v59 =	vld [tilespmem:$0x2DEF]  }
0x2ee: {  	v44 =	vmov v60;
	v60 =	vld [tilespmem:$0x2E70]  }
0x2ef: {  	v47 =	vmov v61;
	v61 =	vld [tilespmem:$0x2E6F]  }
0x2f0: {  	v62 =	vld [tilespmem:$0x2EF0]  }
0x2f1: {  	v63 =	vld [tilespmem:$0x2EEF]  }
0x2f2: {  	v45 =	vmov v52;
	v52 =	vld [tilespmem:$0x2F70]  }
0x2f3: {  	v0 =	vld [tilespmem:$0x2F6F]  }
0x2f4: {  	v5 =	vld [tilespmem:$0x2FF0]  }
0x2f5: {  	v6 =	vld [tilespmem:$0x2FEF]  }
0x2f6: {  	v7 =	vld [tilespmem:$0x4C70]  }
0x2f7: {  	v8 =	vld [tilespmem:$0x4C6F]  }
0x2f8: {  	v9 =	vld [tilespmem:$0x4CF0]  }
0x2f9: {  	v10 =	vld [tilespmem:$0x4CEF]  }
0x2fa: {  	v11 =	vld [tilespmem:$0x4D70]  }
0x2fb: {  	v12 =	vld [tilespmem:$0x4D6F]  }
0x2fc: {  	v13 =	vld [tilespmem:$0x4DF0]  }
0x2fd: {  	v14 =	vld [tilespmem:$0x4DEF]  }
0x2fe: {  	v15 =	vld [tilespmem:$0x4E70]  }
0x2ff: {  	v16 =	vld [tilespmem:$0x1080]  }
0x300: {  	v17 =	vld [tilespmem:$0x1100]  }
0x301: {  	v18 =	vld [tilespmem:$0x1180]  }
0x302: {  	v19 =	vld [tilespmem:$0x1200]  }
0x303: {  	v20 =	vld [tilespmem:$0x1280]  }
0x304: {  	v21 =	vld [tilespmem:$0x1300]  }
0x305: {  	v22 =	vld [tilespmem:$0x1380]  }
0x306: {  	v23 =	vld [tilespmem:$0x3000]  }
0x307: {  	v24 =	vld [tilespmem:$0x3080]  }
0x308: {  	v25 =	vld [tilespmem:$0x3100]  }
0x309: {  	v26 =	vld [tilespmem:$0x3180]  }
0x30a: {  	v27 =	vld [tilespmem:$0x3200]  }
0x30b: {  	v28 =	vld [tilespmem:$0x3280]  }
0x30c: {  	v29 =	vld.idx.msk [tilespmem:v29+s12+$0x0], $0xffff  }
0x30d: {  	v30 =	vld.idx.msk [tilespmem:v30+s12+$0x0], $0xffff  }
0x30e: {  	v31 =	vld.idx.msk [tilespmem:v31+s12+$0x0], $0xffff  }
0x30f: {  	v32 =	vld.idx.msk [tilespmem:v32+s12+$0x0], $0xffff  }
0x310: {  	v33 =	vld.idx.msk [tilespmem:v33+s12+$0x0], $0xffff  }
0x311: {  	v34 =	vld.idx.msk [tilespmem:v34+s12+$0x0], $0xffff  }
0x312: {  	v35 =	vld.idx.msk [tilespmem:v35+s12+$0x0], $0xffff  }
0x313: {  	v36 =	vld.idx.msk [tilespmem:v36+s12+$0x0], $0xffff  }
0x314: {  	v37 =	vld.idx.msk [tilespmem:v37+s12+$0x0], $0xffff  }
0x315: {  	v53 =	vmul.f32 v54, v53;
	v54 =	vld.idx.msk [tilespmem:v38+s12+$0x0], $0xffff  }
0x316: {  	v38 =	vld.idx.msk [tilespmem:v39+s12+$0x0], $0xffff  }
0x317: {  	v55 =	vmul.f32 v56, v55;
	v56 =	vld.idx.msk [tilespmem:v40+s12+$0x0], $0xffff  }
0x318: {  	v39 =	vmul.f32 v60, v59;
	v59 =	vld [tilespmem:$0x4E6F]  }
0x319: {  	v40 =	vmul.f32 v62, v61;
	v61 =	vld [tilespmem:$0x4EF0]  }
0x31a: {  	v62 =	vld [tilespmem:$0x4EEF]  }
0x31b: {  	v57 =	vmul.f32 v58, v57;
	v52 =	vmul.f32 v52, v63;
	v63 =	vld [tilespmem:$0x4F70]  }
0x31c: {  	v0 =	vmul.f32 v5, v0;
	v5 =	vmul.f32 v7, v6;
	v6 =	vld [tilespmem:$0x4F6F]  }
0x31d: {  	v8 =	vmul.f32 v9, v8;
	v9 =	vld [tilespmem:$0x4FF0];
	v16 =	vmul.f32 v29, v16  }
0x31e: {  	v29 =	vld [tilespmem:$0x6C70];
	v10 =	vmul.f32 v11, v10;
	v11 =	vmul.f32 v13, v12  }
0x31f: {  	v12 =	vld [tilespmem:$0x6C6F];
	v53 =	vperm.xlane v53, v4;
	v58 =	vperm.xlane v39, v4  }
0x320: {  	v60 =	vperm.xlane v40, v4;
	v7 =	vperm.xlane v52, v4;
	v52 =	vld [tilespmem:$0x4FEF]  }
0x321: {  	v39 =	vmul.f32 v15, v14;
	v40 =	vperm.xlane v16, v4;
	v15 =	vld [tilespmem:$0x6CF0]  }
0x322: {  	v30 =	vmul.f32 v30, v17;
	v32 =	vmul.f32 v32, v19;
	v16 =	vld [tilespmem:$0x6CEF]  }
0x323: {  	v34 =	vmul.f32 v34, v21;
	v55 =	vperm.xlane v55, v4;
	v14 =	vsel vm2, v53, v40;
	v53 =	vld [tilespmem:$0x6D70]  }
0x324: {  	v30 =	vperm.xlane v30, v4;
	v13 =	vperm.xlane v39, v4;
	v39 =	vld [tilespmem:$0x6DF0]  }
0x325: {  	v34 =	vperm.xlane v34, v4;
	v40 =	vld [tilespmem:$0x6DEF]  }
0x326: {  	v32 =	vperm.xlane v32, v4;
	v30 =	vsel vm2, v55, v30;
	v55 =	vld [tilespmem:$0x6E70]  }
0x327: {  	v7 =	vsel vm2, v7, v34;
	v34 =	vld [tilespmem:$0x6FF0]  }
0x328: {  	v33 =	vmul.f32 v33, v20;
	v32 =	vsel vm2, v58, v32;
	v58 =	vmul.f32 v35, v22;
	v35 =	vld [tilespmem:$0x6FEF]  }
0x329: {  	v14 =	vmul.f32 v14, v17;
	v17 =	vmul.f32 v31, v18;
	v31 =	vld [tilespmem:$0x6D6F]  }
0x32a: {  	v18 =	vmul.f32 v30, v18;
	v30 =	vperm.xlane v33, v4;
	v33 =	vld [tilespmem:$0x6E6F]  }
0x32b: {  	v7 =	vmul.f32 v7, v22;
	v22 =	vld [tilespmem:$0x6F6F]  }
0x32c: {  	v6 =	vmul.f32 v9, v6;
	v9 =	vld [tilespmem:$0x8C6F]  }
0x32d: {  	v57 =	vperm.xlane v57, v4;
	v60 =	vsel vm2, v60, v30;
	v30 =	vld [tilespmem:$0x6EEF]  }
0x32e: {  	v17 =	vperm.xlane v17, v4;
	v12 =	vmul.f32 v15, v12;
	v15 =	vld [tilespmem:$0x8CF0]  }
0x32f: {  	v29 =	vmul.f32 v29, v52;
	v52 =	vld [tilespmem:$0x8D70]  }
0x330: {  	v17 =	vsel vm2, v57, v17;
	v57 =	vld [tilespmem:$0x6EF0]  }
0x331: {  	v37 =	vmul.f32 v37, v24;
	v16 =	vmul.f32 v53, v16;
	v53 =	vld [tilespmem:$0x8E6F]  }
0x332: {  	v0 =	vperm.xlane v0, v4;
	v40 =	vmul.f32 v55, v40;
	v55 =	vld [tilespmem:$0x8EEF]  }
0x333: {  	v17 =	vmul.f32 v17, v19;
	v19 =	vmul.f32 v32, v20;
	v32 =	vld [tilespmem:$0x6F70]  }
0x334: {  	v20 =	vmul.f32 v60, v21;
	v60 =	vmul.f32 v36, v23;
	v21 =	vld [tilespmem:$0x7080]  }
0x335: {  	v36 =	vperm.xlane v58, v4;
	v31 =	vmul.f32 v39, v31;
	v39 =	vld [tilespmem:$0x8CEF]  }
0x336: {  	v54 =	vmul.f32 v54, v25;
	v22 =	vmul.f32 v34, v22;
	v34 =	vld [tilespmem:$0x8DEF]  }
0x337: {  	v10 =	vperm.xlane v10, v4;
	v0 =	vsel vm2, v0, v36;
	v36 =	vld [tilespmem:$0x8C70]  }
0x338: {  	v58 =	vperm.xlane v37, v4;
	v37 =	vperm.xlane v54, v4;
	v14 =	vadd.f32 v19, v14;
	v19 =	vld [tilespmem:$0x3280]  }
0x339: {  	v54 =	vmul.f32 v56, v27;
	v18 =	vadd.f32 v20, v18;
	v20 =	vld [tilespmem:$0x5000]  }
0x33a: {  	v5 =	vperm.xlane v5, v4;
	v10 =	vsel vm2, v10, v37;
	v37 =	vld [tilespmem:$0x1FD10]  }
0x33b: {  	v8 =	vperm.xlane v8, v4;
	v56 =	vperm.xlane v54, v4;
	v54 =	vld [tilespmem:$0x1FD30]  }
0x33c: {  	v7 =	vadd.f32 v7, v17;
	v17 =	vperm.xlane v60, v4;
	v0 =	vmul.f32 v0, v23;
	v23 =	vld [tilespmem:$0x3300]  }
0x33d: {  	v60 =	vmul.f32 v38, v26;
	v8 =	vsel vm2, v8, v58;
	v58 =	vsel vm2, v13, v56;
	v13 =	vld [tilespmem:$0x5100]  }
0x33e: {  	v5 =	vsel vm2, v5, v17;
	v17 =	vld [tilespmem:$0x7000]  }
0x33f: {  	v38 =	vperm.xlane v60, v4;
	v60 =	vld [tilespmem:$0x1FCF0]  }
0x340: {  	v8 =	vmul.f32 v8, v25;
	v56 =	vld [tilespmem:$0x1FD40]  }
0x341: {  	v11 =	vperm.xlane v11, v4;
	v0 =	vadd.f32 v0, v14;
	v14 =	vld [tilespmem:$0x3380]  }
0x342: {  	v5 =	vmul.f32 v5, v24;
	v7 =	vadd.f32 v8, v7;
	v8 =	vmul.f32 v58, v28;
	v28 =	vld [tilespmem:$0x1FD00]  }
0x343: {  	v10 =	vmul.f32 v10, v26;
	v58 =	vld [tilespmem:$0x1FD50];
	v11 =	vsel vm2, v11, v38  }
0x344: {  	v30 =	vmul.f32 v32, v30;
	v32 =	vld [tilespmem:$0x8DF0];
	v5 =	vadd.f32 v5, v18;
	v11 =	vmul.f32 v11, v27  }
0x345: {  	v38 =	vld [tilespmem:$0x1FD20]  }
0x346: {  	v18 =	vld [tilespmem:$0x5080];
	v0 =	vadd.f32 v10, v0;
	v5 =	vadd.f32 v11, v5  }
0x347: {  	v10 =	vld [tilespmem:$0x5180]  }
0x348: {  	v7 =	vadd.f32 v8, v7;
	v8 =	vld [tilespmem:$0x5300];
	v0 =	vadd.f32 v5, v0  }
0x349: {  	v35 =	vmul.f32 v36, v35;
	v36 =	vld [tilespmem:$0x8E70]  }
0x34a: {  	v11 =	vld [tilespmem:$0x5200];
	v0 =	vadd.f32 v7, v0  }
0x34b: {  	v5 =	vld [tilespmem:$0x5280]  }
0x34c: {  	v7 =	vld [tilespmem:$0x5380];
	[tilespmem:$0x1D400] =	vst v0  }
0x34d: {  	v24 =	vld.idx.msk [tilespmem:v60+s12+$0x0], $0xffff  }
0x34e: {  	v25 =	vld.idx.msk [tilespmem:v28+s12+$0x0], $0xffff  }
0x34f: {  	v26 =	vld.idx.msk [tilespmem:v37+s12+$0x0], $0xffff  }
0x350: {  	v27 =	vld.idx.msk [tilespmem:v38+s12+$0x0], $0xffff  }
0x351: {  	v28 =	vld.idx.msk [tilespmem:v54+s12+$0x0], $0xffff  }
0x352: {  	v37 =	vld.idx.msk [tilespmem:v56+s12+$0x0], $0xffff  }
0x353: {  	v60 =	vld [tilespmem:$0x1FD60]  }
0x354: {  	v38 =	vld.idx.msk [tilespmem:v58+s12+$0x0], $0xffff  }
0x355: {  	v59 =	vmul.f32 v61, v59;
	v62 =	vmul.f32 v63, v62;
	v56 =	vld.idx.msk [tilespmem:v3+s12+$0x0], $0xffff  }
0x356: {  	v6 =	vperm.xlane v6, v4;
	v29 =	vperm.xlane v29, v4;
	v58 =	vld.idx.msk [tilespmem:v2+s12+$0x0], $0xffff  }
0x357: {  	v61 =	vld.idx.msk [tilespmem:v42+s12+$0x0], $0xffff;
	v42 =	vperm.xlane v62, v4;
	v19 =	vmul.f32 v24, v19  }
0x358: {  	v24 =	vld [tilespmem:$0x8D6F];
	v25 =	vmul.f32 v25, v23;
	v62 =	vmul.f32 v37, v13  }
0x359: {  	v26 =	vmul.f32 v26, v14;
	v27 =	vmul.f32 v27, v20;
	v37 =	vld [tilespmem:$0x8FEF]  }
0x35a: {  	v63 =	vperm.xlane v62, v4;
	v62 =	vmul.f32 v56, v5;
	v56 =	vld [tilespmem:$0x7100]  }
0x35b: {  	v33 =	vmul.f32 v57, v33;
	v25 =	vperm.xlane v25, v4;
	v54 =	vld.idx.msk [tilespmem:v60+s12+$0x0], $0xffff  }
0x35c: {  	v26 =	vperm.xlane v26, v4;
	v57 =	vperm.xlane v27, v4;
	v60 =	vld.idx.msk [tilespmem:v41+s12+$0x0], $0xffff  }
0x35d: {  	v41 =	vperm.xlane v59, v4;
	v59 =	vmul.f32 v28, v18;
	v28 =	vld [tilespmem:$0x8F6F]  }
0x35e: {  	v6 =	vsel vm2, v6, v26;
	v26 =	vsel vm2, v29, v57;
	v29 =	vld [tilespmem:$0xACEF]  }
0x35f: {  	v25 =	vsel vm2, v42, v25;
	v42 =	vperm.xlane v31, v4;
	v31 =	vperm.xlane v40, v4;
	v40 =	vld [tilespmem:$0xADEF]  }
0x360: {  	v16 =	vperm.xlane v16, v4;
	v14 =	vmul.f32 v25, v14;
	v25 =	vld [tilespmem:$0x8F70]  }
0x361: {  	v19 =	vperm.xlane v19, v4;
	v6 =	vmul.f32 v6, v20;
	v20 =	vld [tilespmem:$0x8FF0]  }
0x362: {  	v12 =	vperm.xlane v12, v4;
	v16 =	vsel vm2, v16, v63;
	v18 =	vmul.f32 v26, v18;
	v26 =	vld [tilespmem:$0xAC70]  }
0x363: {  	v19 =	vsel vm2, v41, v19;
	v27 =	vperm.xlane v59, v4;
	v41 =	vmul.f32 v38, v10;
	v38 =	vld [tilespmem:$0xAC6F]  }
0x364: {  	v10 =	vmul.f32 v16, v10;
	v16 =	vld [tilespmem:$0xAD70];
	v19 =	vmul.f32 v19, v23  }
0x365: {  	v22 =	vperm.xlane v22, v4;
	v23 =	vld [tilespmem:$0x8EF0];
	v12 =	vsel vm2, v12, v27  }
0x366: {  	v57 =	vperm.xlane v41, v4;
	v0 =	vadd.f32 v19, v0;
	v12 =	vmul.f32 v12, v13;
	v13 =	vld [tilespmem:$0xACF0]  }
0x367: {  	v30 =	vperm.xlane v30, v4;
	v59 =	vmul.f32 v54, v11;
	v54 =	vld [tilespmem:$0xAE70]  }
0x368: {  	v19 =	vsel vm2, v42, v57;
	v0 =	vadd.f32 v18, v0;
	v18 =	vperm.xlane v33, v4;
	v33 =	vld [tilespmem:$0xAD6F]  }
0x369: {  	v57 =	vmul.f32 v58, v8;
	v11 =	vmul.f32 v19, v11;
	v19 =	vld [tilespmem:$0xADF0]  }
0x36a: {  	v63 =	vperm.xlane v59, v4;
	v59 =	vmul.f32 v60, v7;
	v60 =	vld [tilespmem:$0x7080]  }
0x36b: {  	v58 =	vperm.xlane v62, v4;
	v20 =	vmul.f32 v20, v28;
	v28 =	vld [tilespmem:$0xAEEF]  }
0x36c: {  	v62 =	vmul.f32 v61, v17;
	v26 =	vmul.f32 v26, v37;
	v37 =	vld [tilespmem:$0xCE70]  }
0x36d: {  	v2 =	vperm.xlane v35, v4;
	v12 =	vadd.f32 v12, v14;
	v14 =	vperm.xlane v59, v4;
	v59 =	vld [tilespmem:$0x1FDB0]  }
0x36e: {  	v0 =	vadd.f32 v11, v0;
	v11 =	vsel vm2, v18, v58;
	v18 =	vperm.xlane v62, v4;
	v62 =	vld [tilespmem:$0x1FDC0]  }
0x36f: {  	v6 =	vadd.f32 v10, v6;
	v10 =	vsel vm2, v31, v63;
	v8 =	vmul.f32 v11, v8;
	v11 =	vld [tilespmem:$0x7180]  }
0x370: {  	v27 =	vperm.xlane v57, v4;
	v5 =	vmul.f32 v10, v5;
	v10 =	vld [tilespmem:$0x9000]  }
0x371: {  	v14 =	vsel vm2, v22, v14;
	v22 =	vld [tilespmem:$0x7200]  }
0x372: {  	v63 =	vsel vm2, v30, v27;
	v35 =	vsel vm2, v2, v18;
	v18 =	vld [tilespmem:$0x9280]  }
0x373: {  	v7 =	vmul.f32 v63, v7;
	v5 =	vadd.f32 v5, v12;
	v30 =	vmul.f32 v14, v17;
	v12 =	vld [tilespmem:$0x7280]  }
0x374: {  	v6 =	vadd.f32 v8, v6;
	v14 =	vld [tilespmem:$0x7300]  }
0x375: {  	v8 =	vld [tilespmem:$0x7380];
	v0 =	vadd.f32 v7, v0;
	v7 =	vmul.f32 v35, v21;
	v5 =	vadd.f32 v30, v5  }
0x376: {  	v17 =	vld [tilespmem:$0x9200]  }
0x377: {  	v35 =	vld [tilespmem:$0xAF6F];
	v6 =	vadd.f32 v7, v6;
	v0 =	vadd.f32 v5, v0  }
0x378: {  	v30 =	vld [tilespmem:$0x1FF90]  }
0x379: {  	v7 =	vld [tilespmem:$0x9100];
	v0 =	vadd.f32 v6, v0  }
0x37a: {  	v5 =	vld [tilespmem:$0x9080]  }
0x37b: {  	v6 =	vld [tilespmem:$0x9180];
	[tilespmem:$0x1D400] =	vst v0  }
0x37c: {  	v41 =	vld.idx.msk [tilespmem:v1+s12+$0x0], $0xffff  }
0x37d: {  	v42 =	vld.idx.msk [tilespmem:v43+s12+$0x0], $0xffff  }
0x37e: {  	v45 =	vld.idx.msk [tilespmem:v45+s12+$0x0], $0xffff  }
0x37f: {  	v23 =	vmul.f32 v23, v53;
	v53 =	vld.idx.msk [tilespmem:v49+s12+$0x0], $0xffff  }
0x380: {  	v25 =	vmul.f32 v25, v55;
	v55 =	vld.idx.msk [tilespmem:v51+s12+$0x0], $0xffff  }
0x381: {  	v57 =	vld.idx.msk [tilespmem:v50+s12+$0x0], $0xffff  }
0x382: {  	v58 =	vld.idx.msk [tilespmem:v44+s12+$0x0], $0xffff  }
0x383: {  	v61 =	vld.idx.msk [tilespmem:v47+s12+$0x0], $0xffff  }
0x384: {  	v63 =	vld.idx.msk [tilespmem:v62+s12+$0x0], $0xffff  }
0x385: {  	v43 =	vmul.f32 v52, v39;
	v52 =	vmul.f32 v36, v34;
	v34 =	vld [tilespmem:$0xAE6F]  }
0x386: {  	v9 =	vmul.f32 v15, v9;
	v50 =	vperm.xlane v20, v4;
	v20 =	vld [tilespmem:$0xCC70]  }
0x387: {  	v51 =	vperm.xlane v26, v4;
	v26 =	vld [tilespmem:$0xCCEF]  }
0x388: {  	v9 =	vperm.xlane v9, v4;
	v39 =	vld [tilespmem:$0xCE6F]  }
0x389: {  	v24 =	vmul.f32 v32, v24;
	v21 =	vmul.f32 v41, v60;
	v60 =	vld.idx.msk [tilespmem:v59+s12+$0x0], $0xffff  }
0x38a: {  	v16 =	vmul.f32 v16, v29;
	v13 =	vmul.f32 v13, v38;
	v41 =	vld.idx.msk [tilespmem:v48+s12+$0x0], $0xffff  }
0x38b: {  	v25 =	vperm.xlane v25, v4;
	v15 =	vmul.f32 v42, v56;
	v42 =	vld [tilespmem:$0x1FDE0]  }
0x38c: {  	v44 =	vmul.f32 v53, v22;
	v53 =	vperm.xlane v13, v4;
	v13 =	vld [tilespmem:$0xCCF0]  }
0x38d: {  	v47 =	vmul.f32 v55, v12;
	v31 =	vmul.f32 v58, v8;
	v58 =	vld [tilespmem:$0xCD6F]  }
0x38e: {  	v48 =	vmul.f32 v57, v14;
	v55 =	vmul.f32 v61, v5;
	v61 =	vld [tilespmem:$0xCDF0]  }
0x38f: {  	v36 =	vmul.f32 v54, v40;
	v57 =	vmul.f32 v63, v7;
	v63 =	vld [tilespmem:$0xCDEF]  }
0x390: {  	v27 =	vperm.xlane v43, v4;
	v49 =	vperm.xlane v48, v4;
	v48 =	vld [tilespmem:$0xCFF0]  }
0x391: {  	v15 =	vperm.xlane v15, v4;
	v59 =	vperm.xlane v55, v4;
	v55 =	vld [tilespmem:$0x1FF60]  }
0x392: {  	v40 =	vmul.f32 v45, v11;
	v62 =	vperm.xlane v57, v4;
	v57 =	vld [tilespmem:$0xB000]  }
0x393: {  	v21 =	vperm.xlane v21, v4;
	v15 =	vsel vm2, v27, v15;
	v27 =	vperm.xlane v47, v4;
	v47 =	vld [tilespmem:$0xCF6F]  }
0x394: {  	v24 =	vperm.xlane v24, v4;
	v16 =	vperm.xlane v16, v4;
	v25 =	vsel vm2, v25, v49;
	v49 =	vld [tilespmem:$0x9300]  }
0x395: {  	v9 =	vsel vm2, v9, v21;
	v21 =	vperm.xlane v40, v4;
	v40 =	vperm.xlane v36, v4;
	v36 =	vld [tilespmem:$0x1FFB0]  }
0x396: {  	v32 =	vperm.xlane v52, v4;
	v11 =	vmul.f32 v15, v11;
	v15 =	vld [tilespmem:$0xAEF0]  }
0x397: {  	v54 =	vmul.f32 v60, v10;
	v60 =	vmul.f32 v41, v6;
	v41 =	vld [tilespmem:$0xCEF0]  }
0x398: {  	v45 =	vperm.xlane v44, v4;
	v38 =	vsel vm2, v16, v62;
	v58 =	vmul.f32 v61, v58;
	v61 =	vld [tilespmem:$0x1FF70]  }
0x399: {  	v19 =	vmul.f32 v19, v33;
	v6 =	vmul.f32 v38, v6;
	v38 =	vld [tilespmem:$0xB200]  }
0x39a: {  	v23 =	vperm.xlane v23, v4;
	v21 =	vsel vm2, v24, v21;
	v24 =	vsel vm2, v32, v45;
	v32 =	vld [tilespmem:$0xAFEF]  }
0x39b: {  	v19 =	vperm.xlane v19, v4;
	v9 =	vmul.f32 v9, v56;
	v43 =	vld.idx.msk [tilespmem:v42+s12+$0x0], $0xffff  }
0x39c: {  	v52 =	vperm.xlane v31, v4;
	v8 =	vmul.f32 v25, v8;
	v23 =	vsel vm2, v23, v27;
	v27 =	vld [tilespmem:$0xCC6F]  }
0x39d: {  	v45 =	vld [tilespmem:$0xCF70];
	v21 =	vmul.f32 v21, v22;
	v12 =	vmul.f32 v24, v12;
	v0 =	vadd.f32 v9, v0  }
0x39e: {  	v22 =	vld [tilespmem:$0xAF70];
	v14 =	vmul.f32 v23, v14;
	v9 =	vsel vm2, v50, v52;
	v56 =	vperm.xlane v54, v4  }
0x39f: {  	v24 =	vld [tilespmem:$0xAFF0];
	v9 =	vmul.f32 v9, v10;
	v10 =	vperm.xlane v60, v4;
	v0 =	vadd.f32 v12, v0  }
0x3a0: {  	v50 =	vld [tilespmem:$0x9380];
	v8 =	vadd.f32 v8, v21;
	v21 =	vsel vm2, v51, v56;
	v33 =	vmul.f32 v43, v17  }
0x3a1: {  	v23 =	vld [tilespmem:$0x1FF80];
	v11 =	vadd.f32 v14, v11;
	v5 =	vmul.f32 v21, v5;
	v10 =	vsel vm2, v19, v10  }
0x3a2: {  	v60 =	vld [tilespmem:$0xB100];
	v0 =	vadd.f32 v9, v0;
	v9 =	vsel vm2, v53, v59;
	v12 =	vperm.xlane v33, v4  }
0x3a3: {  	v14 =	vld [tilespmem:$0xCD70];
	v42 =	vmul.f32 v10, v17;
	v7 =	vmul.f32 v9, v7;
	v5 =	vadd.f32 v5, v11  }
0x3a4: {  	v16 =	vmul.f32 v41, v39;
	v53 =	vld [tilespmem:$0x1FF50];
	v0 =	vadd.f32 v6, v0;
	v44 =	vsel vm2, v40, v12  }
0x3a5: {  	v41 =	vld [tilespmem:$0xB300];
	v7 =	vadd.f32 v7, v8;
	v5 =	vadd.f32 v42, v5;
	v6 =	vmul.f32 v44, v18  }
0x3a6: {  	v59 =	vld [tilespmem:$0xB080]  }
0x3a7: {  	v43 =	vld [tilespmem:$0xCEEF];
	v0 =	vadd.f32 v5, v0;
	v6 =	vadd.f32 v6, v7  }
0x3a8: {  	v8 =	vmul.f32 v48, v47;
	v47 =	vld [tilespmem:$0x1FFD0]  }
0x3a9: {  	v33 =	vld [tilespmem:$0x1FFA0];
	v0 =	vadd.f32 v6, v0  }
0x3aa: {  	v5 =	vld [tilespmem:$0xCFEF]  }
0x3ab: {  	v25 =	vmul.f32 v37, v63;
	v15 =	vmul.f32 v15, v34;
	v6 =	vld [tilespmem:$0x9280];
	[tilespmem:$0x1D400] =	vst v0  }
0x3ac: {  	v20 =	vmul.f32 v20, v32;
	v13 =	vmul.f32 v13, v27;
	v54 =	vld.idx.msk [tilespmem:v53+s12+$0x0], $0xffff  }
0x3ad: {  	v51 =	vmul.f32 v22, v28;
	v52 =	vmul.f32 v24, v35;
	v44 =	vld [tilespmem:$0x1FFC0]  }
0x3ae: {  	v15 =	vperm.xlane v15, v4;
	v16 =	vperm.xlane v16, v4;
	v7 =	vld [tilespmem:$0xEC70]  }
0x3af: {  	v20 =	vperm.xlane v20, v4;
	v14 =	vmul.f32 v14, v26;
	v56 =	vld.idx.msk [tilespmem:v55+s12+$0x0], $0xffff  }
0x3b0: {  	v13 =	vperm.xlane v13, v4;
	v21 =	vperm.xlane v52, v4;
	v62 =	vld.idx.msk [tilespmem:v61+s12+$0x0], $0xffff  }
0x3b1: {  	v14 =	vperm.xlane v14, v4;
	v29 =	vld.idx.msk [tilespmem:v23+s12+$0x0], $0xffff;
	v6 =	vmul.f32 v54, v6  }
0x3b2: {  	v8 =	vperm.xlane v8, v4;
	v18 =	vperm.xlane v51, v4;
	v31 =	vld.idx.msk [tilespmem:v30+s12+$0x0], $0xffff  }
0x3b3: {  	v34 =	vld.idx.msk [tilespmem:v33+s12+$0x0], $0xffff;
	v5 =	vmul.f32 v7, v5;
	v6 =	vperm.xlane v6, v4  }
0x3b4: {  	v10 =	vmul.f32 v45, v43;
	v51 =	vperm.xlane v25, v4;
	v43 =	vld.idx.msk [tilespmem:v46+s12+$0x0], $0xffff  }
0x3b5: {  	v7 =	vld [tilespmem:$0xB180];
	v46 =	vperm.xlane v58, v4;
	v5 =	vperm.xlane v5, v4;
	v6 =	vsel vm2, v15, v6  }
0x3b6: {  	v63 =	vmul.f32 v56, v49;
	v6 =	vmul.f32 v6, v49;
	v49 =	vld [tilespmem:$0x1FFE0]  }
0x3b7: {  	v37 =	vld.idx.msk [tilespmem:v36+s12+$0x0], $0xffff;
	v35 =	vmul.f32 v62, v50;
	v39 =	vmul.f32 v29, v57  }
0x3b8: {  	v11 =	vmul.f32 v31, v59;
	v19 =	vmul.f32 v34, v60;
	v54 =	vld [tilespmem:$0x1FFF0]  }
0x3b9: {  	v40 =	vld [tilespmem:$0xB280];
	v53 =	vmul.f32 v43, v38;
	v56 =	vperm.xlane v10, v4  }
0x3ba: {  	v48 =	vld.idx.msk [tilespmem:v47+s12+$0x0], $0xffff;
	v32 =	vperm.xlane v63, v4;
	v12 =	vperm.xlane v35, v4  }
0x3bb: {  	v45 =	vld.idx.msk [tilespmem:v44+s12+$0x0], $0xffff;
	v17 =	vperm.xlane v39, v4;
	v11 =	vperm.xlane v11, v4  }
0x3bc: {  	v19 =	vperm.xlane v19, v4;
	v58 =	vperm.xlane v53, v4;
	v9 =	vsel vm2, v18, v32  }
0x3bd: {  	v42 =	vld [tilespmem:$0xB380];
	v12 =	vsel vm2, v21, v12;
	v17 =	vsel vm2, v20, v17;
	v15 =	vmul.f32 v37, v7  }
0x3be: {  	v14 =	vsel vm2, v14, v19;
	v9 =	vmul.f32 v9, v50;
	v12 =	vmul.f32 v12, v57;
	v50 =	vld.idx.msk [tilespmem:v49+s12+$0x0], $0xffff  }
0x3bf: {  	v52 =	vld [tilespmem:$0xD000];
	v17 =	vmul.f32 v17, v59;
	v7 =	vmul.f32 v14, v7  }
0x3c0: {  	v11 =	vsel vm2, v13, v11;
	v57 =	vmul.f32 v45, v40;
	v59 =	vmul.f32 v48, v41;
	v55 =	vld.idx.msk [tilespmem:v54+s12+$0x0], $0xffff  }
0x3c1: {  	v15 =	vperm.xlane v15, v4;
	v0 =	vadd.f32 v6, v0;
	v6 =	vmul.f32 v11, v60  }
0x3c2: {  	v7 =	vadd.f32 v7, v12;
	v10 =	vperm.xlane v57, v4;
	v12 =	vsel vm2, v51, v58  }
0x3c3: {  	v13 =	vperm.xlane v59, v4;
	v15 =	vsel vm2, v46, v15;
	v11 =	vmul.f32 v50, v42  }
0x3c4: {  	v12 =	vmul.f32 v12, v40;
	v0 =	vadd.f32 v17, v0;
	v15 =	vmul.f32 v15, v38  }
0x3c5: {  	v60 =	vld [tilespmem:$0xD080];
	v10 =	vsel vm2, v16, v10;
	v61 =	vmul.f32 v55, v52;
	v11 =	vperm.xlane v11, v4  }
0x3c6: {  	v6 =	vadd.f32 v6, v9;
	v9 =	vsel vm2, v56, v13;
	v10 =	vmul.f32 v10, v41  }
0x3c7: {  	v9 =	vmul.f32 v9, v42;
	v62 =	vperm.xlane v61, v4;
	v8 =	vsel vm2, v8, v11  }
0x3c8: {  	v0 =	vadd.f32 v15, v0;
	v6 =	vadd.f32 v12, v6;
	v8 =	vmul.f32 v8, v52  }
0x3c9: {  	v7 =	vadd.f32 v10, v7;
	v5 =	vsel vm2, v5, v62  }
0x3ca: {  	v0 =	vadd.f32 v9, v0;
	v5 =	vmul.f32 v5, v60;
	v6 =	vadd.f32 v8, v6;
	_ =	sdelay $0x1  }
0x3cb: {  	v5 =	vadd.f32 v5, v7;
	v0 =	vadd.f32 v6, v0;
	_ =	sdelay $0x1  }
0x3cc: {  	v0 =	vadd.f32 v5, v0;
	_ =	sdelay $0x1  }
0x3cd: {  	s5 =	sand.u32 $0x60, s0;
	v63 =	vimm.f32 $-1.000000000e+00;
	vm3 =	vgt.f32 v0, $0.0e+00  }
0x3ce: {  	s2 =	sand.u32 $0x1FC00, s31;
	s5 =	sadd.s32 s4, s5;
	v0 =	vsel vm3, $0x3F800000, v63  }
0x3cf: {  	s5 =	sadd.s32 s2, s5;
	[tilespmem:$0x1D000] =	vst v0  }
0x3d0: {  	[hbm4b:s5+s25] =	stream.strided.scatter [tilespmem:s28], [sflag:$0x3], $0x400, s26, s25, $0x38;
	[tilespmem:$0x1D800] =	vst v63  }
0x3d1: {  	_ =	swait.ge [sflag:s11], $0x400  }
0x3d2: {  	[sflag:s11] =	ssyncset.done $0x0  }
0x3d3: {  	[sflag:s11] =	ssyncadd.s32 $0xFFFFFC00  }
0x3d4: {  	p0 =	seq.s32 s0, $0x1E0;
	_ =	swait.ge [sflag:s29], $0x6000  }
.Ltmp4:
0x3d5: {  	[sflag:s29] =	ssyncset.done $0x0;
	(pc) =	sbr.rel @p0 .LBB2_4-.Ltmp4, $4  }
0x3d6: {  	[sflag:s29] =	ssyncadd.s32 $0xFFFFA000  }
0x3d7: {  	_ =	swait.ge [sflag:s29], $0x6800  }
0x3d8: {  	[sflag:s29] =	ssyncset.done $0x0  }
0x3d9: {  	[sflag:s29] =	ssyncadd.s32 $0xFFFF9800  }
0x3da: {  	v0 =	vld [tilespmem:s30+$0x68];
	_ =	sdelay $0x2  }
0x3db: {  	v6 =	vld [tilespmem:$0x1FCA0];
	_ =	sdelay $0x1  }
0x3dc: {  	v2 =	vld [tilespmem:$0x1FCB0];
	v5 =	vshll.u32 v0, $0x3  }
0x3dd: {  	v0 =	vand.u32 $0x7, v0;
	v5 =	vand.u32 $0xFFFFFFC0, v5  }
0x3de: {  	v0 =	vor.u32 v0, v5  }
0x3df: {  	v5 =	vperm.xlane v0, v6;
	_ =	sdelay $0x1  }
0x3e0: {  	v5 =	vadd.s32 v2, v5  }
0x3e1: {  	v3 =	vld [tilespmem:$0x1FCC0];
	_ =	sdelay $0x3  }
0x3e2: {  	[tilespmem:s12], [sflag:$0x1] =	stream.indirect_vreg.gather [hbm4b:s1+s3], $0x80, v5, vm1, $0xb8;
	[tilespmem:$0x1D800] =	vst v63  }
0x3e3: {  	s5 =	simm.s32 $0x1800;
	v0 =	vperm.xlane v0, v3  }
0x3e4: {  	[tilespmem:s5], [sflag:$0x1] =	stream.indirect_vreg.gather [hbm4b:s6+s3], $0x80, v5, vm1, $0xb8;
	[tilespmem:$0x1D800] =	vst v63  }
0x3e5: {  	v0 =	vadd.s32 v2, v0;
	s5 =	simm.s32 $0x2000  }
0x3e6: {  	[tilespmem:s5], [sflag:$0x1] =	stream.indirect_vreg.gather [hbm4b:s7+s3], $0x80, v5, vm1, $0xb8;
	[tilespmem:$0x1D800] =	vst v63  }
0x3e7: {  	s5 =	simm.s32 $0x2800  }
0x3e8: {  	[tilespmem:s5], [sflag:$0x1] =	stream.indirect_vreg.gather [hbm4b:s8+s3], $0x80, v5, vm1, $0xb8;
	[tilespmem:$0x1D800] =	vst v63  }
0x3e9: {  	s5 =	simm.s32 $0x3000  }
0x3ea: {  	[tilespmem:s5], [sflag:$0x1] =	stream.indirect_vreg.gather [hbm4b:s1+s3], $0x80, v0, vm1, $0xb8;
	[tilespmem:$0x1D800] =	vst v63  }
0x3eb: {  	s5 =	simm.s32 $0x3800  }
0x3ec: {  	[tilespmem:s5], [sflag:$0x1] =	stream.indirect_vreg.gather [hbm4b:s6+s3], $0x80, v0, vm1, $0xb8;
	[tilespmem:$0x1D800] =	vst v63  }
0x3ed: {  	s5 =	simm.s32 $0x4000  }
0x3ee: {  	[tilespmem:s5], [sflag:$0x1] =	stream.indirect_vreg.gather [hbm4b:s7+s3], $0x80, v0, vm1, $0xb8;
	[tilespmem:$0x1D800] =	vst v63  }
0x3ef: {  	s5 =	simm.s32 $0x4800  }
0x3f0: {  	[tilespmem:s5], [sflag:$0x1] =	stream.indirect_vreg.gather [hbm4b:s8+s3], $0x80, v0, vm1, $0xb8;
	[tilespmem:$0x1D800] =	vst v63  }
0x3f1: {  	v0 =	vld.msk [tilespmem:s30+$0x78], $0xff;
	_ =	sdelay $0x4  }
0x3f2: {  	v5 =	vshll.u32 v0, $0x3  }
0x3f3: {  	v0 =	vand.u32 $0x7, v0;
	v5 =	vand.u32 $0xFFFFFFC0, v5  }
0x3f4: {  	v0 =	vor.u32 v0, v5  }
0x3f5: {  	v0 =	vperm.xlane v0, v6;
	_ =	sdelay $0x1  }
0x3f6: {  	v0 =	vadd.s32 v2, v0;
	_ =	sdelay $0x3  }
0x3f7: {  	s5 =	simm.s32 $0x5000  }
0x3f8: {  	[tilespmem:s5], [sflag:$0x1] =	stream.indirect_vreg.gather [hbm4b:s1+s3], $0x80, v0, vm1, $0xb8;
	[tilespmem:$0x1D800] =	vst v63  }
0x3f9: {  	s5 =	simm.s32 $0x5800  }
0x3fa: {  	[tilespmem:s5], [sflag:$0x1] =	stream.indirect_vreg.gather [hbm4b:s6+s3], $0x80, v0, vm1, $0xb8;
	[tilespmem:$0x1D800] =	vst v63  }
0x3fb: {  	s5 =	simm.s32 $0x6000  }
0x3fc: {  	[tilespmem:s5], [sflag:$0x1] =	stream.indirect_vreg.gather [hbm4b:s7+s3], $0x80, v0, vm1, $0xb8;
	[tilespmem:$0x1D800] =	vst v63  }
0x3fd: {  	s5 =	simm.s32 $0x6800  }
0x3fe: {  	[tilespmem:s5], [sflag:$0x1] =	stream.indirect_vreg.gather [hbm4b:s8+s3], $0x80, v0, vm1, $0xb8;
	[tilespmem:$0x1D800] =	vst v63  }
0x3ff: {  	v0 =	vld [tilespmem:s30+$0x80];
	_ =	sdelay $0x4  }
0x400: {  	v5 =	vshll.u32 v0, $0x3  }
0x401: {  	v0 =	vand.u32 $0x7, v0;
	v5 =	vand.u32 $0xFFFFFFC0, v5  }
0x402: {  	v0 =	vor.u32 v0, v5  }
0x403: {  	v5 =	vperm.xlane v0, v6;
	_ =	sdelay $0x1  }
0x404: {  	v5 =	vadd.s32 v2, v5;
	_ =	sdelay $0x3  }
0x405: {  	s5 =	simm.s32 $0x7000  }
0x406: {  	[tilespmem:s5], [sflag:$0x1] =	stream.indirect_vreg.gather [hbm4b:s1+s3], $0x80, v5, vm1, $0xb8;
	[tilespmem:$0x1D800] =	vst v63  }
0x407: {  	v0 =	vperm.xlane v0, v3;
	s5 =	simm.s32 $0x7800  }
0x408: {  	[tilespmem:s5], [sflag:$0x1] =	stream.indirect_vreg.gather [hbm4b:s6+s3], $0x80, v5, vm1, $0xb8;
	[tilespmem:$0x1D800] =	vst v63  }
0x409: {  	v0 =	vadd.s32 v2, v0;
	s5 =	simm.s32 $0x8000  }
0x40a: {  	[tilespmem:s5], [sflag:$0x1] =	stream.indirect_vreg.gather [hbm4b:s7+s3], $0x80, v5, vm1, $0xb8;
	[tilespmem:$0x1D800] =	vst v63  }
0x40b: {  	s5 =	simm.s32 $0x8800  }
0x40c: {  	[tilespmem:s5], [sflag:$0x1] =	stream.indirect_vreg.gather [hbm4b:s8+s3], $0x80, v5, vm1, $0xb8;
	[tilespmem:$0x1D800] =	vst v63  }
0x40d: {  	s5 =	simm.s32 $0x9000  }
0x40e: {  	[tilespmem:s5], [sflag:$0x1] =	stream.indirect_vreg.gather [hbm4b:s1+s3], $0x80, v0, vm1, $0xb8;
	[tilespmem:$0x1D800] =	vst v63  }
0x40f: {  	s5 =	simm.s32 $0x9800  }
0x410: {  	[tilespmem:s5], [sflag:$0x1] =	stream.indirect_vreg.gather [hbm4b:s6+s3], $0x80, v0, vm1, $0xb8;
	[tilespmem:$0x1D800] =	vst v63  }
0x411: {  	s5 =	simm.s32 $0xA000  }
0x412: {  	[tilespmem:s5], [sflag:$0x1] =	stream.indirect_vreg.gather [hbm4b:s7+s3], $0x80, v0, vm1, $0xb8;
	[tilespmem:$0x1D800] =	vst v63  }
0x413: {  	s5 =	simm.s32 $0xA800  }
0x414: {  	[tilespmem:s5], [sflag:$0x1] =	stream.indirect_vreg.gather [hbm4b:s8+s3], $0x80, v0, vm1, $0xb8;
	[tilespmem:$0x1D800] =	vst v63  }
0x415: {  	v0 =	vld.msk [tilespmem:s30+$0x90], $0x3ff;
	_ =	sdelay $0x4  }
0x416: {  	v5 =	vshll.u32 v0, $0x3  }
0x417: {  	v0 =	vand.u32 $0x7, v0;
	v5 =	vand.u32 $0xFFFFFFC0, v5  }
0x418: {  	v0 =	vor.u32 v0, v5  }
0x419: {  	v5 =	vperm.xlane v0, v6;
	_ =	sdelay $0x1  }
0x41a: {  	v5 =	vadd.s32 v2, v5;
	_ =	sdelay $0x3  }
0x41b: {  	s5 =	simm.s32 $0xB000  }
0x41c: {  	[tilespmem:s5], [sflag:$0x1] =	stream.indirect_vreg.gather [hbm4b:s1+s3], $0x80, v5, vm1, $0xb8;
	[tilespmem:$0x1D800] =	vst v63  }
0x41d: {  	v0 =	vperm.xlane v0, v3;
	s5 =	simm.s32 $0xB800  }
0x41e: {  	[tilespmem:s5], [sflag:$0x1] =	stream.indirect_vreg.gather [hbm4b:s6+s3], $0x80, v5, vm1, $0xb8;
	[tilespmem:$0x1D800] =	vst v63  }
0x41f: {  	v0 =	vadd.s32 v2, v0;
	s5 =	simm.s32 $0xC000  }
0x420: {  	[tilespmem:s5], [sflag:$0x1] =	stream.indirect_vreg.gather [hbm4b:s7+s3], $0x80, v5, vm1, $0xb8;
	[tilespmem:$0x1D800] =	vst v63  }
0x421: {  	s5 =	simm.s32 $0xC800  }
0x422: {  	[tilespmem:s5], [sflag:$0x1] =	stream.indirect_vreg.gather [hbm4b:s8+s3], $0x80, v5, vm1, $0xb8;
	[tilespmem:$0x1D800] =	vst v63  }
0x423: {  	s5 =	simm.s32 $0xD000  }
0x424: {  	[tilespmem:s5], [sflag:$0x1] =	stream.indirect_vreg.gather [hbm4b:s1+s3], $0x80, v0, vm0, $0xb8;
	[tilespmem:$0x1D800] =	vst v63  }
0x425: {  	s5 =	simm.s32 $0xD800  }
0x426: {  	[tilespmem:s5], [sflag:$0x1] =	stream.indirect_vreg.gather [hbm4b:s6+s3], $0x80, v0, vm0, $0xb8;
	[tilespmem:$0x1D800] =	vst v63  }
.Ltmp5:
0x427: {  	_ = 	snop;
	(pc) =	sbr.rel .LBB2_4-.Ltmp5, $4  }
0x428: {  	s5 =	simm.s32 $0xE000  }
0x429: {  	[tilespmem:s5], [sflag:$0x1] =	stream.indirect_vreg.gather [hbm4b:s7+s3], $0x80, v0, vm0, $0xb8;
	[tilespmem:$0x1D800] =	vst v63  }
0x42a: {  	s5 =	simm.s32 $0xE800  }
0x42b: {  	[tilespmem:s5], [sflag:$0x1] =	stream.indirect_vreg.gather [hbm4b:s8+s3], $0x80, v0, vm0, $0xb8;
	[tilespmem:$0x1D800] =	vst v63  }
.LBB2_6:
0x42c: {  	_ =	sfence.sel $0x180000  }
0x42d: {  	[bflag:$0x0] =	sbarrier.arrive $0xFFFF  }
0x42e: {  	_ =	strace $0x90000047  }
0x42f: {  	s0 =	stileid.u32;
	[bflag:$0x2] =	sbarrier.arrive $0xFFFF  }
0x430: {  	p0 =	sne.s32 s0, $0x0;
	s0 =	rddreg [dreg:$0x2]  }
0x431: {  	s0 =	sadd.s32 @!p0 $0x100000, s0  }
0x432: {  	[sflag:s0] =	ssyncadd.tile.s32 @!p0 $0x1;
	_ =	shalt  }
.Lfunc_end2:
_tile_overlayer_lowered:
.L_overlay_start_2:
0x433: {  	(tag) =	ssettag $0x2  }
0x434: {  	s0 =	rddreg [dreg:$0x0];
	s2 =	stileid.u32  }
0x435: {  	s1 =	rddreg [dreg:$0x1];
	p0 =	sne.s32 s2, $0x0  }
0x436: {  	s3 =	rddreg [dreg:$0x2];
	[bflag:$0x3] =	sbarrier.arrive $0xFFFF;
	s2 =	simm.s32 @!p0 $0x1C03  }
0x437: {  	[timem:s3], [sflag:s2] =	dma.local @!p0 [hbm:s0], s1  }
0x438: {  	s0 =	simm.s32 @!p0 $0x3  }
0x439: {  	_ =	swait.ge @!p0 [sflag:s0], s1  }
0x43a: {  	s1 =	ssub.s32 @!p0 $0x0, s1;
	[sflag:s0] =	ssyncset.done @!p0 $0x0  }
0x43b: {  	[sflag:s0] =	ssyncadd.s32 @!p0 s1  }
0x43c: {  	[bflag:$0x3] =	sbarrier.arrive $0xFFFF  }
0x43d: {  	_ =	shalt  }

</sc_bundles>
